<compile_context>
chip_gen: v7x
topology: tpu7x:2x2x1
jax: 0.10.2.dev20260603
libtpu: 0.0.44.dev20260713+nightly
codegen_flags: <defaults>
</compile_context>

<pallas_src>
import functools

import jax
import jax.numpy as jnp
from jax import lax
from jax.experimental import pallas as pl
from jax.experimental.pallas import tpu as pltpu
from jax.experimental.pallas import tpu_sc as plsc

N = 10000
E = 160000
D_IN = 128
D_EDGE = 4
D_H = 32

NC = 2
NS = 16
NW = NC * NS
PER_W = E // NW
CHUNK = 104
NFULL = PER_W // CHUNK
TAIL = PER_W - NFULL * CHUNK
NPAD = 10240
ROWS_PER_TILE = NPAD // NS
L = 16


@functools.lru_cache(maxsize=None)
def _sc_kernels():
  mesh = plsc.VectorSubcoreMesh(core_axis_name="c", subcore_axis_name="s",
                                num_cores=NC, num_subcores=NS)

  @functools.partial(
    pl.kernel,
    out_type=jax.ShapeDtypeStruct((NC, NPAD, D_IN), jnp.float32),
    mesh=mesh,
    scratch_types=[
        pltpu.VMEM((CHUNK,), jnp.int32),
        pltpu.VMEM((CHUNK,), jnp.int32),
        pltpu.VMEM((CHUNK,), jnp.int32),
        pltpu.VMEM((CHUNK,), jnp.int32),
        pltpu.VMEM((CHUNK * D_EDGE + L,), jnp.float32),
        pltpu.VMEM((CHUNK * D_EDGE + L,), jnp.float32),
        pltpu.VMEM((CHUNK, D_IN), jnp.float32),
        pltpu.VMEM((CHUNK, D_IN), jnp.float32),
        pltpu.VMEM((CHUNK, D_IN), jnp.float32),
        pltpu.VMEM_SHARED((NPAD, D_IN), jnp.float32),
        pltpu.SemaphoreType.DMA,
        pltpu.SemaphoreType.DMA,
    ],
  )
  def _edge_fused(y_hbm, col_hbm, row_hbm, ea_hbm, out_hbm,
                  cidx0, cidx1, ridx0, ridx1, ea0, ea1, yg0, yg1, m0,
                  acc_sh, sem0, sem1):
    m1 = m0
    cid = lax.axis_index("c")
    sid = lax.axis_index("s")
    wid = sid * NC + cid
    base = wid * PER_W
    stripe = pl.ds(sid * ROWS_PER_TILE, ROWS_PER_TILE)

    bufs = ((cidx0, ridx0, ea0, yg0, m0, sem0),
            (cidx1, ridx1, ea1, yg1, m1, sem1))

    zed = jnp.zeros((L,), jnp.float32)

    def zrow(r, carry):
        for sj in range(D_IN // L):
            m0[r, pl.ds(sj * L, L)] = zed
        return carry

    lax.fori_loop(0, CHUNK, zrow, 0)

    for z in range(ROWS_PER_TILE // CHUNK):
        pltpu.sync_copy(m0, acc_sh.at[pl.ds(sid * ROWS_PER_TILE + z * CHUNK,
                                            CHUNK)])
    zrem = ROWS_PER_TILE - (ROWS_PER_TILE // CHUNK) * CHUNK
    if zrem:
        pltpu.sync_copy(
            m0.at[pl.ds(0, zrem)],
            acc_sh.at[pl.ds(sid * ROWS_PER_TILE
                            + (ROWS_PER_TILE // CHUNK) * CHUNK, zrem)])
    plsc.subcore_barrier()

    def edge_math(ea_v, yg_v, m_v):
        def body(e):
            av = ea_v[pl.ds(D_EDGE * e, L)]
            a0 = av[0]
            a1 = av[1]
            a2 = av[2]
            a3 = av[3]
            for q in range(D_H // L):
                v = (a0 * yg_v[e, pl.ds(q * L, L)]
                     + a1 * yg_v[e, pl.ds(32 + q * L, L)]
                     + a2 * yg_v[e, pl.ds(64 + q * L, L)]
                     + a3 * yg_v[e, pl.ds(96 + q * L, L)])
                s = 1.0 / (1.0 + jnp.exp(-v))
                m_v[e, pl.ds(q * L, L)] = v * s
        return body

    def issue(i, b):
        cidx, ridx, ea, yg, m, sem = bufs[b]
        off = base + i * CHUNK
        pltpu.sync_copy(col_hbm.at[pl.ds(off, CHUNK)], cidx)
        pltpu.sync_copy(row_hbm.at[pl.ds(off, CHUNK)], ridx)
        pltpu.sync_copy(ea_hbm.at[pl.ds(off * D_EDGE, CHUNK * D_EDGE)],
                        ea.at[pl.ds(0, CHUNK * D_EDGE)])
        return pltpu.async_copy(y_hbm.at[cidx], yg, sem)

    def crunch(b):
        cidx, ridx, ea, yg, m, sem = bufs[b]
        plsc.parallel_loop(0, CHUNK, 1, unroll=6)(edge_math(ea, yg, m))
        pltpu.sync_copy(m, acc_sh.at[ridx], add=True)

    issue(0, 0).wait()

    def pair_body(p, carry):
        d1 = issue(2 * p + 1, 1)
        crunch(0)
        d1.wait()
        d0 = issue(2 * p + 2, 0)
        crunch(1)
        d0.wait()
        return carry

    lax.fori_loop(0, NFULL // 2 - 1, pair_body, 0)
    dl = issue(NFULL - 1, 1)
    crunch(0)
    dl.wait()
    crunch(1)

    off = base + NFULL * CHUNK
    pltpu.sync_copy(col_hbm.at[pl.ds(off, TAIL)], cidx1.at[pl.ds(0, TAIL)])
    pltpu.sync_copy(row_hbm.at[pl.ds(off, TAIL)], ridx1.at[pl.ds(0, TAIL)])
    pltpu.sync_copy(ea_hbm.at[pl.ds(off * D_EDGE, TAIL * D_EDGE)],
                    ea1.at[pl.ds(0, TAIL * D_EDGE)])
    pltpu.async_copy(y_hbm.at[cidx1.at[pl.ds(0, TAIL)]],
                     yg1.at[pl.ds(0, TAIL)], sem1).wait()
    plsc.parallel_loop(0, TAIL, 1, unroll=4)(edge_math(ea1, yg1, m1))
    pltpu.sync_copy(m1.at[pl.ds(0, TAIL)],
                    acc_sh.at[ridx1.at[pl.ds(0, TAIL)]], add=True)

    plsc.subcore_barrier()
    pltpu.sync_copy(acc_sh.at[stripe], out_hbm.at[cid, stripe])

  return _edge_fused


BY = 2000


def _prep_body(x_ref, w1_ref, y_ref):
    y_ref[...] = jnp.dot(x_ref[...], w1_ref[...],
                         preferred_element_type=jnp.float32)


def _prep_stage(x, w1):
    return pl.pallas_call(
        _prep_body,
        grid=(N // BY,),
        in_specs=[
            pl.BlockSpec((BY, D_IN), lambda i: (i, 0)),
            pl.BlockSpec((D_IN, D_EDGE * D_H), lambda i: (0, 0)),
        ],
        out_specs=pl.BlockSpec((BY, D_EDGE * D_H), lambda i: (i, 0)),
        out_shape=jax.ShapeDtypeStruct((N, D_EDGE * D_H), jnp.float32),
    )(x, w1)


BN = 1000


def _update_body(x_ref, p0_ref, p1_ref, wl_ref, w2_ref, sel_ref, wl2_ref, out_ref):
    x = x_ref[...]
    agg = p0_ref[:, :D_H] + p1_ref[:, :D_H]
    agg = jnp.dot(agg, wl_ref[...], preferred_element_type=jnp.float32)
    t = jnp.dot(x, w2_ref[...], preferred_element_type=jnp.float32)
    a32 = jnp.tile(agg, (1, D_H))
    u = jnp.dot(t * a32, sel_ref[...], preferred_element_type=jnp.float32)
    u = u * jax.nn.sigmoid(u)
    out_ref[...] = x + jnp.dot(u, wl2_ref[...], preferred_element_type=jnp.float32)


def _update_stage(x, p0, p1, wl, w2, sel, wl2):
    return pl.pallas_call(
        _update_body,
        grid=(N // BN,),
        in_specs=[
            pl.BlockSpec((BN, D_IN), lambda i: (i, 0)),
            pl.BlockSpec((BN, D_IN), lambda i: (i, 0)),
            pl.BlockSpec((BN, D_IN), lambda i: (i, 0)),
            pl.BlockSpec((D_H, D_H), lambda i: (0, 0)),
            pl.BlockSpec((D_IN, D_H * D_H), lambda i: (0, 0)),
            pl.BlockSpec((D_H * D_H, D_H), lambda i: (0, 0)),
            pl.BlockSpec((D_H, D_IN), lambda i: (0, 0)),
        ],
        out_specs=pl.BlockSpec((BN, D_IN), lambda i: (i, 0)),
        out_shape=jax.ShapeDtypeStruct((N, D_IN), jnp.float32),
    )(x, p0, p1, wl, w2, sel, wl2)


def kernel(node_features, edge_index, edge_attr_e3nn, node_attr_scalar_raw,
           W_tp_msg, W_lin_msg, W_tp_upd, W_lin_upd):
    del node_attr_scalar_raw
    row = edge_index[0].astype(jnp.int32)
    col = edge_index[1].astype(jnp.int32)
    w1 = W_tp_msg.reshape(D_IN, D_EDGE * D_H)
    w2 = W_tp_upd.transpose(0, 2, 1).reshape(D_IN, D_H * D_H)
    sel = jnp.kron(jnp.eye(D_H, dtype=jnp.float32),
                   jnp.ones((D_H, 1), jnp.float32))
    ea1d = edge_attr_e3nn.reshape(-1)
    y = _prep_stage(node_features, w1)
    _edge_fused = _sc_kernels()
    partials = _edge_fused(y, col, row, ea1d)
    return _update_stage(node_features, partials[0, :N], partials[1, :N],
                         W_lin_msg, w2, sel, W_lin_upd)

# --- scband reference (transcript-rebuilt; emitter-appended) ---
"""Pipeline reference for scband-egnnlayer-5806795784727 (READ-ONLY COPY).

The authoritative reference and input builder live on the scoring server;
editing this copy changes nothing except your own understanding.
"""

import jax, jax.numpy as jnp
import numpy as np

N = 10000
E = 160000
D_IN = 128
D_EDGE = 4
D_H = 32


def setup_inputs(seed: int = 0) -> dict:
    key = jax.random.key(seed)
    ks = jax.random.split(key, 8)
    node_features = jax.random.normal(ks[0], (N, D_IN), dtype=jnp.float32)
    edge_index = jax.random.randint(ks[1], (2, E), 0, N, dtype=jnp.int64) if jax.config.jax_enable_x64 else jax.random.randint(ks[1], (2, E), 0, N).astype(jnp.int32)
    edge_attr_e3nn = jax.random.normal(ks[2], (E, D_EDGE), dtype=jnp.float32)
    node_attr_scalar_raw = jax.random.normal(ks[3], (N, 1), dtype=jnp.float32)
    W_tp_msg = jax.random.normal(ks[4], (D_IN, D_EDGE, D_H), dtype=jnp.float32) / np.sqrt(D_IN * D_EDGE)
    W_lin_msg = jax.random.normal(ks[5], (D_H, D_H), dtype=jnp.float32) / np.sqrt(D_H)
    W_tp_upd = jax.random.normal(ks[6], (D_IN, D_H, D_H), dtype=jnp.float32) / np.sqrt(D_IN * D_H)
    W_lin_upd = jax.random.normal(ks[7], (D_H, D_IN), dtype=jnp.float32) / np.sqrt(D_H)
    return {
        "node_features": node_features,
        "edge_index": edge_index,
        "edge_attr_e3nn": edge_attr_e3nn,
        "node_attr_scalar_raw": node_attr_scalar_raw,
        "W_tp_msg": W_tp_msg,
        "W_lin_msg": W_lin_msg,
        "W_tp_upd": W_tp_upd,
        "W_lin_upd": W_lin_upd,
    }


def _gate(h):
    # e3nn-style Gate simplified to sigmoid self-gating (silu)
    return h * jax.nn.sigmoid(h)


def reference(node_features, edge_index, edge_attr_e3nn, node_attr_scalar_raw,
              W_tp_msg, W_lin_msg, W_tp_upd, W_lin_upd):
    row = edge_index[0]
    col = edge_index[1]
    # tp_messages_ij: fully-connected tensor product of gathered source nodes with edge attrs
    x_j = jnp.take(node_features, col, axis=0)            # gather  [E, D_IN]
    m = jnp.einsum('ei,ej,ijh->eh', x_j, edge_attr_e3nn, W_tp_msg)  # bilinear TP [E, D_H]
    m = _gate(m)                                          # gate_messages
    m = m @ W_lin_msg                                     # linear_messages_out
    # scatter-add aggregation by destination node
    agg = jax.ops.segment_sum(m, row, num_segments=node_features.shape[0])  # [N, D_H]
    # tp_update: tensor product of node features with aggregated messages
    u = jnp.einsum('ni,nh,ihk->nk', node_features, agg, W_tp_upd)  # [N, D_H]
    u = _gate(u)                                          # gate_update
    u = u @ W_lin_upd                                     # linear_update_out [N, D_IN]
    return node_features + u

if __name__ == "__main__":
    import jax
    _d = setup_inputs()
    print(jax.jit(kernel)(*tuple(_d.values())))

</pallas_src>

<mosaic_0001>
#map = affine_map<(d0, d1) -> (0, 0)>
#map1 = affine_map<(d0, d1) -> (0)>
#map2 = affine_map<(d0, d1) -> (0, 0, 0)>
module attributes {stable_mosaic.version = 14 : i64} {
  func.func @_edge_fused(%arg0: i32, %arg1: i32, %arg2: memref<10000x128xf32, #tpu.memory_space<hbm>>, %arg3: memref<160000xi32, #tpu.memory_space<hbm>>, %arg4: memref<160000xi32, #tpu.memory_space<hbm>>, %arg5: memref<640000xf32, #tpu.memory_space<hbm>>, %arg6: memref<2x10240x128xf32, #tpu.memory_space<hbm>>, %arg7: memref<104xi32, #tpu.memory_space<vmem>>, %arg8: memref<104xi32, #tpu.memory_space<vmem>>, %arg9: memref<104xi32, #tpu.memory_space<vmem>>, %arg10: memref<104xi32, #tpu.memory_space<vmem>>, %arg11: memref<432xf32, #tpu.memory_space<vmem>>, %arg12: memref<432xf32, #tpu.memory_space<vmem>>, %arg13: memref<104x128xf32, #tpu.memory_space<vmem>>, %arg14: memref<104x128xf32, #tpu.memory_space<vmem>>, %arg15: memref<104x128xf32, #tpu.memory_space<vmem>>, %arg16: memref<10240x128xf32, #tpu.memory_space<vmem_shared>>, %arg17: memref<!tpu.dma_semaphore, #tpu.memory_space<semaphore_mem>>, %arg18: memref<!tpu.dma_semaphore, #tpu.memory_space<semaphore_mem>>) attributes {dimension_semantics = [#tpu.dimension_semantics<core_parallel>, #tpu.dimension_semantics<subcore_parallel>], iteration_bounds = array<i64: 2, 16>, scalar_prefetch = 0 : i64, scratch_operands = 12 : i64, tpu.core_type = #tpu.core_type<sc_vector_subcore>, window_params = [{transform_indices = #map}, {transform_indices = #map1}, {transform_indices = #map1}, {transform_indices = #map1}, {transform_indices = #map2}]} {
    %mul3A = arith.constant 2 : i32
    %mul3A_0 = arith.muli %arg1, %mul3A : i32
    %add3A = arith.addi %mul3A_0, %arg0 : i32
    %mul3A_1 = arith.constant 5000 : i32
    %mul3A_2 = arith.muli %add3A, %mul3A_1 : i32
    %mul3A_3 = arith.constant 640 : i32
    %mul3A_4 = arith.muli %arg1, %mul3A_3 : i32
    %broadcast_in_dim3A = arith.constant 0.000000e+00 : f32
    %broadcast_in_dim3A_5 = vector.broadcast %broadcast_in_dim3A : f32 to vector<16xf32>
    %scan3A = arith.constant 0 : i32
    %scan3A_6 = arith.constant 0 : i32
    %scan3A_7 = arith.constant 104 : i32
    %scan3A_8 = arith.addi %scan3A_6, %scan3A_7 : i32
    %scan3A_9 = arith.constant 1 : i32
    scf.for %scan3A_92 = %scan3A_6 to %scan3A_8 step %scan3A_9  : i32 {
      %swap3A = arith.index_cast %scan3A_92 : i32 to index
      %swap3A_93 = arith.constant 0 : index
      %swap3A_94 = tpu.vector_load %arg15[%swap3A, %swap3A_93] {strides = array<i32>} : memref<104x128xf32, #tpu.memory_space<vmem>>, vector<1x16xf32>,
      %swap3A_95 = vector.shape_cast %swap3A_94 : vector<1x16xf32> to vector<16xf32>
      %swap3A_96 = vector.shape_cast %broadcast_in_dim3A_5 : vector<16xf32> to vector<1x16xf32>
      tpu.vector_store %arg15[%swap3A, %swap3A_93], %swap3A_96 {strides = array<i32>} : memref<104x128xf32, #tpu.memory_space<vmem>>, vector<1x16xf32>,
      %swap3A_97 = arith.index_cast %scan3A_92 : i32 to index
      %swap3A_98 = arith.constant 16 : index
      %swap3A_99 = tpu.vector_load %arg15[%swap3A_97, %swap3A_98] {strides = array<i32>} : memref<104x128xf32, #tpu.memory_space<vmem>>, vector<1x16xf32>,
      %swap3A_100 = vector.shape_cast %swap3A_99 : vector<1x16xf32> to vector<16xf32>
      %swap3A_101 = vector.shape_cast %broadcast_in_dim3A_5 : vector<16xf32> to vector<1x16xf32>
      tpu.vector_store %arg15[%swap3A_97, %swap3A_98], %swap3A_101 {strides = array<i32>} : memref<104x128xf32, #tpu.memory_space<vmem>>, vector<1x16xf32>,
      %swap3A_102 = arith.index_cast %scan3A_92 : i32 to index
      %swap3A_103 = arith.constant 32 : index
      %swap3A_104 = tpu.vector_load %arg15[%swap3A_102, %swap3A_103] {strides = array<i32>} : memref<104x128xf32, #tpu.memory_space<vmem>>, vector<1x16xf32>,
      %swap3A_105 = vector.shape_cast %swap3A_104 : vector<1x16xf32> to vector<16xf32>
      %swap3A_106 = vector.shape_cast %broadcast_in_dim3A_5 : vector<16xf32> to vector<1x16xf32>
      tpu.vector_store %arg15[%swap3A_102, %swap3A_103], %swap3A_106 {strides = array<i32>} : memref<104x128xf32, #tpu.memory_space<vmem>>, vector<1x16xf32>,
      %swap3A_107 = arith.index_cast %scan3A_92 : i32 to index
      %swap3A_108 = arith.constant 48 : index
      %swap3A_109 = tpu.vector_load %arg15[%swap3A_107, %swap3A_108] {strides = array<i32>} : memref<104x128xf32, #tpu.memory_space<vmem>>, vector<1x16xf32>,
      %swap3A_110 = vector.shape_cast %swap3A_109 : vector<1x16xf32> to vector<16xf32>
      %swap3A_111 = vector.shape_cast %broadcast_in_dim3A_5 : vector<16xf32> to vector<1x16xf32>
      tpu.vector_store %arg15[%swap3A_107, %swap3A_108], %swap3A_111 {strides = array<i32>} : memref<104x128xf32, #tpu.memory_space<vmem>>, vector<1x16xf32>,
      %swap3A_112 = arith.index_cast %scan3A_92 : i32 to index
      %swap3A_113 = arith.constant 64 : index
      %swap3A_114 = tpu.vector_load %arg15[%swap3A_112, %swap3A_113] {strides = array<i32>} : memref<104x128xf32, #tpu.memory_space<vmem>>, vector<1x16xf32>,
      %swap3A_115 = vector.shape_cast %swap3A_114 : vector<1x16xf32> to vector<16xf32>
      %swap3A_116 = vector.shape_cast %broadcast_in_dim3A_5 : vector<16xf32> to vector<1x16xf32>
      tpu.vector_store %arg15[%swap3A_112, %swap3A_113], %swap3A_116 {strides = array<i32>} : memref<104x128xf32, #tpu.memory_space<vmem>>, vector<1x16xf32>,
      %swap3A_117 = arith.index_cast %scan3A_92 : i32 to index
      %swap3A_118 = arith.constant 80 : index
      %swap3A_119 = tpu.vector_load %arg15[%swap3A_117, %swap3A_118] {strides = array<i32>} : memref<104x128xf32, #tpu.memory_space<vmem>>, vector<1x16xf32>,
      %swap3A_120 = vector.shape_cast %swap3A_119 : vector<1x16xf32> to vector<16xf32>
      %swap3A_121 = vector.shape_cast %broadcast_in_dim3A_5 : vector<16xf32> to vector<1x16xf32>
      tpu.vector_store %arg15[%swap3A_117, %swap3A_118], %swap3A_121 {strides = array<i32>} : memref<104x128xf32, #tpu.memory_space<vmem>>, vector<1x16xf32>,
      %swap3A_122 = arith.index_cast %scan3A_92 : i32 to index
      %swap3A_123 = arith.constant 96 : index
      %swap3A_124 = tpu.vector_load %arg15[%swap3A_122, %swap3A_123] {strides = array<i32>} : memref<104x128xf32, #tpu.memory_space<vmem>>, vector<1x16xf32>,
      %swap3A_125 = vector.shape_cast %swap3A_124 : vector<1x16xf32> to vector<16xf32>
      %swap3A_126 = vector.shape_cast %broadcast_in_dim3A_5 : vector<16xf32> to vector<1x16xf32>
      tpu.vector_store %arg15[%swap3A_122, %swap3A_123], %swap3A_126 {strides = array<i32>} : memref<104x128xf32, #tpu.memory_space<vmem>>, vector<1x16xf32>,
      %swap3A_127 = arith.index_cast %scan3A_92 : i32 to index
      %swap3A_128 = arith.constant 112 : index
      %swap3A_129 = tpu.vector_load %arg15[%swap3A_127, %swap3A_128] {strides = array<i32>} : memref<104x128xf32, #tpu.memory_space<vmem>>, vector<1x16xf32>,
      %swap3A_130 = vector.shape_cast %swap3A_129 : vector<1x16xf32> to vector<16xf32>
      %swap3A_131 = vector.shape_cast %broadcast_in_dim3A_5 : vector<16xf32> to vector<1x16xf32>
      tpu.vector_store %arg15[%swap3A_127, %swap3A_128], %swap3A_131 {strides = array<i32>} : memref<104x128xf32, #tpu.memory_space<vmem>>, vector<1x16xf32>,
    }
    %scan3A_10 = arith.constant 104 : i32
    %mul3A_11 = arith.constant 640 : i32
    %mul3A_12 = arith.muli %arg1, %mul3A_11 : i32
    %add3A_13 = arith.constant 0 : i32
    %add3A_14 = arith.addi %mul3A_12, %add3A_13 : i32
    "tpu.region"() ({
      %run_scoped3A = tpu.sem_alloc : memref<!tpu.dma_semaphore, #tpu.memory_space<semaphore_mem>>
      %dma_start3A_92 = arith.constant 0 : i32
      %dma_start3A_93 = tpu.memref_slice %arg16[%add3A_14, %dma_start3A_92] : memref<10240x128xf32, #tpu.memory_space<vmem_shared>> -> memref<104x128xf32, #tpu.memory_space<vmem_shared>>
      %dma_start3A_94 = arith.constant 0 : i32
      %dma_start3A_95 = tpu.memref_slice %arg16[%add3A_14, %dma_start3A_94] : memref<10240x128xf32, #tpu.memory_space<vmem_shared>> -> memref<104x128xf32, #tpu.memory_space<vmem_shared>>
      tpu.enqueue_dma source(%arg15 : memref<104x128xf32, #tpu.memory_space<vmem>>) target(%dma_start3A_95 : memref<104x128xf32, #tpu.memory_space<vmem_shared>>) target_semaphore(%run_scoped3A : memref<!tpu.dma_semaphore, #tpu.memory_space<semaphore_mem>>)
      %dma_wait3A_96 = arith.constant 0 : i32
      %dma_wait3A_97 = tpu.memref_slice %arg16[%add3A_14, %dma_wait3A_96] : memref<10240x128xf32, #tpu.memory_space<vmem_shared>> -> memref<104x128xf32, #tpu.memory_space<vmem_shared>>
      %dma_wait3A_98 = arith.constant 0 : i32
      %dma_wait3A_99 = tpu.memref_slice %arg16[%add3A_14, %dma_wait3A_98] : memref<10240x128xf32, #tpu.memory_space<vmem_shared>> -> memref<104x128xf32, #tpu.memory_space<vmem_shared>>
      tpu.wait_dma2 semaphore(%run_scoped3A : memref<!tpu.dma_semaphore, #tpu.memory_space<semaphore_mem>>) src(%arg15 : memref<104x128xf32, #tpu.memory_space<vmem>>) dst(%dma_wait3A_99 : memref<104x128xf32, #tpu.memory_space<vmem_shared>>)
      tpu.yield
    }) : () -> ()
    %mul3A_15 = arith.constant 640 : i32
    %mul3A_16 = arith.muli %arg1, %mul3A_15 : i32
    %add3A_17 = arith.constant 104 : i32
    %add3A_18 = arith.addi %mul3A_16, %add3A_17 : i32
    "tpu.region"() ({
      %run_scoped3A = tpu.sem_alloc : memref<!tpu.dma_semaphore, #tpu.memory_space<semaphore_mem>>
      %dma_start3A_92 = arith.constant 0 : i32
      %dma_start3A_93 = tpu.memref_slice %arg16[%add3A_18, %dma_start3A_92] : memref<10240x128xf32, #tpu.memory_space<vmem_shared>> -> memref<104x128xf32, #tpu.memory_space<vmem_shared>>
      %dma_start3A_94 = arith.constant 0 : i32
      %dma_start3A_95 = tpu.memref_slice %arg16[%add3A_18, %dma_start3A_94] : memref<10240x128xf32, #tpu.memory_space<vmem_shared>> -> memref<104x128xf32, #tpu.memory_space<vmem_shared>>
      tpu.enqueue_dma source(%arg15 : memref<104x128xf32, #tpu.memory_space<vmem>>) target(%dma_start3A_95 : memref<104x128xf32, #tpu.memory_space<vmem_shared>>) target_semaphore(%run_scoped3A : memref<!tpu.dma_semaphore, #tpu.memory_space<semaphore_mem>>)
      %dma_wait3A_96 = arith.constant 0 : i32
      %dma_wait3A_97 = tpu.memref_slice %arg16[%add3A_18, %dma_wait3A_96] : memref<10240x128xf32, #tpu.memory_space<vmem_shared>> -> memref<104x128xf32, #tpu.memory_space<vmem_shared>>
      %dma_wait3A_98 = arith.constant 0 : i32
      %dma_wait3A_99 = tpu.memref_slice %arg16[%add3A_18, %dma_wait3A_98] : memref<10240x128xf32, #tpu.memory_space<vmem_shared>> -> memref<104x128xf32, #tpu.memory_space<vmem_shared>>
      tpu.wait_dma2 semaphore(%run_scoped3A : memref<!tpu.dma_semaphore, #tpu.memory_space<semaphore_mem>>) src(%arg15 : memref<104x128xf32, #tpu.memory_space<vmem>>) dst(%dma_wait3A_99 : memref<104x128xf32, #tpu.memory_space<vmem_shared>>)
      tpu.yield
    }) : () -> ()
    %mul3A_19 = arith.constant 640 : i32
    %mul3A_20 = arith.muli %arg1, %mul3A_19 : i32
    %add3A_21 = arith.constant 208 : i32
    %add3A_22 = arith.addi %mul3A_20, %add3A_21 : i32
    "tpu.region"() ({
      %run_scoped3A = tpu.sem_alloc : memref<!tpu.dma_semaphore, #tpu.memory_space<semaphore_mem>>
      %dma_start3A_92 = arith.constant 0 : i32
      %dma_start3A_93 = tpu.memref_slice %arg16[%add3A_22, %dma_start3A_92] : memref<10240x128xf32, #tpu.memory_space<vmem_shared>> -> memref<104x128xf32, #tpu.memory_space<vmem_shared>>
      %dma_start3A_94 = arith.constant 0 : i32
      %dma_start3A_95 = tpu.memref_slice %arg16[%add3A_22, %dma_start3A_94] : memref<10240x128xf32, #tpu.memory_space<vmem_shared>> -> memref<104x128xf32, #tpu.memory_space<vmem_shared>>
      tpu.enqueue_dma source(%arg15 : memref<104x128xf32, #tpu.memory_space<vmem>>) target(%dma_start3A_95 : memref<104x128xf32, #tpu.memory_space<vmem_shared>>) target_semaphore(%run_scoped3A : memref<!tpu.dma_semaphore, #tpu.memory_space<semaphore_mem>>)
      %dma_wait3A_96 = arith.constant 0 : i32
      %dma_wait3A_97 = tpu.memref_slice %arg16[%add3A_22, %dma_wait3A_96] : memref<10240x128xf32, #tpu.memory_space<vmem_shared>> -> memref<104x128xf32, #tpu.memory_space<vmem_shared>>
      %dma_wait3A_98 = arith.constant 0 : i32
      %dma_wait3A_99 = tpu.memref_slice %arg16[%add3A_22, %dma_wait3A_98] : memref<10240x128xf32, #tpu.memory_space<vmem_shared>> -> memref<104x128xf32, #tpu.memory_space<vmem_shared>>
      tpu.wait_dma2 semaphore(%run_scoped3A : memref<!tpu.dma_semaphore, #tpu.memory_space<semaphore_mem>>) src(%arg15 : memref<104x128xf32, #tpu.memory_space<vmem>>) dst(%dma_wait3A_99 : memref<104x128xf32, #tpu.memory_space<vmem_shared>>)
      tpu.yield
    }) : () -> ()
    %mul3A_23 = arith.constant 640 : i32
    %mul3A_24 = arith.muli %arg1, %mul3A_23 : i32
    %add3A_25 = arith.constant 312 : i32
    %add3A_26 = arith.addi %mul3A_24, %add3A_25 : i32
    "tpu.region"() ({
      %run_scoped3A = tpu.sem_alloc : memref<!tpu.dma_semaphore, #tpu.memory_space<semaphore_mem>>
      %dma_start3A_92 = arith.constant 0 : i32
      %dma_start3A_93 = tpu.memref_slice %arg16[%add3A_26, %dma_start3A_92] : memref<10240x128xf32, #tpu.memory_space<vmem_shared>> -> memref<104x128xf32, #tpu.memory_space<vmem_shared>>
      %dma_start3A_94 = arith.constant 0 : i32
      %dma_start3A_95 = tpu.memref_slice %arg16[%add3A_26, %dma_start3A_94] : memref<10240x128xf32, #tpu.memory_space<vmem_shared>> -> memref<104x128xf32, #tpu.memory_space<vmem_shared>>
      tpu.enqueue_dma source(%arg15 : memref<104x128xf32, #tpu.memory_space<vmem>>) target(%dma_start3A_95 : memref<104x128xf32, #tpu.memory_space<vmem_shared>>) target_semaphore(%run_scoped3A : memref<!tpu.dma_semaphore, #tpu.memory_space<semaphore_mem>>)
      %dma_wait3A_96 = arith.constant 0 : i32
      %dma_wait3A_97 = tpu.memref_slice %arg16[%add3A_26, %dma_wait3A_96] : memref<10240x128xf32, #tpu.memory_space<vmem_shared>> -> memref<104x128xf32, #tpu.memory_space<vmem_shared>>
      %dma_wait3A_98 = arith.constant 0 : i32
      %dma_wait3A_99 = tpu.memref_slice %arg16[%add3A_26, %dma_wait3A_98] : memref<10240x128xf32, #tpu.memory_space<vmem_shared>> -> memref<104x128xf32, #tpu.memory_space<vmem_shared>>
      tpu.wait_dma2 semaphore(%run_scoped3A : memref<!tpu.dma_semaphore, #tpu.memory_space<semaphore_mem>>) src(%arg15 : memref<104x128xf32, #tpu.memory_space<vmem>>) dst(%dma_wait3A_99 : memref<104x128xf32, #tpu.memory_space<vmem_shared>>)
      tpu.yield
    }) : () -> ()
    %mul3A_27 = arith.constant 640 : i32
    %mul3A_28 = arith.muli %arg1, %mul3A_27 : i32
    %add3A_29 = arith.constant 416 : i32
    %add3A_30 = arith.addi %mul3A_28, %add3A_29 : i32
    "tpu.region"() ({
      %run_scoped3A = tpu.sem_alloc : memref<!tpu.dma_semaphore, #tpu.memory_space<semaphore_mem>>
      %dma_start3A_92 = arith.constant 0 : i32
      %dma_start3A_93 = tpu.memref_slice %arg16[%add3A_30, %dma_start3A_92] : memref<10240x128xf32, #tpu.memory_space<vmem_shared>> -> memref<104x128xf32, #tpu.memory_space<vmem_shared>>
      %dma_start3A_94 = arith.constant 0 : i32
      %dma_start3A_95 = tpu.memref_slice %arg16[%add3A_30, %dma_start3A_94] : memref<10240x128xf32, #tpu.memory_space<vmem_shared>> -> memref<104x128xf32, #tpu.memory_space<vmem_shared>>
      tpu.enqueue_dma source(%arg15 : memref<104x128xf32, #tpu.memory_space<vmem>>) target(%dma_start3A_95 : memref<104x128xf32, #tpu.memory_space<vmem_shared>>) target_semaphore(%run_scoped3A : memref<!tpu.dma_semaphore, #tpu.memory_space<semaphore_mem>>)
      %dma_wait3A_96 = arith.constant 0 : i32
      %dma_wait3A_97 = tpu.memref_slice %arg16[%add3A_30, %dma_wait3A_96] : memref<10240x128xf32, #tpu.memory_space<vmem_shared>> -> memref<104x128xf32, #tpu.memory_space<vmem_shared>>
      %dma_wait3A_98 = arith.constant 0 : i32
      %dma_wait3A_99 = tpu.memref_slice %arg16[%add3A_30, %dma_wait3A_98] : memref<10240x128xf32, #tpu.memory_space<vmem_shared>> -> memref<104x128xf32, #tpu.memory_space<vmem_shared>>
      tpu.wait_dma2 semaphore(%run_scoped3A : memref<!tpu.dma_semaphore, #tpu.memory_space<semaphore_mem>>) src(%arg15 : memref<104x128xf32, #tpu.memory_space<vmem>>) dst(%dma_wait3A_99 : memref<104x128xf32, #tpu.memory_space<vmem_shared>>)
      tpu.yield
    }) : () -> ()
    %mul3A_31 = arith.constant 640 : i32
    %mul3A_32 = arith.muli %arg1, %mul3A_31 : i32
    %add3A_33 = arith.constant 520 : i32
    %add3A_34 = arith.addi %mul3A_32, %add3A_33 : i32
    "tpu.region"() ({
      %run_scoped3A = tpu.sem_alloc : memref<!tpu.dma_semaphore, #tpu.memory_space<semaphore_mem>>
      %dma_start3A_92 = arith.constant 0 : i32
      %dma_start3A_93 = tpu.memref_slice %arg16[%add3A_34, %dma_start3A_92] : memref<10240x128xf32, #tpu.memory_space<vmem_shared>> -> memref<104x128xf32, #tpu.memory_space<vmem_shared>>
      %dma_start3A_94 = arith.constant 0 : i32
      %dma_start3A_95 = tpu.memref_slice %arg16[%add3A_34, %dma_start3A_94] : memref<10240x128xf32, #tpu.memory_space<vmem_shared>> -> memref<104x128xf32, #tpu.memory_space<vmem_shared>>
      tpu.enqueue_dma source(%arg15 : memref<104x128xf32, #tpu.memory_space<vmem>>) target(%dma_start3A_95 : memref<104x128xf32, #tpu.memory_space<vmem_shared>>) target_semaphore(%run_scoped3A : memref<!tpu.dma_semaphore, #tpu.memory_space<semaphore_mem>>)
      %dma_wait3A_96 = arith.constant 0 : i32
      %dma_wait3A_97 = tpu.memref_slice %arg16[%add3A_34, %dma_wait3A_96] : memref<10240x128xf32, #tpu.memory_space<vmem_shared>> -> memref<104x128xf32, #tpu.memory_space<vmem_shared>>
      %dma_wait3A_98 = arith.constant 0 : i32
      %dma_wait3A_99 = tpu.memref_slice %arg16[%add3A_34, %dma_wait3A_98] : memref<10240x128xf32, #tpu.memory_space<vmem_shared>> -> memref<104x128xf32, #tpu.memory_space<vmem_shared>>
      tpu.wait_dma2 semaphore(%run_scoped3A : memref<!tpu.dma_semaphore, #tpu.memory_space<semaphore_mem>>) src(%arg15 : memref<104x128xf32, #tpu.memory_space<vmem>>) dst(%dma_wait3A_99 : memref<104x128xf32, #tpu.memory_space<vmem_shared>>)
      tpu.yield
    }) : () -> ()
    %mul3A_35 = arith.constant 640 : i32
    %mul3A_36 = arith.muli %arg1, %mul3A_35 : i32
    %add3A_37 = arith.constant 624 : i32
    %add3A_38 = arith.addi %mul3A_36, %add3A_37 : i32
    "tpu.region"() ({
      %run_scoped3A = tpu.sem_alloc : memref<!tpu.dma_semaphore, #tpu.memory_space<semaphore_mem>>
      %dma_start3A_92 = arith.constant 0 : i32
      %dma_start3A_93 = arith.constant 0 : i32
      %dma_start3A_94 = tpu.memref_slice %arg15[%dma_start3A_92, %dma_start3A_93] : memref<104x128xf32, #tpu.memory_space<vmem>> -> memref<16x128xf32, #tpu.memory_space<vmem>>
      %dma_start3A_95 = arith.constant 0 : i32
      %dma_start3A_96 = tpu.memref_slice %arg16[%add3A_38, %dma_start3A_95] : memref<10240x128xf32, #tpu.memory_space<vmem_shared>> -> memref<16x128xf32, #tpu.memory_space<vmem_shared>>
      %dma_start3A_97 = arith.constant 0 : i32
      %dma_start3A_98 = tpu.memref_slice %arg16[%add3A_38, %dma_start3A_97] : memref<10240x128xf32, #tpu.memory_space<vmem_shared>> -> memref<16x128xf32, #tpu.memory_space<vmem_shared>>
      %dma_start3A_99 = arith.constant 0 : i32
      %dma_start3A_100 = arith.constant 0 : i32
      %dma_start3A_101 = tpu.memref_slice %arg15[%dma_start3A_99, %dma_start3A_100] : memref<104x128xf32, #tpu.memory_space<vmem>> -> memref<16x128xf32, #tpu.memory_space<vmem>>
      tpu.enqueue_dma source(%dma_start3A_101 : memref<16x128xf32, #tpu.memory_space<vmem>>) target(%dma_start3A_98 : memref<16x128xf32, #tpu.memory_space<vmem_shared>>) target_semaphore(%run_scoped3A : memref<!tpu.dma_semaphore, #tpu.memory_space<semaphore_mem>>)
      %dma_wait3A_102 = arith.constant 0 : i32
      %dma_wait3A_103 = arith.constant 0 : i32
      %dma_wait3A_104 = tpu.memref_slice %arg15[%dma_wait3A_102, %dma_wait3A_103] : memref<104x128xf32, #tpu.memory_space<vmem>> -> memref<16x128xf32, #tpu.memory_space<vmem>>
      %dma_wait3A_105 = arith.constant 0 : i32
      %dma_wait3A_106 = tpu.memref_slice %arg16[%add3A_38, %dma_wait3A_105] : memref<10240x128xf32, #tpu.memory_space<vmem_shared>> -> memref<16x128xf32, #tpu.memory_space<vmem_shared>>
      %dma_wait3A_107 = arith.constant 0 : i32
      %dma_wait3A_108 = tpu.memref_slice %arg16[%add3A_38, %dma_wait3A_107] : memref<10240x128xf32, #tpu.memory_space<vmem_shared>> -> memref<16x128xf32, #tpu.memory_space<vmem_shared>>
      %dma_wait3A_109 = arith.constant 0 : i32
      %dma_wait3A_110 = arith.constant 0 : i32
      %dma_wait3A_111 = tpu.memref_slice %arg15[%dma_wait3A_109, %dma_wait3A_110] : memref<104x128xf32, #tpu.memory_space<vmem>> -> memref<16x128xf32, #tpu.memory_space<vmem>>
      tpu.wait_dma2 semaphore(%run_scoped3A : memref<!tpu.dma_semaphore, #tpu.memory_space<semaphore_mem>>) src(%dma_wait3A_111 : memref<16x128xf32, #tpu.memory_space<vmem>>) dst(%dma_wait3A_108 : memref<16x128xf32, #tpu.memory_space<vmem_shared>>)
      tpu.yield
    }) : () -> ()
    %barrier3A = arith.constant 0 : index
    tpu.barrier barrier_id(%barrier3A)
    %add3A_39 = arith.constant 0 : i32
    %add3A_40 = arith.addi %mul3A_2, %add3A_39 : i32
    "tpu.region"() ({
      %run_scoped3A = tpu.sem_alloc : memref<!tpu.dma_semaphore, #tpu.memory_space<semaphore_mem>>
      %dma_start3A_92 = tpu.memref_slice %arg3[%add3A_40] : memref<160000xi32, #tpu.memory_space<hbm>> -> memref<104xi32, #tpu.memory_space<hbm>>
      %dma_start3A_93 = tpu.memref_slice %arg3[%add3A_40] : memref<160000xi32, #tpu.memory_space<hbm>> -> memref<104xi32, #tpu.memory_space<hbm>>
      tpu.enqueue_dma source(%dma_start3A_93 : memref<104xi32, #tpu.memory_space<hbm>>) target(%arg7 : memref<104xi32, #tpu.memory_space<vmem>>) target_semaphore(%run_scoped3A : memref<!tpu.dma_semaphore, #tpu.memory_space<semaphore_mem>>)
      %dma_wait3A_94 = tpu.memref_slice %arg3[%add3A_40] : memref<160000xi32, #tpu.memory_space<hbm>> -> memref<104xi32, #tpu.memory_space<hbm>>
      %dma_wait3A_95 = tpu.memref_slice %arg3[%add3A_40] : memref<160000xi32, #tpu.memory_space<hbm>> -> memref<104xi32, #tpu.memory_space<hbm>>
      tpu.wait_dma2 semaphore(%run_scoped3A : memref<!tpu.dma_semaphore, #tpu.memory_space<semaphore_mem>>) src(%dma_wait3A_95 : memref<104xi32, #tpu.memory_space<hbm>>) dst(%arg7 : memref<104xi32, #tpu.memory_space<vmem>>)
      tpu.yield
    }) : () -> ()
    "tpu.region"() ({
      %run_scoped3A = tpu.sem_alloc : memref<!tpu.dma_semaphore, #tpu.memory_space<semaphore_mem>>
      %dma_start3A_92 = tpu.memref_slice %arg4[%add3A_40] : memref<160000xi32, #tpu.memory_space<hbm>> -> memref<104xi32, #tpu.memory_space<hbm>>
      %dma_start3A_93 = tpu.memref_slice %arg4[%add3A_40] : memref<160000xi32, #tpu.memory_space<hbm>> -> memref<104xi32, #tpu.memory_space<hbm>>
      tpu.enqueue_dma source(%dma_start3A_93 : memref<104xi32, #tpu.memory_space<hbm>>) target(%arg9 : memref<104xi32, #tpu.memory_space<vmem>>) target_semaphore(%run_scoped3A : memref<!tpu.dma_semaphore, #tpu.memory_space<semaphore_mem>>)
      %dma_wait3A_94 = tpu.memref_slice %arg4[%add3A_40] : memref<160000xi32, #tpu.memory_space<hbm>> -> memref<104xi32, #tpu.memory_space<hbm>>
      %dma_wait3A_95 = tpu.memref_slice %arg4[%add3A_40] : memref<160000xi32, #tpu.memory_space<hbm>> -> memref<104xi32, #tpu.memory_space<hbm>>
      tpu.wait_dma2 semaphore(%run_scoped3A : memref<!tpu.dma_semaphore, #tpu.memory_space<semaphore_mem>>) src(%dma_wait3A_95 : memref<104xi32, #tpu.memory_space<hbm>>) dst(%arg9 : memref<104xi32, #tpu.memory_space<vmem>>)
      tpu.yield
    }) : () -> ()
    %mul3A_41 = arith.constant 4 : i32
    %mul3A_42 = arith.muli %add3A_40, %mul3A_41 : i32
    "tpu.region"() ({
      %run_scoped3A = tpu.sem_alloc : memref<!tpu.dma_semaphore, #tpu.memory_space<semaphore_mem>>
      %dma_start3A_92 = arith.constant 0 : i32
      %dma_start3A_93 = tpu.memref_slice %arg11[%dma_start3A_92] : memref<432xf32, #tpu.memory_space<vmem>> -> memref<416xf32, #tpu.memory_space<vmem>>
      %dma_start3A_94 = tpu.memref_slice %arg5[%mul3A_42] : memref<640000xf32, #tpu.memory_space<hbm>> -> memref<416xf32, #tpu.memory_space<hbm>>
      %dma_start3A_95 = arith.constant 0 : i32
      %dma_start3A_96 = tpu.memref_slice %arg11[%dma_start3A_95] : memref<432xf32, #tpu.memory_space<vmem>> -> memref<416xf32, #tpu.memory_space<vmem>>
      %dma_start3A_97 = tpu.memref_slice %arg5[%mul3A_42] : memref<640000xf32, #tpu.memory_space<hbm>> -> memref<416xf32, #tpu.memory_space<hbm>>
      tpu.enqueue_dma source(%dma_start3A_97 : memref<416xf32, #tpu.memory_space<hbm>>) target(%dma_start3A_96 : memref<416xf32, #tpu.memory_space<vmem>>) target_semaphore(%run_scoped3A : memref<!tpu.dma_semaphore, #tpu.memory_space<semaphore_mem>>)
      %dma_wait3A_98 = arith.constant 0 : i32
      %dma_wait3A_99 = tpu.memref_slice %arg11[%dma_wait3A_98] : memref<432xf32, #tpu.memory_space<vmem>> -> memref<416xf32, #tpu.memory_space<vmem>>
      %dma_wait3A_100 = tpu.memref_slice %arg5[%mul3A_42] : memref<640000xf32, #tpu.memory_space<hbm>> -> memref<416xf32, #tpu.memory_space<hbm>>
      %dma_wait3A_101 = arith.constant 0 : i32
      %dma_wait3A_102 = tpu.memref_slice %arg11[%dma_wait3A_101] : memref<432xf32, #tpu.memory_space<vmem>> -> memref<416xf32, #tpu.memory_space<vmem>>
      %dma_wait3A_103 = tpu.memref_slice %arg5[%mul3A_42] : memref<640000xf32, #tpu.memory_space<hbm>> -> memref<416xf32, #tpu.memory_space<hbm>>
      tpu.wait_dma2 semaphore(%run_scoped3A : memref<!tpu.dma_semaphore, #tpu.memory_space<semaphore_mem>>) src(%dma_wait3A_103 : memref<416xf32, #tpu.memory_space<hbm>>) dst(%dma_wait3A_102 : memref<416xf32, #tpu.memory_space<vmem>>)
      tpu.yield
    }) : () -> ()
    %dma_start3A = arith.constant 0 : i32
    %dma_start3A_43 = arith.constant 0 : i32
    %dma_start3A_44 = tpu.memref_slice %arg2[%dma_start3A, %dma_start3A_43] : memref<10000x128xf32, #tpu.memory_space<hbm>> -> memref<10000x128xf32, #tpu.memory_space<hbm>>
    tpu.enqueue_indirect_dma source(%dma_start3A_44 : memref<10000x128xf32, #tpu.memory_space<hbm>>) target(%arg13 : memref<104x128xf32, #tpu.memory_space<vmem>>) offsets(%arg7 : memref<104xi32, #tpu.memory_space<vmem>>) semaphore(%arg17 : memref<!tpu.dma_semaphore, #tpu.memory_space<semaphore_mem>>)
    %dma_wait3A = arith.constant 0 : i32
    %dma_wait3A_45 = arith.constant 0 : i32
    %dma_wait3A_46 = tpu.memref_slice %arg2[%dma_wait3A, %dma_wait3A_45] : memref<10000x128xf32, #tpu.memory_space<hbm>> -> memref<10000x128xf32, #tpu.memory_space<hbm>>
    tpu.wait_indirect_dma semaphore(%arg17 : memref<!tpu.dma_semaphore, #tpu.memory_space<semaphore_mem>>) src(%dma_wait3A_46 : memref<10000x128xf32, #tpu.memory_space<hbm>>) dst(%arg13 : memref<104x128xf32, #tpu.memory_space<vmem>>)
    %scan3A_47 = arith.constant 0 : i32
    %scan3A_48 = arith.constant 0 : i32
    %scan3A_49 = arith.constant 23 : i32
    %scan3A_50 = arith.addi %scan3A_48, %scan3A_49 : i32
    %scan3A_51 = arith.constant 1 : i32
    scf.for %scan3A_92 = %scan3A_48 to %scan3A_50 step %scan3A_51  : i32 {
      %mul3A_93 = arith.constant 2 : i32
      %mul3A_94 = arith.muli %mul3A_93, %scan3A_92 : i32
      %add3A_95 = arith.constant 1 : i32
      %add3A_96 = arith.addi %mul3A_94, %add3A_95 : i32
      %mul3A_97 = arith.constant 104 : i32
      %mul3A_98 = arith.muli %add3A_96, %mul3A_97 : i32
      %add3A_99 = arith.addi %mul3A_2, %mul3A_98 : i32
      "tpu.region"() ({
        %run_scoped3A = tpu.sem_alloc : memref<!tpu.dma_semaphore, #tpu.memory_space<semaphore_mem>>
        %dma_start3A_129 = tpu.memref_slice %arg3[%add3A_99] : memref<160000xi32, #tpu.memory_space<hbm>> -> memref<104xi32, #tpu.memory_space<hbm>>
        %dma_start3A_130 = tpu.memref_slice %arg3[%add3A_99] : memref<160000xi32, #tpu.memory_space<hbm>> -> memref<104xi32, #tpu.memory_space<hbm>>
        tpu.enqueue_dma source(%dma_start3A_130 : memref<104xi32, #tpu.memory_space<hbm>>) target(%arg8 : memref<104xi32, #tpu.memory_space<vmem>>) target_semaphore(%run_scoped3A : memref<!tpu.dma_semaphore, #tpu.memory_space<semaphore_mem>>)
        %dma_wait3A_131 = tpu.memref_slice %arg3[%add3A_99] : memref<160000xi32, #tpu.memory_space<hbm>> -> memref<104xi32, #tpu.memory_space<hbm>>
        %dma_wait3A_132 = tpu.memref_slice %arg3[%add3A_99] : memref<160000xi32, #tpu.memory_space<hbm>> -> memref<104xi32, #tpu.memory_space<hbm>>
        tpu.wait_dma2 semaphore(%run_scoped3A : memref<!tpu.dma_semaphore, #tpu.memory_space<semaphore_mem>>) src(%dma_wait3A_132 : memref<104xi32, #tpu.memory_space<hbm>>) dst(%arg8 : memref<104xi32, #tpu.memory_space<vmem>>)
        tpu.yield
      }) : () -> ()
      "tpu.region"() ({
        %run_scoped3A = tpu.sem_alloc : memref<!tpu.dma_semaphore, #tpu.memory_space<semaphore_mem>>
        %dma_start3A_129 = tpu.memref_slice %arg4[%add3A_99] : memref<160000xi32, #tpu.memory_space<hbm>> -> memref<104xi32, #tpu.memory_space<hbm>>
        %dma_start3A_130 = tpu.memref_slice %arg4[%add3A_99] : memref<160000xi32, #tpu.memory_space<hbm>> -> memref<104xi32, #tpu.memory_space<hbm>>
        tpu.enqueue_dma source(%dma_start3A_130 : memref<104xi32, #tpu.memory_space<hbm>>) target(%arg10 : memref<104xi32, #tpu.memory_space<vmem>>) target_semaphore(%run_scoped3A : memref<!tpu.dma_semaphore, #tpu.memory_space<semaphore_mem>>)
        %dma_wait3A_131 = tpu.memref_slice %arg4[%add3A_99] : memref<160000xi32, #tpu.memory_space<hbm>> -> memref<104xi32, #tpu.memory_space<hbm>>
        %dma_wait3A_132 = tpu.memref_slice %arg4[%add3A_99] : memref<160000xi32, #tpu.memory_space<hbm>> -> memref<104xi32, #tpu.memory_space<hbm>>
        tpu.wait_dma2 semaphore(%run_scoped3A : memref<!tpu.dma_semaphore, #tpu.memory_space<semaphore_mem>>) src(%dma_wait3A_132 : memref<104xi32, #tpu.memory_space<hbm>>) dst(%arg10 : memref<104xi32, #tpu.memory_space<vmem>>)
        tpu.yield
      }) : () -> ()
      %mul3A_100 = arith.constant 4 : i32
      %mul3A_101 = arith.muli %add3A_99, %mul3A_100 : i32
      "tpu.region"() ({
        %run_scoped3A = tpu.sem_alloc : memref<!tpu.dma_semaphore, #tpu.memory_space<semaphore_mem>>
        %dma_start3A_129 = arith.constant 0 : i32
        %dma_start3A_130 = tpu.memref_slice %arg12[%dma_start3A_129] : memref<432xf32, #tpu.memory_space<vmem>> -> memref<416xf32, #tpu.memory_space<vmem>>
        %dma_start3A_131 = tpu.memref_slice %arg5[%mul3A_101] : memref<640000xf32, #tpu.memory_space<hbm>> -> memref<416xf32, #tpu.memory_space<hbm>>
        %dma_start3A_132 = arith.constant 0 : i32
        %dma_start3A_133 = tpu.memref_slice %arg12[%dma_start3A_132] : memref<432xf32, #tpu.memory_space<vmem>> -> memref<416xf32, #tpu.memory_space<vmem>>
        %dma_start3A_134 = tpu.memref_slice %arg5[%mul3A_101] : memref<640000xf32, #tpu.memory_space<hbm>> -> memref<416xf32, #tpu.memory_space<hbm>>
        tpu.enqueue_dma source(%dma_start3A_134 : memref<416xf32, #tpu.memory_space<hbm>>) target(%dma_start3A_133 : memref<416xf32, #tpu.memory_space<vmem>>) target_semaphore(%run_scoped3A : memref<!tpu.dma_semaphore, #tpu.memory_space<semaphore_mem>>)
        %dma_wait3A_135 = arith.constant 0 : i32
        %dma_wait3A_136 = tpu.memref_slice %arg12[%dma_wait3A_135] : memref<432xf32, #tpu.memory_space<vmem>> -> memref<416xf32, #tpu.memory_space<vmem>>
        %dma_wait3A_137 = tpu.memref_slice %arg5[%mul3A_101] : memref<640000xf32, #tpu.memory_space<hbm>> -> memref<416xf32, #tpu.memory_space<hbm>>
        %dma_wait3A_138 = arith.constant 0 : i32
        %dma_wait3A_139 = tpu.memref_slice %arg12[%dma_wait3A_138] : memref<432xf32, #tpu.memory_space<vmem>> -> memref<416xf32, #tpu.memory_space<vmem>>
        %dma_wait3A_140 = tpu.memref_slice %arg5[%mul3A_101] : memref<640000xf32, #tpu.memory_space<hbm>> -> memref<416xf32, #tpu.memory_space<hbm>>
        tpu.wait_dma2 semaphore(%run_scoped3A : memref<!tpu.dma_semaphore, #tpu.memory_space<semaphore_mem>>) src(%dma_wait3A_140 : memref<416xf32, #tpu.memory_space<hbm>>) dst(%dma_wait3A_139 : memref<416xf32, #tpu.memory_space<vmem>>)
        tpu.yield
      }) : () -> ()
      %dma_start3A_102 = arith.constant 0 : i32
      %dma_start3A_103 = arith.constant 0 : i32
      %dma_start3A_104 = tpu.memref_slice %arg2[%dma_start3A_102, %dma_start3A_103] : memref<10000x128xf32, #tpu.memory_space<hbm>> -> memref<10000x128xf32, #tpu.memory_space<hbm>>
      tpu.enqueue_indirect_dma source(%dma_start3A_104 : memref<10000x128xf32, #tpu.memory_space<hbm>>) target(%arg14 : memref<104x128xf32, #tpu.memory_space<vmem>>) offsets(%arg8 : memref<104xi32, #tpu.memory_space<vmem>>) semaphore(%arg18 : memref<!tpu.dma_semaphore, #tpu.memory_space<semaphore_mem>>)
      %parallel_loop3A_105 = arith.constant 0 : i32
      %parallel_loop3A_106 = arith.constant 104 : i32
      %parallel_loop3A_107 = arith.constant 1 : i32
      scf.for %parallel_loop3A_129 = %parallel_loop3A_105 to %parallel_loop3A_106 step %parallel_loop3A_107  : i32 {
        %parallel_loop3A_130 = arith.constant 4 : i32
        %parallel_loop3A_131 = arith.muli %parallel_loop3A_130, %parallel_loop3A_129 : i32
        %parallel_loop3A_132 = arith.index_cast %parallel_loop3A_131 : i32 to index
        %parallel_loop3A_133 = tpu.vector_load %arg11[%parallel_loop3A_132] {strides = array<i32>} : memref<432xf32, #tpu.memory_space<vmem>>, vector<16xf32>,
        %parallel_loop3A_134 = vector.shape_cast %parallel_loop3A_133 : vector<16xf32> to vector<16xf32>
        %parallel_loop3A_135 = vector.extract_strided_slice %parallel_loop3A_134 {offsets = [0], sizes = [1], strides = [1]} : vector<16xf32> to vector<1xf32>
        %parallel_loop3A_136 = vector.extract %parallel_loop3A_135[0] : f32 from vector<1xf32>
        %parallel_loop3A_137 = vector.extract_strided_slice %parallel_loop3A_134 {offsets = [1], sizes = [1], strides = [1]} : vector<16xf32> to vector<1xf32>
        %parallel_loop3A_138 = vector.extract %parallel_loop3A_137[0] : f32 from vector<1xf32>
        %parallel_loop3A_139 = vector.extract_strided_slice %parallel_loop3A_134 {offsets = [2], sizes = [1], strides = [1]} : vector<16xf32> to vector<1xf32>
        %parallel_loop3A_140 = vector.extract %parallel_loop3A_139[0] : f32 from vector<1xf32>
        %parallel_loop3A_141 = vector.extract_strided_slice %parallel_loop3A_134 {offsets = [3], sizes = [1], strides = [1]} : vector<16xf32> to vector<1xf32>
        %parallel_loop3A_142 = vector.extract %parallel_loop3A_141[0] : f32 from vector<1xf32>
        %parallel_loop3A_143 = arith.index_cast %parallel_loop3A_129 : i32 to index
        %parallel_loop3A_144 = arith.constant 0 : index
        %parallel_loop3A_145 = tpu.vector_load %arg13[%parallel_loop3A_143, %parallel_loop3A_144] {strides = array<i32>} : memref<104x128xf32, #tpu.memory_space<vmem>>, vector<1x16xf32>,
        %parallel_loop3A_146 = vector.shape_cast %parallel_loop3A_145 : vector<1x16xf32> to vector<16xf32>
        %parallel_loop3A_147 = vector.broadcast %parallel_loop3A_136 : f32 to vector<16xf32>
        %parallel_loop3A_148 = arith.mulf %parallel_loop3A_147, %parallel_loop3A_146 : vector<16xf32>
        %parallel_loop3A_149 = arith.index_cast %parallel_loop3A_129 : i32 to index
        %parallel_loop3A_150 = arith.constant 32 : index
        %parallel_loop3A_151 = tpu.vector_load %arg13[%parallel_loop3A_149, %parallel_loop3A_150] {strides = array<i32>} : memref<104x128xf32, #tpu.memory_space<vmem>>, vector<1x16xf32>,
        %parallel_loop3A_152 = vector.shape_cast %parallel_loop3A_151 : vector<1x16xf32> to vector<16xf32>
        %parallel_loop3A_153 = vector.broadcast %parallel_loop3A_138 : f32 to vector<16xf32>
        %parallel_loop3A_154 = arith.mulf %parallel_loop3A_153, %parallel_loop3A_152 : vector<16xf32>
        %parallel_loop3A_155 = arith.addf %parallel_loop3A_148, %parallel_loop3A_154 : vector<16xf32>
        %parallel_loop3A_156 = arith.index_cast %parallel_loop3A_129 : i32 to index
        %parallel_loop3A_157 = arith.constant 64 : index
        %parallel_loop3A_158 = tpu.vector_load %arg13[%parallel_loop3A_156, %parallel_loop3A_157] {strides = array<i32>} : memref<104x128xf32, #tpu.memory_space<vmem>>, vector<1x16xf32>,
        %parallel_loop3A_159 = vector.shape_cast %parallel_loop3A_158 : vector<1x16xf32> to vector<16xf32>
        %parallel_loop3A_160 = vector.broadcast %parallel_loop3A_140 : f32 to vector<16xf32>
        %parallel_loop3A_161 = arith.mulf %parallel_loop3A_160, %parallel_loop3A_159 : vector<16xf32>
        %parallel_loop3A_162 = arith.addf %parallel_loop3A_155, %parallel_loop3A_161 : vector<16xf32>
        %parallel_loop3A_163 = arith.index_cast %parallel_loop3A_129 : i32 to index
        %parallel_loop3A_164 = arith.constant 96 : index
        %parallel_loop3A_165 = tpu.vector_load %arg13[%parallel_loop3A_163, %parallel_loop3A_164] {strides = array<i32>} : memref<104x128xf32, #tpu.memory_space<vmem>>, vector<1x16xf32>,
        %parallel_loop3A_166 = vector.shape_cast %parallel_loop3A_165 : vector<1x16xf32> to vector<16xf32>
        %parallel_loop3A_167 = vector.broadcast %parallel_loop3A_142 : f32 to vector<16xf32>
        %parallel_loop3A_168 = arith.mulf %parallel_loop3A_167, %parallel_loop3A_166 : vector<16xf32>
        %parallel_loop3A_169 = arith.addf %parallel_loop3A_162, %parallel_loop3A_168 : vector<16xf32>
        %parallel_loop3A_170 = arith.constant 0.000000e+00 : f32
        %parallel_loop3A_171 = vector.broadcast %parallel_loop3A_170 : f32 to vector<16xf32>
        %parallel_loop3A_172 = arith.subf %parallel_loop3A_171, %parallel_loop3A_169 : vector<16xf32>
        %parallel_loop3A_173 = math.exp %parallel_loop3A_172 : vector<16xf32>
        %parallel_loop3A_174 = arith.constant 1.000000e+00 : f32
        %parallel_loop3A_175 = vector.broadcast %parallel_loop3A_174 : f32 to vector<16xf32>
        %parallel_loop3A_176 = arith.addf %parallel_loop3A_175, %parallel_loop3A_173 : vector<16xf32>
        %parallel_loop3A_177 = arith.constant 1.000000e+00 : f32
        %parallel_loop3A_178 = vector.broadcast %parallel_loop3A_177 : f32 to vector<16xf32>
        %parallel_loop3A_179 = arith.divf %parallel_loop3A_178, %parallel_loop3A_176 : vector<16xf32>
        %parallel_loop3A_180 = arith.mulf %parallel_loop3A_169, %parallel_loop3A_179 : vector<16xf32>
        %parallel_loop3A_181 = arith.index_cast %parallel_loop3A_129 : i32 to index
        %parallel_loop3A_182 = arith.constant 0 : index
        %parallel_loop3A_183 = tpu.vector_load %arg15[%parallel_loop3A_181, %parallel_loop3A_182] {strides = array<i32>} : memref<104x128xf32, #tpu.memory_space<vmem>>, vector<1x16xf32>,
        %parallel_loop3A_184 = vector.shape_cast %parallel_loop3A_183 : vector<1x16xf32> to vector<16xf32>
        %parallel_loop3A_185 = vector.shape_cast %parallel_loop3A_180 : vector<16xf32> to vector<1x16xf32>
        tpu.vector_store %arg15[%parallel_loop3A_181, %parallel_loop3A_182], %parallel_loop3A_185 {strides = array<i32>} : memref<104x128xf32, #tpu.memory_space<vmem>>, vector<1x16xf32>,
        %parallel_loop3A_186 = arith.index_cast %parallel_loop3A_129 : i32 to index
        %parallel_loop3A_187 = arith.constant 16 : index
        %parallel_loop3A_188 = tpu.vector_load %arg13[%parallel_loop3A_186, %parallel_loop3A_187] {strides = array<i32>} : memref<104x128xf32, #tpu.memory_space<vmem>>, vector<1x16xf32>,
        %parallel_loop3A_189 = vector.shape_cast %parallel_loop3A_188 : vector<1x16xf32> to vector<16xf32>
        %parallel_loop3A_190 = vector.broadcast %parallel_loop3A_136 : f32 to vector<16xf32>
        %parallel_loop3A_191 = arith.mulf %parallel_loop3A_190, %parallel_loop3A_189 : vector<16xf32>
        %parallel_loop3A_192 = arith.index_cast %parallel_loop3A_129 : i32 to index
        %parallel_loop3A_193 = arith.constant 48 : index
        %parallel_loop3A_194 = tpu.vector_load %arg13[%parallel_loop3A_192, %parallel_loop3A_193] {strides = array<i32>} : memref<104x128xf32, #tpu.memory_space<vmem>>, vector<1x16xf32>,
        %parallel_loop3A_195 = vector.shape_cast %parallel_loop3A_194 : vector<1x16xf32> to vector<16xf32>
        %parallel_loop3A_196 = vector.broadcast %parallel_loop3A_138 : f32 to vector<16xf32>
        %parallel_loop3A_197 = arith.mulf %parallel_loop3A_196, %parallel_loop3A_195 : vector<16xf32>
        %parallel_loop3A_198 = arith.addf %parallel_loop3A_191, %parallel_loop3A_197 : vector<16xf32>
        %parallel_loop3A_199 = arith.index_cast %parallel_loop3A_129 : i32 to index
        %parallel_loop3A_200 = arith.constant 80 : index
        %parallel_loop3A_201 = tpu.vector_load %arg13[%parallel_loop3A_199, %parallel_loop3A_200] {strides = array<i32>} : memref<104x128xf32, #tpu.memory_space<vmem>>, vector<1x16xf32>,
        %parallel_loop3A_202 = vector.shape_cast %parallel_loop3A_201 : vector<1x16xf32> to vector<16xf32>
        %parallel_loop3A_203 = vector.broadcast %parallel_loop3A_140 : f32 to vector<16xf32>
        %parallel_loop3A_204 = arith.mulf %parallel_loop3A_203, %parallel_loop3A_202 : vector<16xf32>
        %parallel_loop3A_205 = arith.addf %parallel_loop3A_198, %parallel_loop3A_204 : vector<16xf32>
        %parallel_loop3A_206 = arith.index_cast %parallel_loop3A_129 : i32 to index
        %parallel_loop3A_207 = arith.constant 112 : index
        %parallel_loop3A_208 = tpu.vector_load %arg13[%parallel_loop3A_206, %parallel_loop3A_207] {strides = array<i32>} : memref<104x128xf32, #tpu.memory_space<vmem>>, vector<1x16xf32>,
        %parallel_loop3A_209 = vector.shape_cast %parallel_loop3A_208 : vector<1x16xf32> to vector<16xf32>
        %parallel_loop3A_210 = vector.broadcast %parallel_loop3A_142 : f32 to vector<16xf32>
        %parallel_loop3A_211 = arith.mulf %parallel_loop3A_210, %parallel_loop3A_209 : vector<16xf32>
        %parallel_loop3A_212 = arith.addf %parallel_loop3A_205, %parallel_loop3A_211 : vector<16xf32>
        %parallel_loop3A_213 = arith.constant 0.000000e+00 : f32
        %parallel_loop3A_214 = vector.broadcast %parallel_loop3A_213 : f32 to vector<16xf32>
        %parallel_loop3A_215 = arith.subf %parallel_loop3A_214, %parallel_loop3A_212 : vector<16xf32>
        %parallel_loop3A_216 = math.exp %parallel_loop3A_215 : vector<16xf32>
        %parallel_loop3A_217 = arith.constant 1.000000e+00 : f32
        %parallel_loop3A_218 = vector.broadcast %parallel_loop3A_217 : f32 to vector<16xf32>
        %parallel_loop3A_219 = arith.addf %parallel_loop3A_218, %parallel_loop3A_216 : vector<16xf32>
        %parallel_loop3A_220 = arith.constant 1.000000e+00 : f32
        %parallel_loop3A_221 = vector.broadcast %parallel_loop3A_220 : f32 to vector<16xf32>
        %parallel_loop3A_222 = arith.divf %parallel_loop3A_221, %parallel_loop3A_219 : vector<16xf32>
        %parallel_loop3A_223 = arith.mulf %parallel_loop3A_212, %parallel_loop3A_222 : vector<16xf32>
        %parallel_loop3A_224 = arith.index_cast %parallel_loop3A_129 : i32 to index
        %parallel_loop3A_225 = arith.constant 16 : index
        %parallel_loop3A_226 = tpu.vector_load %arg15[%parallel_loop3A_224, %parallel_loop3A_225] {strides = array<i32>} : memref<104x128xf32, #tpu.memory_space<vmem>>, vector<1x16xf32>,
        %parallel_loop3A_227 = vector.shape_cast %parallel_loop3A_226 : vector<1x16xf32> to vector<16xf32>
        %parallel_loop3A_228 = vector.shape_cast %parallel_loop3A_223 : vector<16xf32> to vector<1x16xf32>
        tpu.vector_store %arg15[%parallel_loop3A_224, %parallel_loop3A_225], %parallel_loop3A_228 {strides = array<i32>} : memref<104x128xf32, #tpu.memory_space<vmem>>, vector<1x16xf32>,
      } {sc.loop_unroll_factor = 6 : i64, sc.parallel_access}
      "tpu.region"() ({
        %run_scoped3A = tpu.sem_alloc : memref<!tpu.dma_semaphore, #tpu.memory_space<semaphore_mem>>
        %dma_start3A_129 = arith.constant 0 : i32
        %dma_start3A_130 = arith.constant 0 : i32
        %dma_start3A_131 = tpu.memref_slice %arg16[%dma_start3A_129, %dma_start3A_130] : memref<10240x128xf32, #tpu.memory_space<vmem_shared>> -> memref<10240x128xf32, #tpu.memory_space<vmem_shared>>
        tpu.enqueue_indirect_dma source(%arg15 : memref<104x128xf32, #tpu.memory_space<vmem>>) target(%dma_start3A_131 : memref<10240x128xf32, #tpu.memory_space<vmem_shared>>) offsets(%arg9 : memref<104xi32, #tpu.memory_space<vmem>>) semaphore(%run_scoped3A : memref<!tpu.dma_semaphore, #tpu.memory_space<semaphore_mem>>) {add = true}
        %dma_wait3A_132 = arith.constant 0 : i32
        %dma_wait3A_133 = arith.constant 0 : i32
        %dma_wait3A_134 = tpu.memref_slice %arg16[%dma_wait3A_132, %dma_wait3A_133] : memref<10240x128xf32, #tpu.memory_space<vmem_shared>> -> memref<10240x128xf32, #tpu.memory_space<vmem_shared>>
        tpu.wait_indirect_dma semaphore(%run_scoped3A : memref<!tpu.dma_semaphore, #tpu.memory_space<semaphore_mem>>) src(%arg15 : memref<104x128xf32, #tpu.memory_space<vmem>>) dst(%dma_wait3A_134 : memref<10240x128xf32, #tpu.memory_space<vmem_shared>>)
        tpu.yield
      }) : () -> ()
      %dma_wait3A_108 = arith.constant 0 : i32
      %dma_wait3A_109 = arith.constant 0 : i32
      %dma_wait3A_110 = tpu.memref_slice %arg2[%dma_wait3A_108, %dma_wait3A_109] : memref<10000x128xf32, #tpu.memory_space<hbm>> -> memref<10000x128xf32, #tpu.memory_space<hbm>>
      tpu.wait_indirect_dma semaphore(%arg18 : memref<!tpu.dma_semaphore, #tpu.memory_space<semaphore_mem>>) src(%dma_wait3A_110 : memref<10000x128xf32, #tpu.memory_space<hbm>>) dst(%arg14 : memref<104x128xf32, #tpu.memory_space<vmem>>)
      %mul3A_111 = arith.constant 2 : i32
      %mul3A_112 = arith.muli %mul3A_111, %scan3A_92 : i32
      %add3A_113 = arith.constant 2 : i32
      %add3A_114 = arith.addi %mul3A_112, %add3A_113 : i32
      %mul3A_115 = arith.constant 104 : i32
      %mul3A_116 = arith.muli %add3A_114, %mul3A_115 : i32
      %add3A_117 = arith.addi %mul3A_2, %mul3A_116 : i32
      "tpu.region"() ({
        %run_scoped3A = tpu.sem_alloc : memref<!tpu.dma_semaphore, #tpu.memory_space<semaphore_mem>>
        %dma_start3A_129 = tpu.memref_slice %arg3[%add3A_117] : memref<160000xi32, #tpu.memory_space<hbm>> -> memref<104xi32, #tpu.memory_space<hbm>>
        %dma_start3A_130 = tpu.memref_slice %arg3[%add3A_117] : memref<160000xi32, #tpu.memory_space<hbm>> -> memref<104xi32, #tpu.memory_space<hbm>>
        tpu.enqueue_dma source(%dma_start3A_130 : memref<104xi32, #tpu.memory_space<hbm>>) target(%arg7 : memref<104xi32, #tpu.memory_space<vmem>>) target_semaphore(%run_scoped3A : memref<!tpu.dma_semaphore, #tpu.memory_space<semaphore_mem>>)
        %dma_wait3A_131 = tpu.memref_slice %arg3[%add3A_117] : memref<160000xi32, #tpu.memory_space<hbm>> -> memref<104xi32, #tpu.memory_space<hbm>>
        %dma_wait3A_132 = tpu.memref_slice %arg3[%add3A_117] : memref<160000xi32, #tpu.memory_space<hbm>> -> memref<104xi32, #tpu.memory_space<hbm>>
        tpu.wait_dma2 semaphore(%run_scoped3A : memref<!tpu.dma_semaphore, #tpu.memory_space<semaphore_mem>>) src(%dma_wait3A_132 : memref<104xi32, #tpu.memory_space<hbm>>) dst(%arg7 : memref<104xi32, #tpu.memory_space<vmem>>)
        tpu.yield
      }) : () -> ()
      "tpu.region"() ({
        %run_scoped3A = tpu.sem_alloc : memref<!tpu.dma_semaphore, #tpu.memory_space<semaphore_mem>>
        %dma_start3A_129 = tpu.memref_slice %arg4[%add3A_117] : memref<160000xi32, #tpu.memory_space<hbm>> -> memref<104xi32, #tpu.memory_space<hbm>>
        %dma_start3A_130 = tpu.memref_slice %arg4[%add3A_117] : memref<160000xi32, #tpu.memory_space<hbm>> -> memref<104xi32, #tpu.memory_space<hbm>>
        tpu.enqueue_dma source(%dma_start3A_130 : memref<104xi32, #tpu.memory_space<hbm>>) target(%arg9 : memref<104xi32, #tpu.memory_space<vmem>>) target_semaphore(%run_scoped3A : memref<!tpu.dma_semaphore, #tpu.memory_space<semaphore_mem>>)
        %dma_wait3A_131 = tpu.memref_slice %arg4[%add3A_117] : memref<160000xi32, #tpu.memory_space<hbm>> -> memref<104xi32, #tpu.memory_space<hbm>>
        %dma_wait3A_132 = tpu.memref_slice %arg4[%add3A_117] : memref<160000xi32, #tpu.memory_space<hbm>> -> memref<104xi32, #tpu.memory_space<hbm>>
        tpu.wait_dma2 semaphore(%run_scoped3A : memref<!tpu.dma_semaphore, #tpu.memory_space<semaphore_mem>>) src(%dma_wait3A_132 : memref<104xi32, #tpu.memory_space<hbm>>) dst(%arg9 : memref<104xi32, #tpu.memory_space<vmem>>)
        tpu.yield
      }) : () -> ()
      %mul3A_118 = arith.constant 4 : i32
      %mul3A_119 = arith.muli %add3A_117, %mul3A_118 : i32
      "tpu.region"() ({
        %run_scoped3A = tpu.sem_alloc : memref<!tpu.dma_semaphore, #tpu.memory_space<semaphore_mem>>
        %dma_start3A_129 = arith.constant 0 : i32
        %dma_start3A_130 = tpu.memref_slice %arg11[%dma_start3A_129] : memref<432xf32, #tpu.memory_space<vmem>> -> memref<416xf32, #tpu.memory_space<vmem>>
        %dma_start3A_131 = tpu.memref_slice %arg5[%mul3A_119] : memref<640000xf32, #tpu.memory_space<hbm>> -> memref<416xf32, #tpu.memory_space<hbm>>
        %dma_start3A_132 = arith.constant 0 : i32
        %dma_start3A_133 = tpu.memref_slice %arg11[%dma_start3A_132] : memref<432xf32, #tpu.memory_space<vmem>> -> memref<416xf32, #tpu.memory_space<vmem>>
        %dma_start3A_134 = tpu.memref_slice %arg5[%mul3A_119] : memref<640000xf32, #tpu.memory_space<hbm>> -> memref<416xf32, #tpu.memory_space<hbm>>
        tpu.enqueue_dma source(%dma_start3A_134 : memref<416xf32, #tpu.memory_space<hbm>>) target(%dma_start3A_133 : memref<416xf32, #tpu.memory_space<vmem>>) target_semaphore(%run_scoped3A : memref<!tpu.dma_semaphore, #tpu.memory_space<semaphore_mem>>)
        %dma_wait3A_135 = arith.constant 0 : i32
        %dma_wait3A_136 = tpu.memref_slice %arg11[%dma_wait3A_135] : memref<432xf32, #tpu.memory_space<vmem>> -> memref<416xf32, #tpu.memory_space<vmem>>
        %dma_wait3A_137 = tpu.memref_slice %arg5[%mul3A_119] : memref<640000xf32, #tpu.memory_space<hbm>> -> memref<416xf32, #tpu.memory_space<hbm>>
        %dma_wait3A_138 = arith.constant 0 : i32
        %dma_wait3A_139 = tpu.memref_slice %arg11[%dma_wait3A_138] : memref<432xf32, #tpu.memory_space<vmem>> -> memref<416xf32, #tpu.memory_space<vmem>>
        %dma_wait3A_140 = tpu.memref_slice %arg5[%mul3A_119] : memref<640000xf32, #tpu.memory_space<hbm>> -> memref<416xf32, #tpu.memory_space<hbm>>
        tpu.wait_dma2 semaphore(%run_scoped3A : memref<!tpu.dma_semaphore, #tpu.memory_space<semaphore_mem>>) src(%dma_wait3A_140 : memref<416xf32, #tpu.memory_space<hbm>>) dst(%dma_wait3A_139 : memref<416xf32, #tpu.memory_space<vmem>>)
        tpu.yield
      }) : () -> ()
      %dma_start3A_120 = arith.constant 0 : i32
      %dma_start3A_121 = arith.constant 0 : i32
      %dma_start3A_122 = tpu.memref_slice %arg2[%dma_start3A_120, %dma_start3A_121] : memref<10000x128xf32, #tpu.memory_space<hbm>> -> memref<10000x128xf32, #tpu.memory_space<hbm>>
      tpu.enqueue_indirect_dma source(%dma_start3A_122 : memref<10000x128xf32, #tpu.memory_space<hbm>>) target(%arg13 : memref<104x128xf32, #tpu.memory_space<vmem>>) offsets(%arg7 : memref<104xi32, #tpu.memory_space<vmem>>) semaphore(%arg17 : memref<!tpu.dma_semaphore, #tpu.memory_space<semaphore_mem>>)
      %parallel_loop3A_123 = arith.constant 0 : i32
      %parallel_loop3A_124 = arith.constant 104 : i32
      %parallel_loop3A_125 = arith.constant 1 : i32
      scf.for %parallel_loop3A_129 = %parallel_loop3A_123 to %parallel_loop3A_124 step %parallel_loop3A_125  : i32 {
        %parallel_loop3A_130 = arith.constant 4 : i32
        %parallel_loop3A_131 = arith.muli %parallel_loop3A_130, %parallel_loop3A_129 : i32
        %parallel_loop3A_132 = arith.index_cast %parallel_loop3A_131 : i32 to index
        %parallel_loop3A_133 = tpu.vector_load %arg12[%parallel_loop3A_132] {strides = array<i32>} : memref<432xf32, #tpu.memory_space<vmem>>, vector<16xf32>,
        %parallel_loop3A_134 = vector.shape_cast %parallel_loop3A_133 : vector<16xf32> to vector<16xf32>
        %parallel_loop3A_135 = vector.extract_strided_slice %parallel_loop3A_134 {offsets = [0], sizes = [1], strides = [1]} : vector<16xf32> to vector<1xf32>
        %parallel_loop3A_136 = vector.extract %parallel_loop3A_135[0] : f32 from vector<1xf32>
        %parallel_loop3A_137 = vector.extract_strided_slice %parallel_loop3A_134 {offsets = [1], sizes = [1], strides = [1]} : vector<16xf32> to vector<1xf32>
        %parallel_loop3A_138 = vector.extract %parallel_loop3A_137[0] : f32 from vector<1xf32>
        %parallel_loop3A_139 = vector.extract_strided_slice %parallel_loop3A_134 {offsets = [2], sizes = [1], strides = [1]} : vector<16xf32> to vector<1xf32>
        %parallel_loop3A_140 = vector.extract %parallel_loop3A_139[0] : f32 from vector<1xf32>
        %parallel_loop3A_141 = vector.extract_strided_slice %parallel_loop3A_134 {offsets = [3], sizes = [1], strides = [1]} : vector<16xf32> to vector<1xf32>
        %parallel_loop3A_142 = vector.extract %parallel_loop3A_141[0] : f32 from vector<1xf32>
        %parallel_loop3A_143 = arith.index_cast %parallel_loop3A_129 : i32 to index
        %parallel_loop3A_144 = arith.constant 0 : index
        %parallel_loop3A_145 = tpu.vector_load %arg14[%parallel_loop3A_143, %parallel_loop3A_144] {strides = array<i32>} : memref<104x128xf32, #tpu.memory_space<vmem>>, vector<1x16xf32>,
        %parallel_loop3A_146 = vector.shape_cast %parallel_loop3A_145 : vector<1x16xf32> to vector<16xf32>
        %parallel_loop3A_147 = vector.broadcast %parallel_loop3A_136 : f32 to vector<16xf32>
        %parallel_loop3A_148 = arith.mulf %parallel_loop3A_147, %parallel_loop3A_146 : vector<16xf32>
        %parallel_loop3A_149 = arith.index_cast %parallel_loop3A_129 : i32 to index
        %parallel_loop3A_150 = arith.constant 32 : index
        %parallel_loop3A_151 = tpu.vector_load %arg14[%parallel_loop3A_149, %parallel_loop3A_150] {strides = array<i32>} : memref<104x128xf32, #tpu.memory_space<vmem>>, vector<1x16xf32>,
        %parallel_loop3A_152 = vector.shape_cast %parallel_loop3A_151 : vector<1x16xf32> to vector<16xf32>
        %parallel_loop3A_153 = vector.broadcast %parallel_loop3A_138 : f32 to vector<16xf32>
        %parallel_loop3A_154 = arith.mulf %parallel_loop3A_153, %parallel_loop3A_152 : vector<16xf32>
        %parallel_loop3A_155 = arith.addf %parallel_loop3A_148, %parallel_loop3A_154 : vector<16xf32>
        %parallel_loop3A_156 = arith.index_cast %parallel_loop3A_129 : i32 to index
        %parallel_loop3A_157 = arith.constant 64 : index
        %parallel_loop3A_158 = tpu.vector_load %arg14[%parallel_loop3A_156, %parallel_loop3A_157] {strides = array<i32>} : memref<104x128xf32, #tpu.memory_space<vmem>>, vector<1x16xf32>,
        %parallel_loop3A_159 = vector.shape_cast %parallel_loop3A_158 : vector<1x16xf32> to vector<16xf32>
        %parallel_loop3A_160 = vector.broadcast %parallel_loop3A_140 : f32 to vector<16xf32>
        %parallel_loop3A_161 = arith.mulf %parallel_loop3A_160, %parallel_loop3A_159 : vector<16xf32>
        %parallel_loop3A_162 = arith.addf %parallel_loop3A_155, %parallel_loop3A_161 : vector<16xf32>
        %parallel_loop3A_163 = arith.index_cast %parallel_loop3A_129 : i32 to index
        %parallel_loop3A_164 = arith.constant 96 : index
        %parallel_loop3A_165 = tpu.vector_load %arg14[%parallel_loop3A_163, %parallel_loop3A_164] {strides = array<i32>} : memref<104x128xf32, #tpu.memory_space<vmem>>, vector<1x16xf32>,
        %parallel_loop3A_166 = vector.shape_cast %parallel_loop3A_165 : vector<1x16xf32> to vector<16xf32>
        %parallel_loop3A_167 = vector.broadcast %parallel_loop3A_142 : f32 to vector<16xf32>
        %parallel_loop3A_168 = arith.mulf %parallel_loop3A_167, %parallel_loop3A_166 : vector<16xf32>
        %parallel_loop3A_169 = arith.addf %parallel_loop3A_162, %parallel_loop3A_168 : vector<16xf32>
        %parallel_loop3A_170 = arith.constant 0.000000e+00 : f32
        %parallel_loop3A_171 = vector.broadcast %parallel_loop3A_170 : f32 to vector<16xf32>
        %parallel_loop3A_172 = arith.subf %parallel_loop3A_171, %parallel_loop3A_169 : vector<16xf32>
        %parallel_loop3A_173 = math.exp %parallel_loop3A_172 : vector<16xf32>
        %parallel_loop3A_174 = arith.constant 1.000000e+00 : f32
        %parallel_loop3A_175 = vector.broadcast %parallel_loop3A_174 : f32 to vector<16xf32>
        %parallel_loop3A_176 = arith.addf %parallel_loop3A_175, %parallel_loop3A_173 : vector<16xf32>
        %parallel_loop3A_177 = arith.constant 1.000000e+00 : f32
        %parallel_loop3A_178 = vector.broadcast %parallel_loop3A_177 : f32 to vector<16xf32>
        %parallel_loop3A_179 = arith.divf %parallel_loop3A_178, %parallel_loop3A_176 : vector<16xf32>
        %parallel_loop3A_180 = arith.mulf %parallel_loop3A_169, %parallel_loop3A_179 : vector<16xf32>
        %parallel_loop3A_181 = arith.index_cast %parallel_loop3A_129 : i32 to index
        %parallel_loop3A_182 = arith.constant 0 : index
        %parallel_loop3A_183 = tpu.vector_load %arg15[%parallel_loop3A_181, %parallel_loop3A_182] {strides = array<i32>} : memref<104x128xf32, #tpu.memory_space<vmem>>, vector<1x16xf32>,
        %parallel_loop3A_184 = vector.shape_cast %parallel_loop3A_183 : vector<1x16xf32> to vector<16xf32>
        %parallel_loop3A_185 = vector.shape_cast %parallel_loop3A_180 : vector<16xf32> to vector<1x16xf32>
        tpu.vector_store %arg15[%parallel_loop3A_181, %parallel_loop3A_182], %parallel_loop3A_185 {strides = array<i32>} : memref<104x128xf32, #tpu.memory_space<vmem>>, vector<1x16xf32>,
        %parallel_loop3A_186 = arith.index_cast %parallel_loop3A_129 : i32 to index
        %parallel_loop3A_187 = arith.constant 16 : index
        %parallel_loop3A_188 = tpu.vector_load %arg14[%parallel_loop3A_186, %parallel_loop3A_187] {strides = array<i32>} : memref<104x128xf32, #tpu.memory_space<vmem>>, vector<1x16xf32>,
        %parallel_loop3A_189 = vector.shape_cast %parallel_loop3A_188 : vector<1x16xf32> to vector<16xf32>
        %parallel_loop3A_190 = vector.broadcast %parallel_loop3A_136 : f32 to vector<16xf32>
        %parallel_loop3A_191 = arith.mulf %parallel_loop3A_190, %parallel_loop3A_189 : vector<16xf32>
        %parallel_loop3A_192 = arith.index_cast %parallel_loop3A_129 : i32 to index
        %parallel_loop3A_193 = arith.constant 48 : index
        %parallel_loop3A_194 = tpu.vector_load %arg14[%parallel_loop3A_192, %parallel_loop3A_193] {strides = array<i32>} : memref<104x128xf32, #tpu.memory_space<vmem>>, vector<1x16xf32>,
        %parallel_loop3A_195 = vector.shape_cast %parallel_loop3A_194 : vector<1x16xf32> to vector<16xf32>
        %parallel_loop3A_196 = vector.broadcast %parallel_loop3A_138 : f32 to vector<16xf32>
        %parallel_loop3A_197 = arith.mulf %parallel_loop3A_196, %parallel_loop3A_195 : vector<16xf32>
        %parallel_loop3A_198 = arith.addf %parallel_loop3A_191, %parallel_loop3A_197 : vector<16xf32>
        %parallel_loop3A_199 = arith.index_cast %parallel_loop3A_129 : i32 to index
        %parallel_loop3A_200 = arith.constant 80 : index
        %parallel_loop3A_201 = tpu.vector_load %arg14[%parallel_loop3A_199, %parallel_loop3A_200] {strides = array<i32>} : memref<104x128xf32, #tpu.memory_space<vmem>>, vector<1x16xf32>,
        %parallel_loop3A_202 = vector.shape_cast %parallel_loop3A_201 : vector<1x16xf32> to vector<16xf32>
        %parallel_loop3A_203 = vector.broadcast %parallel_loop3A_140 : f32 to vector<16xf32>
        %parallel_loop3A_204 = arith.mulf %parallel_loop3A_203, %parallel_loop3A_202 : vector<16xf32>
        %parallel_loop3A_205 = arith.addf %parallel_loop3A_198, %parallel_loop3A_204 : vector<16xf32>
        %parallel_loop3A_206 = arith.index_cast %parallel_loop3A_129 : i32 to index
        %parallel_loop3A_207 = arith.constant 112 : index
        %parallel_loop3A_208 = tpu.vector_load %arg14[%parallel_loop3A_206, %parallel_loop3A_207] {strides = array<i32>} : memref<104x128xf32, #tpu.memory_space<vmem>>, vector<1x16xf32>,
        %parallel_loop3A_209 = vector.shape_cast %parallel_loop3A_208 : vector<1x16xf32> to vector<16xf32>
        %parallel_loop3A_210 = vector.broadcast %parallel_loop3A_142 : f32 to vector<16xf32>
        %parallel_loop3A_211 = arith.mulf %parallel_loop3A_210, %parallel_loop3A_209 : vector<16xf32>
        %parallel_loop3A_212 = arith.addf %parallel_loop3A_205, %parallel_loop3A_211 : vector<16xf32>
        %parallel_loop3A_213 = arith.constant 0.000000e+00 : f32
        %parallel_loop3A_214 = vector.broadcast %parallel_loop3A_213 : f32 to vector<16xf32>
        %parallel_loop3A_215 = arith.subf %parallel_loop3A_214, %parallel_loop3A_212 : vector<16xf32>
        %parallel_loop3A_216 = math.exp %parallel_loop3A_215 : vector<16xf32>
        %parallel_loop3A_217 = arith.constant 1.000000e+00 : f32
        %parallel_loop3A_218 = vector.broadcast %parallel_loop3A_217 : f32 to vector<16xf32>
        %parallel_loop3A_219 = arith.addf %parallel_loop3A_218, %parallel_loop3A_216 : vector<16xf32>
        %parallel_loop3A_220 = arith.constant 1.000000e+00 : f32
        %parallel_loop3A_221 = vector.broadcast %parallel_loop3A_220 : f32 to vector<16xf32>
        %parallel_loop3A_222 = arith.divf %parallel_loop3A_221, %parallel_loop3A_219 : vector<16xf32>
        %parallel_loop3A_223 = arith.mulf %parallel_loop3A_212, %parallel_loop3A_222 : vector<16xf32>
        %parallel_loop3A_224 = arith.index_cast %parallel_loop3A_129 : i32 to index
        %parallel_loop3A_225 = arith.constant 16 : index
        %parallel_loop3A_226 = tpu.vector_load %arg15[%parallel_loop3A_224, %parallel_loop3A_225] {strides = array<i32>} : memref<104x128xf32, #tpu.memory_space<vmem>>, vector<1x16xf32>,
        %parallel_loop3A_227 = vector.shape_cast %parallel_loop3A_226 : vector<1x16xf32> to vector<16xf32>
        %parallel_loop3A_228 = vector.shape_cast %parallel_loop3A_223 : vector<16xf32> to vector<1x16xf32>
        tpu.vector_store %arg15[%parallel_loop3A_224, %parallel_loop3A_225], %parallel_loop3A_228 {strides = array<i32>} : memref<104x128xf32, #tpu.memory_space<vmem>>, vector<1x16xf32>,
      } {sc.loop_unroll_factor = 6 : i64, sc.parallel_access}
      "tpu.region"() ({
        %run_scoped3A = tpu.sem_alloc : memref<!tpu.dma_semaphore, #tpu.memory_space<semaphore_mem>>
        %dma_start3A_129 = arith.constant 0 : i32
        %dma_start3A_130 = arith.constant 0 : i32
        %dma_start3A_131 = tpu.memref_slice %arg16[%dma_start3A_129, %dma_start3A_130] : memref<10240x128xf32, #tpu.memory_space<vmem_shared>> -> memref<10240x128xf32, #tpu.memory_space<vmem_shared>>
        tpu.enqueue_indirect_dma source(%arg15 : memref<104x128xf32, #tpu.memory_space<vmem>>) target(%dma_start3A_131 : memref<10240x128xf32, #tpu.memory_space<vmem_shared>>) offsets(%arg10 : memref<104xi32, #tpu.memory_space<vmem>>) semaphore(%run_scoped3A : memref<!tpu.dma_semaphore, #tpu.memory_space<semaphore_mem>>) {add = true}
        %dma_wait3A_132 = arith.constant 0 : i32
        %dma_wait3A_133 = arith.constant 0 : i32
        %dma_wait3A_134 = tpu.memref_slice %arg16[%dma_wait3A_132, %dma_wait3A_133] : memref<10240x128xf32, #tpu.memory_space<vmem_shared>> -> memref<10240x128xf32, #tpu.memory_space<vmem_shared>>
        tpu.wait_indirect_dma semaphore(%run_scoped3A : memref<!tpu.dma_semaphore, #tpu.memory_space<semaphore_mem>>) src(%arg15 : memref<104x128xf32, #tpu.memory_space<vmem>>) dst(%dma_wait3A_134 : memref<10240x128xf32, #tpu.memory_space<vmem_shared>>)
        tpu.yield
      }) : () -> ()
      %dma_wait3A_126 = arith.constant 0 : i32
      %dma_wait3A_127 = arith.constant 0 : i32
      %dma_wait3A_128 = tpu.memref_slice %arg2[%dma_wait3A_126, %dma_wait3A_127] : memref<10000x128xf32, #tpu.memory_space<hbm>> -> memref<10000x128xf32, #tpu.memory_space<hbm>>
      tpu.wait_indirect_dma semaphore(%arg17 : memref<!tpu.dma_semaphore, #tpu.memory_space<semaphore_mem>>) src(%dma_wait3A_128 : memref<10000x128xf32, #tpu.memory_space<hbm>>) dst(%arg13 : memref<104x128xf32, #tpu.memory_space<vmem>>)
    }
    %scan3A_52 = arith.constant 23 : i32
    %add3A_53 = arith.constant 4888 : i32
    %add3A_54 = arith.addi %mul3A_2, %add3A_53 : i32
    "tpu.region"() ({
      %run_scoped3A = tpu.sem_alloc : memref<!tpu.dma_semaphore, #tpu.memory_space<semaphore_mem>>
      %dma_start3A_92 = tpu.memref_slice %arg3[%add3A_54] : memref<160000xi32, #tpu.memory_space<hbm>> -> memref<104xi32, #tpu.memory_space<hbm>>
      %dma_start3A_93 = tpu.memref_slice %arg3[%add3A_54] : memref<160000xi32, #tpu.memory_space<hbm>> -> memref<104xi32, #tpu.memory_space<hbm>>
      tpu.enqueue_dma source(%dma_start3A_93 : memref<104xi32, #tpu.memory_space<hbm>>) target(%arg8 : memref<104xi32, #tpu.memory_space<vmem>>) target_semaphore(%run_scoped3A : memref<!tpu.dma_semaphore, #tpu.memory_space<semaphore_mem>>)
      %dma_wait3A_94 = tpu.memref_slice %arg3[%add3A_54] : memref<160000xi32, #tpu.memory_space<hbm>> -> memref<104xi32, #tpu.memory_space<hbm>>
      %dma_wait3A_95 = tpu.memref_slice %arg3[%add3A_54] : memref<160000xi32, #tpu.memory_space<hbm>> -> memref<104xi32, #tpu.memory_space<hbm>>
      tpu.wait_dma2 semaphore(%run_scoped3A : memref<!tpu.dma_semaphore, #tpu.memory_space<semaphore_mem>>) src(%dma_wait3A_95 : memref<104xi32, #tpu.memory_space<hbm>>) dst(%arg8 : memref<104xi32, #tpu.memory_space<vmem>>)
      tpu.yield
    }) : () -> ()
    "tpu.region"() ({
      %run_scoped3A = tpu.sem_alloc : memref<!tpu.dma_semaphore, #tpu.memory_space<semaphore_mem>>
      %dma_start3A_92 = tpu.memref_slice %arg4[%add3A_54] : memref<160000xi32, #tpu.memory_space<hbm>> -> memref<104xi32, #tpu.memory_space<hbm>>
      %dma_start3A_93 = tpu.memref_slice %arg4[%add3A_54] : memref<160000xi32, #tpu.memory_space<hbm>> -> memref<104xi32, #tpu.memory_space<hbm>>
      tpu.enqueue_dma source(%dma_start3A_93 : memref<104xi32, #tpu.memory_space<hbm>>) target(%arg10 : memref<104xi32, #tpu.memory_space<vmem>>) target_semaphore(%run_scoped3A : memref<!tpu.dma_semaphore, #tpu.memory_space<semaphore_mem>>)
      %dma_wait3A_94 = tpu.memref_slice %arg4[%add3A_54] : memref<160000xi32, #tpu.memory_space<hbm>> -> memref<104xi32, #tpu.memory_space<hbm>>
      %dma_wait3A_95 = tpu.memref_slice %arg4[%add3A_54] : memref<160000xi32, #tpu.memory_space<hbm>> -> memref<104xi32, #tpu.memory_space<hbm>>
      tpu.wait_dma2 semaphore(%run_scoped3A : memref<!tpu.dma_semaphore, #tpu.memory_space<semaphore_mem>>) src(%dma_wait3A_95 : memref<104xi32, #tpu.memory_space<hbm>>) dst(%arg10 : memref<104xi32, #tpu.memory_space<vmem>>)
      tpu.yield
    }) : () -> ()
    %mul3A_55 = arith.constant 4 : i32
    %mul3A_56 = arith.muli %add3A_54, %mul3A_55 : i32
    "tpu.region"() ({
      %run_scoped3A = tpu.sem_alloc : memref<!tpu.dma_semaphore, #tpu.memory_space<semaphore_mem>>
      %dma_start3A_92 = arith.constant 0 : i32
      %dma_start3A_93 = tpu.memref_slice %arg12[%dma_start3A_92] : memref<432xf32, #tpu.memory_space<vmem>> -> memref<416xf32, #tpu.memory_space<vmem>>
      %dma_start3A_94 = tpu.memref_slice %arg5[%mul3A_56] : memref<640000xf32, #tpu.memory_space<hbm>> -> memref<416xf32, #tpu.memory_space<hbm>>
      %dma_start3A_95 = arith.constant 0 : i32
      %dma_start3A_96 = tpu.memref_slice %arg12[%dma_start3A_95] : memref<432xf32, #tpu.memory_space<vmem>> -> memref<416xf32, #tpu.memory_space<vmem>>
      %dma_start3A_97 = tpu.memref_slice %arg5[%mul3A_56] : memref<640000xf32, #tpu.memory_space<hbm>> -> memref<416xf32, #tpu.memory_space<hbm>>
      tpu.enqueue_dma source(%dma_start3A_97 : memref<416xf32, #tpu.memory_space<hbm>>) target(%dma_start3A_96 : memref<416xf32, #tpu.memory_space<vmem>>) target_semaphore(%run_scoped3A : memref<!tpu.dma_semaphore, #tpu.memory_space<semaphore_mem>>)
      %dma_wait3A_98 = arith.constant 0 : i32
      %dma_wait3A_99 = tpu.memref_slice %arg12[%dma_wait3A_98] : memref<432xf32, #tpu.memory_space<vmem>> -> memref<416xf32, #tpu.memory_space<vmem>>
      %dma_wait3A_100 = tpu.memref_slice %arg5[%mul3A_56] : memref<640000xf32, #tpu.memory_space<hbm>> -> memref<416xf32, #tpu.memory_space<hbm>>
      %dma_wait3A_101 = arith.constant 0 : i32
      %dma_wait3A_102 = tpu.memref_slice %arg12[%dma_wait3A_101] : memref<432xf32, #tpu.memory_space<vmem>> -> memref<416xf32, #tpu.memory_space<vmem>>
      %dma_wait3A_103 = tpu.memref_slice %arg5[%mul3A_56] : memref<640000xf32, #tpu.memory_space<hbm>> -> memref<416xf32, #tpu.memory_space<hbm>>
      tpu.wait_dma2 semaphore(%run_scoped3A : memref<!tpu.dma_semaphore, #tpu.memory_space<semaphore_mem>>) src(%dma_wait3A_103 : memref<416xf32, #tpu.memory_space<hbm>>) dst(%dma_wait3A_102 : memref<416xf32, #tpu.memory_space<vmem>>)
      tpu.yield
    }) : () -> ()
    %dma_start3A_57 = arith.constant 0 : i32
    %dma_start3A_58 = arith.constant 0 : i32
    %dma_start3A_59 = tpu.memref_slice %arg2[%dma_start3A_57, %dma_start3A_58] : memref<10000x128xf32, #tpu.memory_space<hbm>> -> memref<10000x128xf32, #tpu.memory_space<hbm>>
    tpu.enqueue_indirect_dma source(%dma_start3A_59 : memref<10000x128xf32, #tpu.memory_space<hbm>>) target(%arg14 : memref<104x128xf32, #tpu.memory_space<vmem>>) offsets(%arg8 : memref<104xi32, #tpu.memory_space<vmem>>) semaphore(%arg18 : memref<!tpu.dma_semaphore, #tpu.memory_space<semaphore_mem>>)
    %parallel_loop3A = arith.constant 0 : i32
    %parallel_loop3A_60 = arith.constant 104 : i32
    %parallel_loop3A_61 = arith.constant 1 : i32
    scf.for %parallel_loop3A_92 = %parallel_loop3A to %parallel_loop3A_60 step %parallel_loop3A_61  : i32 {
      %parallel_loop3A_93 = arith.constant 4 : i32
      %parallel_loop3A_94 = arith.muli %parallel_loop3A_93, %parallel_loop3A_92 : i32
      %parallel_loop3A_95 = arith.index_cast %parallel_loop3A_94 : i32 to index
      %parallel_loop3A_96 = tpu.vector_load %arg11[%parallel_loop3A_95] {strides = array<i32>} : memref<432xf32, #tpu.memory_space<vmem>>, vector<16xf32>,
      %parallel_loop3A_97 = vector.shape_cast %parallel_loop3A_96 : vector<16xf32> to vector<16xf32>
      %parallel_loop3A_98 = vector.extract_strided_slice %parallel_loop3A_97 {offsets = [0], sizes = [1], strides = [1]} : vector<16xf32> to vector<1xf32>
      %parallel_loop3A_99 = vector.extract %parallel_loop3A_98[0] : f32 from vector<1xf32>
      %parallel_loop3A_100 = vector.extract_strided_slice %parallel_loop3A_97 {offsets = [1], sizes = [1], strides = [1]} : vector<16xf32> to vector<1xf32>
      %parallel_loop3A_101 = vector.extract %parallel_loop3A_100[0] : f32 from vector<1xf32>
      %parallel_loop3A_102 = vector.extract_strided_slice %parallel_loop3A_97 {offsets = [2], sizes = [1], strides = [1]} : vector<16xf32> to vector<1xf32>
      %parallel_loop3A_103 = vector.extract %parallel_loop3A_102[0] : f32 from vector<1xf32>
      %parallel_loop3A_104 = vector.extract_strided_slice %parallel_loop3A_97 {offsets = [3], sizes = [1], strides = [1]} : vector<16xf32> to vector<1xf32>
      %parallel_loop3A_105 = vector.extract %parallel_loop3A_104[0] : f32 from vector<1xf32>
      %parallel_loop3A_106 = arith.index_cast %parallel_loop3A_92 : i32 to index
      %parallel_loop3A_107 = arith.constant 0 : index
      %parallel_loop3A_108 = tpu.vector_load %arg13[%parallel_loop3A_106, %parallel_loop3A_107] {strides = array<i32>} : memref<104x128xf32, #tpu.memory_space<vmem>>, vector<1x16xf32>,
      %parallel_loop3A_109 = vector.shape_cast %parallel_loop3A_108 : vector<1x16xf32> to vector<16xf32>
      %parallel_loop3A_110 = vector.broadcast %parallel_loop3A_99 : f32 to vector<16xf32>
      %parallel_loop3A_111 = arith.mulf %parallel_loop3A_110, %parallel_loop3A_109 : vector<16xf32>
      %parallel_loop3A_112 = arith.index_cast %parallel_loop3A_92 : i32 to index
      %parallel_loop3A_113 = arith.constant 32 : index
      %parallel_loop3A_114 = tpu.vector_load %arg13[%parallel_loop3A_112, %parallel_loop3A_113] {strides = array<i32>} : memref<104x128xf32, #tpu.memory_space<vmem>>, vector<1x16xf32>,
      %parallel_loop3A_115 = vector.shape_cast %parallel_loop3A_114 : vector<1x16xf32> to vector<16xf32>
      %parallel_loop3A_116 = vector.broadcast %parallel_loop3A_101 : f32 to vector<16xf32>
      %parallel_loop3A_117 = arith.mulf %parallel_loop3A_116, %parallel_loop3A_115 : vector<16xf32>
      %parallel_loop3A_118 = arith.addf %parallel_loop3A_111, %parallel_loop3A_117 : vector<16xf32>
      %parallel_loop3A_119 = arith.index_cast %parallel_loop3A_92 : i32 to index
      %parallel_loop3A_120 = arith.constant 64 : index
      %parallel_loop3A_121 = tpu.vector_load %arg13[%parallel_loop3A_119, %parallel_loop3A_120] {strides = array<i32>} : memref<104x128xf32, #tpu.memory_space<vmem>>, vector<1x16xf32>,
      %parallel_loop3A_122 = vector.shape_cast %parallel_loop3A_121 : vector<1x16xf32> to vector<16xf32>
      %parallel_loop3A_123 = vector.broadcast %parallel_loop3A_103 : f32 to vector<16xf32>
      %parallel_loop3A_124 = arith.mulf %parallel_loop3A_123, %parallel_loop3A_122 : vector<16xf32>
      %parallel_loop3A_125 = arith.addf %parallel_loop3A_118, %parallel_loop3A_124 : vector<16xf32>
      %parallel_loop3A_126 = arith.index_cast %parallel_loop3A_92 : i32 to index
      %parallel_loop3A_127 = arith.constant 96 : index
      %parallel_loop3A_128 = tpu.vector_load %arg13[%parallel_loop3A_126, %parallel_loop3A_127] {strides = array<i32>} : memref<104x128xf32, #tpu.memory_space<vmem>>, vector<1x16xf32>,
      %parallel_loop3A_129 = vector.shape_cast %parallel_loop3A_128 : vector<1x16xf32> to vector<16xf32>
      %parallel_loop3A_130 = vector.broadcast %parallel_loop3A_105 : f32 to vector<16xf32>
      %parallel_loop3A_131 = arith.mulf %parallel_loop3A_130, %parallel_loop3A_129 : vector<16xf32>
      %parallel_loop3A_132 = arith.addf %parallel_loop3A_125, %parallel_loop3A_131 : vector<16xf32>
      %parallel_loop3A_133 = arith.constant 0.000000e+00 : f32
      %parallel_loop3A_134 = vector.broadcast %parallel_loop3A_133 : f32 to vector<16xf32>
      %parallel_loop3A_135 = arith.subf %parallel_loop3A_134, %parallel_loop3A_132 : vector<16xf32>
      %parallel_loop3A_136 = math.exp %parallel_loop3A_135 : vector<16xf32>
      %parallel_loop3A_137 = arith.constant 1.000000e+00 : f32
      %parallel_loop3A_138 = vector.broadcast %parallel_loop3A_137 : f32 to vector<16xf32>
      %parallel_loop3A_139 = arith.addf %parallel_loop3A_138, %parallel_loop3A_136 : vector<16xf32>
      %parallel_loop3A_140 = arith.constant 1.000000e+00 : f32
      %parallel_loop3A_141 = vector.broadcast %parallel_loop3A_140 : f32 to vector<16xf32>
      %parallel_loop3A_142 = arith.divf %parallel_loop3A_141, %parallel_loop3A_139 : vector<16xf32>
      %parallel_loop3A_143 = arith.mulf %parallel_loop3A_132, %parallel_loop3A_142 : vector<16xf32>
      %parallel_loop3A_144 = arith.index_cast %parallel_loop3A_92 : i32 to index
      %parallel_loop3A_145 = arith.constant 0 : index
      %parallel_loop3A_146 = tpu.vector_load %arg15[%parallel_loop3A_144, %parallel_loop3A_145] {strides = array<i32>} : memref<104x128xf32, #tpu.memory_space<vmem>>, vector<1x16xf32>,
      %parallel_loop3A_147 = vector.shape_cast %parallel_loop3A_146 : vector<1x16xf32> to vector<16xf32>
      %parallel_loop3A_148 = vector.shape_cast %parallel_loop3A_143 : vector<16xf32> to vector<1x16xf32>
      tpu.vector_store %arg15[%parallel_loop3A_144, %parallel_loop3A_145], %parallel_loop3A_148 {strides = array<i32>} : memref<104x128xf32, #tpu.memory_space<vmem>>, vector<1x16xf32>,
      %parallel_loop3A_149 = arith.index_cast %parallel_loop3A_92 : i32 to index
      %parallel_loop3A_150 = arith.constant 16 : index
      %parallel_loop3A_151 = tpu.vector_load %arg13[%parallel_loop3A_149, %parallel_loop3A_150] {strides = array<i32>} : memref<104x128xf32, #tpu.memory_space<vmem>>, vector<1x16xf32>,
      %parallel_loop3A_152 = vector.shape_cast %parallel_loop3A_151 : vector<1x16xf32> to vector<16xf32>
      %parallel_loop3A_153 = vector.broadcast %parallel_loop3A_99 : f32 to vector<16xf32>
      %parallel_loop3A_154 = arith.mulf %parallel_loop3A_153, %parallel_loop3A_152 : vector<16xf32>
      %parallel_loop3A_155 = arith.index_cast %parallel_loop3A_92 : i32 to index
      %parallel_loop3A_156 = arith.constant 48 : index
      %parallel_loop3A_157 = tpu.vector_load %arg13[%parallel_loop3A_155, %parallel_loop3A_156] {strides = array<i32>} : memref<104x128xf32, #tpu.memory_space<vmem>>, vector<1x16xf32>,
      %parallel_loop3A_158 = vector.shape_cast %parallel_loop3A_157 : vector<1x16xf32> to vector<16xf32>
      %parallel_loop3A_159 = vector.broadcast %parallel_loop3A_101 : f32 to vector<16xf32>
      %parallel_loop3A_160 = arith.mulf %parallel_loop3A_159, %parallel_loop3A_158 : vector<16xf32>
      %parallel_loop3A_161 = arith.addf %parallel_loop3A_154, %parallel_loop3A_160 : vector<16xf32>
      %parallel_loop3A_162 = arith.index_cast %parallel_loop3A_92 : i32 to index
      %parallel_loop3A_163 = arith.constant 80 : index
      %parallel_loop3A_164 = tpu.vector_load %arg13[%parallel_loop3A_162, %parallel_loop3A_163] {strides = array<i32>} : memref<104x128xf32, #tpu.memory_space<vmem>>, vector<1x16xf32>,
      %parallel_loop3A_165 = vector.shape_cast %parallel_loop3A_164 : vector<1x16xf32> to vector<16xf32>
      %parallel_loop3A_166 = vector.broadcast %parallel_loop3A_103 : f32 to vector<16xf32>
      %parallel_loop3A_167 = arith.mulf %parallel_loop3A_166, %parallel_loop3A_165 : vector<16xf32>
      %parallel_loop3A_168 = arith.addf %parallel_loop3A_161, %parallel_loop3A_167 : vector<16xf32>
      %parallel_loop3A_169 = arith.index_cast %parallel_loop3A_92 : i32 to index
      %parallel_loop3A_170 = arith.constant 112 : index
      %parallel_loop3A_171 = tpu.vector_load %arg13[%parallel_loop3A_169, %parallel_loop3A_170] {strides = array<i32>} : memref<104x128xf32, #tpu.memory_space<vmem>>, vector<1x16xf32>,
      %parallel_loop3A_172 = vector.shape_cast %parallel_loop3A_171 : vector<1x16xf32> to vector<16xf32>
      %parallel_loop3A_173 = vector.broadcast %parallel_loop3A_105 : f32 to vector<16xf32>
      %parallel_loop3A_174 = arith.mulf %parallel_loop3A_173, %parallel_loop3A_172 : vector<16xf32>
      %parallel_loop3A_175 = arith.addf %parallel_loop3A_168, %parallel_loop3A_174 : vector<16xf32>
      %parallel_loop3A_176 = arith.constant 0.000000e+00 : f32
      %parallel_loop3A_177 = vector.broadcast %parallel_loop3A_176 : f32 to vector<16xf32>
      %parallel_loop3A_178 = arith.subf %parallel_loop3A_177, %parallel_loop3A_175 : vector<16xf32>
      %parallel_loop3A_179 = math.exp %parallel_loop3A_178 : vector<16xf32>
      %parallel_loop3A_180 = arith.constant 1.000000e+00 : f32
      %parallel_loop3A_181 = vector.broadcast %parallel_loop3A_180 : f32 to vector<16xf32>
      %parallel_loop3A_182 = arith.addf %parallel_loop3A_181, %parallel_loop3A_179 : vector<16xf32>
      %parallel_loop3A_183 = arith.constant 1.000000e+00 : f32
      %parallel_loop3A_184 = vector.broadcast %parallel_loop3A_183 : f32 to vector<16xf32>
      %parallel_loop3A_185 = arith.divf %parallel_loop3A_184, %parallel_loop3A_182 : vector<16xf32>
      %parallel_loop3A_186 = arith.mulf %parallel_loop3A_175, %parallel_loop3A_185 : vector<16xf32>
      %parallel_loop3A_187 = arith.index_cast %parallel_loop3A_92 : i32 to index
      %parallel_loop3A_188 = arith.constant 16 : index
      %parallel_loop3A_189 = tpu.vector_load %arg15[%parallel_loop3A_187, %parallel_loop3A_188] {strides = array<i32>} : memref<104x128xf32, #tpu.memory_space<vmem>>, vector<1x16xf32>,
      %parallel_loop3A_190 = vector.shape_cast %parallel_loop3A_189 : vector<1x16xf32> to vector<16xf32>
      %parallel_loop3A_191 = vector.shape_cast %parallel_loop3A_186 : vector<16xf32> to vector<1x16xf32>
      tpu.vector_store %arg15[%parallel_loop3A_187, %parallel_loop3A_188], %parallel_loop3A_191 {strides = array<i32>} : memref<104x128xf32, #tpu.memory_space<vmem>>, vector<1x16xf32>,
    } {sc.loop_unroll_factor = 6 : i64, sc.parallel_access}
    "tpu.region"() ({
      %run_scoped3A = tpu.sem_alloc : memref<!tpu.dma_semaphore, #tpu.memory_space<semaphore_mem>>
      %dma_start3A_92 = arith.constant 0 : i32
      %dma_start3A_93 = arith.constant 0 : i32
      %dma_start3A_94 = tpu.memref_slice %arg16[%dma_start3A_92, %dma_start3A_93] : memref<10240x128xf32, #tpu.memory_space<vmem_shared>> -> memref<10240x128xf32, #tpu.memory_space<vmem_shared>>
      tpu.enqueue_indirect_dma source(%arg15 : memref<104x128xf32, #tpu.memory_space<vmem>>) target(%dma_start3A_94 : memref<10240x128xf32, #tpu.memory_space<vmem_shared>>) offsets(%arg9 : memref<104xi32, #tpu.memory_space<vmem>>) semaphore(%run_scoped3A : memref<!tpu.dma_semaphore, #tpu.memory_space<semaphore_mem>>) {add = true}
      %dma_wait3A_95 = arith.constant 0 : i32
      %dma_wait3A_96 = arith.constant 0 : i32
      %dma_wait3A_97 = tpu.memref_slice %arg16[%dma_wait3A_95, %dma_wait3A_96] : memref<10240x128xf32, #tpu.memory_space<vmem_shared>> -> memref<10240x128xf32, #tpu.memory_space<vmem_shared>>
      tpu.wait_indirect_dma semaphore(%run_scoped3A : memref<!tpu.dma_semaphore, #tpu.memory_space<semaphore_mem>>) src(%arg15 : memref<104x128xf32, #tpu.memory_space<vmem>>) dst(%dma_wait3A_97 : memref<10240x128xf32, #tpu.memory_space<vmem_shared>>)
      tpu.yield
    }) : () -> ()
    %dma_wait3A_62 = arith.constant 0 : i32
    %dma_wait3A_63 = arith.constant 0 : i32
    %dma_wait3A_64 = tpu.memref_slice %arg2[%dma_wait3A_62, %dma_wait3A_63] : memref<10000x128xf32, #tpu.memory_space<hbm>> -> memref<10000x128xf32, #tpu.memory_space<hbm>>
    tpu.wait_indirect_dma semaphore(%arg18 : memref<!tpu.dma_semaphore, #tpu.memory_space<semaphore_mem>>) src(%dma_wait3A_64 : memref<10000x128xf32, #tpu.memory_space<hbm>>) dst(%arg14 : memref<104x128xf32, #tpu.memory_space<vmem>>)
    %parallel_loop3A_65 = arith.constant 0 : i32
    %parallel_loop3A_66 = arith.constant 104 : i32
    %parallel_loop3A_67 = arith.constant 1 : i32
    scf.for %parallel_loop3A_92 = %parallel_loop3A_65 to %parallel_loop3A_66 step %parallel_loop3A_67  : i32 {
      %parallel_loop3A_93 = arith.constant 4 : i32
      %parallel_loop3A_94 = arith.muli %parallel_loop3A_93, %parallel_loop3A_92 : i32
      %parallel_loop3A_95 = arith.index_cast %parallel_loop3A_94 : i32 to index
      %parallel_loop3A_96 = tpu.vector_load %arg12[%parallel_loop3A_95] {strides = array<i32>} : memref<432xf32, #tpu.memory_space<vmem>>, vector<16xf32>,
      %parallel_loop3A_97 = vector.shape_cast %parallel_loop3A_96 : vector<16xf32> to vector<16xf32>
      %parallel_loop3A_98 = vector.extract_strided_slice %parallel_loop3A_97 {offsets = [0], sizes = [1], strides = [1]} : vector<16xf32> to vector<1xf32>
      %parallel_loop3A_99 = vector.extract %parallel_loop3A_98[0] : f32 from vector<1xf32>
      %parallel_loop3A_100 = vector.extract_strided_slice %parallel_loop3A_97 {offsets = [1], sizes = [1], strides = [1]} : vector<16xf32> to vector<1xf32>
      %parallel_loop3A_101 = vector.extract %parallel_loop3A_100[0] : f32 from vector<1xf32>
      %parallel_loop3A_102 = vector.extract_strided_slice %parallel_loop3A_97 {offsets = [2], sizes = [1], strides = [1]} : vector<16xf32> to vector<1xf32>
      %parallel_loop3A_103 = vector.extract %parallel_loop3A_102[0] : f32 from vector<1xf32>
      %parallel_loop3A_104 = vector.extract_strided_slice %parallel_loop3A_97 {offsets = [3], sizes = [1], strides = [1]} : vector<16xf32> to vector<1xf32>
      %parallel_loop3A_105 = vector.extract %parallel_loop3A_104[0] : f32 from vector<1xf32>
      %parallel_loop3A_106 = arith.index_cast %parallel_loop3A_92 : i32 to index
      %parallel_loop3A_107 = arith.constant 0 : index
      %parallel_loop3A_108 = tpu.vector_load %arg14[%parallel_loop3A_106, %parallel_loop3A_107] {strides = array<i32>} : memref<104x128xf32, #tpu.memory_space<vmem>>, vector<1x16xf32>,
      %parallel_loop3A_109 = vector.shape_cast %parallel_loop3A_108 : vector<1x16xf32> to vector<16xf32>
      %parallel_loop3A_110 = vector.broadcast %parallel_loop3A_99 : f32 to vector<16xf32>
      %parallel_loop3A_111 = arith.mulf %parallel_loop3A_110, %parallel_loop3A_109 : vector<16xf32>
      %parallel_loop3A_112 = arith.index_cast %parallel_loop3A_92 : i32 to index
      %parallel_loop3A_113 = arith.constant 32 : index
      %parallel_loop3A_114 = tpu.vector_load %arg14[%parallel_loop3A_112, %parallel_loop3A_113] {strides = array<i32>} : memref<104x128xf32, #tpu.memory_space<vmem>>, vector<1x16xf32>,
      %parallel_loop3A_115 = vector.shape_cast %parallel_loop3A_114 : vector<1x16xf32> to vector<16xf32>
      %parallel_loop3A_116 = vector.broadcast %parallel_loop3A_101 : f32 to vector<16xf32>
      %parallel_loop3A_117 = arith.mulf %parallel_loop3A_116, %parallel_loop3A_115 : vector<16xf32>
      %parallel_loop3A_118 = arith.addf %parallel_loop3A_111, %parallel_loop3A_117 : vector<16xf32>
      %parallel_loop3A_119 = arith.index_cast %parallel_loop3A_92 : i32 to index
      %parallel_loop3A_120 = arith.constant 64 : index
      %parallel_loop3A_121 = tpu.vector_load %arg14[%parallel_loop3A_119, %parallel_loop3A_120] {strides = array<i32>} : memref<104x128xf32, #tpu.memory_space<vmem>>, vector<1x16xf32>,
      %parallel_loop3A_122 = vector.shape_cast %parallel_loop3A_121 : vector<1x16xf32> to vector<16xf32>
      %parallel_loop3A_123 = vector.broadcast %parallel_loop3A_103 : f32 to vector<16xf32>
      %parallel_loop3A_124 = arith.mulf %parallel_loop3A_123, %parallel_loop3A_122 : vector<16xf32>
      %parallel_loop3A_125 = arith.addf %parallel_loop3A_118, %parallel_loop3A_124 : vector<16xf32>
      %parallel_loop3A_126 = arith.index_cast %parallel_loop3A_92 : i32 to index
      %parallel_loop3A_127 = arith.constant 96 : index
      %parallel_loop3A_128 = tpu.vector_load %arg14[%parallel_loop3A_126, %parallel_loop3A_127] {strides = array<i32>} : memref<104x128xf32, #tpu.memory_space<vmem>>, vector<1x16xf32>,
      %parallel_loop3A_129 = vector.shape_cast %parallel_loop3A_128 : vector<1x16xf32> to vector<16xf32>
      %parallel_loop3A_130 = vector.broadcast %parallel_loop3A_105 : f32 to vector<16xf32>
      %parallel_loop3A_131 = arith.mulf %parallel_loop3A_130, %parallel_loop3A_129 : vector<16xf32>
      %parallel_loop3A_132 = arith.addf %parallel_loop3A_125, %parallel_loop3A_131 : vector<16xf32>
      %parallel_loop3A_133 = arith.constant 0.000000e+00 : f32
      %parallel_loop3A_134 = vector.broadcast %parallel_loop3A_133 : f32 to vector<16xf32>
      %parallel_loop3A_135 = arith.subf %parallel_loop3A_134, %parallel_loop3A_132 : vector<16xf32>
      %parallel_loop3A_136 = math.exp %parallel_loop3A_135 : vector<16xf32>
      %parallel_loop3A_137 = arith.constant 1.000000e+00 : f32
      %parallel_loop3A_138 = vector.broadcast %parallel_loop3A_137 : f32 to vector<16xf32>
      %parallel_loop3A_139 = arith.addf %parallel_loop3A_138, %parallel_loop3A_136 : vector<16xf32>
      %parallel_loop3A_140 = arith.constant 1.000000e+00 : f32
      %parallel_loop3A_141 = vector.broadcast %parallel_loop3A_140 : f32 to vector<16xf32>
      %parallel_loop3A_142 = arith.divf %parallel_loop3A_141, %parallel_loop3A_139 : vector<16xf32>
      %parallel_loop3A_143 = arith.mulf %parallel_loop3A_132, %parallel_loop3A_142 : vector<16xf32>
      %parallel_loop3A_144 = arith.index_cast %parallel_loop3A_92 : i32 to index
      %parallel_loop3A_145 = arith.constant 0 : index
      %parallel_loop3A_146 = tpu.vector_load %arg15[%parallel_loop3A_144, %parallel_loop3A_145] {strides = array<i32>} : memref<104x128xf32, #tpu.memory_space<vmem>>, vector<1x16xf32>,
      %parallel_loop3A_147 = vector.shape_cast %parallel_loop3A_146 : vector<1x16xf32> to vector<16xf32>
      %parallel_loop3A_148 = vector.shape_cast %parallel_loop3A_143 : vector<16xf32> to vector<1x16xf32>
      tpu.vector_store %arg15[%parallel_loop3A_144, %parallel_loop3A_145], %parallel_loop3A_148 {strides = array<i32>} : memref<104x128xf32, #tpu.memory_space<vmem>>, vector<1x16xf32>,
      %parallel_loop3A_149 = arith.index_cast %parallel_loop3A_92 : i32 to index
      %parallel_loop3A_150 = arith.constant 16 : index
      %parallel_loop3A_151 = tpu.vector_load %arg14[%parallel_loop3A_149, %parallel_loop3A_150] {strides = array<i32>} : memref<104x128xf32, #tpu.memory_space<vmem>>, vector<1x16xf32>,
      %parallel_loop3A_152 = vector.shape_cast %parallel_loop3A_151 : vector<1x16xf32> to vector<16xf32>
      %parallel_loop3A_153 = vector.broadcast %parallel_loop3A_99 : f32 to vector<16xf32>
      %parallel_loop3A_154 = arith.mulf %parallel_loop3A_153, %parallel_loop3A_152 : vector<16xf32>
      %parallel_loop3A_155 = arith.index_cast %parallel_loop3A_92 : i32 to index
      %parallel_loop3A_156 = arith.constant 48 : index
      %parallel_loop3A_157 = tpu.vector_load %arg14[%parallel_loop3A_155, %parallel_loop3A_156] {strides = array<i32>} : memref<104x128xf32, #tpu.memory_space<vmem>>, vector<1x16xf32>,
      %parallel_loop3A_158 = vector.shape_cast %parallel_loop3A_157 : vector<1x16xf32> to vector<16xf32>
      %parallel_loop3A_159 = vector.broadcast %parallel_loop3A_101 : f32 to vector<16xf32>
      %parallel_loop3A_160 = arith.mulf %parallel_loop3A_159, %parallel_loop3A_158 : vector<16xf32>
      %parallel_loop3A_161 = arith.addf %parallel_loop3A_154, %parallel_loop3A_160 : vector<16xf32>
      %parallel_loop3A_162 = arith.index_cast %parallel_loop3A_92 : i32 to index
      %parallel_loop3A_163 = arith.constant 80 : index
      %parallel_loop3A_164 = tpu.vector_load %arg14[%parallel_loop3A_162, %parallel_loop3A_163] {strides = array<i32>} : memref<104x128xf32, #tpu.memory_space<vmem>>, vector<1x16xf32>,
      %parallel_loop3A_165 = vector.shape_cast %parallel_loop3A_164 : vector<1x16xf32> to vector<16xf32>
      %parallel_loop3A_166 = vector.broadcast %parallel_loop3A_103 : f32 to vector<16xf32>
      %parallel_loop3A_167 = arith.mulf %parallel_loop3A_166, %parallel_loop3A_165 : vector<16xf32>
      %parallel_loop3A_168 = arith.addf %parallel_loop3A_161, %parallel_loop3A_167 : vector<16xf32>
      %parallel_loop3A_169 = arith.index_cast %parallel_loop3A_92 : i32 to index
      %parallel_loop3A_170 = arith.constant 112 : index
      %parallel_loop3A_171 = tpu.vector_load %arg14[%parallel_loop3A_169, %parallel_loop3A_170] {strides = array<i32>} : memref<104x128xf32, #tpu.memory_space<vmem>>, vector<1x16xf32>,
      %parallel_loop3A_172 = vector.shape_cast %parallel_loop3A_171 : vector<1x16xf32> to vector<16xf32>
      %parallel_loop3A_173 = vector.broadcast %parallel_loop3A_105 : f32 to vector<16xf32>
      %parallel_loop3A_174 = arith.mulf %parallel_loop3A_173, %parallel_loop3A_172 : vector<16xf32>
      %parallel_loop3A_175 = arith.addf %parallel_loop3A_168, %parallel_loop3A_174 : vector<16xf32>
      %parallel_loop3A_176 = arith.constant 0.000000e+00 : f32
      %parallel_loop3A_177 = vector.broadcast %parallel_loop3A_176 : f32 to vector<16xf32>
      %parallel_loop3A_178 = arith.subf %parallel_loop3A_177, %parallel_loop3A_175 : vector<16xf32>
      %parallel_loop3A_179 = math.exp %parallel_loop3A_178 : vector<16xf32>
      %parallel_loop3A_180 = arith.constant 1.000000e+00 : f32
      %parallel_loop3A_181 = vector.broadcast %parallel_loop3A_180 : f32 to vector<16xf32>
      %parallel_loop3A_182 = arith.addf %parallel_loop3A_181, %parallel_loop3A_179 : vector<16xf32>
      %parallel_loop3A_183 = arith.constant 1.000000e+00 : f32
      %parallel_loop3A_184 = vector.broadcast %parallel_loop3A_183 : f32 to vector<16xf32>
      %parallel_loop3A_185 = arith.divf %parallel_loop3A_184, %parallel_loop3A_182 : vector<16xf32>
      %parallel_loop3A_186 = arith.mulf %parallel_loop3A_175, %parallel_loop3A_185 : vector<16xf32>
      %parallel_loop3A_187 = arith.index_cast %parallel_loop3A_92 : i32 to index
      %parallel_loop3A_188 = arith.constant 16 : index
      %parallel_loop3A_189 = tpu.vector_load %arg15[%parallel_loop3A_187, %parallel_loop3A_188] {strides = array<i32>} : memref<104x128xf32, #tpu.memory_space<vmem>>, vector<1x16xf32>,
      %parallel_loop3A_190 = vector.shape_cast %parallel_loop3A_189 : vector<1x16xf32> to vector<16xf32>
      %parallel_loop3A_191 = vector.shape_cast %parallel_loop3A_186 : vector<16xf32> to vector<1x16xf32>
      tpu.vector_store %arg15[%parallel_loop3A_187, %parallel_loop3A_188], %parallel_loop3A_191 {strides = array<i32>} : memref<104x128xf32, #tpu.memory_space<vmem>>, vector<1x16xf32>,
    } {sc.loop_unroll_factor = 6 : i64, sc.parallel_access}
    "tpu.region"() ({
      %run_scoped3A = tpu.sem_alloc : memref<!tpu.dma_semaphore, #tpu.memory_space<semaphore_mem>>
      %dma_start3A_92 = arith.constant 0 : i32
      %dma_start3A_93 = arith.constant 0 : i32
      %dma_start3A_94 = tpu.memref_slice %arg16[%dma_start3A_92, %dma_start3A_93] : memref<10240x128xf32, #tpu.memory_space<vmem_shared>> -> memref<10240x128xf32, #tpu.memory_space<vmem_shared>>
      tpu.enqueue_indirect_dma source(%arg15 : memref<104x128xf32, #tpu.memory_space<vmem>>) target(%dma_start3A_94 : memref<10240x128xf32, #tpu.memory_space<vmem_shared>>) offsets(%arg10 : memref<104xi32, #tpu.memory_space<vmem>>) semaphore(%run_scoped3A : memref<!tpu.dma_semaphore, #tpu.memory_space<semaphore_mem>>) {add = true}
      %dma_wait3A_95 = arith.constant 0 : i32
      %dma_wait3A_96 = arith.constant 0 : i32
      %dma_wait3A_97 = tpu.memref_slice %arg16[%dma_wait3A_95, %dma_wait3A_96] : memref<10240x128xf32, #tpu.memory_space<vmem_shared>> -> memref<10240x128xf32, #tpu.memory_space<vmem_shared>>
      tpu.wait_indirect_dma semaphore(%run_scoped3A : memref<!tpu.dma_semaphore, #tpu.memory_space<semaphore_mem>>) src(%arg15 : memref<104x128xf32, #tpu.memory_space<vmem>>) dst(%dma_wait3A_97 : memref<10240x128xf32, #tpu.memory_space<vmem_shared>>)
      tpu.yield
    }) : () -> ()
    %add3A_68 = arith.constant 4992 : i32
    %add3A_69 = arith.addi %mul3A_2, %add3A_68 : i32
    "tpu.region"() ({
      %run_scoped3A = tpu.sem_alloc : memref<!tpu.dma_semaphore, #tpu.memory_space<semaphore_mem>>
      %dma_start3A_92 = arith.constant 0 : i32
      %dma_start3A_93 = tpu.memref_slice %arg8[%dma_start3A_92] : memref<104xi32, #tpu.memory_space<vmem>> -> memref<8xi32, #tpu.memory_space<vmem>>
      %dma_start3A_94 = tpu.memref_slice %arg3[%add3A_69] : memref<160000xi32, #tpu.memory_space<hbm>> -> memref<8xi32, #tpu.memory_space<hbm>>
      %dma_start3A_95 = arith.constant 0 : i32
      %dma_start3A_96 = tpu.memref_slice %arg8[%dma_start3A_95] : memref<104xi32, #tpu.memory_space<vmem>> -> memref<8xi32, #tpu.memory_space<vmem>>
      %dma_start3A_97 = tpu.memref_slice %arg3[%add3A_69] : memref<160000xi32, #tpu.memory_space<hbm>> -> memref<8xi32, #tpu.memory_space<hbm>>
      tpu.enqueue_dma source(%dma_start3A_97 : memref<8xi32, #tpu.memory_space<hbm>>) target(%dma_start3A_96 : memref<8xi32, #tpu.memory_space<vmem>>) target_semaphore(%run_scoped3A : memref<!tpu.dma_semaphore, #tpu.memory_space<semaphore_mem>>)
      %dma_wait3A_98 = arith.constant 0 : i32
      %dma_wait3A_99 = tpu.memref_slice %arg8[%dma_wait3A_98] : memref<104xi32, #tpu.memory_space<vmem>> -> memref<8xi32, #tpu.memory_space<vmem>>
      %dma_wait3A_100 = tpu.memref_slice %arg3[%add3A_69] : memref<160000xi32, #tpu.memory_space<hbm>> -> memref<8xi32, #tpu.memory_space<hbm>>
      %dma_wait3A_101 = arith.constant 0 : i32
      %dma_wait3A_102 = tpu.memref_slice %arg8[%dma_wait3A_101] : memref<104xi32, #tpu.memory_space<vmem>> -> memref<8xi32, #tpu.memory_space<vmem>>
      %dma_wait3A_103 = tpu.memref_slice %arg3[%add3A_69] : memref<160000xi32, #tpu.memory_space<hbm>> -> memref<8xi32, #tpu.memory_space<hbm>>
      tpu.wait_dma2 semaphore(%run_scoped3A : memref<!tpu.dma_semaphore, #tpu.memory_space<semaphore_mem>>) src(%dma_wait3A_103 : memref<8xi32, #tpu.memory_space<hbm>>) dst(%dma_wait3A_102 : memref<8xi32, #tpu.memory_space<vmem>>)
      tpu.yield
    }) : () -> ()
    "tpu.region"() ({
      %run_scoped3A = tpu.sem_alloc : memref<!tpu.dma_semaphore, #tpu.memory_space<semaphore_mem>>
      %dma_start3A_92 = arith.constant 0 : i32
      %dma_start3A_93 = tpu.memref_slice %arg10[%dma_start3A_92] : memref<104xi32, #tpu.memory_space<vmem>> -> memref<8xi32, #tpu.memory_space<vmem>>
      %dma_start3A_94 = tpu.memref_slice %arg4[%add3A_69] : memref<160000xi32, #tpu.memory_space<hbm>> -> memref<8xi32, #tpu.memory_space<hbm>>
      %dma_start3A_95 = arith.constant 0 : i32
      %dma_start3A_96 = tpu.memref_slice %arg10[%dma_start3A_95] : memref<104xi32, #tpu.memory_space<vmem>> -> memref<8xi32, #tpu.memory_space<vmem>>
      %dma_start3A_97 = tpu.memref_slice %arg4[%add3A_69] : memref<160000xi32, #tpu.memory_space<hbm>> -> memref<8xi32, #tpu.memory_space<hbm>>
      tpu.enqueue_dma source(%dma_start3A_97 : memref<8xi32, #tpu.memory_space<hbm>>) target(%dma_start3A_96 : memref<8xi32, #tpu.memory_space<vmem>>) target_semaphore(%run_scoped3A : memref<!tpu.dma_semaphore, #tpu.memory_space<semaphore_mem>>)
      %dma_wait3A_98 = arith.constant 0 : i32
      %dma_wait3A_99 = tpu.memref_slice %arg10[%dma_wait3A_98] : memref<104xi32, #tpu.memory_space<vmem>> -> memref<8xi32, #tpu.memory_space<vmem>>
      %dma_wait3A_100 = tpu.memref_slice %arg4[%add3A_69] : memref<160000xi32, #tpu.memory_space<hbm>> -> memref<8xi32, #tpu.memory_space<hbm>>
      %dma_wait3A_101 = arith.constant 0 : i32
      %dma_wait3A_102 = tpu.memref_slice %arg10[%dma_wait3A_101] : memref<104xi32, #tpu.memory_space<vmem>> -> memref<8xi32, #tpu.memory_space<vmem>>
      %dma_wait3A_103 = tpu.memref_slice %arg4[%add3A_69] : memref<160000xi32, #tpu.memory_space<hbm>> -> memref<8xi32, #tpu.memory_space<hbm>>
      tpu.wait_dma2 semaphore(%run_scoped3A : memref<!tpu.dma_semaphore, #tpu.memory_space<semaphore_mem>>) src(%dma_wait3A_103 : memref<8xi32, #tpu.memory_space<hbm>>) dst(%dma_wait3A_102 : memref<8xi32, #tpu.memory_space<vmem>>)
      tpu.yield
    }) : () -> ()
    %mul3A_70 = arith.constant 4 : i32
    %mul3A_71 = arith.muli %add3A_69, %mul3A_70 : i32
    "tpu.region"() ({
      %run_scoped3A = tpu.sem_alloc : memref<!tpu.dma_semaphore, #tpu.memory_space<semaphore_mem>>
      %dma_start3A_92 = arith.constant 0 : i32
      %dma_start3A_93 = tpu.memref_slice %arg12[%dma_start3A_92] : memref<432xf32, #tpu.memory_space<vmem>> -> memref<32xf32, #tpu.memory_space<vmem>>
      %dma_start3A_94 = tpu.memref_slice %arg5[%mul3A_71] : memref<640000xf32, #tpu.memory_space<hbm>> -> memref<32xf32, #tpu.memory_space<hbm>>
      %dma_start3A_95 = arith.constant 0 : i32
      %dma_start3A_96 = tpu.memref_slice %arg12[%dma_start3A_95] : memref<432xf32, #tpu.memory_space<vmem>> -> memref<32xf32, #tpu.memory_space<vmem>>
      %dma_start3A_97 = tpu.memref_slice %arg5[%mul3A_71] : memref<640000xf32, #tpu.memory_space<hbm>> -> memref<32xf32, #tpu.memory_space<hbm>>
      tpu.enqueue_dma source(%dma_start3A_97 : memref<32xf32, #tpu.memory_space<hbm>>) target(%dma_start3A_96 : memref<32xf32, #tpu.memory_space<vmem>>) target_semaphore(%run_scoped3A : memref<!tpu.dma_semaphore, #tpu.memory_space<semaphore_mem>>)
      %dma_wait3A_98 = arith.constant 0 : i32
      %dma_wait3A_99 = tpu.memref_slice %arg12[%dma_wait3A_98] : memref<432xf32, #tpu.memory_space<vmem>> -> memref<32xf32, #tpu.memory_space<vmem>>
      %dma_wait3A_100 = tpu.memref_slice %arg5[%mul3A_71] : memref<640000xf32, #tpu.memory_space<hbm>> -> memref<32xf32, #tpu.memory_space<hbm>>
      %dma_wait3A_101 = arith.constant 0 : i32
      %dma_wait3A_102 = tpu.memref_slice %arg12[%dma_wait3A_101] : memref<432xf32, #tpu.memory_space<vmem>> -> memref<32xf32, #tpu.memory_space<vmem>>
      %dma_wait3A_103 = tpu.memref_slice %arg5[%mul3A_71] : memref<640000xf32, #tpu.memory_space<hbm>> -> memref<32xf32, #tpu.memory_space<hbm>>
      tpu.wait_dma2 semaphore(%run_scoped3A : memref<!tpu.dma_semaphore, #tpu.memory_space<semaphore_mem>>) src(%dma_wait3A_103 : memref<32xf32, #tpu.memory_space<hbm>>) dst(%dma_wait3A_102 : memref<32xf32, #tpu.memory_space<vmem>>)
      tpu.yield
    }) : () -> ()
    %dma_start3A_72 = arith.constant 0 : i32
    %dma_start3A_73 = arith.constant 0 : i32
    %dma_start3A_74 = tpu.memref_slice %arg14[%dma_start3A_72, %dma_start3A_73] : memref<104x128xf32, #tpu.memory_space<vmem>> -> memref<8x128xf32, #tpu.memory_space<vmem>>
    %dma_start3A_75 = arith.constant 0 : i32
    %dma_start3A_76 = tpu.memref_slice %arg8[%dma_start3A_75] : memref<104xi32, #tpu.memory_space<vmem>> -> memref<8xi32, #tpu.memory_space<vmem>>
    %dma_start3A_77 = arith.constant 0 : i32
    %dma_start3A_78 = arith.constant 0 : i32
    %dma_start3A_79 = tpu.memref_slice %arg2[%dma_start3A_77, %dma_start3A_78] : memref<10000x128xf32, #tpu.memory_space<hbm>> -> memref<10000x128xf32, #tpu.memory_space<hbm>>
    tpu.enqueue_indirect_dma source(%dma_start3A_79 : memref<10000x128xf32, #tpu.memory_space<hbm>>) target(%dma_start3A_74 : memref<8x128xf32, #tpu.memory_space<vmem>>) offsets(%dma_start3A_76 : memref<8xi32, #tpu.memory_space<vmem>>) semaphore(%arg18 : memref<!tpu.dma_semaphore, #tpu.memory_space<semaphore_mem>>)
    %dma_wait3A_80 = arith.constant 0 : i32
    %dma_wait3A_81 = arith.constant 0 : i32
    %dma_wait3A_82 = tpu.memref_slice %arg14[%dma_wait3A_80, %dma_wait3A_81] : memref<104x128xf32, #tpu.memory_space<vmem>> -> memref<8x128xf32, #tpu.memory_space<vmem>>
    %dma_wait3A_83 = arith.constant 0 : i32
    %dma_wait3A_84 = tpu.memref_slice %arg8[%dma_wait3A_83] : memref<104xi32, #tpu.memory_space<vmem>> -> memref<8xi32, #tpu.memory_space<vmem>>
    %dma_wait3A_85 = arith.constant 0 : i32
    %dma_wait3A_86 = arith.constant 0 : i32
    %dma_wait3A_87 = tpu.memref_slice %arg2[%dma_wait3A_85, %dma_wait3A_86] : memref<10000x128xf32, #tpu.memory_space<hbm>> -> memref<10000x128xf32, #tpu.memory_space<hbm>>
    tpu.wait_indirect_dma semaphore(%arg18 : memref<!tpu.dma_semaphore, #tpu.memory_space<semaphore_mem>>) src(%dma_wait3A_87 : memref<10000x128xf32, #tpu.memory_space<hbm>>) dst(%dma_wait3A_82 : memref<8x128xf32, #tpu.memory_space<vmem>>)
    %parallel_loop3A_88 = arith.constant 0 : i32
    %parallel_loop3A_89 = arith.constant 8 : i32
    %parallel_loop3A_90 = arith.constant 1 : i32
    scf.for %parallel_loop3A_92 = %parallel_loop3A_88 to %parallel_loop3A_89 step %parallel_loop3A_90  : i32 {
      %parallel_loop3A_93 = arith.constant 4 : i32
      %parallel_loop3A_94 = arith.muli %parallel_loop3A_93, %parallel_loop3A_92 : i32
      %parallel_loop3A_95 = arith.index_cast %parallel_loop3A_94 : i32 to index
      %parallel_loop3A_96 = tpu.vector_load %arg12[%parallel_loop3A_95] {strides = array<i32>} : memref<432xf32, #tpu.memory_space<vmem>>, vector<16xf32>,
      %parallel_loop3A_97 = vector.shape_cast %parallel_loop3A_96 : vector<16xf32> to vector<16xf32>
      %parallel_loop3A_98 = vector.extract_strided_slice %parallel_loop3A_97 {offsets = [0], sizes = [1], strides = [1]} : vector<16xf32> to vector<1xf32>
      %parallel_loop3A_99 = vector.extract %parallel_loop3A_98[0] : f32 from vector<1xf32>
      %parallel_loop3A_100 = vector.extract_strided_slice %parallel_loop3A_97 {offsets = [1], sizes = [1], strides = [1]} : vector<16xf32> to vector<1xf32>
      %parallel_loop3A_101 = vector.extract %parallel_loop3A_100[0] : f32 from vector<1xf32>
      %parallel_loop3A_102 = vector.extract_strided_slice %parallel_loop3A_97 {offsets = [2], sizes = [1], strides = [1]} : vector<16xf32> to vector<1xf32>
      %parallel_loop3A_103 = vector.extract %parallel_loop3A_102[0] : f32 from vector<1xf32>
      %parallel_loop3A_104 = vector.extract_strided_slice %parallel_loop3A_97 {offsets = [3], sizes = [1], strides = [1]} : vector<16xf32> to vector<1xf32>
      %parallel_loop3A_105 = vector.extract %parallel_loop3A_104[0] : f32 from vector<1xf32>
      %parallel_loop3A_106 = arith.index_cast %parallel_loop3A_92 : i32 to index
      %parallel_loop3A_107 = arith.constant 0 : index
      %parallel_loop3A_108 = tpu.vector_load %arg14[%parallel_loop3A_106, %parallel_loop3A_107] {strides = array<i32>} : memref<104x128xf32, #tpu.memory_space<vmem>>, vector<1x16xf32>,
      %parallel_loop3A_109 = vector.shape_cast %parallel_loop3A_108 : vector<1x16xf32> to vector<16xf32>
      %parallel_loop3A_110 = vector.broadcast %parallel_loop3A_99 : f32 to vector<16xf32>
      %parallel_loop3A_111 = arith.mulf %parallel_loop3A_110, %parallel_loop3A_109 : vector<16xf32>
      %parallel_loop3A_112 = arith.index_cast %parallel_loop3A_92 : i32 to index
      %parallel_loop3A_113 = arith.constant 32 : index
      %parallel_loop3A_114 = tpu.vector_load %arg14[%parallel_loop3A_112, %parallel_loop3A_113] {strides = array<i32>} : memref<104x128xf32, #tpu.memory_space<vmem>>, vector<1x16xf32>,
      %parallel_loop3A_115 = vector.shape_cast %parallel_loop3A_114 : vector<1x16xf32> to vector<16xf32>
      %parallel_loop3A_116 = vector.broadcast %parallel_loop3A_101 : f32 to vector<16xf32>
      %parallel_loop3A_117 = arith.mulf %parallel_loop3A_116, %parallel_loop3A_115 : vector<16xf32>
      %parallel_loop3A_118 = arith.addf %parallel_loop3A_111, %parallel_loop3A_117 : vector<16xf32>
      %parallel_loop3A_119 = arith.index_cast %parallel_loop3A_92 : i32 to index
      %parallel_loop3A_120 = arith.constant 64 : index
      %parallel_loop3A_121 = tpu.vector_load %arg14[%parallel_loop3A_119, %parallel_loop3A_120] {strides = array<i32>} : memref<104x128xf32, #tpu.memory_space<vmem>>, vector<1x16xf32>,
      %parallel_loop3A_122 = vector.shape_cast %parallel_loop3A_121 : vector<1x16xf32> to vector<16xf32>
      %parallel_loop3A_123 = vector.broadcast %parallel_loop3A_103 : f32 to vector<16xf32>
      %parallel_loop3A_124 = arith.mulf %parallel_loop3A_123, %parallel_loop3A_122 : vector<16xf32>
      %parallel_loop3A_125 = arith.addf %parallel_loop3A_118, %parallel_loop3A_124 : vector<16xf32>
      %parallel_loop3A_126 = arith.index_cast %parallel_loop3A_92 : i32 to index
      %parallel_loop3A_127 = arith.constant 96 : index
      %parallel_loop3A_128 = tpu.vector_load %arg14[%parallel_loop3A_126, %parallel_loop3A_127] {strides = array<i32>} : memref<104x128xf32, #tpu.memory_space<vmem>>, vector<1x16xf32>,
      %parallel_loop3A_129 = vector.shape_cast %parallel_loop3A_128 : vector<1x16xf32> to vector<16xf32>
      %parallel_loop3A_130 = vector.broadcast %parallel_loop3A_105 : f32 to vector<16xf32>
      %parallel_loop3A_131 = arith.mulf %parallel_loop3A_130, %parallel_loop3A_129 : vector<16xf32>
      %parallel_loop3A_132 = arith.addf %parallel_loop3A_125, %parallel_loop3A_131 : vector<16xf32>
      %parallel_loop3A_133 = arith.constant 0.000000e+00 : f32
      %parallel_loop3A_134 = vector.broadcast %parallel_loop3A_133 : f32 to vector<16xf32>
      %parallel_loop3A_135 = arith.subf %parallel_loop3A_134, %parallel_loop3A_132 : vector<16xf32>
      %parallel_loop3A_136 = math.exp %parallel_loop3A_135 : vector<16xf32>
      %parallel_loop3A_137 = arith.constant 1.000000e+00 : f32
      %parallel_loop3A_138 = vector.broadcast %parallel_loop3A_137 : f32 to vector<16xf32>
      %parallel_loop3A_139 = arith.addf %parallel_loop3A_138, %parallel_loop3A_136 : vector<16xf32>
      %parallel_loop3A_140 = arith.constant 1.000000e+00 : f32
      %parallel_loop3A_141 = vector.broadcast %parallel_loop3A_140 : f32 to vector<16xf32>
      %parallel_loop3A_142 = arith.divf %parallel_loop3A_141, %parallel_loop3A_139 : vector<16xf32>
      %parallel_loop3A_143 = arith.mulf %parallel_loop3A_132, %parallel_loop3A_142 : vector<16xf32>
      %parallel_loop3A_144 = arith.index_cast %parallel_loop3A_92 : i32 to index
      %parallel_loop3A_145 = arith.constant 0 : index
      %parallel_loop3A_146 = tpu.vector_load %arg15[%parallel_loop3A_144, %parallel_loop3A_145] {strides = array<i32>} : memref<104x128xf32, #tpu.memory_space<vmem>>, vector<1x16xf32>,
      %parallel_loop3A_147 = vector.shape_cast %parallel_loop3A_146 : vector<1x16xf32> to vector<16xf32>
      %parallel_loop3A_148 = vector.shape_cast %parallel_loop3A_143 : vector<16xf32> to vector<1x16xf32>
      tpu.vector_store %arg15[%parallel_loop3A_144, %parallel_loop3A_145], %parallel_loop3A_148 {strides = array<i32>} : memref<104x128xf32, #tpu.memory_space<vmem>>, vector<1x16xf32>,
      %parallel_loop3A_149 = arith.index_cast %parallel_loop3A_92 : i32 to index
      %parallel_loop3A_150 = arith.constant 16 : index
      %parallel_loop3A_151 = tpu.vector_load %arg14[%parallel_loop3A_149, %parallel_loop3A_150] {strides = array<i32>} : memref<104x128xf32, #tpu.memory_space<vmem>>, vector<1x16xf32>,
      %parallel_loop3A_152 = vector.shape_cast %parallel_loop3A_151 : vector<1x16xf32> to vector<16xf32>
      %parallel_loop3A_153 = vector.broadcast %parallel_loop3A_99 : f32 to vector<16xf32>
      %parallel_loop3A_154 = arith.mulf %parallel_loop3A_153, %parallel_loop3A_152 : vector<16xf32>
      %parallel_loop3A_155 = arith.index_cast %parallel_loop3A_92 : i32 to index
      %parallel_loop3A_156 = arith.constant 48 : index
      %parallel_loop3A_157 = tpu.vector_load %arg14[%parallel_loop3A_155, %parallel_loop3A_156] {strides = array<i32>} : memref<104x128xf32, #tpu.memory_space<vmem>>, vector<1x16xf32>,
      %parallel_loop3A_158 = vector.shape_cast %parallel_loop3A_157 : vector<1x16xf32> to vector<16xf32>
      %parallel_loop3A_159 = vector.broadcast %parallel_loop3A_101 : f32 to vector<16xf32>
      %parallel_loop3A_160 = arith.mulf %parallel_loop3A_159, %parallel_loop3A_158 : vector<16xf32>
      %parallel_loop3A_161 = arith.addf %parallel_loop3A_154, %parallel_loop3A_160 : vector<16xf32>
      %parallel_loop3A_162 = arith.index_cast %parallel_loop3A_92 : i32 to index
      %parallel_loop3A_163 = arith.constant 80 : index
      %parallel_loop3A_164 = tpu.vector_load %arg14[%parallel_loop3A_162, %parallel_loop3A_163] {strides = array<i32>} : memref<104x128xf32, #tpu.memory_space<vmem>>, vector<1x16xf32>,
      %parallel_loop3A_165 = vector.shape_cast %parallel_loop3A_164 : vector<1x16xf32> to vector<16xf32>
      %parallel_loop3A_166 = vector.broadcast %parallel_loop3A_103 : f32 to vector<16xf32>
      %parallel_loop3A_167 = arith.mulf %parallel_loop3A_166, %parallel_loop3A_165 : vector<16xf32>
      %parallel_loop3A_168 = arith.addf %parallel_loop3A_161, %parallel_loop3A_167 : vector<16xf32>
      %parallel_loop3A_169 = arith.index_cast %parallel_loop3A_92 : i32 to index
      %parallel_loop3A_170 = arith.constant 112 : index
      %parallel_loop3A_171 = tpu.vector_load %arg14[%parallel_loop3A_169, %parallel_loop3A_170] {strides = array<i32>} : memref<104x128xf32, #tpu.memory_space<vmem>>, vector<1x16xf32>,
      %parallel_loop3A_172 = vector.shape_cast %parallel_loop3A_171 : vector<1x16xf32> to vector<16xf32>
      %parallel_loop3A_173 = vector.broadcast %parallel_loop3A_105 : f32 to vector<16xf32>
      %parallel_loop3A_174 = arith.mulf %parallel_loop3A_173, %parallel_loop3A_172 : vector<16xf32>
      %parallel_loop3A_175 = arith.addf %parallel_loop3A_168, %parallel_loop3A_174 : vector<16xf32>
      %parallel_loop3A_176 = arith.constant 0.000000e+00 : f32
      %parallel_loop3A_177 = vector.broadcast %parallel_loop3A_176 : f32 to vector<16xf32>
      %parallel_loop3A_178 = arith.subf %parallel_loop3A_177, %parallel_loop3A_175 : vector<16xf32>
      %parallel_loop3A_179 = math.exp %parallel_loop3A_178 : vector<16xf32>
      %parallel_loop3A_180 = arith.constant 1.000000e+00 : f32
      %parallel_loop3A_181 = vector.broadcast %parallel_loop3A_180 : f32 to vector<16xf32>
      %parallel_loop3A_182 = arith.addf %parallel_loop3A_181, %parallel_loop3A_179 : vector<16xf32>
      %parallel_loop3A_183 = arith.constant 1.000000e+00 : f32
      %parallel_loop3A_184 = vector.broadcast %parallel_loop3A_183 : f32 to vector<16xf32>
      %parallel_loop3A_185 = arith.divf %parallel_loop3A_184, %parallel_loop3A_182 : vector<16xf32>
      %parallel_loop3A_186 = arith.mulf %parallel_loop3A_175, %parallel_loop3A_185 : vector<16xf32>
      %parallel_loop3A_187 = arith.index_cast %parallel_loop3A_92 : i32 to index
      %parallel_loop3A_188 = arith.constant 16 : index
      %parallel_loop3A_189 = tpu.vector_load %arg15[%parallel_loop3A_187, %parallel_loop3A_188] {strides = array<i32>} : memref<104x128xf32, #tpu.memory_space<vmem>>, vector<1x16xf32>,
      %parallel_loop3A_190 = vector.shape_cast %parallel_loop3A_189 : vector<1x16xf32> to vector<16xf32>
      %parallel_loop3A_191 = vector.shape_cast %parallel_loop3A_186 : vector<16xf32> to vector<1x16xf32>
      tpu.vector_store %arg15[%parallel_loop3A_187, %parallel_loop3A_188], %parallel_loop3A_191 {strides = array<i32>} : memref<104x128xf32, #tpu.memory_space<vmem>>, vector<1x16xf32>,
    } {sc.loop_unroll_factor = 4 : i64, sc.parallel_access}
    "tpu.region"() ({
      %run_scoped3A = tpu.sem_alloc : memref<!tpu.dma_semaphore, #tpu.memory_space<semaphore_mem>>
      %dma_start3A_92 = arith.constant 0 : i32
      %dma_start3A_93 = arith.constant 0 : i32
      %dma_start3A_94 = tpu.memref_slice %arg15[%dma_start3A_92, %dma_start3A_93] : memref<104x128xf32, #tpu.memory_space<vmem>> -> memref<8x128xf32, #tpu.memory_space<vmem>>
      %dma_start3A_95 = arith.constant 0 : i32
      %dma_start3A_96 = tpu.memref_slice %arg10[%dma_start3A_95] : memref<104xi32, #tpu.memory_space<vmem>> -> memref<8xi32, #tpu.memory_space<vmem>>
      %dma_start3A_97 = arith.constant 0 : i32
      %dma_start3A_98 = arith.constant 0 : i32
      %dma_start3A_99 = tpu.memref_slice %arg16[%dma_start3A_97, %dma_start3A_98] : memref<10240x128xf32, #tpu.memory_space<vmem_shared>> -> memref<10240x128xf32, #tpu.memory_space<vmem_shared>>
      tpu.enqueue_indirect_dma source(%dma_start3A_94 : memref<8x128xf32, #tpu.memory_space<vmem>>) target(%dma_start3A_99 : memref<10240x128xf32, #tpu.memory_space<vmem_shared>>) offsets(%dma_start3A_96 : memref<8xi32, #tpu.memory_space<vmem>>) semaphore(%run_scoped3A : memref<!tpu.dma_semaphore, #tpu.memory_space<semaphore_mem>>) {add = true}
      %dma_wait3A_100 = arith.constant 0 : i32
      %dma_wait3A_101 = arith.constant 0 : i32
      %dma_wait3A_102 = tpu.memref_slice %arg15[%dma_wait3A_100, %dma_wait3A_101] : memref<104x128xf32, #tpu.memory_space<vmem>> -> memref<8x128xf32, #tpu.memory_space<vmem>>
      %dma_wait3A_103 = arith.constant 0 : i32
      %dma_wait3A_104 = tpu.memref_slice %arg10[%dma_wait3A_103] : memref<104xi32, #tpu.memory_space<vmem>> -> memref<8xi32, #tpu.memory_space<vmem>>
      %dma_wait3A_105 = arith.constant 0 : i32
      %dma_wait3A_106 = arith.constant 0 : i32
      %dma_wait3A_107 = tpu.memref_slice %arg16[%dma_wait3A_105, %dma_wait3A_106] : memref<10240x128xf32, #tpu.memory_space<vmem_shared>> -> memref<10240x128xf32, #tpu.memory_space<vmem_shared>>
      tpu.wait_indirect_dma semaphore(%run_scoped3A : memref<!tpu.dma_semaphore, #tpu.memory_space<semaphore_mem>>) src(%dma_wait3A_102 : memref<8x128xf32, #tpu.memory_space<vmem>>) dst(%dma_wait3A_107 : memref<10240x128xf32, #tpu.memory_space<vmem_shared>>)
      tpu.yield
    }) : () -> ()
    %barrier3A_91 = arith.constant 0 : index
    tpu.barrier barrier_id(%barrier3A_91)
    "tpu.region"() ({
      %run_scoped3A = tpu.sem_alloc : memref<!tpu.dma_semaphore, #tpu.memory_space<semaphore_mem>>
      %dma_start3A_92 = arith.constant 0 : i32
      %dma_start3A_93 = tpu.memref_slice %arg6[%arg0, %mul3A_4, %dma_start3A_92] : memref<2x10240x128xf32, #tpu.memory_space<hbm>> -> memref<1x640x128xf32, #tpu.memory_space<hbm>>
      %dma_start3A_94 = tpu.memref_squeeze %dma_start3A_93 : memref<1x640x128xf32, #tpu.memory_space<hbm>> -> memref<640x128xf32, #tpu.memory_space<hbm>>
      %dma_start3A_95 = arith.constant 0 : i32
      %dma_start3A_96 = tpu.memref_slice %arg16[%mul3A_4, %dma_start3A_95] : memref<10240x128xf32, #tpu.memory_space<vmem_shared>> -> memref<640x128xf32, #tpu.memory_space<vmem_shared>>
      tpu.enqueue_dma source(%dma_start3A_96 : memref<640x128xf32, #tpu.memory_space<vmem_shared>>) target(%dma_start3A_94 : memref<640x128xf32, #tpu.memory_space<hbm>>) target_semaphore(%run_scoped3A : memref<!tpu.dma_semaphore, #tpu.memory_space<semaphore_mem>>)
      %dma_wait3A_97 = arith.constant 0 : i32
      %dma_wait3A_98 = tpu.memref_slice %arg6[%arg0, %mul3A_4, %dma_wait3A_97] : memref<2x10240x128xf32, #tpu.memory_space<hbm>> -> memref<1x640x128xf32, #tpu.memory_space<hbm>>
      %dma_wait3A_99 = tpu.memref_squeeze %dma_wait3A_98 : memref<1x640x128xf32, #tpu.memory_space<hbm>> -> memref<640x128xf32, #tpu.memory_space<hbm>>
      %dma_wait3A_100 = arith.constant 0 : i32
      %dma_wait3A_101 = tpu.memref_slice %arg16[%mul3A_4, %dma_wait3A_100] : memref<10240x128xf32, #tpu.memory_space<vmem_shared>> -> memref<640x128xf32, #tpu.memory_space<vmem_shared>>
      tpu.wait_dma2 semaphore(%run_scoped3A : memref<!tpu.dma_semaphore, #tpu.memory_space<semaphore_mem>>) src(%dma_wait3A_101 : memref<640x128xf32, #tpu.memory_space<vmem_shared>>) dst(%dma_wait3A_99 : memref<640x128xf32, #tpu.memory_space<hbm>>)
      tpu.yield
    }) : () -> ()
    return
  }
}

module attributes {stable_mosaic.version = 14 : i64} {
  func.func @_prep_body(%arg0: i32, %arg1: memref<2000x128xf32, #tpu.memory_space<vmem>>, %arg2: memref<128x128xf32, #tpu.memory_space<vmem>>, %arg3: memref<2000x128xf32, #tpu.memory_space<vmem>>) attributes {dimension_semantics = [#tpu.dimension_semantics<arbitrary>], iteration_bounds = array<i64: 5>, scalar_prefetch = 0 : i64, scratch_operands = 0 : i64, tpu.core_type = #tpu.core_type<tc>, window_params = [{transform_indices = @transform_0, window_bounds = array<i64: 2000, 128>}, {pipeline_mode = #tpu.pipeline_mode<synchronous>, transform_indices = @transform_1, window_bounds = array<i64: 128, 128>}, {transform_indices = @transform_2, window_bounds = array<i64: 2000, 128>}]} {
    %get3A = arith.constant 0 : index
    %get3A_0 = arith.constant 0 : index
    %get3A_1 = vector.load %arg1[%get3A, %get3A_0] : memref<2000x128xf32, #tpu.memory_space<vmem>>, vector<2000x128xf32>
    %get3A_2 = arith.constant 0 : index
    %get3A_3 = arith.constant 0 : index
    %get3A_4 = vector.load %arg2[%get3A_2, %get3A_3] : memref<128x128xf32, #tpu.memory_space<vmem>>, vector<128x128xf32>
    %dot_general3A = arith.constant dense<0.000000e+00> : vector<2000x128xf32>
    %dot_general3A_5 = tpu.matmul %get3A_1, %get3A_4, %dot_general3A {dimension_numbers = #tpu.dot_dimension_numbers<[1], [0], [0], [1], [0, 0, 1, 1], [], []>, transpose_lhs_hint = false} : vector<2000x128xf32>, vector<128x128xf32>, vector<2000x128xf32> -> vector<2000x128xf32>
    %swap3A = arith.constant 0 : index
    %swap3A_6 = arith.constant 0 : index
    %swap3A_7 = vector.load %arg3[%swap3A, %swap3A_6] : memref<2000x128xf32, #tpu.memory_space<vmem>>, vector<2000x128xf32>
    tpu.vector_store %arg3[%swap3A, %swap3A_6], %dot_general3A_5 {strides = array<i32>} : memref<2000x128xf32, #tpu.memory_space<vmem>>, vector<2000x128xf32>,
    return
  }
  func.func @transform_0(%arg0: i32) -> (i32, i32) {
    %c0_i32 = arith.constant 0 : i32
    %c0_i32_0 = arith.constant 0 : i32
    return %arg0, %c0_i32 : i32, i32
  }
  func.func @transform_1(%arg0: i32) -> (i32, i32) {
    %c0_i32 = arith.constant 0 : i32
    %c0_i32_0 = arith.constant 0 : i32
    %c0_i32_1 = arith.constant 0 : i32
    return %c0_i32, %c0_i32_0 : i32, i32
  }
  func.func @transform_2(%arg0: i32) -> (i32, i32) {
    %c0_i32 = arith.constant 0 : i32
    %c0_i32_0 = arith.constant 0 : i32
    return %arg0, %c0_i32 : i32, i32
  }
}

module attributes {stable_mosaic.version = 14 : i64} {
  func.func @_update_body(%arg0: i32, %arg1: memref<1000x128xf32, #tpu.memory_space<vmem>>, %arg2: memref<1000x128xf32, #tpu.memory_space<vmem>>, %arg3: memref<1000x128xf32, #tpu.memory_space<vmem>>, %arg4: memref<32x32xf32, #tpu.memory_space<vmem>>, %arg5: memref<128x1024xf32, #tpu.memory_space<vmem>>, %arg6: memref<1024x32xf32, #tpu.memory_space<vmem>>, %arg7: memref<32x128xf32, #tpu.memory_space<vmem>>, %arg8: memref<1000x128xf32, #tpu.memory_space<vmem>>) attributes {dimension_semantics = [#tpu.dimension_semantics<arbitrary>], iteration_bounds = array<i64: 10>, scalar_prefetch = 0 : i64, scratch_operands = 0 : i64, tpu.core_type = #tpu.core_type<tc>, window_params = [{transform_indices = @transform_0, window_bounds = array<i64: 1000, 128>}, {transform_indices = @transform_1, window_bounds = array<i64: 1000, 128>}, {transform_indices = @transform_2, window_bounds = array<i64: 1000, 128>}, {pipeline_mode = #tpu.pipeline_mode<synchronous>, transform_indices = @transform_3, window_bounds = array<i64: 32, 32>}, {pipeline_mode = #tpu.pipeline_mode<synchronous>, transform_indices = @transform_4, window_bounds = array<i64: 128, 1024>}, {pipeline_mode = #tpu.pipeline_mode<synchronous>, transform_indices = @transform_5, window_bounds = array<i64: 1024, 32>}, {pipeline_mode = #tpu.pipeline_mode<synchronous>, transform_indices = @transform_6, window_bounds = array<i64: 32, 128>}, {transform_indices = @transform_7, window_bounds = array<i64: 1000, 128>}]} {
    %get3A = arith.constant 0 : index
    %get3A_0 = arith.constant 0 : index
    %get3A_1 = vector.load %arg1[%get3A, %get3A_0] : memref<1000x128xf32, #tpu.memory_space<vmem>>, vector<1000x128xf32>
    %get3A_2 = arith.constant 0 : index
    %get3A_3 = arith.constant 0 : index
    %get3A_4 = vector.load %arg2[%get3A_2, %get3A_3] : memref<1000x128xf32, #tpu.memory_space<vmem>>, vector<1000x32xf32>
    %get3A_5 = arith.constant 0 : index
    %get3A_6 = arith.constant 0 : index
    %get3A_7 = vector.load %arg3[%get3A_5, %get3A_6] : memref<1000x128xf32, #tpu.memory_space<vmem>>, vector<1000x32xf32>
    %add3A = arith.addf %get3A_4, %get3A_7 : vector<1000x32xf32>
    %get3A_8 = arith.constant 0 : index
    %get3A_9 = arith.constant 0 : index
    %get3A_10 = vector.load %arg4[%get3A_8, %get3A_9] : memref<32x32xf32, #tpu.memory_space<vmem>>, vector<32x32xf32>
    %dot_general3A = arith.constant dense<0.000000e+00> : vector<1000x32xf32>
    %dot_general3A_11 = tpu.matmul %add3A, %get3A_10, %dot_general3A {dimension_numbers = #tpu.dot_dimension_numbers<[1], [0], [0], [1], [0, 0, 1, 1], [], []>, transpose_lhs_hint = false} : vector<1000x32xf32>, vector<32x32xf32>, vector<1000x32xf32> -> vector<1000x32xf32>
    %get3A_12 = arith.constant 0 : index
    %get3A_13 = arith.constant 0 : index
    %get3A_14 = vector.load %arg5[%get3A_12, %get3A_13] : memref<128x1024xf32, #tpu.memory_space<vmem>>, vector<128x1024xf32>
    %dot_general3A_15 = arith.constant dense<0.000000e+00> : vector<1000x1024xf32>
    %dot_general3A_16 = tpu.matmul %get3A_1, %get3A_14, %dot_general3A_15 {dimension_numbers = #tpu.dot_dimension_numbers<[1], [0], [0], [1], [0, 0, 1, 1], [], []>, transpose_lhs_hint = false} : vector<1000x128xf32>, vector<128x1024xf32>, vector<1000x1024xf32> -> vector<1000x1024xf32>
    %tile3A = tpu.concatenate %dot_general3A_11, %dot_general3A_11, %dot_general3A_11, %dot_general3A_11, %dot_general3A_11, %dot_general3A_11, %dot_general3A_11, %dot_general3A_11, %dot_general3A_11, %dot_general3A_11, %dot_general3A_11, %dot_general3A_11, %dot_general3A_11, %dot_general3A_11, %dot_general3A_11, %dot_general3A_11, %dot_general3A_11, %dot_general3A_11, %dot_general3A_11, %dot_general3A_11, %dot_general3A_11, %dot_general3A_11, %dot_general3A_11, %dot_general3A_11, %dot_general3A_11, %dot_general3A_11, %dot_general3A_11, %dot_general3A_11, %dot_general3A_11, %dot_general3A_11, %dot_general3A_11, %dot_general3A_11 in 1 : vector<1000x32xf32>, vector<1000x32xf32>, vector<1000x32xf32>, vector<1000x32xf32>, vector<1000x32xf32>, vector<1000x32xf32>, vector<1000x32xf32>, vector<1000x32xf32>, vector<1000x32xf32>, vector<1000x32xf32>, vector<1000x32xf32>, vector<1000x32xf32>, vector<1000x32xf32>, vector<1000x32xf32>, vector<1000x32xf32>, vector<1000x32xf32>, vector<1000x32xf32>, vector<1000x32xf32>, vector<1000x32xf32>, vector<1000x32xf32>, vector<1000x32xf32>, vector<1000x32xf32>, vector<1000x32xf32>, vector<1000x32xf32>, vector<1000x32xf32>, vector<1000x32xf32>, vector<1000x32xf32>, vector<1000x32xf32>, vector<1000x32xf32>, vector<1000x32xf32>, vector<1000x32xf32>, vector<1000x32xf32> -> vector<1000x1024xf32>
    %mul3A = arith.mulf %dot_general3A_16, %tile3A : vector<1000x1024xf32>
    %get3A_17 = arith.constant 0 : index
    %get3A_18 = arith.constant 0 : index
    %get3A_19 = vector.load %arg6[%get3A_17, %get3A_18] : memref<1024x32xf32, #tpu.memory_space<vmem>>, vector<1024x32xf32>
    %dot_general3A_20 = arith.constant dense<0.000000e+00> : vector<1000x32xf32>
    %dot_general3A_21 = tpu.matmul %mul3A, %get3A_19, %dot_general3A_20 {dimension_numbers = #tpu.dot_dimension_numbers<[1], [0], [0], [1], [0, 0, 1, 1], [], []>, transpose_lhs_hint = false} : vector<1000x1024xf32>, vector<1024x32xf32>, vector<1000x32xf32> -> vector<1000x32xf32>
    %logistic3A = arith.negf %dot_general3A_21 : vector<1000x32xf32>
    %logistic3A_22 = math.exp %logistic3A : vector<1000x32xf32>
    %logistic3A_23 = arith.constant 1.000000e+00 : f32
    %logistic3A_24 = vector.broadcast %logistic3A_23 : f32 to vector<1000x32xf32>
    %logistic3A_25 = arith.addf %logistic3A_24, %logistic3A_22 : vector<1000x32xf32>
    %logistic3A_26 = arith.divf %logistic3A_24, %logistic3A_25 : vector<1000x32xf32>
    %mul3A_27 = arith.mulf %dot_general3A_21, %logistic3A_26 : vector<1000x32xf32>
    %get3A_28 = arith.constant 0 : index
    %get3A_29 = arith.constant 0 : index
    %get3A_30 = vector.load %arg7[%get3A_28, %get3A_29] : memref<32x128xf32, #tpu.memory_space<vmem>>, vector<32x128xf32>
    %dot_general3A_31 = arith.constant dense<0.000000e+00> : vector<1000x128xf32>
    %dot_general3A_32 = tpu.matmul %mul3A_27, %get3A_30, %dot_general3A_31 {dimension_numbers = #tpu.dot_dimension_numbers<[1], [0], [0], [1], [0, 0, 1, 1], [], []>, transpose_lhs_hint = false} : vector<1000x32xf32>, vector<32x128xf32>, vector<1000x128xf32> -> vector<1000x128xf32>
    %add3A_33 = arith.addf %get3A_1, %dot_general3A_32 : vector<1000x128xf32>
    %swap3A = arith.constant 0 : index
    %swap3A_34 = arith.constant 0 : index
    %swap3A_35 = vector.load %arg8[%swap3A, %swap3A_34] : memref<1000x128xf32, #tpu.memory_space<vmem>>, vector<1000x128xf32>
    tpu.vector_store %arg8[%swap3A, %swap3A_34], %add3A_33 {strides = array<i32>} : memref<1000x128xf32, #tpu.memory_space<vmem>>, vector<1000x128xf32>,
    return
  }
  func.func @transform_0(%arg0: i32) -> (i32, i32) {
    %c0_i32 = arith.constant 0 : i32
    %c0_i32_0 = arith.constant 0 : i32
    return %arg0, %c0_i32 : i32, i32
  }
  func.func @transform_1(%arg0: i32) -> (i32, i32) {
    %c0_i32 = arith.constant 0 : i32
    %c0_i32_0 = arith.constant 0 : i32
    return %arg0, %c0_i32 : i32, i32
  }
  func.func @transform_2(%arg0: i32) -> (i32, i32) {
    %c0_i32 = arith.constant 0 : i32
    %c0_i32_0 = arith.constant 0 : i32
    return %arg0, %c0_i32 : i32, i32
  }
  func.func @transform_3(%arg0: i32) -> (i32, i32) {
    %c0_i32 = arith.constant 0 : i32
    %c0_i32_0 = arith.constant 0 : i32
    %c0_i32_1 = arith.constant 0 : i32
    return %c0_i32, %c0_i32_0 : i32, i32
  }
  func.func @transform_4(%arg0: i32) -> (i32, i32) {
    %c0_i32 = arith.constant 0 : i32
    %c0_i32_0 = arith.constant 0 : i32
    %c0_i32_1 = arith.constant 0 : i32
    return %c0_i32, %c0_i32_0 : i32, i32
  }
  func.func @transform_5(%arg0: i32) -> (i32, i32) {
    %c0_i32 = arith.constant 0 : i32
    %c0_i32_0 = arith.constant 0 : i32
    %c0_i32_1 = arith.constant 0 : i32
    return %c0_i32, %c0_i32_0 : i32, i32
  }
  func.func @transform_6(%arg0: i32) -> (i32, i32) {
    %c0_i32 = arith.constant 0 : i32
    %c0_i32_0 = arith.constant 0 : i32
    %c0_i32_1 = arith.constant 0 : i32
    return %c0_i32, %c0_i32_0 : i32, i32
  }
  func.func @transform_7(%arg0: i32) -> (i32, i32) {
    %c0_i32 = arith.constant 0 : i32
    %c0_i32_0 = arith.constant 0 : i32
    return %arg0, %c0_i32 : i32, i32
  }
}

</mosaic_0001>

<sc_bundles>
// kernel: kernel.5.cloned.1.call-start
scs
__scs_entry_jumppad:
0x0: {  	(pc) =	sbr.rel $0x88, $3  }
0x1: {  	(tag) =	ssettag $0x0;
	lr =	simm.s32 $0x1  }
0x2: {  	[smem:$0x3F9A] =	sst lr;
	_ =	strace $0xD0000000  }
0x3: {  	_ = 	snop  }
0x4: {  	_ = 	snop  }
0x5: {  	_ = 	snop  }
0x6: {  	_ = 	snop  }
0x7: {  	_ = 	snop  }
__scs_overlays_trampoline_lowered:
0x8: {  	[smem:$0x3FA9] =	sst s0  }
0x9: {  	[smem:$0x3FAA] =	sst s1  }
0xa: {  	[smem:$0x3FAB] =	sst s2  }
0xb: {  	[smem:$0x3FAC] =	sst s3  }
0xc: {  	[smem:$0x3FAD] =	sst s4  }
0xd: {  	[smem:$0x3FAE] =	sst s5  }
0xe: {  	[smem:$0x3FAF] =	sst s6  }
0xf: {  	[smem:$0x3FB0] =	sst s7  }
0x10: {  	[smem:$0x3FB1] =	sst s8  }
0x11: {  	[smem:$0x3FB2] =	sst s9;
	s0 =	simm.s32 @!p0 $0x0  }
0x12: {  	s1 =	sld [smem:$0x3F98];
	s0 =	simm.s32 @p0 $0x1  }
0x13: {  	[smem:$0x3FB3] =	sst s0;
	s0 =	simm.s32 @!p1 $0x0  }
0x14: {  	s2 =	sld [smem:$0x3F97];
	s0 =	simm.s32 @p1 $0x1  }
0x15: {  	[smem:$0x3FB4] =	sst s0;
	s0 =	simm.s32 @!p2 $0x0  }
0x16: {  	s3 =	sld [smem:$0x3FDB];
	s0 =	simm.s32 @p2 $0x1  }
0x17: {  	s4 =	simm.s32 $0x1BF5;
	[smem:$0x3FB6] =	sst s0  }
0x18: {  	s0 =	sld [smem:$0x3F99];
	_ =	swait.ge [sflag:s4], $0x0  }
0x19: {  	s7 =	sld [smem:$0x3F9A]  }
0x1a: {  	s8 =	sadd.s32 $0xFFFFE003, lr  }
0x1b: {  	s9 =	sadd.s32 $0xFFFFFEF7, lr;
	s5 =	simm.s32 $0xFFFFFFFF;
	p2 =	slt.u32 s8, $0xFFFFF086  }
0x1c: {  	p1 =	slt.u32 s9, $0xF7A;
	s5 =	simm.s32 @!p2 $0x0  }
0x1d: {  	s5 =	simm.s32 @p1 $0x1;
	p0 =	seq.s32 s7, s2  }
0x1e: {  	s7 =	smul.u32 @!p0 $0xF7A, s2;
	p2 =	seq.s32 @!p0 s5, $0x0  }
0x1f: {  	s9 =	smul.u32 $0xF7A, s1;
	s8 =	simm.s32 @!p0 $0x1BF5;
	p2 =	por !p2, p0  }
0x20: {  	[sflag:s8] =	ssyncset.s32 @!p0 $0xFFFFF086;
	s6 =	sadd.s32 @!p0 s3, s7;
	s7 =	simm.s32 @!p0 $0x108  }
0x21: {  	s3 =	sadd.s32 s3, s9;
	s6 =	sadd.s32 @!p0 $0x88, s6;
	s7 =	simm.s32 @p2 $0x1082  }
0x22: {  	[simem:s7], [sflag:s8] =	dma.local @!p0 [hbm:s6], $0xF7A  }
0x23: {  	s9 =	sor.u32 $0xD0000000, s2;
	s6 =	simm.s32 $0x108;
	_ =	swait.ge @!p0 [sflag:s8], $0x0  }
0x24: {  	s3 =	sadd.s32 $0x88, s3;
	s6 =	simm.s32 @!p1 $0x1082;
	[sflag:s4] =	ssyncset.s32 $0xFFFFF086  }
0x25: {  	[simem:s6], [sflag:s4] =	dma.local [hbm:s3], $0xF7A  }
0x26: {  	[smem:$0x3F9A] =	sst s1;
	(tag) =	ssettag s2;
	_ =	strace s9  }
0x27: {  	s1 =	sld [smem:$0x3FAA]  }
0x28: {  	s2 =	sld [smem:$0x3FAB]  }
0x29: {  	s4 =	sld [smem:$0x3FAD]  }
0x2a: {  	p0 =	seq.s32 s5, $0x0;
	s5 =	sld [smem:$0x3FAE]  }
0x2b: {  	s6 =	sld [smem:$0x3FAF]  }
0x2c: {  	s7 =	sld [smem:$0x3FB0]  }
0x2d: {  	s3 =	simm.s32 $0x108;
	s8 =	sld [smem:$0x3FB1]  }
0x2e: {  	s3 =	simm.s32 @!p0 $0x1082;
	s9 =	sld [smem:$0x3FB2]  }
0x2f: {  	lr =	sadd.s32 s0, s3;
	s0 =	sld [smem:$0x3FA9]  }
0x30: {  	s3 =	sld [smem:$0x3FAC]  }
0x31: {  	[smem:$0x3FB5] =	sst s10  }
0x32: {  	s10 =	sld [smem:$0x3FB3];
	_ =	sdelay $0x3  }
0x33: {  	p0 =	seq.s32 s10, $0x1;
	s10 =	sld [smem:$0x3FB5];
	_ =	sdelay $0x3  }
0x34: {  	[smem:$0x3FB5] =	sst s10  }
0x35: {  	s10 =	sld [smem:$0x3FB4];
	_ =	sdelay $0x3  }
0x36: {  	p1 =	seq.s32 s10, $0x1;
	s10 =	sld [smem:$0x3FB5];
	_ =	sdelay $0x3  }
0x37: {  	[smem:$0x3FB5] =	sst s10  }
0x38: {  	s10 =	sld [smem:$0x3FB6]  }
0x39: {  	_ = 	snop;
	(pc) =	sbr.ind lr, $3  }
0x3a: {  	_ = 	snop  }
0x3b: {  	_ = 	snop  }
0x3c: {  	p2 =	seq.s32 s10, $0x1;
	s10 =	sld [smem:$0x3FB5]  }
0x3d: {  	_ =	shalt  }
0x3e: {  	_ =	shalt  }
0x3f: {  	_ =	shalt  }
0x40: {  	_ =	shalt  }
0x41: {  	_ =	shalt  }
0x42: {  	_ =	shalt  }
0x43: {  	_ =	shalt  }
0x44: {  	_ =	shalt  }
0x45: {  	_ =	shalt  }
0x46: {  	_ =	shalt  }
0x47: {  	_ =	shalt  }
0x48: {  	_ =	shalt  }
0x49: {  	_ =	shalt  }
0x4a: {  	_ =	shalt  }
0x4b: {  	_ =	shalt  }
0x4c: {  	_ =	shalt  }
0x4d: {  	_ =	shalt  }
0x4e: {  	_ =	shalt  }
0x4f: {  	_ =	shalt  }
0x50: {  	_ =	shalt  }
0x51: {  	_ =	shalt  }
0x52: {  	_ =	shalt  }
0x53: {  	_ =	shalt  }
0x54: {  	_ =	shalt  }
0x55: {  	_ =	shalt  }
0x56: {  	_ =	shalt  }
0x57: {  	_ =	shalt  }
0x58: {  	_ =	shalt  }
0x59: {  	_ =	shalt  }
0x5a: {  	_ =	shalt  }
0x5b: {  	_ =	shalt  }
0x5c: {  	_ =	shalt  }
0x5d: {  	_ =	shalt  }
0x5e: {  	_ =	shalt  }
0x5f: {  	_ =	shalt  }
0x60: {  	_ =	shalt  }
0x61: {  	_ =	shalt  }
0x62: {  	_ =	shalt  }
0x63: {  	_ =	shalt  }
0x64: {  	_ =	shalt  }
0x65: {  	_ =	shalt  }
0x66: {  	_ =	shalt  }
0x67: {  	_ =	shalt  }
0x68: {  	_ =	shalt  }
0x69: {  	_ =	shalt  }
0x6a: {  	_ =	shalt  }
0x6b: {  	_ =	shalt  }
0x6c: {  	_ =	shalt  }
0x6d: {  	_ =	shalt  }
0x6e: {  	_ =	shalt  }
0x6f: {  	_ =	shalt  }
0x70: {  	_ =	shalt  }
0x71: {  	_ =	shalt  }
0x72: {  	_ =	shalt  }
0x73: {  	_ =	shalt  }
0x74: {  	_ =	shalt  }
0x75: {  	_ =	shalt  }
0x76: {  	_ =	shalt  }
0x77: {  	_ =	shalt  }
0x78: {  	_ =	shalt  }
0x79: {  	_ =	shalt  }
0x7a: {  	_ =	shalt  }
0x7b: {  	_ =	shalt  }
0x7c: {  	_ =	shalt  }
0x7d: {  	_ =	shalt  }
0x7e: {  	_ =	shalt  }
0x7f: {  	_ =	shalt  }
0x80: {  	_ =	shalt  }
0x81: {  	_ =	shalt  }
0x82: {  	_ =	shalt  }
0x83: {  	_ =	shalt  }
0x84: {  	_ =	shalt  }
0x85: {  	_ =	shalt  }
0x86: {  	_ =	shalt  }
0x87: {  	_ =	shalt  }
.Lfunc_end0:
.L_simem_size_0:
called_computation_lowered:
.L_overlay_start_0:
0x88: {  	s2 =	sld [smem:$0x3FD9]  }
0x89: {  	s3 =	sld [smem:$0x3FFE];
	_ =	sdelay $0x1  }
0x8a: {  	s1 =	srdreg.scid  }
0x8b: {  	s0 =	sand.u32 $0x1, s1  }
0x8c: {  	s17 =	sshll.u32 s0, $0xA;
	s2 =	sadd.s32 s3, s2  }
0x8d: {  	s2 =	sadd.s32 s2, s17  }
0x8e: {  	[smem:$0x3FC1] =	sst s2  }
0x8f: {  	_ = 	snop  }
0x90: {  	s2 =	sld [smem:$0x3FD0];
	(tm) =	ssettm $0x1  }
0x91: {  	s18 =	sld [smem:$0x3FFB];
	_ =	sdelay $0x3  }
0x92: {  	_ =	strace s18  }
0x93: {  	s3 =	sld [smem:$0x3FFC];
	_ =	sdelay $0x3  }
0x94: {  	_ =	strace s3  }
0x95: {  	s3 =	sld [smem:$0x3FFD];
	_ =	sdelay $0x3  }
0x96: {  	_ =	strace s3  }
0x97: {  	_ =	strace $0x8FFFFFFF  }
0x98: {  	s19 =	sld [smem:$0x3FDB];
	_ =	sdelay $0x1  }
0x99: {  	s4 =	simm.s32 $_scs_section_size  }
0x9a: {  	s5 =	simm.s32 $_size__tile_overlayer_lowered;
	s6 =	simm.s32 $_tile_overlayer_lowered  }
0x9b: {  	s22 =	simm.s32 $0x1BFF;
	s21 =	sshll.u32 s6, $0x1;
	s3 =	sadd.s32 s4, s19  }
0x9c: {  	s7 =	simm.s32 $0x0;
	s20 =	sshll.u32 s5, $0x1;
	s5 =	sadd.s32 s21, s3  }
0x9d: {  	[timem:s7], [sflag:s22] =	dma.local [hbm:s5], s20  }
0x9e: {  	_ =	swait.ge [sflag:s22], s20  }
0x9f: {  	s4 =	ssub.s32 $0x0, s20;
	[sflag:s22] =	ssyncset.done $0x0  }
0xa0: {  	[sflag:s22] =	ssyncadd.s32 s4;
	_ =	sdelay $0x1  }
0xa1: {  	s23 =	simm.s32 $0x1B8B  }
0xa2: {  	_ =	swait.ge [sflag:s23], $0x1  }
0xa3: {  	[sflag:s23] =	ssyncset.done $0x0  }
0xa4: {  	s25 =	simm.s32 $0x1B8E;
	s24 =	sld [smem:$0x3FFE];
	[sflag:s23] =	ssyncadd.s32 $0xFFFFFFFF  }
0xa5: {  	s26 =	simm.s32 $execute0_lowered;
	[smem:$0x3FD2] =	sst s25  }
0xa6: {  	s5 =	sshll.u32 s26, $0x1;
	_ =	strace $0x80000046;
	[dreg:$0x1] =	wrdreg $0xFFFFFFFF  }
0xa7: {  	s28 =	simm.s32 $_size_execute0_lowered;
	s3 =	sadd.s32 s3, s5;
	[dreg:$0x0] =	wrdreg $0x0  }
0xa8: {  	s5 =	sshll.u32 s28, $0x1;
	[dreg:$0x2] =	wrdreg s3  }
0xa9: {  	[dreg:$0x3] =	wrdreg s5  }
0xaa: {  	[dreg:$0x4] =	wrdreg $0xC0  }
0xab: {  	_ =	task [dreg:s7], $0x5FFFF  }
0xac: {  	[dreg:$0x1] =	wrdreg $0xFFFFFFFF  }
0xad: {  	[dreg:$0x0] =	wrdreg $0x60  }
0xae: {  	[dreg:$0x2] =	wrdreg s2  }
0xaf: {  	[dreg:$0x3] =	wrdreg s24  }
0xb0: {  	[dreg:$0x4] =	wrdreg $0xA2000  }
0xb1: {  	[dreg:$0x5] =	wrdreg $0x9  }
0xb2: {  	_ =	task.clear_ibuf [dreg:s7], $0x6FFFF;
	_ =	strace $0x90000046  }
0xb3: {  	s29 =	simm.s32 $0x9;
	_ =	strace $0x80000048  }
0xb4: {  	_ =	swait.ge [sflag:s29], $0x1  }
0xb5: {  	[sflag:s29] =	ssyncadd.s32 $0xFFFFFFFF  }
0xb6: {  	_ =	strace $0x90000048  }
0xb7: {  	_ =	sfence  }
0xb8: {  	s30 =	sld [smem:$0x0];
	_ =	sdelay $0x2  }
0xb9: {  	s31 =	sshll.u32 s1, $0xD;
	s1 =	sshrl.u32 s1, $0x2  }
0xba: {  	s3 =	sand.u32 $0x4000, s31;
	s1 =	sadd.s32 s1, s30  }
0xbb: {  	s0 =	sor.u32 s3, s0;
	s1 =	sshll.u32 s1, $0x11  }
0xbc: {  	s0 =	sor.u32 s1, s0  }
0xbd: {  	s0 =	sadd.s32 $0x8F2B, s0  }
0xbe: {  	[sflag:s0] =	ssyncadd.remote.s32 $0x1  }
0xbf: {  	_ =	sfence.sel $0xFFFF  }
0xc0: {  	[dreg:$0x0] =	wrdreg $0xFFFFFFFF;
	(pc) =	sbr.abs _section_cstart, $3  }
0xc1: {  	[dreg:$0x1] =	wrdreg $0xFFFFFFFF  }
0xc2: {  	_ =	task.clear_ibuf [dreg:s7], $0x2FFFF;
	_ =	strace $0x9FFFFFFF  }
0xc3: {  	(tm) =	ssettm $0x7FFFFFFF  }
tec
execute0_lowered:
.L_overlay_start_1:
0x0: {  	(tag) =	ssettag $0x1  }
0x1: {  	s0 =	rddreg [dreg:$0x0]  }
0x2: {  	s1 =	rddreg [dreg:$0x1];
	s2 =	srdreg.scid  }
0x3: {  	s3 =	rddreg [dreg:$0x2];
	s10 =	stileid.u32  }
0x4: {  	s4 =	simm.s32 $0x0;
	s29 =	simm.s32 $0x6E00;
	s30 =	simm.s32 $0x3  }
0x5: {  	s31 =	simm.s32 $0x100;
	s2 =	sand.u32 $0x1, s2;
	s7 =	smul.u32 $0x14000, s10  }
0x6: {  	[smem:$0x7FF] =	sst s4;
	s9 =	smul.u32 $0x50000, s10;
	s22 =	sshll.u32 s10, $0x1  }
0x7: {  	s6 =	smul.u32 $0x140000, s2;
	s23 =	ssub.s32 $0x2, s2;
	s2 =	sor.u32 s2, s22  }
0x8: {  	s5 =	sadd.s32 $0x6000, s1;
	_ =	strace $0x80000047;
	s11 =	smul.u32 $0x1388, s2  }
0x9: {  	s24 =	sshrl.u32 s9, $0x2;
	s25 =	sshrl.u32 s23, $0x1;
	s2 =	smul.u32 $0x9C4, s2  }
0xa: {  	s7 =	sadd.s32 s7, s6;
	s6 =	sadd.s32 $0x1000, s1;
	s9 =	ssub.s32 s23, s25  }
0xb: {  	s8 =	sshrl.u32 s7, $0x3;
	s7 =	sadd.s32 $0x27C000, s1;
	s13 =	sshrl.u32 s11, $0x3  }
0xc: {  	s15 =	sadd.s32 $0x1318, s11;
	s16 =	sadd.s32 $0x68, s11;
	s25 =	smax.u32 s9, $0x1  }
0xd: {  	s17 =	sadd.s32 $0xD0, s11;
	s14 =	sadd.s32 s5, s13;
	[dreg:$0x12] =	wrdreg s25  }
0xe: {  	s1 =	sadd.s32 s8, s1;
	s10 =	sadd.s32 s6, s13;
	[dreg:$0x8] =	wrdreg s14  }
0xf: {  	s8 =	sadd.s32 s24, s3;
	s2 =	sadd.s32 s7, s2;
	[dreg:$0x9] =	wrdreg s10  }
0x10: {  	s21 =	sadd.s32 $0x1380, s11;
	s26 =	sadd.s32 $0x3400, s8;
	[dreg:$0xa] =	wrdreg s2  }
0x11: {  	s9 =	simm.s32 $0x600;
	s28 =	sadd.s32 $0x6800, s8;
	[dreg:$0x4] =	wrdreg s26  }
0x12: {  	s18 =	sshrl.u32 s15, $0x3;
	s12 =	sadd.s32 $0x9C00, s8;
	[dreg:$0x5] =	wrdreg s28  }
0x13: {  	s11 =	simm.s32 $0x80;
	s19 =	sadd.s32 s5, s18;
	[dreg:$0x6] =	wrdreg s12  }
0x14: {  	s22 =	sshrl.u32 s21, $0x3;
	s2 =	sadd.s32 s6, s18;
	[dreg:$0xb] =	wrdreg s19  }
0x15: {  	s20 =	sshrl.u32 s15, $0x1;
	s23 =	sadd.s32 s5, s22;
	[dreg:$0xc] =	wrdreg s2  }
0x16: {  	s13 =	simm.s32 $0x400;
	s1 =	sadd.s32 $0xB000, s1;
	[dreg:$0xe] =	wrdreg s23  }
0x17: {  	s15 =	simm.s32 $0x2;
	s12 =	sadd.s32 $0xD000, s8;
	[dreg:$0x11] =	wrdreg s1  }
0x18: {  	s10 =	sshrl.u32 s21, $0x1;
	s2 =	sadd.s32 s7, s20;
	[dreg:$0x7] =	wrdreg s12  }
0x19: {  	s14 =	simm.s32 $0x3A00;
	s24 =	sadd.s32 s7, s10;
	[dreg:$0xd] =	wrdreg s2  }
0x1a: {  	s18 =	simm.s32 $0x0;
	s26 =	sadd.s32 $0x10400, s8;
	[dreg:$0x10] =	wrdreg s24  }
0x1b: {  	s28 =	sadd.s32 $0x13800, s8;
	s1 =	simm.s32 $0x200;
	[dreg:$0x13] =	wrdreg s26  }
0x1c: {  	s10 =	simm.s32 $0x1;
	s2 =	sadd.s32 s6, s22;
	[dreg:$0x14] =	wrdreg s28  }
0x1d: {  	v0 =	vimm.f32 $0.0e+00;
	s12 =	simm.s32 $0x180;
	[dreg:$0xf] =	wrdreg s2;
	s2 =	simm.s32 $0x68  }
.LBB2_1:
0x1e: {  	s19 =	simm.s32 $0x0;
	s20 =	simm.s32 $0x200  }
.LBB2_2:
0x1f: {  	p0 =	sne.s32 s20, $0xCE00;
	[tilespmem:s19+$0x6E70] =	vst v0  }
0x20: {  	[tilespmem:s19+$0x6E00] =	vst v0  }
0x21: {  	[tilespmem:s19+$0x6E10] =	vst v0  }
.Ltmp0:
0x22: {  	[tilespmem:s19+$0x6E20] =	vst v0;
	(pc) =	sbr.rel @p0 .LBB2_2-.Ltmp0, $4  }
0x23: {  	[tilespmem:s19+$0x6E30] =	vst v0  }
0x24: {  	[tilespmem:s19+$0x6E40] =	vst v0  }
0x25: {  	[tilespmem:s19+$0x6E50] =	vst v0  }
0x26: {  	[tilespmem:s19+$0x6E60] =	vst v0;
	s19 =	sshra.s32 s20, $0x2;
	s20 =	sadd.s32 $0x200, s20  }
0x27: {  	[tilespmem:s19+$0x6E70] =	vst v0  }
0x28: {  	[tilespmem:s19+$0x6E00] =	vst v0  }
0x29: {  	[tilespmem:s19+$0x6E10] =	vst v0  }
0x2a: {  	[tilespmem:s19+$0x6E20] =	vst v0  }
0x2b: {  	[tilespmem:s19+$0x6E30] =	vst v0  }
0x2c: {  	[tilespmem:s19+$0x6E40] =	vst v0  }
0x2d: {  	[tilespmem:s19+$0x6E50] =	vst v0  }
0x2e: {  	[tilespmem:s19+$0x6E60] =	vst v0  }
0x2f: {  	[spmem:s8] =	stream.linear.scatter [tilespmem:s29], [sflag:$0x3], $0x3400, $0x38;
	[tilespmem:$0x1E200] =	vst v63  }
0x30: {  	_ =	swait.ge [sflag:s30], $0x3400  }
0x31: {  	[sflag:s30] =	ssyncset.done $0x0  }
0x32: {  	s20 =	rddreg [dreg:$0x4];
	[sflag:s30] =	ssyncadd.s32 $0xFFFFCC00  }
0x33: {  	[spmem:s20] =	stream.linear.scatter [tilespmem:s29], [sflag:$0x3], $0x3400, $0x38;
	[tilespmem:$0x1E200] =	vst v63  }
0x34: {  	_ =	swait.ge [sflag:s30], $0x3400  }
0x35: {  	[sflag:s30] =	ssyncset.done $0x0  }
0x36: {  	s21 =	rddreg [dreg:$0x5];
	[sflag:s30] =	ssyncadd.s32 $0xFFFFCC00  }
0x37: {  	[spmem:s21] =	stream.linear.scatter [tilespmem:s29], [sflag:$0x3], $0x3400, $0x38;
	[tilespmem:$0x1E200] =	vst v63  }
0x38: {  	_ =	swait.ge [sflag:s30], $0x3400  }
0x39: {  	[sflag:s30] =	ssyncset.done $0x0  }
0x3a: {  	s22 =	rddreg [dreg:$0x6];
	[sflag:s30] =	ssyncadd.s32 $0xFFFFCC00  }
0x3b: {  	[spmem:s22] =	stream.linear.scatter [tilespmem:s29], [sflag:$0x3], $0x3400, $0x38;
	[tilespmem:$0x1E200] =	vst v63  }
0x3c: {  	_ =	swait.ge [sflag:s30], $0x3400  }
0x3d: {  	[sflag:s30] =	ssyncset.done $0x0  }
0x3e: {  	s23 =	rddreg [dreg:$0x7];
	[sflag:s30] =	ssyncadd.s32 $0xFFFFCC00  }
0x3f: {  	[spmem:s23] =	stream.linear.scatter [tilespmem:s29], [sflag:$0x3], $0x3400, $0x38;
	[tilespmem:$0x1E200] =	vst v63  }
0x40: {  	_ =	swait.ge [sflag:s30], $0x3400  }
0x41: {  	[sflag:s30] =	ssyncset.done $0x0  }
0x42: {  	s24 =	rddreg [dreg:$0x13];
	[sflag:s30] =	ssyncadd.s32 $0xFFFFCC00  }
0x43: {  	[spmem:s24] =	stream.linear.scatter [tilespmem:s29], [sflag:$0x3], $0x3400, $0x38;
	[tilespmem:$0x1E200] =	vst v63  }
0x44: {  	_ =	swait.ge [sflag:s30], $0x3400  }
0x45: {  	[sflag:s30] =	ssyncset.done $0x0  }
0x46: {  	s25 =	rddreg [dreg:$0x14];
	[sflag:s30] =	ssyncadd.s32 $0xFFFFCC00  }
0x47: {  	[spmem:s25] =	stream.linear.scatter [tilespmem:s29], [sflag:$0x3], $0x800, $0x38;
	[tilespmem:$0x1E200] =	vst v63  }
0x48: {  	_ =	swait.ge [sflag:s30], $0x800  }
0x49: {  	[sflag:s30] =	ssyncset.done $0x0  }
0x4a: {  	[sflag:s30] =	ssyncadd.s32 $0xFFFFF800  }
0x4b: {  	[bflag:$0x0] =	sbarrier.arrive $0xFFFF  }
0x4c: {  	s19 =	simm.s32 $0x0;
	s20 =	rddreg [dreg:$0x8]  }
0x4d: {  	[tilespmem:s19], [sflag:$0x3] =	stream.linear.gather [hbm4b:s20+s19], $0x68, $0x38;
	[tilespmem:$0x1E200] =	vst v63  }
0x4e: {  	_ =	swait.ge [sflag:s30], $0x68  }
0x4f: {  	[sflag:s30] =	ssyncset.done $0x0  }
0x50: {  	s26 =	rddreg [dreg:$0x9];
	[sflag:s30] =	ssyncadd.s32 $0xFFFFFF98  }
0x51: {  	[tilespmem:s31], [sflag:$0x3] =	stream.linear.gather [hbm4b:s26+s19], $0x68, $0x38;
	[tilespmem:$0x1E200] =	vst v63  }
0x52: {  	_ =	swait.ge [sflag:s30], $0x68  }
0x53: {  	[sflag:s30] =	ssyncset.done $0x0  }
0x54: {  	s28 =	rddreg [dreg:$0xa];
	[sflag:s30] =	ssyncadd.s32 $0xFFFFFF98  }
0x55: {  	[tilespmem:s1], [sflag:$0x3] =	stream.linear.gather [hbm4b:s28+s19], $0x1A0, $0x38;
	[tilespmem:$0x1E200] =	vst v63  }
0x56: {  	_ =	swait.ge [sflag:s30], $0x1A0  }
0x57: {  	[sflag:s30] =	ssyncset.done $0x0  }
0x58: {  	[sflag:s30] =	ssyncadd.s32 $0xFFFFFE60  }
0x59: {  	[tilespmem:s9], [sflag:$0x1] =	stream.indirect.gather [hbm4b:s0+s2], $0x80, s19, s2, $0xb8;
	[tilespmem:$0x1E200] =	vst v63  }
0x5a: {  	_ =	swait.ge [sflag:s10], $0x3400  }
0x5b: {  	[sflag:s10] =	ssyncset.done $0x0  }
0x5c: {  	[sflag:s10] =	ssyncadd.s32 $0xFFFFCC00  }
.LBB2_4:
0x5d: {  	s20 =	smul.u32 $0xD0, s19;
	_ =	sdelay $0x1  }
0x5e: {  	s21 =	sadd.s32 s20, s16  }
0x5f: {  	s22 =	sshrl.u32 s21, $0x3  }
0x60: {  	s23 =	sadd.s32 s5, s22  }
0x61: {  	[tilespmem:s11], [sflag:$0x3] =	stream.linear.gather [hbm4b:s23+s4], $0x68, $0x38;
	[tilespmem:$0x1E200] =	vst v63  }
0x62: {  	_ =	swait.ge [sflag:s30], $0x68  }
0x63: {  	[sflag:s30] =	ssyncset.done $0x0  }
0x64: {  	s22 =	sadd.s32 s6, s22;
	[sflag:s30] =	ssyncadd.s32 $0xFFFFFF98  }
0x65: {  	[tilespmem:s12], [sflag:$0x3] =	stream.linear.gather [hbm4b:s22+s4], $0x68, $0x38;
	[tilespmem:$0x1E200] =	vst v63  }
0x66: {  	_ =	swait.ge [sflag:s30], $0x68  }
0x67: {  	s21 =	sshrl.u32 s21, $0x1;
	[sflag:s30] =	ssyncset.done $0x0  }
0x68: {  	s21 =	sadd.s32 s7, s21;
	[sflag:s30] =	ssyncadd.s32 $0xFFFFFF98  }
0x69: {  	[tilespmem:s13], [sflag:$0x3] =	stream.linear.gather [hbm4b:s21+s4], $0x1A0, $0x38;
	[tilespmem:$0x1E200] =	vst v63  }
0x6a: {  	_ =	swait.ge [sflag:s30], $0x1A0  }
0x6b: {  	[sflag:s30] =	ssyncset.done $0x0  }
0x6c: {  	s23 =	simm.s32 $0x20C;
	[sflag:s30] =	ssyncadd.s32 $0xFFFFFE60  }
0x6d: {  	[tilespmem:s14], [sflag:$0x2] =	stream.indirect.gather [hbm4b:s0+s2], $0x80, s11, s2, $0xb8;
	[tilespmem:$0x1E200] =	vst v63  }
0x6e: {  	s24 =	simm.s32 $0x780;
	v1 =	vld [tilespmem:s23+$0x8]  }
0x6f: {  	v2 =	vld [tilespmem:s24+$0x100]  }
0x70: {  	v3 =	vld [tilespmem:s24+$0x120];
	_ =	sdelay $0x1  }
0x71: {  	v4 =	vld [tilespmem:s24+$0x140]  }
0x72: {  	v21 =	vbroadcast v1, $0x0;
	v22 =	vbroadcast v1, $0x1  }
0x73: {  	v5 =	vld [tilespmem:s24+$0x160];
	v23 =	vbroadcast v1, $0x2  }
0x74: {  	v2 =	vmul.f32 v2, v21;
	v3 =	vmul.f32 v3, v22;
	_ =	sdelay $0x1  }
0x75: {  	v24 =	vbroadcast v1, $0x3;
	v2 =	vadd.f32 v3, v2;
	v3 =	vmul.f32 v4, v23  }
0x76: {  	v11 =	vld [tilespmem:s23+$0xFFFFFFFC]  }
0x77: {  	v25 =	vld [tilespmem:s23+$0x0];
	v46 =	vmul.f32 v5, v24;
	v45 =	vadd.f32 v3, v2  }
0x78: {  	v27 =	vld [tilespmem:s23+$0x4]  }
0x79: {  	v47 =	vld [tilespmem:s23+$0xFFFFFFF4];
	v26 =	vadd.f32 v46, v45  }
0x7a: {  	v6 =	vld [tilespmem:s24+$0xFFFFFEA0]  }
0x7b: {  	v12 =	vld [tilespmem:s24+$0xFFFFFF80];
	v1 =	vsub.f32 $0.0e+00, v26  }
0x7c: {  	v28 =	vld [tilespmem:s24+$0xFFFFFFA0];
	v15 =	vbroadcast v11, $0x0  }
0x7d: {  	v29 =	vld [tilespmem:s24+$0x0];
	v16 =	vbroadcast v11, $0x1;
	v1 =	vmul.f32 $1.442695020e+00, v1  }
0x7e: {  	v30 =	vld [tilespmem:s24+$0x20];
	v13 =	vbroadcast v25, $0x0;
	v8 =	vbroadcast v25, $0x1  }
0x7f: {  	v31 =	vld [tilespmem:s24+$0x80];
	v10 =	vbroadcast v27, $0x0;
	(erf) = vpow2.f32 v1  }
0x80: {  	v34 =	vld [tilespmem:s24+$0xFFFFFEC0];
	v54 =	vbroadcast v27, $0x1;
	v19 =	vbroadcast v47, $0x1  }
0x81: {  	v20 =	vbroadcast v47, $0x0;
	v14 =	vbroadcast v47, $0x2;
	v4 =	vld [tilespmem:s23+$0xFFFFFFF8]  }
0x82: {  	v0 =	vbroadcast v25, $0x3;
	v5 =	vld [tilespmem:s24+$0xFFFFFE80];
	v32 =	vmul.f32 v6, v19  }
0x83: {  	v9 =	vld [tilespmem:s24+$0xFFFFFF20];
	v6 =	vbroadcast v11, $0x2;
	v36 =	vmul.f32 v12, v15  }
0x84: {  	v28 =	vmul.f32 v28, v16;
	v29 =	vmul.f32 v29, v13  }
0x85: {  	v7 =	vld [tilespmem:s24+$0xFFFFFF00];
	v12 =	vbroadcast v25, $0x2;
	v30 =	vmul.f32 v30, v8  }
0x86: {  	v38 =	vld [tilespmem:s24+$0xFFFFFEE0];
	v48 =	vmul.f32 v34, v14;
	v17 =	vbroadcast v4, $0x1  }
0x87: {  	v39 =	vld [tilespmem:s24+$0xFFFFFFC0];
	v31 =	vmul.f32 v31, v10;
	v5 =	vmul.f32 v5, v20  }
0x88: {  	v33 =	vld [tilespmem:s24+$0xA0];
	v18 =	vbroadcast v4, $0x0;
	v35 =	vmul.f32 v9, v17;
	v9 =	vpop (erf)  }
0x89: {  	v37 =	vld [tilespmem:s24+$0xFFFFFF40];
	v32 =	vadd.f32 v32, v5;
	v5 =	vbroadcast v47, $0x3;
	v40 =	vadd.f32 $1.000000000e+00, v9  }
0x8a: {  	v41 =	vld [tilespmem:s24+$0x40];
	v11 =	vbroadcast v11, $0x3;
	v28 =	vadd.f32 v28, v36;
	v7 =	vmul.f32 v7, v18  }
0x8b: {  	v42 =	vld [tilespmem:s24+$0xC0];
	v32 =	vadd.f32 v48, v32;
	v51 =	vmul.f32 v38, v5;
	(erf) = vrcp.f32 v40  }
0x8c: {  	v49 =	vld [tilespmem:s24+$0xFFFFFF60];
	v25 =	vmul.f32 v39, v6;
	v3 =	vbroadcast v4, $0x2;
	v35 =	vadd.f32 v35, v7  }
0x8d: {  	v50 =	vld [tilespmem:s24+$0xFFFFFFE0];
	v7 =	vbroadcast v4, $0x3;
	v4 =	vmul.f32 v33, v54;
	v32 =	vadd.f32 v51, v32  }
0x8e: {  	v52 =	vld [tilespmem:s24+$0x60];
	v29 =	vadd.f32 v30, v29;
	[tilespmem:$0x1FF20] =	vst v0;
	v30 =	vmul.f32 v37, v3;
	v9 =	vbroadcast v27, $0x2  }
0x8f: {  	v53 =	vld [tilespmem:s24+$0xE0];
	v31 =	vadd.f32 v4, v31;
	v4 =	vbroadcast v27, $0x3;
	v36 =	vsub.f32 $0.0e+00, v32  }
0x90: {  	v25 =	vadd.f32 v25, v28;
	v27 =	vmul.f32 v41, v12;
	v55 =	vmul.f32 v42, v9  }
0x91: {  	v30 =	vadd.f32 v30, v35;
	v28 =	vmul.f32 v49, v7;
	v56 =	vmul.f32 $1.442695020e+00, v36  }
0x92: {  	v27 =	vadd.f32 v27, v29;
	v29 =	vadd.f32 v55, v31;
	v31 =	vmul.f32 v50, v11  }
0x93: {  	v28 =	vadd.f32 v28, v30;
	v30 =	vmul.f32 v52, v0  }
0x94: {  	v57 =	vmul.f32 v53, v4;
	(erf) = vpow2.f32 v56;
	v25 =	vadd.f32 v31, v25;
	v58 =	vpop (erf)  }
0x95: {  	v27 =	vadd.f32 v30, v27;
	v31 =	vsub.f32 $0.0e+00, v28;
	v26 =	vmul.f32 v58, v26  }
0x96: {  	s21 =	simm.s32 $0x6F80;
	v29 =	vadd.f32 v57, v29;
	v30 =	vsub.f32 $0.0e+00, v25  }
0x97: {  	[tilespmem:s21+$0x100] =	vst v26;
	v26 =	vmul.f32 $1.442695020e+00, v31;
	v31 =	vsub.f32 $0.0e+00, v27  }
0x98: {  	v34 =	vsub.f32 $0.0e+00, v29;
	v30 =	vmul.f32 $1.442695020e+00, v30;
	v59 =	vld [tilespmem:s24+$0x110]  }
0x99: {  	v60 =	vld [tilespmem:s24+$0x130];
	v31 =	vmul.f32 $1.442695020e+00, v31;
	(erf) = vpow2.f32 v26  }
0x9a: {  	v26 =	vmul.f32 $1.442695020e+00, v34;
	(erf) = vpow2.f32 v30  }
0x9b: {  	v30 =	vld [tilespmem:s24+$0x150];
	(erf) = vpow2.f32 v31  }
0x9c: {  	(erf) = vpow2.f32 v26  }
0x9d: {  	v26 =	vld [tilespmem:s24+$0x170]  }
0x9e: {  	v31 =	vpop (erf);
	v21 =	vmul.f32 v59, v21;
	v22 =	vmul.f32 v60, v22  }
0x9f: {  	v31 =	vadd.f32 $1.000000000e+00, v31  }
0xa0: {  	v21 =	vadd.f32 v22, v21;
	v22 =	vmul.f32 v30, v23  }
0xa1: {  	(erf) = vrcp.f32 v31  }
0xa2: {  	v21 =	vadd.f32 v22, v21;
	v22 =	vmul.f32 v26, v24;
	v23 =	vpop (erf)  }
0xa3: {  	v23 =	vadd.f32 $1.000000000e+00, v23;
	v24 =	vpop (erf)  }
0xa4: {  	v21 =	vadd.f32 v22, v21;
	v22 =	vadd.f32 $1.000000000e+00, v24;
	v24 =	vpop (erf)  }
0xa5: {  	s26 =	simm.s32 $0x224;
	v24 =	vadd.f32 $1.000000000e+00, v24;
	v30 =	vpop (erf)  }
0xa6: {  	s25 =	simm.s32 $0xA80;
	v26 =	vld [tilespmem:s26+$0x8];
	(erf) = vrcp.f32 v23;
	v23 =	vsub.f32 $0.0e+00, v21;
	v30 =	vadd.f32 $1.000000000e+00, v30  }
0xa7: {  	(erf) = vrcp.f32 v22;
	v22 =	vld [tilespmem:s25+$0x100]  }
0xa8: {  	(erf) = vrcp.f32 v24;
	v23 =	vmul.f32 $1.442695020e+00, v23;
	v24 =	vld [tilespmem:s25+$0x120]  }
0xa9: {  	(erf) = vrcp.f32 v30  }
0xaa: {  	v30 =	vpop (erf);
	(erf) = vpow2.f32 v23;
	v23 =	vld [tilespmem:s25+$0x140]  }
0xab: {  	v41 =	vbroadcast v26, $0x0;
	v42 =	vbroadcast v26, $0x1  }
0xac: {  	v31 =	vld [tilespmem:s25+$0x160];
	v40 =	vbroadcast v26, $0x2;
	v30 =	vmul.f32 v30, v32  }
0xad: {  	v22 =	vmul.f32 v22, v41;
	v24 =	vmul.f32 v24, v42;
	_ =	sdelay $0x1  }
0xae: {  	v38 =	vld [tilespmem:s26+$0x0];
	v39 =	vbroadcast v26, $0x3;
	v22 =	vadd.f32 v24, v22;
	v23 =	vmul.f32 v23, v40  }
0xaf: {  	v37 =	vld [tilespmem:s26+$0xFFFFFFFC];
	[tilespmem:s21+$0xFFFFFE80] =	vst v30;
	v30 =	vpop (erf)  }
0xb0: {  	v49 =	vld [tilespmem:s26+$0x4];
	v24 =	vpop (erf);
	v22 =	vadd.f32 v23, v22;
	v23 =	vmul.f32 v31, v39  }
0xb1: {  	v36 =	vld [tilespmem:s25+$0xFFFFFF20];
	v26 =	vpop (erf)  }
0xb2: {  	v34 =	vld [tilespmem:s26+$0xFFFFFFF4];
	v31 =	vpop (erf);
	v51 =	vadd.f32 v23, v22  }
0xb3: {  	v1 =	vbroadcast v38, $0x1;
	v32 =	vld [tilespmem:s26+$0xFFFFFFF8];
	v50 =	vmul.f32 v30, v28;
	v28 =	vpop (erf)  }
0xb4: {  	v48 =	vld [tilespmem:s24+$0xFFFFFE90];
	v52 =	vmul.f32 v24, v25;
	v23 =	vadd.f32 $1.000000000e+00, v28;
	v25 =	vsub.f32 $0.0e+00, v51  }
0xb5: {  	v30 =	vld [tilespmem:s25+$0xFFFFFEA0];
	v53 =	vmul.f32 v26, v27;
	v27 =	vbroadcast v38, $0x0  }
0xb6: {  	v24 =	vld [tilespmem:s25+$0xFFFFFE80];
	(erf) = vrcp.f32 v23;
	v23 =	vmul.f32 $1.442695020e+00, v25  }
0xb7: {  	v2 =	vmul.f32 v31, v29;
	v31 =	vld [tilespmem:s25+$0xFFFFFF00];
	[tilespmem:$0x1FF80] =	vst v27;
	v25 =	vbroadcast v49, $0x0  }
0xb8: {  	v46 =	vld [tilespmem:s25+$0xFFFFFF80];
	[tilespmem:$0x1FF90] =	vst v1;
	(erf) = vpow2.f32 v23;
	v23 =	vbroadcast v49, $0x1  }
0xb9: {  	v35 =	vbroadcast v37, $0x0;
	v47 =	vld [tilespmem:s25+$0xFFFFFFA0];
	[tilespmem:$0x1FFA0] =	vst v25  }
0xba: {  	v33 =	vbroadcast v37, $0x1;
	v26 =	vbroadcast v32, $0x2;
	[tilespmem:$0x1FFB0] =	vst v23  }
0xbb: {  	v44 =	vbroadcast v34, $0x0;
	v45 =	vbroadcast v34, $0x1;
	v55 =	vld [tilespmem:s25+$0xFFFFFEC0]  }
0xbc: {  	v0 =	vbroadcast v34, $0x3;
	v28 =	vbroadcast v37, $0x2;
	v56 =	vld [tilespmem:s25+$0x0];
	[tilespmem:$0x1FFC0] =	vst v26  }
0xbd: {  	v43 =	vbroadcast v32, $0x1;
	v29 =	vbroadcast v34, $0x2;
	v57 =	vld [tilespmem:s25+$0xFFFFFEE0]  }
0xbe: {  	v58 =	vmul.f32 v30, v45;
	v24 =	vmul.f32 v24, v44;
	v59 =	vld [tilespmem:s25+$0x20];
	[tilespmem:$0x1FFD0] =	vst v28  }
0xbf: {  	v36 =	vmul.f32 v36, v43;
	v22 =	vbroadcast v32, $0x0;
	v60 =	vld [tilespmem:s25+$0x80]  }
0xc0: {  	v37 =	vbroadcast v37, $0x3;
	v58 =	vadd.f32 v58, v24;
	v61 =	vld [tilespmem:s25+$0xFFFFFF40];
	[tilespmem:$0x1FFE0] =	vst v0;
	v34 =	vmul.f32 v55, v29  }
0xc1: {  	v31 =	vmul.f32 v31, v22;
	v63 =	vmul.f32 v47, v33;
	v62 =	vld [tilespmem:s25+$0xA0]  }
0xc2: {  	v47 =	vld [tilespmem:s25+$0xFFFFFF60];
	v55 =	vmul.f32 v46, v35;
	v46 =	vpop (erf);
	v57 =	vmul.f32 v57, v0;
	v34 =	vadd.f32 v34, v58  }
0xc3: {  	v31 =	vadd.f32 v36, v31;
	v36 =	vbroadcast v38, $0x2;
	v56 =	vmul.f32 v56, v27;
	v0 =	vpop (erf)  }
0xc4: {  	v59 =	vmul.f32 v59, v1;
	v1 =	vld [tilespmem:s25+$0x40];
	v0 =	vadd.f32 $1.000000000e+00, v0;
	v57 =	vadd.f32 v57, v34  }
0xc5: {  	v63 =	vadd.f32 v63, v55;
	v55 =	vbroadcast v32, $0x3;
	v32 =	vmul.f32 v61, v26;
	v34 =	vld [tilespmem:s25+$0xFFFFFFC0]  }
0xc6: {  	[tilespmem:s21+$0xFFFFFF00] =	vst v50;
	v60 =	vmul.f32 v60, v25;
	v50 =	vadd.f32 v59, v56;
	v56 =	vld [tilespmem:s25+$0x60];
	v61 =	vsub.f32 $0.0e+00, v57  }
0xc7: {  	v31 =	vadd.f32 v32, v31;
	v32 =	vmul.f32 v62, v23;
	v47 =	vmul.f32 v47, v55;
	v62 =	vld [tilespmem:s25+$0xFFFFFFE0]  }
0xc8: {  	(erf) = vrcp.f32 v0;
	v0 =	vld [tilespmem:s25+$0xC0];
	v59 =	vmul.f32 $1.442695020e+00, v61  }
0xc9: {  	v47 =	vadd.f32 v47, v31;
	v31 =	vbroadcast v38, $0x3;
	v38 =	vbroadcast v49, $0x2  }
0xca: {  	v34 =	vmul.f32 v34, v28;
	(erf) = vpow2.f32 v59;
	v59 =	vld [tilespmem:s25+$0xE0]  }
0xcb: {  	v60 =	vadd.f32 v32, v60;
	v32 =	vbroadcast v49, $0x3;
	v1 =	vmul.f32 v1, v36  }
0xcc: {  	v49 =	vsub.f32 $0.0e+00, v47;
	v62 =	vmul.f32 v62, v37;
	v34 =	vadd.f32 v34, v63  }
0xcd: {  	[tilespmem:s21+$0x0] =	vst v53;
	v1 =	vadd.f32 v1, v50;
	v53 =	vmul.f32 v56, v31;
	v0 =	vmul.f32 v0, v38  }
0xce: {  	v49 =	vmul.f32 $1.442695020e+00, v49;
	v34 =	vadd.f32 v62, v34  }
0xcf: {  	v53 =	vadd.f32 v53, v1;
	v0 =	vadd.f32 v0, v60;
	v59 =	vmul.f32 v59, v32  }
0xd0: {  	v58 =	vld [tilespmem:s24+$0xFFFFFEB0];
	(erf) = vpow2.f32 v49;
	v49 =	vsub.f32 $0.0e+00, v34  }
0xd1: {  	[tilespmem:s21+$0xFFFFFF80] =	vst v52;
	v61 =	vld [tilespmem:s24+$0xFFFFFF10];
	v1 =	vmul.f32 v48, v20;
	v20 =	vadd.f32 v59, v0;
	v0 =	vsub.f32 $0.0e+00, v53  }
0xd2: {  	v63 =	vld [tilespmem:s24+$0xFFFFFF90];
	v49 =	vmul.f32 $1.442695020e+00, v49  }
0xd3: {  	v56 =	vld [tilespmem:s24+$0x10];
	v0 =	vmul.f32 $1.442695020e+00, v0  }
0xd4: {  	[tilespmem:s21+$0x80] =	vst v2;
	v2 =	vld [tilespmem:s24+$0x30];
	v60 =	vpop (erf);
	(erf) = vpow2.f32 v49  }
0xd5: {  	v48 =	vld [tilespmem:s24+$0x90];
	v51 =	vmul.f32 v60, v51;
	v60 =	vsub.f32 $0.0e+00, v20;
	(erf) = vpow2.f32 v0  }
0xd6: {  	v50 =	vld [tilespmem:s24+$0xFFFFFFB0];
	v18 =	vmul.f32 v61, v18  }
0xd7: {  	v52 =	vld [tilespmem:s24+$0xFFFFFF30];
	v15 =	vmul.f32 v63, v15;
	v63 =	vpop (erf);
	v61 =	vmul.f32 $1.442695020e+00, v60  }
0xd8: {  	v19 =	vmul.f32 v58, v19;
	v62 =	vld [tilespmem:s24+$0xB0];
	v13 =	vmul.f32 v56, v13;
	v56 =	vadd.f32 $1.000000000e+00, v63  }
0xd9: {  	s22 =	simm.s32 $0x7280;
	v2 =	vmul.f32 v2, v8;
	v58 =	vld [tilespmem:s24+$0xFFFFFED0];
	(erf) = vpow2.f32 v61  }
0xda: {  	v1 =	vadd.f32 v19, v1;
	v19 =	vld [tilespmem:s24+$0x50];
	v8 =	vmul.f32 v48, v10;
	[tilespmem:s22+$0x100] =	vst v51;
	v10 =	vpop (erf);
	(erf) = vrcp.f32 v56  }
0xdb: {  	v16 =	vmul.f32 v50, v16;
	v49 =	vld [tilespmem:s25+$0x110];
	v10 =	vadd.f32 $1.000000000e+00, v10  }
0xdc: {  	v2 =	vadd.f32 v2, v13;
	v0 =	vld [tilespmem:s25+$0x130]  }
0xdd: {  	v15 =	vadd.f32 v16, v15;
	v16 =	vmul.f32 v62, v54;
	(erf) = vrcp.f32 v10;
	v10 =	vld [tilespmem:s24+$0xFFFFFEF0];
	v13 =	vpop (erf)  }
0xde: {  	v17 =	vmul.f32 v52, v17;
	v50 =	vld [tilespmem:s24+$0xFFFFFFD0];
	v63 =	vpop (erf)  }
0xdf: {  	v8 =	vadd.f32 v16, v8;
	v60 =	vld [tilespmem:s25+$0x150];
	v16 =	vadd.f32 $1.000000000e+00, v63  }
0xe0: {  	v14 =	vmul.f32 v58, v14;
	v17 =	vadd.f32 v17, v18;
	v18 =	vld [tilespmem:s24+$0xD0];
	v13 =	vadd.f32 $1.000000000e+00, v13  }
0xe1: {  	v61 =	vld [tilespmem:s25+$0x170];
	v41 =	vmul.f32 v49, v41;
	v0 =	vmul.f32 v0, v42  }
0xe2: {  	v59 =	vld [tilespmem:s24+$0xFFFFFF50];
	v5 =	vmul.f32 v10, v5;
	(erf) = vrcp.f32 v13;
	v10 =	vpop (erf)  }
0xe3: {  	v1 =	vadd.f32 v14, v1;
	v14 =	vld [tilespmem:s24+$0xF0];
	v12 =	vmul.f32 v19, v12;
	(erf) = vrcp.f32 v16;
	v16 =	vpop (erf)  }
0xe4: {  	v19 =	vld [tilespmem:s24+$0xFFFFFFF0];
	v40 =	vmul.f32 v60, v40;
	v0 =	vadd.f32 v0, v41;
	v16 =	vmul.f32 v16, v57  }
0xe5: {  	v62 =	vld [tilespmem:s24+$0xFFFFFF70];
	v6 =	vmul.f32 v50, v6  }
0xe6: {  	v9 =	vmul.f32 v18, v9;
	v39 =	vmul.f32 v61, v39;
	v0 =	vadd.f32 v40, v0;
	v13 =	vld [tilespmem:s24+$0x70];
	[tilespmem:s22+$0xFFFFFE80] =	vst v16  }
0xe7: {  	v50 =	vmul.f32 v46, v21;
	v2 =	vadd.f32 v12, v2;
	v3 =	vmul.f32 v59, v3;
	v49 =	vld [tilespmem:$0x1FF20]  }
0xe8: {  	v4 =	vmul.f32 v14, v4;
	v8 =	vadd.f32 v9, v8;
	v23 =	vadd.f32 v39, v0  }
0xe9: {  	v6 =	vadd.f32 v6, v15;
	v11 =	vmul.f32 v19, v11;
	v3 =	vadd.f32 v3, v17  }
0xea: {  	v7 =	vmul.f32 v62, v7;
	v52 =	vadd.f32 v4, v8;
	v15 =	vsub.f32 $0.0e+00, v23;
	v12 =	vpop (erf)  }
0xeb: {  	v39 =	vadd.f32 v5, v1;
	v10 =	vadd.f32 $1.000000000e+00, v10;
	v48 =	vmul.f32 v12, v47  }
0xec: {  	v41 =	vadd.f32 v11, v6;
	v9 =	vmul.f32 $1.442695020e+00, v15;
	v5 =	vmul.f32 v13, v49  }
0xed: {  	v40 =	vadd.f32 v7, v3;
	v6 =	vsub.f32 $0.0e+00, v39;
	(erf) = vrcp.f32 v10;
	v3 =	vld [tilespmem:s25+$0xFFFFFE90];
	[tilespmem:s22+$0xFFFFFF00] =	vst v48  }
0xee: {  	v4 =	vsub.f32 $0.0e+00, v41;
	s24 =	simm.s32 $0x23C;
	(erf) = vpow2.f32 v9;
	v7 =	vld [tilespmem:s25+$0xFFFFFEB0];
	[tilespmem:$0x1FFF0] =	vst v50;
	v51 =	vadd.f32 v5, v2  }
0xef: {  	v6 =	vmul.f32 $1.442695020e+00, v6;
	v10 =	vld [tilespmem:s24+$0x8]  }
0xf0: {  	v4 =	vmul.f32 $1.442695020e+00, v4;
	v8 =	vpop (erf);
	v9 =	vld [tilespmem:s25+$0xFFFFFF10];
	v5 =	vsub.f32 $0.0e+00, v40;
	[tilespmem:$0x1FF30] =	vst v51  }
0xf1: {  	s23 =	simm.s32 $0xD80;
	(erf) = vpow2.f32 v6;
	v26 =	vmul.f32 v8, v34;
	v8 =	vpop (erf);
	v11 =	vsub.f32 $0.0e+00, v51;
	v12 =	vld [tilespmem:s25+$0xFFFFFF30];
	[tilespmem:$0x1FF40] =	vst v52  }
0xf2: {  	v27 =	vmul.f32 v8, v53;
	v13 =	vsub.f32 $0.0e+00, v52;
	v5 =	vmul.f32 $1.442695020e+00, v5;
	v8 =	vld [tilespmem:s23+$0x100]  }
0xf3: {  	v50 =	vmul.f32 v3, v44;
	v11 =	vmul.f32 $1.442695020e+00, v11;
	v6 =	vld [tilespmem:s23+$0x120]  }
0xf4: {  	v13 =	vmul.f32 $1.442695020e+00, v13;
	v46 =	vbroadcast v10, $0x0;
	v16 =	vld [tilespmem:s24+$0xFFFFFFF8]  }
0xf5: {  	v49 =	vbroadcast v10, $0x1;
	(erf) = vpow2.f32 v5;
	v18 =	vld [tilespmem:s24+$0xFFFFFFFC]  }
0xf6: {  	v47 =	vbroadcast v10, $0x2;
	(erf) = vpow2.f32 v4;
	v4 =	vld [tilespmem:s23+$0x140];
	v5 =	vpop (erf)  }
0xf7: {  	v48 =	vbroadcast v10, $0x3;
	v34 =	vld [tilespmem:s24+$0x0];
	(erf) = vpow2.f32 v11;
	v11 =	vpop (erf)  }
0xf8: {  	v51 =	vmul.f32 v7, v45;
	(erf) = vpow2.f32 v13;
	v13 =	vld [tilespmem:s23+$0x160];
	v11 =	vadd.f32 $1.000000000e+00, v11  }
0xf9: {  	v17 =	vld [tilespmem:s24+$0xFFFFFFF4];
	v8 =	vmul.f32 v8, v46;
	v6 =	vmul.f32 v6, v49  }
0xfa: {  	v45 =	vmul.f32 v9, v22;
	v10 =	vld [tilespmem:s23+$0xFFFFFEA0];
	(erf) = vrcp.f32 v11  }
0xfb: {  	v61 =	vld [tilespmem:s23+$0xFFFFFFA0];
	v53 =	vmul.f32 v5, v20;
	v4 =	vmul.f32 v4, v47;
	v5 =	vadd.f32 v6, v8  }
0xfc: {  	v20 =	vld [tilespmem:s23+$0xFFFFFF20];
	v52 =	vmul.f32 v12, v43;
	v9 =	vbroadcast v16, $0x0  }
0xfd: {  	v2 =	vbroadcast v18, $0x0;
	v8 =	vld [tilespmem:s23+$0xFFFFFE80];
	v3 =	vadd.f32 v4, v5;
	v5 =	vmul.f32 v13, v48  }
0xfe: {  	v12 =	vpop (erf);
	v7 =	vbroadcast v18, $0x1;
	v21 =	vbroadcast v17, $0x1;
	v13 =	vld [tilespmem:s23+$0xFFFFFF00]  }
0xff: {  	v0 =	vld [tilespmem:s23+$0x20];
	v1 =	vbroadcast v34, $0x0;
	v11 =	vbroadcast v16, $0x1;
	v19 =	vpop (erf);
	v57 =	vadd.f32 v5, v3  }
0x100: {  	v62 =	vld [tilespmem:s23+$0x0];
	v22 =	vbroadcast v17, $0x0;
	v10 =	vmul.f32 v10, v21;
	v58 =	vpop (erf)  }
0x101: {  	v56 =	vld [tilespmem:s24+$0x4];
	v42 =	vmul.f32 v61, v7;
	v20 =	vmul.f32 v20, v11;
	v60 =	vpop (erf);
	v54 =	vsub.f32 $0.0e+00, v57  }
0x102: {  	v59 =	vld [tilespmem:s23+$0xFFFFFF80];
	v3 =	vbroadcast v34, $0x1;
	v44 =	vpop (erf);
	v63 =	vmul.f32 v8, v22  }
0x103: {  	v61 =	vld [tilespmem:s23+$0xFFFFFEC0];
	v13 =	vmul.f32 v13, v9;
	v54 =	vmul.f32 $1.442695020e+00, v54;
	v8 =	vpop (erf)  }
0x104: {  	v0 =	vmul.f32 v0, v3;
	v43 =	vmul.f32 v8, v23;
	v23 =	vld [tilespmem:s23+$0x80]  }
0x105: {  	v20 =	vadd.f32 v20, v13;
	v13 =	vmul.f32 v62, v1;
	(erf) = vpow2.f32 v54;
	v54 =	vld [tilespmem:s23+$0xA0]  }
0x106: {  	v15 =	vbroadcast v56, $0x1;
	v63 =	vadd.f32 v10, v63;
	[tilespmem:$0x1FF50] =	vst v1  }
0x107: {  	v10 =	vmul.f32 v59, v2;
	[tilespmem:$0x1FF60] =	vst v3;
	v24 =	vadd.f32 v0, v13;
	v0 =	vbroadcast v17, $0x2  }
0x108: {  	v4 =	vbroadcast v56, $0x0;
	v62 =	vld [tilespmem:s23+$0xFFFFFF40]  }
0x109: {  	v59 =	vadd.f32 v42, v10;
	v42 =	vadd.f32 $1.000000000e+00, v12;
	v14 =	vld [tilespmem:s23+$0xFFFFFFC0];
	[tilespmem:$0x1FF70] =	vst v15;
	v61 =	vmul.f32 v61, v0  }
0x10a: {  	v19 =	vadd.f32 $1.000000000e+00, v19;
	v5 =	vmovc v0;
	v0 =	vld [tilespmem:s23+$0xFFFFFEE0];
	v23 =	vmul.f32 v23, v4;
	v13 =	vmul.f32 v54, v15  }
0x10b: {  	v58 =	vadd.f32 $1.000000000e+00, v58;
	v1 =	vbroadcast v16, $0x2;
	(erf) = vrcp.f32 v42;
	v42 =	vld [tilespmem:s23+$0x40]  }
0x10c: {  	v17 =	vbroadcast v17, $0x3;
	v25 =	vadd.f32 v13, v23;
	v13 =	vbroadcast v18, $0x2  }
0x10d: {  	(erf) = vrcp.f32 v19;
	v19 =	vbroadcast v34, $0x2;
	v61 =	vadd.f32 v61, v63;
	v63 =	vld [tilespmem:s23+$0xFFFFFF60]  }
0x10e: {  	(erf) = vrcp.f32 v58;
	v58 =	vld [tilespmem:s23+$0xFFFFFFE0];
	v14 =	vmul.f32 v14, v13  }
0x10f: {  	v16 =	vbroadcast v16, $0x3;
	v15 =	vld [tilespmem:s23+$0xC0];
	v0 =	vmul.f32 v0, v17  }
0x110: {  	v62 =	vmul.f32 v62, v1;
	v59 =	vadd.f32 v14, v59;
	v14 =	vmul.f32 v42, v19;
	v42 =	vpop (erf)  }
0x111: {  	v18 =	vbroadcast v18, $0x3;
	v28 =	vadd.f32 v0, v61;
	v54 =	vadd.f32 $1.000000000e+00, v42  }
0x112: {  	v6 =	vmovc v2;
	[tilespmem:s22+$0xFFFFFF80] =	vst v26;
	v62 =	vadd.f32 v62, v20;
	v20 =	vbroadcast v56, $0x2;
	v2 =	vmul.f32 v63, v16  }
0x113: {  	v26 =	vld [tilespmem:s23+$0xE0];
	[tilespmem:s22+$0x0] =	vst v27;
	v27 =	vmul.f32 v58, v18;
	v0 =	vsub.f32 $0.0e+00, v28;
	(erf) = vrcp.f32 v54  }
0x114: {  	v23 =	vld [tilespmem:s23+$0x60];
	v24 =	vadd.f32 v14, v24;
	v14 =	vmul.f32 v15, v20;
	v54 =	vadd.f32 v2, v62  }
0x115: {  	[tilespmem:s22+$0x80] =	vst v53;
	v53 =	vadd.f32 v27, v59;
	v27 =	vadd.f32 $1.000000000e+00, v60;
	v58 =	vmul.f32 $1.442695020e+00, v0  }
0x116: {  	v25 =	vadd.f32 v14, v25;
	v14 =	vbroadcast v56, $0x3;
	v62 =	vsub.f32 $0.0e+00, v54  }
0x117: {  	v42 =	vld [tilespmem:s25+$0xFFFFFFB0];
	v15 =	vbroadcast v34, $0x3  }
0x118: {  	(erf) = vrcp.f32 v27;
	v26 =	vmul.f32 v26, v14  }
0x119: {  	v23 =	vmul.f32 v23, v15;
	(erf) = vpow2.f32 v58;
	v58 =	vpop (erf)  }
0x11a: {  	v50 =	vadd.f32 v51, v50;
	v0 =	vadd.f32 v26, v25;
	v25 =	vmul.f32 $1.442695020e+00, v62;
	v62 =	vpop (erf)  }
0x11b: {  	v51 =	vld [tilespmem:$0x1FF90];
	v63 =	vadd.f32 v23, v24;
	v24 =	vsub.f32 $0.0e+00, v53;
	v30 =	vpop (erf)  }
0x11c: {  	v61 =	vld [tilespmem:s25+$0xFFFFFF90];
	v33 =	vmul.f32 v42, v33;
	v2 =	vpop (erf)  }
0x11d: {  	v12 =	vmovc v1;
	v59 =	vld [tilespmem:s25+$0x30];
	v24 =	vmul.f32 $1.442695020e+00, v24;
	v1 =	vsub.f32 $0.0e+00, v63;
	v42 =	vmul.f32 v2, v57  }
0x11e: {  	s24 =	simm.s32 $0x7580;
	v60 =	vld [tilespmem:s25+$0x90];
	(erf) = vpow2.f32 v25  }
0x11f: {  	(erf) = vpow2.f32 v24;
	v24 =	vmul.f32 $1.442695020e+00, v1;
	v1 =	vld [tilespmem:$0x1FF80];
	[tilespmem:s24+$0x100] =	vst v42  }
0x120: {  	v45 =	vadd.f32 v52, v45;
	v25 =	vsub.f32 $0.0e+00, v0;
	v52 =	vld [tilespmem:$0x1FFA0];
	_ =	sdelay $0x1  }
0x121: {  	v34 =	vld [tilespmem:s25+$0xFFFFFFD0];
	v25 =	vmul.f32 $1.442695020e+00, v25  }
0x122: {  	v56 =	vld [tilespmem:s25+$0x10];
	(erf) = vpow2.f32 v24  }
0x123: {  	v27 =	vmul.f32 v61, v35;
	v61 =	vld [tilespmem:s25+$0xFFFFFF50];
	(erf) = vpow2.f32 v25  }
0x124: {  	v25 =	vmul.f32 v59, v51;
	v51 =	vmul.f32 v60, v52;
	v60 =	vld [tilespmem:$0x1FFC0]  }
0x125: {  	v23 =	vld [tilespmem:s25+$0xB0]  }
0x126: {  	v26 =	vld [tilespmem:s25+$0xFFFFFED0]  }
0x127: {  	v59 =	vld [tilespmem:$0x1FFB0]  }
0x128: {  	v35 =	vld [tilespmem:s25+$0x50]  }
0x129: {  	v27 =	vadd.f32 v33, v27;
	v33 =	vmul.f32 v61, v60;
	v61 =	vld [tilespmem:$0x1FFD0]  }
0x12a: {  	v57 =	vld [tilespmem:s25+$0xD0]  }
0x12b: {  	v24 =	vmul.f32 v56, v1;
	v56 =	vld [tilespmem:s25+$0xFFFFFEF0]  }
0x12c: {  	v29 =	vmul.f32 v26, v29;
	v26 =	vpop (erf);
	v23 =	vmul.f32 v23, v59;
	v59 =	vld [tilespmem:s23+$0x130]  }
0x12d: {  	v44 =	vadd.f32 $1.000000000e+00, v44;
	v52 =	vld [tilespmem:s23+$0x110];
	v60 =	vpop (erf)  }
0x12e: {  	v35 =	vmul.f32 v35, v36;
	v36 =	vadd.f32 $1.000000000e+00, v60;
	v2 =	vpop (erf);
	v34 =	vmul.f32 v34, v61;
	v61 =	vld [tilespmem:$0x1FFE0]  }
0x12f: {  	v42 =	vld [tilespmem:s25+$0xFFFFFF70];
	v33 =	vadd.f32 v33, v45;
	v45 =	vadd.f32 $1.000000000e+00, v2  }
0x130: {  	v38 =	vmul.f32 v57, v38;
	v23 =	vadd.f32 v23, v51;
	v51 =	vld [tilespmem:s23+$0x150];
	(erf) = vrcp.f32 v36  }
0x131: {  	v24 =	vadd.f32 v25, v24;
	v25 =	vld [tilespmem:s25+$0xFFFFFFF0];
	v49 =	vmul.f32 v59, v49;
	v57 =	vpop (erf);
	(erf) = vrcp.f32 v45  }
0x132: {  	v59 =	vld [tilespmem:s23+$0x170];
	v34 =	vadd.f32 v34, v27;
	v27 =	vmul.f32 v52, v46;
	v46 =	vadd.f32 $1.000000000e+00, v57  }
0x133: {  	v30 =	vmul.f32 v30, v41;
	v29 =	vadd.f32 v29, v50;
	v50 =	vmul.f32 v56, v61;
	v61 =	vpop (erf)  }
0x134: {  	v42 =	vmul.f32 v42, v55;
	v60 =	vld [tilespmem:s25+$0xF0];
	(erf) = vrcp.f32 v46;
	v45 =	vadd.f32 $1.000000000e+00, v61  }
0x135: {  	v35 =	vadd.f32 v35, v24;
	v47 =	vmul.f32 v51, v47;
	v27 =	vadd.f32 v49, v27;
	v56 =	vld [tilespmem:s25+$0x70];
	v1 =	vpop (erf)  }
0x136: {  	v25 =	vmul.f32 v25, v37;
	v24 =	vadd.f32 $1.000000000e+00, v1;
	(erf) = vrcp.f32 v45  }
0x137: {  	v38 =	vadd.f32 v38, v23;
	v2 =	vmul.f32 v59, v48;
	v27 =	vadd.f32 v47, v27  }
0x138: {  	v48 =	vmul.f32 v62, v40;
	v25 =	vadd.f32 v25, v34;
	(erf) = vrcp.f32 v24  }
0x139: {  	v23 =	vadd.f32 v50, v29;
	v27 =	vadd.f32 v2, v27;
	v50 =	vpop (erf);
	(erf) = vrcp.f32 v44  }
0x13a: {  	v32 =	vmul.f32 v60, v32;
	v46 =	vld [tilespmem:$0x1FFF0];
	[tilespmem:s22+$0x110] =	vst v43;
	v57 =	vsub.f32 $0.0e+00, v25;
	v31 =	vmul.f32 v56, v31;
	v55 =	vpop (erf)  }
0x13b: {  	[tilespmem:s21+$0xFFFFFF10] =	vst v48;
	v24 =	vadd.f32 v42, v33;
	v49 =	vsub.f32 $0.0e+00, v27;
	v34 =	vmul.f32 v55, v54  }
0x13c: {  	[tilespmem:s21+$0xFFFFFF90] =	vst v30;
	v36 =	vmul.f32 $1.442695020e+00, v57;
	v29 =	vadd.f32 v31, v35;
	v31 =	vmul.f32 v58, v39  }
0x13d: {  	v47 =	vsub.f32 $0.0e+00, v23;
	v51 =	vsub.f32 $0.0e+00, v24;
	v52 =	vmul.f32 $1.442695020e+00, v49;
	[tilespmem:s24+$0xFFFFFF00] =	vst v34;
	v58 =	vpop (erf)  }
0x13e: {  	[tilespmem:s21+$0xFFFFFE90] =	vst v31;
	v31 =	vmul.f32 v50, v28;
	v28 =	vadd.f32 v32, v38;
	v30 =	vmul.f32 v58, v53  }
0x13f: {  	[tilespmem:s21+$0x110] =	vst v46;
	v56 =	vmul.f32 $1.442695020e+00, v47;
	v35 =	vmul.f32 $1.442695020e+00, v51;
	v59 =	vsub.f32 $0.0e+00, v29;
	v33 =	vld [tilespmem:s23+$0xFFFFFF10];
	v60 =	vpop (erf)  }
0x140: {  	(erf) = vpow2.f32 v52;
	v34 =	vld [tilespmem:s23+$0xFFFFFF30];
	[tilespmem:s24+$0xFFFFFE80] =	vst v31;
	v61 =	vsub.f32 $0.0e+00, v28;
	v62 =	vmul.f32 v60, v63  }
0x141: {  	(erf) = vpow2.f32 v56;
	v37 =	vmul.f32 $1.442695020e+00, v59;
	v31 =	vld [tilespmem:s23+$0xFFFFFE90];
	[tilespmem:s24+$0xFFFFFF80] =	vst v30;
	v63 =	vpop (erf)  }
0x142: {  	s28 =	simm.s32 $0x254;
	s26 =	simm.s32 $0xC;
	v10 =	vmov v4;
	s25 =	simm.s32 $0xD80;
	v32 =	vld [tilespmem:s23+$0xFFFFFEB0];
	v38 =	vmul.f32 $1.442695020e+00, v61;
	v39 =	vmul.f32 v63, v0;
	v30 =	vpop (erf);
	[tilespmem:s24+$0x0] =	vst v62  }
.LBB2_5:
0x143: {  	v0 =	vld [tilespmem:s28+$0x8]  }
0x144: {  	v1 =	vld [tilespmem:$0x1FF30]  }
0x145: {  	v56 =	vld [tilespmem:$0x1FF40]  }
0x146: {  	s23 =	sadd.s32 $0x300, s23;
	[tilespmem:s24+$0x80] =	vst v39;
	(erf) = vpow2.f32 v35;
	v39 =	vld [tilespmem:s28+$0xFFFFFFF8]  }
0x147: {  	v55 =	vmov v29;
	v29 =	vld [tilespmem:s23+$0x100];
	(erf) = vpow2.f32 v36  }
0x148: {  	v60 =	vld [tilespmem:s23+$0x160];
	(erf) = vpow2.f32 v37;
	v22 =	vmul.f32 v31, v22  }
0x149: {  	v36 =	vld [tilespmem:s28+$0xFFFFFFFC];
	v21 =	vmul.f32 v32, v21;
	v26 =	vmul.f32 v26, v1  }
0x14a: {  	v46 =	vld [tilespmem:s23+$0xFFFFFF00];
	v31 =	vmul.f32 v33, v9;
	(erf) = vpow2.f32 v38  }
0x14b: {  	v57 =	vmov v28;
	v11 =	vmul.f32 v34, v11;
	v28 =	vbroadcast v0, $0x0;
	[tilespmem:s21+$0x10] =	vst v26;
	v26 =	vld [tilespmem:s23+$0x120]  }
0x14c: {  	[tilespmem:$0x1FF40] =	vst v57;
	v57 =	vld [tilespmem:s23+$0xFFFFFF80];
	v32 =	vadd.f32 v21, v22;
	v21 =	vmul.f32 v30, v56;
	v9 =	vbroadcast v39, $0x0  }
0x14d: {  	v22 =	vld [tilespmem:s23+$0x140];
	v30 =	vbroadcast v0, $0x1;
	v33 =	vadd.f32 v11, v31;
	v11 =	vbroadcast v39, $0x1;
	v58 =	vpop (erf)  }
0x14e: {  	v38 =	vld [tilespmem:s28+$0xFFFFFFF4];
	v41 =	vbroadcast v36, $0x0;
	v52 =	vbroadcast v36, $0x1;
	v59 =	vadd.f32 $1.000000000e+00, v58  }
0x14f: {  	v56 =	vld [tilespmem:s23+$0xFFFFFF20];
	[tilespmem:s21+$0x90] =	vst v21;
	v21 =	vmul.f32 v29, v28;
	v29 =	vbroadcast v0, $0x2  }
0x150: {  	v40 =	vld [tilespmem:s23+$0xFFFFFE80];
	v31 =	vpop (erf);
	(erf) = vrcp.f32 v59;
	v26 =	vmul.f32 v26, v30  }
0x151: {  	v50 =	vbroadcast v36, $0x2;
	v37 =	vld [tilespmem:s28+$0x0];
	v46 =	vmul.f32 v46, v9;
	v48 =	vadd.f32 $1.000000000e+00, v31  }
0x152: {  	v42 =	vld [tilespmem:s23+$0xFFFFFEA0];
	v31 =	vbroadcast v0, $0x3;
	v61 =	vpop (erf);
	v22 =	vmul.f32 v22, v29;
	v21 =	vadd.f32 v26, v21  }
0x153: {  	v47 =	vld [tilespmem:s28+$0x4];
	v51 =	vbroadcast v38, $0x2;
	v57 =	vmul.f32 v57, v41;
	v54 =	vadd.f32 $1.000000000e+00, v61  }
0x154: {  	v59 =	vld [tilespmem:s23+$0x0];
	v62 =	vpop (erf);
	v35 =	vmul.f32 v60, v31;
	v56 =	vmul.f32 v56, v11;
	v45 =	vadd.f32 v22, v21  }
0x155: {  	v1 =	vld [tilespmem:s23+$0xFFFFFFA0];
	v0 =	vadd.f32 $1.000000000e+00, v62;
	v22 =	vbroadcast v38, $0x0;
	v21 =	vbroadcast v38, $0x1  }
0x156: {  	v61 =	vld [tilespmem:s23+$0x20];
	v43 =	vbroadcast v37, $0x1;
	v26 =	vbroadcast v37, $0x0;
	v53 =	vadd.f32 v35, v45  }
0x157: {  	v63 =	vpop (erf);
	v56 =	vadd.f32 v56, v46;
	v40 =	vmul.f32 v40, v22;
	v42 =	vmul.f32 v42, v21  }
0x158: {  	[tilespmem:$0x1FF30] =	vst v55;
	v55 =	vpop (erf);
	v46 =	vld [tilespmem:s23+$0xFFFFFF40];
	v49 =	vbroadcast v47, $0x0;
	v44 =	vbroadcast v47, $0x1;
	v60 =	vsub.f32 $0.0e+00, v53  }
0x159: {  	v34 =	vadd.f32 $1.000000000e+00, v55;
	v59 =	vmul.f32 v59, v26;
	v62 =	vpop (erf);
	v55 =	vadd.f32 v42, v40;
	v42 =	vld [tilespmem:s23+$0x80]  }
0x15a: {  	v27 =	vmul.f32 v62, v27;
	v62 =	vld [tilespmem:s23+$0xFFFFFEC0];
	v2 =	vmul.f32 $1.442695020e+00, v60  }
0x15b: {  	v61 =	vmul.f32 v61, v43;
	v35 =	vmul.f32 v1, v52;
	v60 =	vld [tilespmem:s23+$0xA0]  }
0x15c: {  	v3 =	vld [tilespmem:s23+$0xFFFFFF60];
	v58 =	vadd.f32 $1.000000000e+00, v63;
	v45 =	vbroadcast v39, $0x2;
	(erf) = vpow2.f32 v2  }
0x15d: {  	v63 =	vld [tilespmem:s23+$0xFFFFFFC0];
	v57 =	vadd.f32 v35, v57;
	v40 =	vbroadcast v47, $0x2;
	v35 =	vbroadcast v38, $0x3  }
0x15e: {  	v1 =	vld [tilespmem:s23+$0x40];
	v38 =	vbroadcast v39, $0x3;
	v2 =	vmul.f32 v42, v49  }
0x15f: {  	v39 =	vadd.f32 v61, v59;
	v61 =	vmul.f32 v62, v51;
	v42 =	vbroadcast v36, $0x3  }
0x160: {  	v36 =	vmul.f32 v46, v45;
	v59 =	vmul.f32 v60, v44;
	v60 =	vld [tilespmem:s23+$0xC0]  }
0x161: {  	[tilespmem:s24+$0x110] =	vst v27;
	v27 =	vbroadcast v37, $0x2;
	v62 =	vld [tilespmem:s23+$0xFFFFFEE0];
	v46 =	vbroadcast v37, $0x3  }
0x162: {  	v37 =	vadd.f32 v61, v55;
	v61 =	vmul.f32 v63, v50;
	v36 =	vadd.f32 v36, v56;
	v56 =	vld [tilespmem:s23+$0x60]  }
0x163: {  	v3 =	vmul.f32 v3, v38;
	v1 =	vmul.f32 v1, v27;
	v2 =	vadd.f32 v59, v2;
	v59 =	vld [tilespmem:s23+$0xFFFFFFE0]  }
0x164: {  	v47 =	vbroadcast v47, $0x3;
	(erf) = vrcp.f32 v48;
	v55 =	vadd.f32 v61, v57;
	v57 =	vld [tilespmem:s23+$0xE0]  }
0x165: {  	v1 =	vadd.f32 v1, v39;
	v36 =	vadd.f32 v3, v36;
	v48 =	vmul.f32 v60, v40;
	v60 =	vpop (erf)  }
0x166: {  	v61 =	vld [tilespmem:s25+$0xFFFFFFB0];
	(erf) = vrcp.f32 v54;
	v54 =	vmul.f32 v62, v35;
	v39 =	vadd.f32 $1.000000000e+00, v60  }
0x167: {  	v3 =	vmul.f32 v56, v46;
	v60 =	vld [tilespmem:s25+$0xFFFFFF90];
	v2 =	vadd.f32 v48, v2;
	(erf) = vrcp.f32 v0  }
0x168: {  	v56 =	vld [tilespmem:s25+$0x30];
	v63 =	vmul.f32 v59, v42;
	v48 =	vadd.f32 v54, v37;
	(erf) = vrcp.f32 v39  }
0x169: {  	v62 =	vmul.f32 v57, v47;
	v0 =	vld [tilespmem:s25+$0xFFFFFED0];
	v37 =	vadd.f32 v3, v1  }
0x16a: {  	v54 =	vld [tilespmem:s25+$0x10];
	v39 =	vadd.f32 v63, v55;
	(erf) = vrcp.f32 v58;
	v58 =	vsub.f32 $0.0e+00, v48  }
0x16b: {  	v7 =	vmul.f32 v61, v7;
	v3 =	vld [tilespmem:s25+$0xB0];
	v63 =	vsub.f32 $0.0e+00, v36;
	v57 =	vsub.f32 $0.0e+00, v37  }
0x16c: {  	v55 =	vld [tilespmem:s25+$0x90];
	v59 =	vsub.f32 $0.0e+00, v39;
	v1 =	vmul.f32 v60, v6;
	v58 =	vmul.f32 $1.442695020e+00, v58  }
0x16d: {  	v6 =	vmovc v41;
	v41 =	vadd.f32 v62, v2;
	v2 =	vmul.f32 $1.442695020e+00, v63;
	v60 =	vld [tilespmem:s25+$0xFFFFFF50];
	v57 =	vmul.f32 $1.442695020e+00, v57  }
0x16e: {  	v61 =	vpop (erf);
	v59 =	vmul.f32 $1.442695020e+00, v59;
	(erf) = vpow2.f32 v58;
	v1 =	vadd.f32 v7, v1;
	v7 =	vld [tilespmem:$0x1FF50]  }
0x16f: {  	v58 =	vld [tilespmem:s25+$0xFFFFFFD0];
	v63 =	vpop (erf);
	(erf) = vpow2.f32 v2  }
0x170: {  	v4 =	vsub.f32 $0.0e+00, v41;
	v2 =	vld [tilespmem:s25+$0x50];
	(erf) = vpow2.f32 v59;
	v62 =	vpop (erf)  }
0x171: {  	v59 =	vld [tilespmem:s25+$0xD0];
	(erf) = vpow2.f32 v57;
	v57 =	vpop (erf)  }
0x172: {  	v8 =	vmov v52;
	v52 =	vmul.f32 $1.442695020e+00, v4;
	v4 =	vld [tilespmem:s25+$0xFFFFFEF0];
	v53 =	vmul.f32 v57, v53  }
0x173: {  	s21 =	smov.u32 s22;
	s22 =	smov.u32 s24;
	s24 =	sadd.s32 $0x300, s24;
	v54 =	vmul.f32 v54, v7;
	v7 =	vmov v8;
	v8 =	vld [tilespmem:$0x1FF60]  }
0x174: {  	v26 =	vmov v26;
	v0 =	vmul.f32 v0, v5;
	v55 =	vmul.f32 v55, v10;
	[tilespmem:s24+$0x100] =	vst v53;
	v53 =	vld [tilespmem:$0x1FF70]  }
0x175: {  	v10 =	vmov v49;
	v49 =	vmul.f32 v60, v12;
	(erf) = vpow2.f32 v52;
	v57 =	vld [tilespmem:s25+$0xFFFFFFF0]  }
0x176: {  	v52 =	vld [tilespmem:s25+$0xFFFFFF70];
	v58 =	vmul.f32 v58, v13  }
0x177: {  	[tilespmem:$0x1FF50] =	vst v26;
	v0 =	vadd.f32 v0, v32;
	v26 =	vpop (erf);
	v32 =	vadd.f32 v49, v33;
	v2 =	vmul.f32 v2, v19  }
0x178: {  	v19 =	vmul.f32 v59, v20;
	v4 =	vmul.f32 v4, v17;
	v1 =	vadd.f32 v58, v1;
	v20 =	vpop (erf)  }
0x179: {  	v12 =	vmovc v45;
	v56 =	vmul.f32 v56, v8;
	v8 =	vmovc v43;
	v3 =	vmul.f32 v3, v53;
	v53 =	vmov v44;
	v44 =	vld [tilespmem:s23+$0x110]  }
0x17a: {  	v45 =	vld [tilespmem:s23+$0x130];
	v0 =	vadd.f32 v4, v0;
	v58 =	vmul.f32 v57, v18;
	[tilespmem:$0x1FF60] =	vst v8;
	v8 =	vadd.f32 $1.000000000e+00, v20;
	v20 =	vpop (erf)  }
0x17b: {  	v60 =	vadd.f32 v56, v54;
	v56 =	vmul.f32 v52, v16;
	v16 =	vadd.f32 $1.000000000e+00, v20;
	v20 =	vpop (erf)  }
0x17c: {  	v49 =	vld [tilespmem:s23+$0x150];
	v18 =	vadd.f32 $1.000000000e+00, v20;
	(erf) = vrcp.f32 v8;
	v17 =	vpop (erf);
	v3 =	vadd.f32 v3, v55  }
0x17d: {  	v43 =	vld [tilespmem:s25+$0x70];
	v2 =	vadd.f32 v2, v60;
	v60 =	vadd.f32 $1.000000000e+00, v17  }
0x17e: {  	v59 =	vld [tilespmem:s23+$0x170];
	v3 =	vadd.f32 v19, v3;
	v19 =	vpop (erf);
	(erf) = vrcp.f32 v16;
	v8 =	vmul.f32 v44, v28  }
0x17f: {  	v33 =	vld [tilespmem:s25+$0xF0];
	v28 =	vmul.f32 v45, v30;
	v30 =	vadd.f32 $1.000000000e+00, v19;
	(erf) = vrcp.f32 v18  }
0x180: {  	v57 =	vmul.f32 v63, v24;
	v1 =	vadd.f32 v58, v1;
	(erf) = vrcp.f32 v60  }
0x181: {  	v19 =	vmovc v27;
	v27 =	vadd.f32 v28, v8;
	v28 =	vmul.f32 v49, v29;
	(erf) = vrcp.f32 v30  }
0x182: {  	v43 =	vmul.f32 v43, v15;
	v8 =	vadd.f32 v56, v32;
	v56 =	vmul.f32 v61, v23  }
0x183: {  	v5 =	vmovc v51;
	v23 =	vmovc v0;
	(erf) = vrcp.f32 v34;
	v27 =	vadd.f32 v28, v27;
	v28 =	vmul.f32 v59, v31  }
0x184: {  	v13 =	vmovc v50;
	v4 =	vmul.f32 v33, v14;
	v29 =	vadd.f32 v43, v2;
	v0 =	vsub.f32 $0.0e+00, v23;
	v24 =	vmovc v8  }
0x185: {  	v58 =	vmul.f32 v62, v25;
	[tilespmem:s21+$0xFFFFFF10] =	vst v57;
	v30 =	vpop (erf);
	v31 =	vsub.f32 $0.0e+00, v24;
	v27 =	vadd.f32 v28, v27  }
0x186: {  	s26 =	sadd.s32 $0x6, s26;
	v14 =	vmovc v47;
	[tilespmem:$0x1FF70] =	vst v53;
	v17 =	vmovc v35;
	v59 =	vsub.f32 $0.0e+00, v1;
	v0 =	vmul.f32 $1.442695020e+00, v0;
	v8 =	vmul.f32 v30, v48  }
0x187: {  	p0 =	slt.u32 s26, $0x60;
	[tilespmem:s21+$0xFFFFFE90] =	vst v56;
	v28 =	vadd.f32 v4, v3;
	v35 =	vmul.f32 $1.442695020e+00, v31;
	v4 =	vsub.f32 $0.0e+00, v27;
	v3 =	vpop (erf)  }
.Ltmp1:
0x188: {  	v60 =	vsub.f32 $0.0e+00, v29;
	[tilespmem:s24+$0xFFFFFE80] =	vst v8;
	v8 =	vmul.f32 v3, v36;
	v3 =	vpop (erf);
	v36 =	vmul.f32 $1.442695020e+00, v59;
	(pc) =	sbr.rel @p0 .LBB2_5-.Ltmp1, $4  }
0x189: {  	v20 =	vmov v40;
	[tilespmem:s21+$0xFFFFFF90] =	vst v58;
	v31 =	vld [tilespmem:s23+$0xFFFFFE90];
	v61 =	vmul.f32 $1.442695020e+00, v4;
	v3 =	vmul.f32 v3, v39;
	v30 =	vpop (erf)  }
0x18a: {  	v32 =	vld [tilespmem:s23+$0xFFFFFEB0];
	v4 =	vsub.f32 $0.0e+00, v28;
	[tilespmem:s24+$0xFFFFFF00] =	vst v8;
	v62 =	vmul.f32 v30, v37;
	v63 =	vpop (erf);
	v37 =	vmul.f32 $1.442695020e+00, v60  }
0x18b: {  	v25 =	vmovc v1;
	v15 =	vmovc v46;
	v16 =	vmov v38;
	(erf) = vpow2.f32 v61;
	v33 =	vld [tilespmem:s23+$0xFFFFFF10];
	[tilespmem:s24+$0xFFFFFF80] =	vst v3;
	v39 =	vmul.f32 v63, v41  }
0x18c: {  	s28 =	sadd.s32 $0x18, s28;
	s25 =	smov.u32 s23;
	v18 =	vmov v42;
	v30 =	vpop (erf);
	v34 =	vld [tilespmem:s23+$0xFFFFFF30];
	v38 =	vmul.f32 $1.442695020e+00, v4;
	[tilespmem:s24+$0x0] =	vst v62;
	(erf) = vpow2.f32 v0  }
0x18d: {  	v0 =	vld [tilespmem:s25+$0xFFFFFF90]  }
0x18e: {  	v1 =	vld [tilespmem:s25+$0xFFFFFFB0]  }
0x18f: {  	v2 =	vld [tilespmem:s25+$0x10]  }
0x190: {  	v3 =	vld [tilespmem:s25+$0x30]  }
0x191: {  	v45 =	vld [tilespmem:s25+$0xFFFFFED0]  }
0x192: {  	v48 =	vld [tilespmem:s25+$0xFFFFFF50]  }
0x193: {  	v49 =	vld [tilespmem:s25+$0xFFFFFFD0]  }
0x194: {  	v53 =	vld [tilespmem:s25+$0xFFFFFEF0]  }
0x195: {  	(erf) = vpow2.f32 v35;
	[tilespmem:s24+$0x80] =	vst v39;
	v57 =	vld [tilespmem:s25+$0xFFFFFF70]  }
0x196: {  	(erf) = vpow2.f32 v36;
	v63 =	vld [tilespmem:s25+$0x90]  }
0x197: {  	v42 =	vld [tilespmem:s25+$0xB0];
	v22 =	vmul.f32 v31, v22;
	(erf) = vpow2.f32 v37  }
0x198: {  	v54 =	vld [tilespmem:$0x1FF50];
	v21 =	vmul.f32 v32, v21;
	(erf) = vpow2.f32 v38  }
0x199: {  	v56 =	vld [tilespmem:$0x1FF60];
	v9 =	vmul.f32 v33, v9;
	v11 =	vmul.f32 v34, v11  }
0x19a: {  	v8 =	vld [tilespmem:$0x1FF70];
	v0 =	vmul.f32 v0, v6;
	v1 =	vmul.f32 v1, v7  }
0x19b: {  	v59 =	vld [tilespmem:s25+$0xFFFFFFF0];
	v60 =	vmul.f32 v45, v5;
	v62 =	vmul.f32 v48, v12  }
0x19c: {  	v50 =	vld [tilespmem:s25+$0x50];
	v13 =	vmul.f32 v49, v13;
	v7 =	vmul.f32 v53, v17  }
0x19d: {  	v61 =	vld [tilespmem:s25+$0x70];
	v21 =	vadd.f32 v21, v22;
	v32 =	vmul.f32 v57, v16;
	v2 =	vmul.f32 v2, v54  }
0x19e: {  	v9 =	vadd.f32 v11, v9;
	v3 =	vmul.f32 v3, v56;
	v58 =	vmul.f32 v63, v10  }
0x19f: {  	v8 =	vmul.f32 v42, v8;
	v4 =	vpop (erf);
	v0 =	vadd.f32 v1, v0;
	v31 =	vadd.f32 v60, v21  }
0x1a0: {  	v33 =	vmul.f32 v59, v18;
	v4 =	vadd.f32 $1.000000000e+00, v4;
	v2 =	vadd.f32 v3, v2  }
0x1a1: {  	v51 =	vld [tilespmem:s25+$0xD0];
	v63 =	vmul.f32 v50, v19;
	v41 =	vpop (erf);
	v6 =	vadd.f32 v8, v58;
	v9 =	vadd.f32 v62, v9  }
0x1a2: {  	v1 =	vmul.f32 v61, v15;
	v43 =	vadd.f32 $1.000000000e+00, v41;
	v44 =	vpop (erf);
	v0 =	vadd.f32 v13, v0  }
0x1a3: {  	v19 =	vld [tilespmem:s25+$0xF0];
	v34 =	vadd.f32 v7, v31;
	(erf) = vrcp.f32 v4;
	v46 =	vpop (erf);
	v47 =	vadd.f32 $1.000000000e+00, v44  }
0x1a4: {  	v2 =	vadd.f32 v63, v2;
	v4 =	vadd.f32 $1.000000000e+00, v46;
	(erf) = vrcp.f32 v43  }
0x1a5: {  	v5 =	vadd.f32 v32, v9;
	v0 =	vadd.f32 v33, v0;
	(erf) = vrcp.f32 v47  }
0x1a6: {  	v52 =	vpop (erf);
	v7 =	vsub.f32 $0.0e+00, v34;
	(erf) = vrcp.f32 v4;
	v4 =	vmul.f32 v51, v20  }
0x1a7: {  	v11 =	vadd.f32 $1.000000000e+00, v52;
	v1 =	vadd.f32 v1, v2  }
0x1a8: {  	v35 =	vmul.f32 v19, v14;
	v55 =	vpop (erf);
	v36 =	vsub.f32 $0.0e+00, v5;
	v4 =	vadd.f32 v4, v6  }
0x1a9: {  	v22 =	vadd.f32 $1.000000000e+00, v55;
	v37 =	vsub.f32 $0.0e+00, v0  }
0x1aa: {  	v7 =	vmul.f32 $1.442695020e+00, v7;
	(erf) = vrcp.f32 v11;
	v4 =	vadd.f32 v35, v4  }
0x1ab: {  	v38 =	vsub.f32 $0.0e+00, v1;
	v2 =	vmul.f32 $1.442695020e+00, v36;
	(erf) = vrcp.f32 v22  }
0x1ac: {  	v6 =	vmul.f32 $1.442695020e+00, v37;
	(erf) = vpow2.f32 v7;
	v39 =	vsub.f32 $0.0e+00, v4  }
0x1ad: {  	v40 =	vmul.f32 $1.442695020e+00, v38;
	(erf) = vpow2.f32 v2  }
0x1ae: {  	(erf) = vpow2.f32 v6;
	v41 =	vmul.f32 $1.442695020e+00, v39  }
0x1af: {  	v42 =	vpop (erf);
	(erf) = vpow2.f32 v40  }
0x1b0: {  	v43 =	vpop (erf);
	(erf) = vpow2.f32 v41  }
0x1b1: {  	v44 =	vpop (erf)  }
0x1b2: {  	v45 =	vpop (erf)  }
0x1b3: {  	v46 =	vpop (erf)  }
0x1b4: {  	v47 =	vpop (erf)  }
0x1b5: {  	v48 =	vpop (erf)  }
0x1b6: {  	v11 =	vadd.f32 $1.000000000e+00, v48;
	v49 =	vpop (erf)  }
0x1b7: {  	v50 =	vpop (erf);
	v12 =	vadd.f32 $1.000000000e+00, v49  }
0x1b8: {  	v51 =	vpop (erf);
	v13 =	vadd.f32 $1.000000000e+00, v50;
	(erf) = vrcp.f32 v11  }
0x1b9: {  	v14 =	vadd.f32 $1.000000000e+00, v51;
	v52 =	vpop (erf);
	(erf) = vrcp.f32 v12  }
0x1ba: {  	v6 =	vmul.f32 v42, v27;
	v11 =	vadd.f32 $1.000000000e+00, v52;
	(erf) = vrcp.f32 v13  }
0x1bb: {  	v53 =	vld [tilespmem:$0x1FF30];
	v7 =	vmul.f32 v43, v23;
	(erf) = vrcp.f32 v14  }
0x1bc: {  	v54 =	vld [tilespmem:$0x1FF40];
	[tilespmem:s24+$0x110] =	vst v6;
	v2 =	vmul.f32 v44, v24;
	(erf) = vrcp.f32 v11  }
0x1bd: {  	[tilespmem:s22+$0xFFFFFE90] =	vst v7;
	v55 =	vmul.f32 v45, v25  }
0x1be: {  	[tilespmem:s22+$0xFFFFFF10] =	vst v2;
	v56 =	vmul.f32 v46, v29  }
0x1bf: {  	[tilespmem:s22+$0xFFFFFF90] =	vst v55;
	v57 =	vmul.f32 v47, v28  }
0x1c0: {  	[tilespmem:s22+$0x10] =	vst v56;
	v12 =	vmul.f32 v26, v53  }
0x1c1: {  	[tilespmem:s22+$0x90] =	vst v57;
	v13 =	vmul.f32 v30, v54;
	v58 =	vpop (erf)  }
0x1c2: {  	[tilespmem:s21+$0x10] =	vst v12;
	v3 =	vmul.f32 v58, v34;
	v59 =	vpop (erf)  }
0x1c3: {  	[tilespmem:s21+$0x90] =	vst v13;
	v60 =	vpop (erf);
	v2 =	vmul.f32 v59, v5  }
0x1c4: {  	[tilespmem:s24+$0xFFFFFE90] =	vst v3;
	v61 =	vpop (erf);
	v0 =	vmul.f32 v60, v0  }
0x1c5: {  	[tilespmem:s24+$0xFFFFFF10] =	vst v2;
	v62 =	vpop (erf);
	v1 =	vmul.f32 v61, v1  }
0x1c6: {  	[tilespmem:s24+$0xFFFFFF90] =	vst v0;
	v63 =	vmul.f32 v62, v4  }
0x1c7: {  	[tilespmem:s24+$0x10] =	vst v1  }
0x1c8: {  	s22 =	simm.s32 $0x398;
	s21 =	simm.s32 $0x0;
	[tilespmem:s24+$0x90] =	vst v63  }
.LBB2_7:
0x1c9: {  	v0 =	vld [tilespmem:s22+$0x0];
	s23 =	sshra.s32 s21, $0x2  }
0x1ca: {  	v1 =	vld [tilespmem:s23+$0x3900]  }
0x1cb: {  	v2 =	vld [tilespmem:s23+$0x3920];
	_ =	sdelay $0x1  }
0x1cc: {  	v4 =	vld [tilespmem:s23+$0x3940]  }
0x1cd: {  	v3 =	vbroadcast v0, $0x0;
	v5 =	vbroadcast v0, $0x1  }
0x1ce: {  	v6 =	vld [tilespmem:s23+$0x3960];
	v7 =	vbroadcast v0, $0x2  }
0x1cf: {  	v1 =	vmul.f32 v1, v3;
	v2 =	vmul.f32 v2, v5;
	_ =	sdelay $0x1  }
0x1d0: {  	v0 =	vbroadcast v0, $0x3;
	v53 =	vmul.f32 v4, v7;
	v1 =	vadd.f32 v2, v1;
	_ =	sdelay $0x1  }
0x1d1: {  	v54 =	vmul.f32 v6, v0;
	v1 =	vadd.f32 v53, v1;
	_ =	sdelay $0x1  }
0x1d2: {  	v1 =	vadd.f32 v54, v1  }
0x1d3: {  	v55 =	vld [tilespmem:s23+$0x3910]  }
0x1d4: {  	v57 =	vld [tilespmem:s23+$0x3930];
	v56 =	vsub.f32 $0.0e+00, v1;
	_ =	sdelay $0x1  }
0x1d5: {  	v8 =	vld [tilespmem:s23+$0x3950];
	v4 =	vmul.f32 $1.442695020e+00, v56;
	_ =	sdelay $0x1  }
0x1d6: {  	v58 =	vld [tilespmem:s23+$0x3970];
	(erf) = vpow2.f32 v4  }
0x1d7: {  	v59 =	vmul.f32 v57, v5;
	v2 =	vmul.f32 v55, v3;
	_ =	sdelay $0x1  }
0x1d8: {  	v60 =	vmul.f32 v8, v7;
	v2 =	vadd.f32 v59, v2;
	_ =	sdelay $0x1  }
0x1d9: {  	v0 =	vmul.f32 v58, v0;
	v2 =	vadd.f32 v60, v2;
	_ =	sdelay $0x1  }
0x1da: {  	v0 =	vadd.f32 v0, v2;
	_ =	sdelay $0x1  }
0x1db: {  	v62 =	vsub.f32 $0.0e+00, v0;
	v61 =	vpop (erf)  }
0x1dc: {  	v2 =	vadd.f32 $1.000000000e+00, v61  }
0x1dd: {  	v3 =	vmul.f32 $1.442695020e+00, v62  }
0x1de: {  	(erf) = vrcp.f32 v2  }
0x1df: {  	(erf) = vpow2.f32 v3;
	_ =	sdelay $0x7  }
0x1e0: {  	v2 =	vpop (erf)  }
0x1e1: {  	v3 =	vpop (erf)  }
0x1e2: {  	v3 =	vadd.f32 $1.000000000e+00, v3;
	_ =	sdelay $0x1  }
0x1e3: {  	(erf) = vrcp.f32 v3;
	_ =	sdelay $0x6  }
0x1e4: {  	p0 =	sne.s32 s21, $0x200  }
.Ltmp2:
0x1e5: {  	_ = 	snop;
	(pc) =	sbr.rel @p0 .LBB2_7-.Ltmp2, $4  }
0x1e6: {  	v1 =	vmul.f32 v2, v1;
	v63 =	vpop (erf)  }
0x1e7: {  	v0 =	vmul.f32 v63, v0  }
0x1e8: {  	[tilespmem:s23+$0xA100] =	vst v1  }
0x1e9: {  	s22 =	sadd.s32 $0x4, s22;
	s21 =	sadd.s32 $0x200, s21;
	[tilespmem:s23+$0xA110] =	vst v0  }
0x1ea: {  	[spmem:s3] =	stream.indirect.scatter.add.f32 [tilespmem:s29], [sflag:$0x3], $0x80, s31, s2, $0xb8;
	[tilespmem:$0x1E200] =	vst v63  }
0x1eb: {  	_ =	swait.ge [sflag:s30], $0x3400  }
0x1ec: {  	[sflag:s30] =	ssyncset.done $0x0  }
0x1ed: {  	[sflag:s30] =	ssyncadd.s32 $0xFFFFCC00  }
0x1ee: {  	s20 =	sadd.s32 s20, s17;
	_ =	swait.ge [sflag:s15], $0x3400  }
0x1ef: {  	s21 =	sshrl.u32 s20, $0x3;
	[sflag:s15] =	ssyncset.done $0x0  }
0x1f0: {  	s22 =	sadd.s32 s5, s21;
	[sflag:s15] =	ssyncadd.s32 $0xFFFFCC00  }
0x1f1: {  	[tilespmem:s4], [sflag:$0x3] =	stream.linear.gather [hbm4b:s22+s4], $0x68, $0x38;
	[tilespmem:$0x1E200] =	vst v63  }
0x1f2: {  	_ =	swait.ge [sflag:s30], $0x68  }
0x1f3: {  	[sflag:s30] =	ssyncset.done $0x0  }
0x1f4: {  	s21 =	sadd.s32 s6, s21;
	[sflag:s30] =	ssyncadd.s32 $0xFFFFFF98  }
0x1f5: {  	[tilespmem:s31], [sflag:$0x3] =	stream.linear.gather [hbm4b:s21+s4], $0x68, $0x38;
	[tilespmem:$0x1E200] =	vst v63  }
0x1f6: {  	s20 =	sshrl.u32 s20, $0x1;
	_ =	swait.ge [sflag:s30], $0x68  }
0x1f7: {  	s20 =	sand.u32 $0x1FFFFFFC, s20;
	[sflag:s30] =	ssyncset.done $0x0  }
0x1f8: {  	s20 =	sadd.s32 s7, s20;
	[sflag:s30] =	ssyncadd.s32 $0xFFFFFF98  }
0x1f9: {  	[tilespmem:s1], [sflag:$0x3] =	stream.linear.gather [hbm4b:s20+s4], $0x1A0, $0x38;
	[tilespmem:$0x1E200] =	vst v63  }
0x1fa: {  	_ =	swait.ge [sflag:s30], $0x1A0  }
0x1fb: {  	[sflag:s30] =	ssyncset.done $0x0  }
0x1fc: {  	s25 =	simm.s32 $0x40C;
	[sflag:s30] =	ssyncadd.s32 $0xFFFFFE60  }
0x1fd: {  	[tilespmem:s9], [sflag:$0x1] =	stream.indirect.gather [hbm4b:s0+s2], $0x80, s4, s2, $0xb8;
	[tilespmem:$0x1E200] =	vst v63  }
0x1fe: {  	s26 =	simm.s32 $0x3B80;
	v0 =	vld [tilespmem:s25+$0x8]  }
0x1ff: {  	v1 =	vld [tilespmem:s26+$0x100]  }
0x200: {  	v2 =	vld [tilespmem:s26+$0x120];
	_ =	sdelay $0x1  }
0x201: {  	v3 =	vld [tilespmem:s26+$0x140]  }
0x202: {  	v21 =	vbroadcast v0, $0x0;
	v22 =	vbroadcast v0, $0x1  }
0x203: {  	v4 =	vld [tilespmem:s26+$0x160];
	v23 =	vbroadcast v0, $0x2  }
0x204: {  	v1 =	vmul.f32 v1, v21;
	v2 =	vmul.f32 v2, v22;
	_ =	sdelay $0x1  }
0x205: {  	v0 =	vbroadcast v0, $0x3;
	v45 =	vmul.f32 v3, v23;
	v1 =	vadd.f32 v2, v1;
	_ =	sdelay $0x1  }
0x206: {  	v7 =	vld [tilespmem:s25+$0xFFFFFFF8];
	v46 =	vmul.f32 v4, v0;
	v1 =	vadd.f32 v45, v1  }
0x207: {  	v24 =	vld [tilespmem:s25+$0x0]  }
0x208: {  	v26 =	vld [tilespmem:s25+$0x4];
	v25 =	vadd.f32 v46, v1  }
0x209: {  	v47 =	vld [tilespmem:s25+$0xFFFFFFF4]  }
0x20a: {  	v5 =	vld [tilespmem:s26+$0xFFFFFE80];
	v1 =	vsub.f32 $0.0e+00, v25  }
0x20b: {  	v6 =	vld [tilespmem:s26+$0xFFFFFEA0]  }
0x20c: {  	v9 =	vld [tilespmem:s26+$0xFFFFFF00];
	v1 =	vmul.f32 $1.442695020e+00, v1  }
0x20d: {  	v11 =	vld [tilespmem:s26+$0xFFFFFF20];
	v18 =	vbroadcast v7, $0x0;
	v17 =	vbroadcast v7, $0x1  }
0x20e: {  	v12 =	vld [tilespmem:s26+$0xFFFFFF80];
	v48 =	vbroadcast v26, $0x1;
	(erf) = vpow2.f32 v1  }
0x20f: {  	v27 =	vld [tilespmem:s26+$0xFFFFFFA0];
	v13 =	vbroadcast v24, $0x0;
	v8 =	vbroadcast v24, $0x1  }
0x210: {  	v10 =	vbroadcast v26, $0x0;
	v20 =	vbroadcast v47, $0x0;
	v4 =	vld [tilespmem:s25+$0xFFFFFFFC];
	[tilespmem:$0x1FE40] =	vst v48  }
0x211: {  	v19 =	vbroadcast v47, $0x1;
	v14 =	vbroadcast v47, $0x2;
	v28 =	vld [tilespmem:s26+$0x0]  }
0x212: {  	v3 =	vbroadcast v7, $0x2;
	v5 =	vmul.f32 v5, v20;
	v29 =	vld [tilespmem:s26+$0x20]  }
0x213: {  	v31 =	vmul.f32 v6, v19;
	v33 =	vmul.f32 v9, v18;
	v30 =	vld [tilespmem:s26+$0x80]  }
0x214: {  	v11 =	vmul.f32 v11, v17;
	v7 =	vbroadcast v7, $0x3;
	v34 =	vld [tilespmem:s26+$0xFFFFFEC0]  }
0x215: {  	v32 =	vld [tilespmem:s26+$0xA0];
	v31 =	vadd.f32 v31, v5;
	v5 =	vbroadcast v47, $0x3;
	v2 =	vbroadcast v24, $0x3  }
0x216: {  	v37 =	vld [tilespmem:s26+$0xFFFFFEE0];
	v15 =	vbroadcast v4, $0x0;
	v16 =	vbroadcast v4, $0x1  }
0x217: {  	v36 =	vld [tilespmem:s26+$0xFFFFFF40];
	v33 =	vadd.f32 v11, v33;
	v6 =	vbroadcast v4, $0x2;
	v11 =	vbroadcast v4, $0x3;
	v9 =	vpop (erf)  }
0x218: {  	v38 =	vld [tilespmem:s26+$0xFFFFFFC0];
	v4 =	vbroadcast v26, $0x3;
	v28 =	vmul.f32 v28, v13;
	v39 =	vadd.f32 $1.000000000e+00, v9  }
0x219: {  	v40 =	vld [tilespmem:s26+$0x40];
	v29 =	vmul.f32 v29, v8;
	v49 =	vmul.f32 v34, v14  }
0x21a: {  	v41 =	vld [tilespmem:s26+$0xC0];
	v30 =	vmul.f32 v30, v10;
	(erf) = vrcp.f32 v39  }
0x21b: {  	v50 =	vld [tilespmem:s26+$0xFFFFFF60];
	v32 =	vmul.f32 v32, v48;
	v37 =	vmul.f32 v37, v5  }
0x21c: {  	v51 =	vld [tilespmem:s26+$0xFFFFFFE0];
	v35 =	vmul.f32 v12, v15;
	v27 =	vmul.f32 v27, v16  }
0x21d: {  	v52 =	vld [tilespmem:s26+$0x60];
	v12 =	vbroadcast v24, $0x2;
	v31 =	vadd.f32 v49, v31;
	v28 =	vadd.f32 v29, v28  }
0x21e: {  	v53 =	vld [tilespmem:s26+$0xE0];
	v29 =	vmul.f32 v36, v3;
	v30 =	vadd.f32 v32, v30;
	v9 =	vbroadcast v26, $0x2  }
0x21f: {  	v24 =	vmul.f32 v38, v6;
	v27 =	vadd.f32 v27, v35;
	v31 =	vadd.f32 v37, v31  }
0x220: {  	v29 =	vadd.f32 v29, v33;
	v26 =	vmul.f32 v40, v12;
	v54 =	vmul.f32 v41, v9  }
0x221: {  	v24 =	vadd.f32 v24, v27;
	v27 =	vmul.f32 v50, v7;
	v55 =	vsub.f32 $0.0e+00, v31  }
0x222: {  	v26 =	vadd.f32 v26, v28;
	v28 =	vadd.f32 v54, v30;
	v30 =	vmul.f32 v51, v11  }
0x223: {  	v57 =	vmul.f32 v53, v4;
	v27 =	vadd.f32 v27, v29;
	v29 =	vmul.f32 v52, v2;
	v58 =	vpop (erf)  }
0x224: {  	v56 =	vmul.f32 $1.442695020e+00, v55;
	v24 =	vadd.f32 v30, v24;
	v25 =	vmul.f32 v58, v25  }
0x225: {  	s20 =	simm.s32 $0x6F80;
	v26 =	vadd.f32 v29, v26;
	v30 =	vsub.f32 $0.0e+00, v27  }
0x226: {  	(erf) = vpow2.f32 v56;
	v28 =	vadd.f32 v57, v28;
	v29 =	vsub.f32 $0.0e+00, v24;
	[tilespmem:s20+$0x100] =	vst v25  }
0x227: {  	v25 =	vmul.f32 $1.442695020e+00, v30;
	v30 =	vsub.f32 $0.0e+00, v26;
	v59 =	vld [tilespmem:s26+$0x110]  }
0x228: {  	v33 =	vsub.f32 $0.0e+00, v28;
	v29 =	vmul.f32 $1.442695020e+00, v29;
	v60 =	vld [tilespmem:s26+$0x130]  }
0x229: {  	v30 =	vmul.f32 $1.442695020e+00, v30;
	(erf) = vpow2.f32 v25  }
0x22a: {  	v25 =	vmul.f32 $1.442695020e+00, v33;
	(erf) = vpow2.f32 v29;
	v29 =	vld [tilespmem:s26+$0x150]  }
0x22b: {  	(erf) = vpow2.f32 v30  }
0x22c: {  	(erf) = vpow2.f32 v25  }
0x22d: {  	v25 =	vld [tilespmem:s26+$0x170];
	v21 =	vmul.f32 v59, v21;
	v22 =	vmul.f32 v60, v22;
	_ =	sdelay $0x1  }
0x22e: {  	v30 =	vpop (erf);
	v21 =	vadd.f32 v22, v21;
	v22 =	vmul.f32 v29, v23  }
0x22f: {  	v30 =	vadd.f32 $1.000000000e+00, v30;
	_ =	sdelay $0x1  }
0x230: {  	(erf) = vrcp.f32 v30;
	v21 =	vadd.f32 v22, v21;
	v0 =	vmul.f32 v25, v0  }
0x231: {  	v22 =	vpop (erf)  }
0x232: {  	v21 =	vadd.f32 v0, v21;
	v23 =	vpop (erf)  }
0x233: {  	v22 =	vadd.f32 $1.000000000e+00, v22;
	v61 =	vadd.f32 $1.000000000e+00, v23;
	v23 =	vpop (erf)  }
0x234: {  	s28 =	simm.s32 $0x424;
	v23 =	vadd.f32 $1.000000000e+00, v23;
	v29 =	vpop (erf)  }
0x235: {  	s24 =	simm.s32 $0x3E80;
	v25 =	vld [tilespmem:s28+$0x8];
	(erf) = vrcp.f32 v22;
	v22 =	vsub.f32 $0.0e+00, v21;
	v29 =	vadd.f32 $1.000000000e+00, v29  }
0x236: {  	v62 =	vld [tilespmem:s24+$0x100];
	(erf) = vrcp.f32 v61  }
0x237: {  	(erf) = vrcp.f32 v23;
	v22 =	vmul.f32 $1.442695020e+00, v22;
	v23 =	vld [tilespmem:s24+$0x120]  }
0x238: {  	(erf) = vrcp.f32 v29  }
0x239: {  	v29 =	vpop (erf);
	(erf) = vpow2.f32 v22;
	v22 =	vld [tilespmem:s24+$0x140]  }
0x23a: {  	v41 =	vbroadcast v25, $0x0;
	v42 =	vbroadcast v25, $0x1  }
0x23b: {  	v30 =	vld [tilespmem:s24+$0x160];
	v40 =	vbroadcast v25, $0x2;
	v29 =	vmul.f32 v29, v31  }
0x23c: {  	v0 =	vmul.f32 v62, v41;
	v23 =	vmul.f32 v23, v42;
	_ =	sdelay $0x1  }
0x23d: {  	v63 =	vld [tilespmem:s24+$0xFFFFFF00];
	v39 =	vbroadcast v25, $0x3;
	v0 =	vadd.f32 v23, v0;
	v22 =	vmul.f32 v22, v40  }
0x23e: {  	v38 =	vld [tilespmem:s28+$0x0];
	[tilespmem:s20+$0xFFFFFE80] =	vst v29;
	v29 =	vpop (erf)  }
0x23f: {  	v34 =	vld [tilespmem:s28+$0xFFFFFFF4];
	v23 =	vpop (erf);
	v0 =	vadd.f32 v22, v0;
	v22 =	vmul.f32 v30, v39  }
0x240: {  	v46 =	vld [tilespmem:s24+$0xFFFFFF20];
	v25 =	vpop (erf)  }
0x241: {  	v49 =	vld [tilespmem:s28+$0x4];
	v37 =	vmul.f32 v29, v27;
	v30 =	vpop (erf);
	v1 =	vadd.f32 v22, v0  }
0x242: {  	v32 =	vld [tilespmem:s28+$0xFFFFFFFC];
	v50 =	vmul.f32 v23, v24;
	v51 =	vmul.f32 v25, v26;
	v27 =	vpop (erf)  }
0x243: {  	v31 =	vld [tilespmem:s28+$0xFFFFFFF8];
	v26 =	vbroadcast v38, $0x1;
	v23 =	vadd.f32 $1.000000000e+00, v27;
	v25 =	vsub.f32 $0.0e+00, v1  }
0x244: {  	v48 =	vld [tilespmem:s26+$0xFFFFFE90];
	v52 =	vmul.f32 v30, v28;
	v28 =	vbroadcast v38, $0x0  }
0x245: {  	v24 =	vld [tilespmem:s24+$0xFFFFFE80];
	(erf) = vrcp.f32 v23;
	v23 =	vmul.f32 $1.442695020e+00, v25  }
0x246: {  	v30 =	vld [tilespmem:s24+$0xFFFFFEA0];
	[tilespmem:$0x1FEA0] =	vst v28;
	v25 =	vbroadcast v49, $0x0  }
0x247: {  	v47 =	vld [tilespmem:s24+$0xFFFFFF80];
	[tilespmem:$0x1FEB0] =	vst v26;
	(erf) = vpow2.f32 v23;
	v23 =	vbroadcast v49, $0x1  }
0x248: {  	v53 =	vld [tilespmem:s24+$0xFFFFFFA0];
	[tilespmem:$0x1FEC0] =	vst v25  }
0x249: {  	v45 =	vbroadcast v34, $0x1;
	v27 =	vbroadcast v31, $0x2;
	[tilespmem:$0x1FED0] =	vst v23  }
0x24a: {  	v44 =	vbroadcast v34, $0x0;
	v35 =	vbroadcast v32, $0x0;
	v54 =	vld [tilespmem:s24+$0xFFFFFEC0]  }
0x24b: {  	v57 =	vmul.f32 v30, v45;
	v30 =	vbroadcast v32, $0x2;
	v55 =	vld [tilespmem:s24+$0x0];
	[tilespmem:$0x1FEE0] =	vst v27  }
0x24c: {  	v33 =	vbroadcast v32, $0x1;
	v43 =	vbroadcast v31, $0x1;
	v56 =	vld [tilespmem:s24+$0xFFFFFEE0]  }
0x24d: {  	v22 =	vbroadcast v31, $0x0;
	v0 =	vbroadcast v34, $0x3;
	v58 =	vld [tilespmem:s24+$0x20];
	[tilespmem:$0x1FEF0] =	vst v30  }
0x24e: {  	v61 =	vmul.f32 v47, v35;
	v53 =	vmul.f32 v53, v33;
	v59 =	vld [tilespmem:s24+$0x80]  }
0x24f: {  	v29 =	vbroadcast v34, $0x2;
	v24 =	vmul.f32 v24, v44;
	v60 =	vld [tilespmem:s24+$0xFFFFFF40];
	[tilespmem:$0x1FF00] =	vst v0  }
0x250: {  	v36 =	vmul.f32 v63, v22;
	v61 =	vadd.f32 v53, v61;
	v53 =	vbroadcast v31, $0x3;
	v62 =	vld [tilespmem:s24+$0xA0]  }
0x251: {  	v57 =	vadd.f32 v57, v24;
	v63 =	vld [tilespmem:s24+$0xFFFFFF60];
	v34 =	vmul.f32 v54, v29;
	v54 =	vmul.f32 v46, v43;
	v46 =	vpop (erf)  }
0x252: {  	[tilespmem:s20+$0xFFFFFF00] =	vst v37;
	v37 =	vbroadcast v32, $0x3;
	v47 =	vmul.f32 v56, v0;
	v56 =	vld [tilespmem:s26+$0xFFFFFEB0];
	v0 =	vpop (erf)  }
0x253: {  	[tilespmem:s20+$0xFFFFFF80] =	vst v50;
	v55 =	vmul.f32 v55, v28;
	v34 =	vadd.f32 v34, v57;
	v57 =	vadd.f32 $1.000000000e+00, v0;
	v0 =	vld [tilespmem:s24+$0x40]  }
0x254: {  	[tilespmem:s20+$0x0] =	vst v51;
	v51 =	vld [tilespmem:s26+$0xFFFFFFB0];
	v58 =	vmul.f32 v58, v26;
	v54 =	vadd.f32 v54, v36;
	v31 =	vmul.f32 v60, v27  }
0x255: {  	v36 =	vbroadcast v38, $0x2;
	v59 =	vmul.f32 v59, v25;
	v47 =	vadd.f32 v47, v34;
	v34 =	vld [tilespmem:s24+$0xFFFFFFC0]  }
0x256: {  	v55 =	vadd.f32 v58, v55;
	v58 =	vld [tilespmem:s24+$0x60];
	v31 =	vadd.f32 v31, v54;
	v54 =	vmul.f32 v62, v23  }
0x257: {  	(erf) = vrcp.f32 v57;
	v57 =	vld [tilespmem:s24+$0xC0];
	v62 =	vmul.f32 v63, v53;
	v60 =	vsub.f32 $0.0e+00, v47  }
0x258: {  	v63 =	vld [tilespmem:s24+$0xFFFFFFE0];
	v54 =	vadd.f32 v54, v59;
	v19 =	vmul.f32 v56, v19;
	v0 =	vmul.f32 v0, v36  }
0x259: {  	v59 =	vld [tilespmem:s24+$0xE0];
	v32 =	vmul.f32 $1.442695020e+00, v60;
	v60 =	vadd.f32 v62, v31;
	v31 =	vbroadcast v38, $0x3  }
0x25a: {  	v50 =	vld [tilespmem:s26+$0xFFFFFF30];
	v38 =	vbroadcast v49, $0x2;
	v34 =	vmul.f32 v34, v30  }
0x25b: {  	v56 =	vld [tilespmem:s26+$0xFFFFFED0];
	(erf) = vpow2.f32 v32;
	v32 =	vbroadcast v49, $0x3;
	v49 =	vsub.f32 $0.0e+00, v60  }
0x25c: {  	v16 =	vmul.f32 v51, v16;
	v62 =	vld [tilespmem:s26+$0xFFFFFF10];
	v0 =	vadd.f32 v0, v55;
	v57 =	vmul.f32 v57, v38  }
0x25d: {  	[tilespmem:s20+$0x80] =	vst v52;
	v52 =	vld [tilespmem:s26+$0x30];
	v34 =	vadd.f32 v34, v61;
	v61 =	vmul.f32 v63, v37;
	v49 =	vmul.f32 $1.442695020e+00, v49  }
0x25e: {  	v51 =	vld [tilespmem:s26+$0xFFFFFFD0];
	v55 =	vmul.f32 v58, v31;
	v54 =	vadd.f32 v57, v54;
	v58 =	vmul.f32 v59, v32  }
0x25f: {  	v48 =	vmul.f32 v48, v20;
	v63 =	vld [tilespmem:s26+$0xFFFFFF90];
	v34 =	vadd.f32 v61, v34;
	(erf) = vpow2.f32 v49  }
0x260: {  	v14 =	vmul.f32 v56, v14;
	v56 =	vld [tilespmem:s26+$0xFFFFFEF0];
	v0 =	vadd.f32 v55, v0;
	v20 =	vadd.f32 v58, v54  }
0x261: {  	v57 =	vld [tilespmem:s26+$0x10];
	v59 =	vpop (erf);
	v18 =	vmul.f32 v62, v18;
	v55 =	vsub.f32 $0.0e+00, v34  }
0x262: {  	v61 =	vld [tilespmem:s26+$0xB0];
	v54 =	vsub.f32 $0.0e+00, v0;
	v1 =	vmul.f32 v59, v1;
	v62 =	vsub.f32 $0.0e+00, v20  }
0x263: {  	s21 =	simm.s32 $0x7280;
	v8 =	vmul.f32 v52, v8;
	v49 =	vld [tilespmem:s26+$0x90];
	v55 =	vmul.f32 $1.442695020e+00, v55  }
0x264: {  	v58 =	vld [tilespmem:s26+$0xFFFFFF50];
	v54 =	vmul.f32 $1.442695020e+00, v54;
	[tilespmem:s21+$0x100] =	vst v1;
	v62 =	vmul.f32 $1.442695020e+00, v62  }
0x265: {  	v1 =	vmul.f32 v50, v17;
	v17 =	vld [tilespmem:s24+$0x110];
	(erf) = vpow2.f32 v55  }
0x266: {  	v6 =	vmul.f32 v51, v6;
	(erf) = vpow2.f32 v54;
	v54 =	vld [tilespmem:s24+$0x130]  }
0x267: {  	v19 =	vadd.f32 v19, v48;
	v59 =	vld [tilespmem:s26+$0x50];
	v15 =	vmul.f32 v63, v15;
	v5 =	vmul.f32 v56, v5;
	v63 =	vpop (erf)  }
0x268: {  	v13 =	vmul.f32 v57, v13;
	v57 =	vld [tilespmem:s24+$0x150];
	v50 =	vadd.f32 $1.000000000e+00, v63;
	(erf) = vpow2.f32 v62;
	v62 =	vpop (erf)  }
0x269: {  	v15 =	vadd.f32 v16, v15;
	v16 =	vld [tilespmem:$0x1FE40];
	v10 =	vmul.f32 v49, v10;
	v49 =	vadd.f32 $1.000000000e+00, v62  }
0x26a: {  	v14 =	vadd.f32 v14, v19;
	v63 =	vld [tilespmem:s24+$0x170];
	(erf) = vrcp.f32 v50;
	v17 =	vmul.f32 v17, v41  }
0x26b: {  	v1 =	vadd.f32 v1, v18;
	v18 =	vld [tilespmem:s26+$0xD0];
	v54 =	vmul.f32 v54, v42;
	(erf) = vrcp.f32 v49  }
0x26c: {  	v3 =	vmul.f32 v58, v3;
	v8 =	vadd.f32 v8, v13;
	v12 =	vmul.f32 v59, v12;
	v58 =	vld [tilespmem:s26+$0xFFFFFFF0]  }
0x26d: {  	v6 =	vadd.f32 v6, v15;
	v40 =	vmul.f32 v57, v40;
	v17 =	vadd.f32 v54, v17  }
0x26e: {  	v1 =	vadd.f32 v3, v1;
	v8 =	vadd.f32 v12, v8;
	v57 =	vld [tilespmem:s26+$0xFFFFFF70];
	v16 =	vmul.f32 v61, v16;
	v13 =	vpop (erf)  }
0x26f: {  	v39 =	vmul.f32 v63, v39;
	v13 =	vadd.f32 $1.000000000e+00, v13;
	v59 =	vpop (erf);
	v17 =	vadd.f32 v40, v17  }
0x270: {  	v9 =	vmul.f32 v18, v9;
	v10 =	vadd.f32 v16, v10;
	v16 =	vadd.f32 $1.000000000e+00, v59  }
0x271: {  	v11 =	vmul.f32 v58, v11;
	v3 =	vpop (erf);
	(erf) = vrcp.f32 v13;
	v13 =	vadd.f32 v39, v17;
	v17 =	vld [tilespmem:s26+$0x70]  }
0x272: {  	v61 =	vmul.f32 v46, v21;
	v3 =	vadd.f32 $1.000000000e+00, v3;
	(erf) = vrcp.f32 v16;
	v16 =	vld [tilespmem:s26+$0xF0]  }
0x273: {  	v41 =	vadd.f32 v11, v6;
	v7 =	vmul.f32 v57, v7;
	v18 =	vpop (erf);
	v15 =	vsub.f32 $0.0e+00, v13  }
0x274: {  	v39 =	vadd.f32 v5, v14;
	v18 =	vmul.f32 v18, v47;
	(erf) = vrcp.f32 v3;
	v12 =	vpop (erf)  }
0x275: {  	v9 =	vadd.f32 v9, v10;
	v10 =	vmul.f32 $1.442695020e+00, v15;
	v3 =	vmul.f32 v12, v60  }
0x276: {  	v40 =	vadd.f32 v7, v1;
	v6 =	vsub.f32 $0.0e+00, v39;
	[tilespmem:s21+$0xFFFFFE80] =	vst v18;
	v2 =	vmul.f32 v17, v2  }
0x277: {  	v5 =	vld [tilespmem:s24+$0xFFFFFE90];
	(erf) = vpow2.f32 v10;
	v4 =	vmul.f32 v16, v4;
	[tilespmem:s21+$0xFFFFFF00] =	vst v3  }
0x278: {  	v7 =	vld [tilespmem:s24+$0xFFFFFEB0];
	v6 =	vmul.f32 $1.442695020e+00, v6;
	v62 =	vadd.f32 v2, v8;
	v3 =	vsub.f32 $0.0e+00, v40;
	[tilespmem:$0x1FF10] =	vst v61  }
0x279: {  	s23 =	simm.s32 $0x43C;
	v63 =	vadd.f32 v4, v9;
	v4 =	vsub.f32 $0.0e+00, v41;
	v8 =	vld [tilespmem:s24+$0xFFFFFF10]  }
0x27a: {  	v9 =	vpop (erf);
	v10 =	vld [tilespmem:s23+$0x8];
	[tilespmem:$0x1FE50] =	vst v62;
	v11 =	vsub.f32 $0.0e+00, v62;
	v3 =	vmul.f32 $1.442695020e+00, v3;
	(erf) = vpow2.f32 v6  }
0x27b: {  	s22 =	simm.s32 $0x4180;
	v26 =	vmul.f32 v9, v34;
	v9 =	vpop (erf);
	v12 =	vld [tilespmem:s24+$0xFFFFFF30];
	[tilespmem:$0x1FE60] =	vst v63;
	v4 =	vmul.f32 $1.442695020e+00, v4  }
0x27c: {  	v27 =	vmul.f32 v9, v0;
	v9 =	vld [tilespmem:s22+$0x100];
	v11 =	vmul.f32 $1.442695020e+00, v11  }
0x27d: {  	v15 =	vsub.f32 $0.0e+00, v63;
	v6 =	vld [tilespmem:s22+$0x120];
	(erf) = vpow2.f32 v3  }
0x27e: {  	v16 =	vld [tilespmem:s23+$0xFFFFFFF8];
	(erf) = vpow2.f32 v4  }
0x27f: {  	v15 =	vmul.f32 $1.442695020e+00, v15;
	v4 =	vld [tilespmem:s22+$0x140];
	v3 =	vpop (erf);
	(erf) = vpow2.f32 v11  }
0x280: {  	v18 =	vld [tilespmem:s23+$0xFFFFFFFC];
	v46 =	vbroadcast v10, $0x0;
	v49 =	vbroadcast v10, $0x1;
	v11 =	vpop (erf)  }
0x281: {  	(erf) = vpow2.f32 v15;
	v15 =	vld [tilespmem:s22+$0x160];
	v47 =	vbroadcast v10, $0x2;
	v11 =	vadd.f32 $1.000000000e+00, v11  }
0x282: {  	v34 =	vld [tilespmem:s23+$0x0];
	v9 =	vmul.f32 v9, v46;
	v6 =	vmul.f32 v6, v49  }
0x283: {  	v55 =	vld [tilespmem:s23+$0x4];
	v54 =	vmul.f32 v3, v20;
	(erf) = vrcp.f32 v11  }
0x284: {  	v17 =	vld [tilespmem:s23+$0xFFFFFFF4];
	v48 =	vbroadcast v10, $0x3;
	v4 =	vmul.f32 v4, v47;
	v3 =	vadd.f32 v6, v9  }
0x285: {  	v50 =	vmul.f32 v5, v44;
	v51 =	vmul.f32 v7, v45;
	v58 =	vld [tilespmem:s22+$0xFFFFFF80]  }
0x286: {  	v10 =	vld [tilespmem:s22+$0xFFFFFE80];
	v45 =	vmul.f32 v8, v22;
	v5 =	vmul.f32 v15, v48;
	v3 =	vadd.f32 v4, v3  }
0x287: {  	v60 =	vld [tilespmem:s22+$0xFFFFFFA0];
	v52 =	vmul.f32 v12, v43;
	v2 =	vbroadcast v18, $0x0;
	v12 =	vpop (erf)  }
0x288: {  	v20 =	vld [tilespmem:s22+$0xFFFFFF20];
	v7 =	vbroadcast v18, $0x1;
	v1 =	vbroadcast v34, $0x0;
	v19 =	vpop (erf);
	v56 =	vadd.f32 v5, v3  }
0x289: {  	v8 =	vld [tilespmem:s22+$0xFFFFFEA0];
	v22 =	vbroadcast v17, $0x0;
	v21 =	vbroadcast v17, $0x1;
	v57 =	vpop (erf)  }
0x28a: {  	v14 =	vbroadcast v55, $0x1;
	v9 =	vbroadcast v16, $0x0;
	v15 =	vld [tilespmem:s22+$0xFFFFFF00];
	v59 =	vpop (erf);
	v0 =	vsub.f32 $0.0e+00, v56  }
0x28b: {  	v61 =	vld [tilespmem:s22+$0x0];
	v11 =	vbroadcast v16, $0x1;
	v10 =	vmul.f32 v10, v22;
	v44 =	vpop (erf)  }
0x28c: {  	v62 =	vld [tilespmem:s22+$0x20];
	v4 =	vbroadcast v55, $0x0;
	v43 =	vmul.f32 $1.442695020e+00, v0;
	v63 =	vpop (erf)  }
0x28d: {  	v20 =	vmul.f32 v20, v11;
	v63 =	vmul.f32 v63, v13;
	v13 =	vld [tilespmem:s22+$0x80]  }
0x28e: {  	v0 =	vmul.f32 v8, v21;
	(erf) = vpow2.f32 v43;
	v43 =	vld [tilespmem:s22+$0xA0]  }
0x28f: {  	v6 =	vmov v2;
	v3 =	vbroadcast v34, $0x1;
	v15 =	vmul.f32 v15, v9  }
0x290: {  	v23 =	vadd.f32 v0, v10;
	v10 =	vmul.f32 v58, v2;
	v2 =	vmul.f32 v60, v7;
	v60 =	vld [tilespmem:s22+$0xFFFFFEC0];
	[tilespmem:$0x1FE70] =	vst v1  }
0x291: {  	v24 =	vadd.f32 v20, v15;
	v20 =	vmul.f32 v61, v1;
	v61 =	vmul.f32 v62, v3;
	[tilespmem:$0x1FE80] =	vst v3  }
0x292: {  	v42 =	vadd.f32 $1.000000000e+00, v12;
	v0 =	vld [tilespmem:s22+$0xFFFFFFC0];
	v58 =	vadd.f32 v2, v10;
	v2 =	vbroadcast v17, $0x2  }
0x293: {  	v61 =	vadd.f32 v61, v20;
	v13 =	vmul.f32 v13, v4;
	v20 =	vmul.f32 v43, v14  }
0x294: {  	v19 =	vadd.f32 $1.000000000e+00, v19;
	v1 =	vbroadcast v16, $0x2;
	v62 =	vld [tilespmem:s22+$0xFFFFFF40];
	[tilespmem:$0x1FE90] =	vst v14;
	(erf) = vrcp.f32 v42  }
0x295: {  	v25 =	vadd.f32 v20, v13;
	v20 =	vmul.f32 v60, v2;
	v13 =	vbroadcast v18, $0x2;
	v60 =	vld [tilespmem:s22+$0xFFFFFEE0]  }
0x296: {  	v57 =	vadd.f32 $1.000000000e+00, v57;
	v16 =	vbroadcast v16, $0x3;
	(erf) = vrcp.f32 v19;
	v15 =	vld [tilespmem:s22+$0xFFFFFF60]  }
0x297: {  	v19 =	vbroadcast v34, $0x2;
	v43 =	vld [tilespmem:s22+$0x40];
	v0 =	vmul.f32 v0, v13  }
0x298: {  	v17 =	vbroadcast v17, $0x3;
	(erf) = vrcp.f32 v57;
	v57 =	vld [tilespmem:s22+$0xFFFFFFE0];
	v42 =	vpop (erf)  }
0x299: {  	v14 =	vld [tilespmem:s22+$0xC0];
	v62 =	vmul.f32 v62, v1;
	v0 =	vadd.f32 v0, v58;
	v58 =	vadd.f32 $1.000000000e+00, v42  }
0x29a: {  	v18 =	vbroadcast v18, $0x3;
	v23 =	vadd.f32 v20, v23;
	v60 =	vmul.f32 v60, v17  }
0x29b: {  	v24 =	vadd.f32 v62, v24;
	v20 =	vbroadcast v55, $0x2;
	(erf) = vrcp.f32 v58  }
0x29c: {  	v62 =	vld [tilespmem:s22+$0x60];
	v43 =	vmul.f32 v43, v19;
	v60 =	vadd.f32 v60, v23;
	v23 =	vmul.f32 v15, v16  }
0x29d: {  	v50 =	vadd.f32 v51, v50;
	[tilespmem:s21+$0x0] =	vst v27;
	v27 =	vmul.f32 v57, v18  }
0x29e: {  	[tilespmem:s21+$0xFFFFFF80] =	vst v26;
	v14 =	vmul.f32 v14, v20;
	v26 =	vadd.f32 v43, v61;
	v43 =	vld [tilespmem:s22+$0xE0];
	v57 =	vadd.f32 v23, v24  }
0x29f: {  	[tilespmem:s21+$0x80] =	vst v54;
	v0 =	vadd.f32 v27, v0;
	v27 =	vadd.f32 $1.000000000e+00, v59;
	v15 =	vbroadcast v34, $0x3  }
0x2a0: {  	v12 =	vmovc v1;
	v51 =	vld [tilespmem:$0x1FEB0];
	v5 =	vmov v2;
	v24 =	vsub.f32 $0.0e+00, v60;
	v2 =	vsub.f32 $0.0e+00, v57  }
0x2a1: {  	v61 =	vpop (erf);
	v58 =	vld [tilespmem:s24+$0xFFFFFF90];
	v25 =	vadd.f32 v14, v25;
	v14 =	vbroadcast v55, $0x3;
	v1 =	vmul.f32 v62, v15  }
0x2a2: {  	v55 =	vld [tilespmem:s24+$0x30];
	v30 =	vpop (erf);
	(erf) = vrcp.f32 v27;
	v24 =	vmul.f32 $1.442695020e+00, v24  }
0x2a3: {  	v59 =	vld [tilespmem:s24+$0x90];
	v28 =	vpop (erf);
	v27 =	vsub.f32 $0.0e+00, v0;
	v43 =	vmul.f32 v43, v14;
	v54 =	vadd.f32 v1, v26  }
0x2a4: {  	v34 =	vld [tilespmem:s24+$0xFFFFFFB0];
	(erf) = vpow2.f32 v24;
	v24 =	vmul.f32 $1.442695020e+00, v2;
	v2 =	vpop (erf)  }
0x2a5: {  	v23 =	vld [tilespmem:s24+$0x10];
	v27 =	vmul.f32 $1.442695020e+00, v27;
	v1 =	vsub.f32 $0.0e+00, v54;
	v42 =	vmul.f32 v2, v56  }
0x2a6: {  	s23 =	simm.s32 $0x7580;
	v62 =	vld [tilespmem:s24+$0xFFFFFF50];
	v43 =	vadd.f32 v43, v25;
	(erf) = vpow2.f32 v24  }
0x2a7: {  	(erf) = vpow2.f32 v27;
	v27 =	vmul.f32 $1.442695020e+00, v1;
	v1 =	vld [tilespmem:$0x1FEA0];
	[tilespmem:s23+$0x100] =	vst v42  }
0x2a8: {  	v45 =	vadd.f32 v52, v45;
	v24 =	vsub.f32 $0.0e+00, v43;
	v52 =	vld [tilespmem:$0x1FEC0]  }
0x2a9: {  	v26 =	vld [tilespmem:s24+$0xB0]  }
0x2aa: {  	v35 =	vmul.f32 v58, v35;
	v58 =	vld [tilespmem:s24+$0x50];
	v24 =	vmul.f32 $1.442695020e+00, v24  }
0x2ab: {  	v25 =	vld [tilespmem:s24+$0xFFFFFED0];
	(erf) = vpow2.f32 v27  }
0x2ac: {  	v33 =	vmul.f32 v34, v33;
	v34 =	vld [tilespmem:s24+$0xFFFFFFD0];
	(erf) = vpow2.f32 v24  }
0x2ad: {  	v24 =	vmul.f32 v55, v51;
	v51 =	vmul.f32 v59, v52;
	v59 =	vld [tilespmem:$0x1FEE0]  }
0x2ae: {  	v55 =	vld [tilespmem:$0x1FED0]  }
0x2af: {  	v56 =	vld [tilespmem:s24+$0xD0]  }
0x2b0: {  	v42 =	vld [tilespmem:s24+$0xFFFFFF70]  }
0x2b1: {  	v25 =	vmul.f32 v25, v29;
	v29 =	vld [tilespmem:s22+$0x110]  }
0x2b2: {  	v52 =	vmul.f32 v62, v59;
	v62 =	vld [tilespmem:$0x1FEF0]  }
0x2b3: {  	v33 =	vadd.f32 v33, v35;
	v35 =	vmul.f32 v26, v55;
	v55 =	vld [tilespmem:s22+$0x130]  }
0x2b4: {  	v27 =	vld [tilespmem:s24+$0xFFFFFEF0];
	v23 =	vmul.f32 v23, v1  }
0x2b5: {  	v36 =	vmul.f32 v58, v36;
	v25 =	vadd.f32 v25, v50;
	v38 =	vmul.f32 v56, v38;
	v56 =	vld [tilespmem:s22+$0x150];
	v26 =	vpop (erf)  }
0x2b6: {  	v23 =	vadd.f32 v24, v23;
	v24 =	vld [tilespmem:s24+$0xFFFFFFF0];
	v42 =	vmul.f32 v42, v53;
	v29 =	vmul.f32 v29, v46;
	v2 =	vpop (erf)  }
0x2b7: {  	v35 =	vadd.f32 v35, v51;
	v51 =	vadd.f32 $1.000000000e+00, v2;
	v59 =	vld [tilespmem:$0x1FF00];
	v34 =	vmul.f32 v34, v62;
	v62 =	vpop (erf)  }
0x2b8: {  	v53 =	vld [tilespmem:s22+$0x170];
	v45 =	vadd.f32 v52, v45;
	v52 =	vmul.f32 v55, v49;
	v50 =	vadd.f32 $1.000000000e+00, v62;
	v2 =	vpop (erf)  }
0x2b9: {  	(erf) = vrcp.f32 v51;
	v33 =	vadd.f32 v34, v33;
	v34 =	vadd.f32 $1.000000000e+00, v2;
	v55 =	vpop (erf)  }
0x2ba: {  	v1 =	vld [tilespmem:s24+$0x70];
	v47 =	vmul.f32 v56, v47;
	(erf) = vrcp.f32 v50;
	v58 =	vadd.f32 $1.000000000e+00, v55  }
0x2bb: {  	v37 =	vmul.f32 v24, v37;
	v24 =	vld [tilespmem:s24+$0xF0];
	v29 =	vadd.f32 v52, v29;
	(erf) = vrcp.f32 v34  }
0x2bc: {  	v36 =	vadd.f32 v36, v23;
	v27 =	vmul.f32 v27, v59;
	v59 =	vpop (erf);
	(erf) = vrcp.f32 v58  }
0x2bd: {  	v48 =	vmul.f32 v53, v48;
	v29 =	vadd.f32 v47, v29;
	v23 =	vadd.f32 $1.000000000e+00, v59  }
0x2be: {  	v30 =	vmul.f32 v30, v40;
	v49 =	vadd.f32 $1.000000000e+00, v44  }
0x2bf: {  	(erf) = vrcp.f32 v23;
	v23 =	vadd.f32 v27, v25;
	v27 =	vadd.f32 v48, v29  }
0x2c0: {  	v31 =	vmul.f32 v1, v31;
	v32 =	vmul.f32 v24, v32;
	v24 =	vadd.f32 v42, v45;
	v50 =	vld [tilespmem:$0x1FF10]  }
0x2c1: {  	v62 =	vadd.f32 v38, v35;
	(erf) = vrcp.f32 v49;
	v35 =	vsub.f32 $0.0e+00, v27  }
0x2c2: {  	[tilespmem:s21+$0x110] =	vst v63;
	v29 =	vadd.f32 v31, v36;
	v31 =	vmul.f32 v61, v39;
	v52 =	vpop (erf)  }
0x2c3: {  	v53 =	vsub.f32 $0.0e+00, v24;
	[tilespmem:s20+$0xFFFFFF10] =	vst v30;
	v51 =	vsub.f32 $0.0e+00, v23;
	v30 =	vmul.f32 $1.442695020e+00, v35;
	v55 =	vpop (erf)  }
0x2c4: {  	v25 =	vadd.f32 v37, v33;
	[tilespmem:s20+$0xFFFFFE90] =	vst v31;
	v31 =	vmul.f32 v28, v41;
	v36 =	vmul.f32 v52, v60;
	v59 =	vpop (erf)  }
0x2c5: {  	[tilespmem:s20+$0x110] =	vst v50;
	v28 =	vadd.f32 v32, v62;
	v56 =	vmul.f32 $1.442695020e+00, v51;
	(erf) = vpow2.f32 v30;
	v61 =	vpop (erf)  }
0x2c6: {  	v58 =	vsub.f32 $0.0e+00, v25;
	[tilespmem:s23+$0xFFFFFE80] =	vst v36;
	v32 =	vmul.f32 v55, v57;
	v30 =	vmul.f32 v61, v54  }
0x2c7: {  	v60 =	vsub.f32 $0.0e+00, v29;
	[tilespmem:s20+$0xFFFFFF90] =	vst v31;
	v62 =	vsub.f32 $0.0e+00, v28;
	v31 =	vld [tilespmem:s22+$0xFFFFFE90];
	v0 =	vmul.f32 v59, v0  }
0x2c8: {  	v35 =	vmul.f32 $1.442695020e+00, v53;
	v36 =	vmul.f32 $1.442695020e+00, v58;
	[tilespmem:s23+$0xFFFFFF00] =	vst v32;
	v32 =	vld [tilespmem:s22+$0xFFFFFEB0]  }
0x2c9: {  	v37 =	vmul.f32 $1.442695020e+00, v60;
	v38 =	vmul.f32 $1.442695020e+00, v62;
	v63 =	vpop (erf);
	[tilespmem:s23+$0xFFFFFF80] =	vst v0;
	v33 =	vld [tilespmem:s22+$0xFFFFFF10]  }
0x2ca: {  	s25 =	simm.s32 $0xC;
	s26 =	simm.s32 $0x454;
	v10 =	vmov v4;
	s24 =	simm.s32 $0x4180;
	(erf) = vpow2.f32 v56;
	v39 =	vmul.f32 v63, v43;
	v34 =	vld [tilespmem:s22+$0xFFFFFF30];
	[tilespmem:s23+$0x0] =	vst v30;
	v30 =	vpop (erf)  }
.LBB2_9:
0x2cb: {  	v0 =	vld [tilespmem:s26+$0x8]  }
0x2cc: {  	v1 =	vld [tilespmem:$0x1FE50]  }
0x2cd: {  	v56 =	vld [tilespmem:$0x1FE60]  }
0x2ce: {  	s22 =	sadd.s32 $0x300, s22;
	[tilespmem:s23+$0x80] =	vst v39;
	(erf) = vpow2.f32 v35;
	v39 =	vld [tilespmem:s26+$0xFFFFFFF8]  }
0x2cf: {  	v55 =	vmov v29;
	v29 =	vld [tilespmem:s22+$0x100];
	(erf) = vpow2.f32 v36  }
0x2d0: {  	v60 =	vld [tilespmem:s22+$0x160];
	(erf) = vpow2.f32 v37;
	v22 =	vmul.f32 v31, v22  }
0x2d1: {  	v36 =	vld [tilespmem:s26+$0xFFFFFFFC];
	v21 =	vmul.f32 v32, v21;
	v26 =	vmul.f32 v26, v1  }
0x2d2: {  	v46 =	vld [tilespmem:s22+$0xFFFFFF00];
	v31 =	vmul.f32 v33, v9;
	(erf) = vpow2.f32 v38  }
0x2d3: {  	v57 =	vmov v28;
	v11 =	vmul.f32 v34, v11;
	v28 =	vbroadcast v0, $0x0;
	[tilespmem:s20+$0x10] =	vst v26;
	v26 =	vld [tilespmem:s22+$0x120]  }
0x2d4: {  	[tilespmem:$0x1FE60] =	vst v57;
	v57 =	vld [tilespmem:s22+$0xFFFFFF80];
	v32 =	vadd.f32 v21, v22;
	v21 =	vmul.f32 v30, v56;
	v9 =	vbroadcast v39, $0x0  }
0x2d5: {  	v22 =	vld [tilespmem:s22+$0x140];
	v30 =	vbroadcast v0, $0x1;
	v33 =	vadd.f32 v11, v31;
	v11 =	vbroadcast v39, $0x1;
	v58 =	vpop (erf)  }
0x2d6: {  	v38 =	vld [tilespmem:s26+$0xFFFFFFF4];
	v41 =	vbroadcast v36, $0x0;
	v52 =	vbroadcast v36, $0x1;
	v59 =	vadd.f32 $1.000000000e+00, v58  }
0x2d7: {  	v56 =	vld [tilespmem:s22+$0xFFFFFF20];
	[tilespmem:s20+$0x90] =	vst v21;
	v21 =	vmul.f32 v29, v28;
	v29 =	vbroadcast v0, $0x2  }
0x2d8: {  	v40 =	vld [tilespmem:s22+$0xFFFFFE80];
	v31 =	vpop (erf);
	(erf) = vrcp.f32 v59;
	v26 =	vmul.f32 v26, v30  }
0x2d9: {  	v50 =	vbroadcast v36, $0x2;
	v37 =	vld [tilespmem:s26+$0x0];
	v46 =	vmul.f32 v46, v9;
	v48 =	vadd.f32 $1.000000000e+00, v31  }
0x2da: {  	v42 =	vld [tilespmem:s22+$0xFFFFFEA0];
	v31 =	vbroadcast v0, $0x3;
	v61 =	vpop (erf);
	v22 =	vmul.f32 v22, v29;
	v21 =	vadd.f32 v26, v21  }
0x2db: {  	v47 =	vld [tilespmem:s26+$0x4];
	v51 =	vbroadcast v38, $0x2;
	v57 =	vmul.f32 v57, v41;
	v54 =	vadd.f32 $1.000000000e+00, v61  }
0x2dc: {  	v59 =	vld [tilespmem:s22+$0x0];
	v62 =	vpop (erf);
	v35 =	vmul.f32 v60, v31;
	v56 =	vmul.f32 v56, v11;
	v45 =	vadd.f32 v22, v21  }
0x2dd: {  	v1 =	vld [tilespmem:s22+$0xFFFFFFA0];
	v0 =	vadd.f32 $1.000000000e+00, v62;
	v22 =	vbroadcast v38, $0x0;
	v21 =	vbroadcast v38, $0x1  }
0x2de: {  	v61 =	vld [tilespmem:s22+$0x20];
	v43 =	vbroadcast v37, $0x1;
	v26 =	vbroadcast v37, $0x0;
	v53 =	vadd.f32 v35, v45  }
0x2df: {  	v63 =	vpop (erf);
	v56 =	vadd.f32 v56, v46;
	v40 =	vmul.f32 v40, v22;
	v42 =	vmul.f32 v42, v21  }
0x2e0: {  	[tilespmem:$0x1FE50] =	vst v55;
	v55 =	vpop (erf);
	v46 =	vld [tilespmem:s22+$0xFFFFFF40];
	v49 =	vbroadcast v47, $0x0;
	v44 =	vbroadcast v47, $0x1;
	v60 =	vsub.f32 $0.0e+00, v53  }
0x2e1: {  	v34 =	vadd.f32 $1.000000000e+00, v55;
	v59 =	vmul.f32 v59, v26;
	v62 =	vpop (erf);
	v55 =	vadd.f32 v42, v40;
	v42 =	vld [tilespmem:s22+$0x80]  }
0x2e2: {  	v27 =	vmul.f32 v62, v27;
	v62 =	vld [tilespmem:s22+$0xFFFFFEC0];
	v2 =	vmul.f32 $1.442695020e+00, v60  }
0x2e3: {  	v61 =	vmul.f32 v61, v43;
	v35 =	vmul.f32 v1, v52;
	v60 =	vld [tilespmem:s22+$0xA0]  }
0x2e4: {  	v3 =	vld [tilespmem:s22+$0xFFFFFF60];
	v58 =	vadd.f32 $1.000000000e+00, v63;
	v45 =	vbroadcast v39, $0x2;
	(erf) = vpow2.f32 v2  }
0x2e5: {  	v63 =	vld [tilespmem:s22+$0xFFFFFFC0];
	v57 =	vadd.f32 v35, v57;
	v40 =	vbroadcast v47, $0x2;
	v35 =	vbroadcast v38, $0x3  }
0x2e6: {  	v1 =	vld [tilespmem:s22+$0x40];
	v38 =	vbroadcast v39, $0x3;
	v2 =	vmul.f32 v42, v49  }
0x2e7: {  	v39 =	vadd.f32 v61, v59;
	v61 =	vmul.f32 v62, v51;
	v42 =	vbroadcast v36, $0x3  }
0x2e8: {  	v36 =	vmul.f32 v46, v45;
	v59 =	vmul.f32 v60, v44;
	v60 =	vld [tilespmem:s22+$0xC0]  }
0x2e9: {  	[tilespmem:s23+$0x110] =	vst v27;
	v27 =	vbroadcast v37, $0x2;
	v62 =	vld [tilespmem:s22+$0xFFFFFEE0];
	v46 =	vbroadcast v37, $0x3  }
0x2ea: {  	v37 =	vadd.f32 v61, v55;
	v61 =	vmul.f32 v63, v50;
	v36 =	vadd.f32 v36, v56;
	v56 =	vld [tilespmem:s22+$0x60]  }
0x2eb: {  	v3 =	vmul.f32 v3, v38;
	v1 =	vmul.f32 v1, v27;
	v2 =	vadd.f32 v59, v2;
	v59 =	vld [tilespmem:s22+$0xFFFFFFE0]  }
0x2ec: {  	v47 =	vbroadcast v47, $0x3;
	(erf) = vrcp.f32 v48;
	v55 =	vadd.f32 v61, v57;
	v57 =	vld [tilespmem:s22+$0xE0]  }
0x2ed: {  	v1 =	vadd.f32 v1, v39;
	v36 =	vadd.f32 v3, v36;
	v48 =	vmul.f32 v60, v40;
	v60 =	vpop (erf)  }
0x2ee: {  	v61 =	vld [tilespmem:s24+$0xFFFFFFB0];
	(erf) = vrcp.f32 v54;
	v54 =	vmul.f32 v62, v35;
	v39 =	vadd.f32 $1.000000000e+00, v60  }
0x2ef: {  	v3 =	vmul.f32 v56, v46;
	v60 =	vld [tilespmem:s24+$0xFFFFFF90];
	v2 =	vadd.f32 v48, v2;
	(erf) = vrcp.f32 v0  }
0x2f0: {  	v56 =	vld [tilespmem:s24+$0x30];
	v63 =	vmul.f32 v59, v42;
	v48 =	vadd.f32 v54, v37;
	(erf) = vrcp.f32 v39  }
0x2f1: {  	v62 =	vmul.f32 v57, v47;
	v0 =	vld [tilespmem:s24+$0xFFFFFED0];
	v37 =	vadd.f32 v3, v1  }
0x2f2: {  	v54 =	vld [tilespmem:s24+$0x10];
	v39 =	vadd.f32 v63, v55;
	(erf) = vrcp.f32 v58;
	v58 =	vsub.f32 $0.0e+00, v48  }
0x2f3: {  	v7 =	vmul.f32 v61, v7;
	v3 =	vld [tilespmem:s24+$0xB0];
	v63 =	vsub.f32 $0.0e+00, v36;
	v57 =	vsub.f32 $0.0e+00, v37  }
0x2f4: {  	v55 =	vld [tilespmem:s24+$0x90];
	v59 =	vsub.f32 $0.0e+00, v39;
	v1 =	vmul.f32 v60, v6;
	v58 =	vmul.f32 $1.442695020e+00, v58  }
0x2f5: {  	v6 =	vmovc v41;
	v41 =	vadd.f32 v62, v2;
	v2 =	vmul.f32 $1.442695020e+00, v63;
	v60 =	vld [tilespmem:s24+$0xFFFFFF50];
	v57 =	vmul.f32 $1.442695020e+00, v57  }
0x2f6: {  	v61 =	vpop (erf);
	v59 =	vmul.f32 $1.442695020e+00, v59;
	(erf) = vpow2.f32 v58;
	v1 =	vadd.f32 v7, v1;
	v7 =	vld [tilespmem:$0x1FE70]  }
0x2f7: {  	v58 =	vld [tilespmem:s24+$0xFFFFFFD0];
	v63 =	vpop (erf);
	(erf) = vpow2.f32 v2  }
0x2f8: {  	v4 =	vsub.f32 $0.0e+00, v41;
	v2 =	vld [tilespmem:s24+$0x50];
	(erf) = vpow2.f32 v59;
	v62 =	vpop (erf)  }
0x2f9: {  	v59 =	vld [tilespmem:s24+$0xD0];
	(erf) = vpow2.f32 v57;
	v57 =	vpop (erf)  }
0x2fa: {  	v8 =	vmov v52;
	v52 =	vmul.f32 $1.442695020e+00, v4;
	v4 =	vld [tilespmem:s24+$0xFFFFFEF0];
	v53 =	vmul.f32 v57, v53  }
0x2fb: {  	s20 =	smov.u32 s21;
	s21 =	smov.u32 s23;
	s23 =	sadd.s32 $0x300, s23;
	v54 =	vmul.f32 v54, v7;
	v7 =	vmov v8;
	v8 =	vld [tilespmem:$0x1FE80]  }
0x2fc: {  	v26 =	vmov v26;
	v0 =	vmul.f32 v0, v5;
	v55 =	vmul.f32 v55, v10;
	[tilespmem:s23+$0x100] =	vst v53;
	v53 =	vld [tilespmem:$0x1FE90]  }
0x2fd: {  	v10 =	vmov v49;
	v49 =	vmul.f32 v60, v12;
	(erf) = vpow2.f32 v52;
	v57 =	vld [tilespmem:s24+$0xFFFFFFF0]  }
0x2fe: {  	v52 =	vld [tilespmem:s24+$0xFFFFFF70];
	v58 =	vmul.f32 v58, v13  }
0x2ff: {  	[tilespmem:$0x1FE70] =	vst v26;
	v0 =	vadd.f32 v0, v32;
	v26 =	vpop (erf);
	v32 =	vadd.f32 v49, v33;
	v2 =	vmul.f32 v2, v19  }
0x300: {  	v19 =	vmul.f32 v59, v20;
	v4 =	vmul.f32 v4, v17;
	v1 =	vadd.f32 v58, v1;
	v20 =	vpop (erf)  }
0x301: {  	v12 =	vmovc v45;
	v56 =	vmul.f32 v56, v8;
	v8 =	vmovc v43;
	v3 =	vmul.f32 v3, v53;
	v53 =	vmov v44;
	v44 =	vld [tilespmem:s22+$0x110]  }
0x302: {  	v45 =	vld [tilespmem:s22+$0x130];
	v0 =	vadd.f32 v4, v0;
	v58 =	vmul.f32 v57, v18;
	[tilespmem:$0x1FE80] =	vst v8;
	v8 =	vadd.f32 $1.000000000e+00, v20;
	v20 =	vpop (erf)  }
0x303: {  	v60 =	vadd.f32 v56, v54;
	v56 =	vmul.f32 v52, v16;
	v16 =	vadd.f32 $1.000000000e+00, v20;
	v20 =	vpop (erf)  }
0x304: {  	v49 =	vld [tilespmem:s22+$0x150];
	v18 =	vadd.f32 $1.000000000e+00, v20;
	(erf) = vrcp.f32 v8;
	v17 =	vpop (erf);
	v3 =	vadd.f32 v3, v55  }
0x305: {  	v43 =	vld [tilespmem:s24+$0x70];
	v2 =	vadd.f32 v2, v60;
	v60 =	vadd.f32 $1.000000000e+00, v17  }
0x306: {  	v59 =	vld [tilespmem:s22+$0x170];
	v3 =	vadd.f32 v19, v3;
	v19 =	vpop (erf);
	(erf) = vrcp.f32 v16;
	v8 =	vmul.f32 v44, v28  }
0x307: {  	v33 =	vld [tilespmem:s24+$0xF0];
	v28 =	vmul.f32 v45, v30;
	v30 =	vadd.f32 $1.000000000e+00, v19;
	(erf) = vrcp.f32 v18  }
0x308: {  	v57 =	vmul.f32 v63, v24;
	v1 =	vadd.f32 v58, v1;
	(erf) = vrcp.f32 v60  }
0x309: {  	v19 =	vmovc v27;
	v27 =	vadd.f32 v28, v8;
	v28 =	vmul.f32 v49, v29;
	(erf) = vrcp.f32 v30  }
0x30a: {  	v43 =	vmul.f32 v43, v15;
	v8 =	vadd.f32 v56, v32;
	v56 =	vmul.f32 v61, v23  }
0x30b: {  	v5 =	vmovc v51;
	v23 =	vmovc v0;
	(erf) = vrcp.f32 v34;
	v27 =	vadd.f32 v28, v27;
	v28 =	vmul.f32 v59, v31  }
0x30c: {  	v13 =	vmovc v50;
	v4 =	vmul.f32 v33, v14;
	v29 =	vadd.f32 v43, v2;
	v0 =	vsub.f32 $0.0e+00, v23;
	v24 =	vmovc v8  }
0x30d: {  	v58 =	vmul.f32 v62, v25;
	[tilespmem:s20+$0xFFFFFF10] =	vst v57;
	v30 =	vpop (erf);
	v31 =	vsub.f32 $0.0e+00, v24;
	v27 =	vadd.f32 v28, v27  }
0x30e: {  	s25 =	sadd.s32 $0x6, s25;
	v14 =	vmovc v47;
	[tilespmem:$0x1FE90] =	vst v53;
	v17 =	vmovc v35;
	v59 =	vsub.f32 $0.0e+00, v1;
	v0 =	vmul.f32 $1.442695020e+00, v0;
	v8 =	vmul.f32 v30, v48  }
0x30f: {  	p0 =	slt.u32 s25, $0x60;
	[tilespmem:s20+$0xFFFFFE90] =	vst v56;
	v28 =	vadd.f32 v4, v3;
	v35 =	vmul.f32 $1.442695020e+00, v31;
	v4 =	vsub.f32 $0.0e+00, v27;
	v3 =	vpop (erf)  }
.Ltmp3:
0x310: {  	v60 =	vsub.f32 $0.0e+00, v29;
	[tilespmem:s23+$0xFFFFFE80] =	vst v8;
	v8 =	vmul.f32 v3, v36;
	v3 =	vpop (erf);
	v36 =	vmul.f32 $1.442695020e+00, v59;
	(pc) =	sbr.rel @p0 .LBB2_9-.Ltmp3, $4  }
0x311: {  	v20 =	vmov v40;
	[tilespmem:s20+$0xFFFFFF90] =	vst v58;
	v31 =	vld [tilespmem:s22+$0xFFFFFE90];
	v61 =	vmul.f32 $1.442695020e+00, v4;
	v3 =	vmul.f32 v3, v39;
	v30 =	vpop (erf)  }
0x312: {  	v32 =	vld [tilespmem:s22+$0xFFFFFEB0];
	v4 =	vsub.f32 $0.0e+00, v28;
	[tilespmem:s23+$0xFFFFFF00] =	vst v8;
	v62 =	vmul.f32 v30, v37;
	v63 =	vpop (erf);
	v37 =	vmul.f32 $1.442695020e+00, v60  }
0x313: {  	v25 =	vmovc v1;
	v15 =	vmovc v46;
	v16 =	vmov v38;
	(erf) = vpow2.f32 v61;
	v33 =	vld [tilespmem:s22+$0xFFFFFF10];
	[tilespmem:s23+$0xFFFFFF80] =	vst v3;
	v39 =	vmul.f32 v63, v41  }
0x314: {  	s26 =	sadd.s32 $0x18, s26;
	s24 =	smov.u32 s22;
	v18 =	vmov v42;
	v30 =	vpop (erf);
	v34 =	vld [tilespmem:s22+$0xFFFFFF30];
	v38 =	vmul.f32 $1.442695020e+00, v4;
	[tilespmem:s23+$0x0] =	vst v62;
	(erf) = vpow2.f32 v0  }
0x315: {  	v0 =	vld [tilespmem:s24+$0xFFFFFF90]  }
0x316: {  	v1 =	vld [tilespmem:s24+$0xFFFFFFB0]  }
0x317: {  	v2 =	vld [tilespmem:s24+$0x10]  }
0x318: {  	v3 =	vld [tilespmem:s24+$0x30]  }
0x319: {  	v45 =	vld [tilespmem:s24+$0xFFFFFED0]  }
0x31a: {  	v48 =	vld [tilespmem:s24+$0xFFFFFF50]  }
0x31b: {  	v49 =	vld [tilespmem:s24+$0xFFFFFFD0]  }
0x31c: {  	v53 =	vld [tilespmem:s24+$0xFFFFFEF0]  }
0x31d: {  	(erf) = vpow2.f32 v35;
	[tilespmem:s23+$0x80] =	vst v39;
	v57 =	vld [tilespmem:s24+$0xFFFFFF70]  }
0x31e: {  	(erf) = vpow2.f32 v36;
	v63 =	vld [tilespmem:s24+$0x90]  }
0x31f: {  	v42 =	vld [tilespmem:s24+$0xB0];
	v22 =	vmul.f32 v31, v22;
	(erf) = vpow2.f32 v37  }
0x320: {  	v54 =	vld [tilespmem:$0x1FE70];
	v21 =	vmul.f32 v32, v21;
	(erf) = vpow2.f32 v38  }
0x321: {  	v56 =	vld [tilespmem:$0x1FE80];
	v9 =	vmul.f32 v33, v9;
	v11 =	vmul.f32 v34, v11  }
0x322: {  	v8 =	vld [tilespmem:$0x1FE90];
	v0 =	vmul.f32 v0, v6;
	v1 =	vmul.f32 v1, v7  }
0x323: {  	v59 =	vld [tilespmem:s24+$0xFFFFFFF0];
	v60 =	vmul.f32 v45, v5;
	v62 =	vmul.f32 v48, v12  }
0x324: {  	v50 =	vld [tilespmem:s24+$0x50];
	v13 =	vmul.f32 v49, v13;
	v7 =	vmul.f32 v53, v17  }
0x325: {  	v61 =	vld [tilespmem:s24+$0x70];
	v21 =	vadd.f32 v21, v22;
	v32 =	vmul.f32 v57, v16;
	v2 =	vmul.f32 v2, v54  }
0x326: {  	v9 =	vadd.f32 v11, v9;
	v3 =	vmul.f32 v3, v56;
	v58 =	vmul.f32 v63, v10  }
0x327: {  	v8 =	vmul.f32 v42, v8;
	v4 =	vpop (erf);
	v0 =	vadd.f32 v1, v0;
	v31 =	vadd.f32 v60, v21  }
0x328: {  	v33 =	vmul.f32 v59, v18;
	v4 =	vadd.f32 $1.000000000e+00, v4;
	v2 =	vadd.f32 v3, v2  }
0x329: {  	v51 =	vld [tilespmem:s24+$0xD0];
	v63 =	vmul.f32 v50, v19;
	v41 =	vpop (erf);
	v6 =	vadd.f32 v8, v58;
	v9 =	vadd.f32 v62, v9  }
0x32a: {  	v1 =	vmul.f32 v61, v15;
	v43 =	vadd.f32 $1.000000000e+00, v41;
	v44 =	vpop (erf);
	v0 =	vadd.f32 v13, v0  }
0x32b: {  	v19 =	vld [tilespmem:s24+$0xF0];
	v34 =	vadd.f32 v7, v31;
	(erf) = vrcp.f32 v4;
	v46 =	vpop (erf);
	v47 =	vadd.f32 $1.000000000e+00, v44  }
0x32c: {  	v2 =	vadd.f32 v63, v2;
	v4 =	vadd.f32 $1.000000000e+00, v46;
	(erf) = vrcp.f32 v43  }
0x32d: {  	v5 =	vadd.f32 v32, v9;
	v0 =	vadd.f32 v33, v0;
	(erf) = vrcp.f32 v47  }
0x32e: {  	v52 =	vpop (erf);
	v7 =	vsub.f32 $0.0e+00, v34;
	(erf) = vrcp.f32 v4;
	v4 =	vmul.f32 v51, v20  }
0x32f: {  	v11 =	vadd.f32 $1.000000000e+00, v52;
	v1 =	vadd.f32 v1, v2  }
0x330: {  	v35 =	vmul.f32 v19, v14;
	v55 =	vpop (erf);
	v36 =	vsub.f32 $0.0e+00, v5;
	v4 =	vadd.f32 v4, v6  }
0x331: {  	v22 =	vadd.f32 $1.000000000e+00, v55;
	v37 =	vsub.f32 $0.0e+00, v0  }
0x332: {  	v7 =	vmul.f32 $1.442695020e+00, v7;
	(erf) = vrcp.f32 v11;
	v4 =	vadd.f32 v35, v4  }
0x333: {  	v38 =	vsub.f32 $0.0e+00, v1;
	v2 =	vmul.f32 $1.442695020e+00, v36;
	(erf) = vrcp.f32 v22  }
0x334: {  	v6 =	vmul.f32 $1.442695020e+00, v37;
	(erf) = vpow2.f32 v7;
	v39 =	vsub.f32 $0.0e+00, v4  }
0x335: {  	v40 =	vmul.f32 $1.442695020e+00, v38;
	(erf) = vpow2.f32 v2  }
0x336: {  	(erf) = vpow2.f32 v6;
	v41 =	vmul.f32 $1.442695020e+00, v39  }
0x337: {  	v42 =	vpop (erf);
	(erf) = vpow2.f32 v40  }
0x338: {  	v43 =	vpop (erf);
	(erf) = vpow2.f32 v41  }
0x339: {  	v44 =	vpop (erf)  }
0x33a: {  	v45 =	vpop (erf)  }
0x33b: {  	v46 =	vpop (erf)  }
0x33c: {  	v47 =	vpop (erf)  }
0x33d: {  	v48 =	vpop (erf)  }
0x33e: {  	v11 =	vadd.f32 $1.000000000e+00, v48;
	v49 =	vpop (erf)  }
0x33f: {  	v50 =	vpop (erf);
	v12 =	vadd.f32 $1.000000000e+00, v49  }
0x340: {  	v51 =	vpop (erf);
	v13 =	vadd.f32 $1.000000000e+00, v50;
	(erf) = vrcp.f32 v11  }
0x341: {  	v14 =	vadd.f32 $1.000000000e+00, v51;
	v52 =	vpop (erf);
	(erf) = vrcp.f32 v12  }
0x342: {  	v6 =	vmul.f32 v42, v27;
	v11 =	vadd.f32 $1.000000000e+00, v52;
	(erf) = vrcp.f32 v13  }
0x343: {  	v53 =	vld [tilespmem:$0x1FE50];
	v7 =	vmul.f32 v43, v23;
	(erf) = vrcp.f32 v14  }
0x344: {  	v54 =	vld [tilespmem:$0x1FE60];
	[tilespmem:s23+$0x110] =	vst v6;
	v2 =	vmul.f32 v44, v24;
	(erf) = vrcp.f32 v11  }
0x345: {  	[tilespmem:s21+$0xFFFFFE90] =	vst v7;
	v55 =	vmul.f32 v45, v25  }
0x346: {  	[tilespmem:s21+$0xFFFFFF10] =	vst v2;
	v56 =	vmul.f32 v46, v29  }
0x347: {  	[tilespmem:s21+$0xFFFFFF90] =	vst v55;
	v57 =	vmul.f32 v47, v28  }
0x348: {  	[tilespmem:s21+$0x10] =	vst v56;
	v12 =	vmul.f32 v26, v53  }
0x349: {  	[tilespmem:s21+$0x90] =	vst v57;
	v13 =	vmul.f32 v30, v54;
	v58 =	vpop (erf)  }
0x34a: {  	[tilespmem:s20+$0x10] =	vst v12;
	v3 =	vmul.f32 v58, v34;
	v59 =	vpop (erf)  }
0x34b: {  	[tilespmem:s20+$0x90] =	vst v13;
	v60 =	vpop (erf);
	v2 =	vmul.f32 v59, v5  }
0x34c: {  	[tilespmem:s23+$0xFFFFFE90] =	vst v3;
	v61 =	vpop (erf);
	v0 =	vmul.f32 v60, v0  }
0x34d: {  	[tilespmem:s23+$0xFFFFFF10] =	vst v2;
	v62 =	vpop (erf);
	v1 =	vmul.f32 v61, v1  }
0x34e: {  	[tilespmem:s23+$0xFFFFFF90] =	vst v0;
	v63 =	vmul.f32 v62, v4  }
0x34f: {  	[tilespmem:s23+$0x10] =	vst v1  }
0x350: {  	s21 =	simm.s32 $0x598;
	s20 =	simm.s32 $0x0;
	[tilespmem:s23+$0x90] =	vst v63  }
.LBB2_11:
0x351: {  	v0 =	vld [tilespmem:s21+$0x0];
	s22 =	sshra.s32 s20, $0x2  }
0x352: {  	v1 =	vld [tilespmem:s22+$0x6D00]  }
0x353: {  	v2 =	vld [tilespmem:s22+$0x6D20];
	_ =	sdelay $0x1  }
0x354: {  	v4 =	vld [tilespmem:s22+$0x6D40]  }
0x355: {  	v3 =	vbroadcast v0, $0x0;
	v5 =	vbroadcast v0, $0x1  }
0x356: {  	v6 =	vld [tilespmem:s22+$0x6D60];
	v7 =	vbroadcast v0, $0x2  }
0x357: {  	v1 =	vmul.f32 v1, v3;
	v2 =	vmul.f32 v2, v5;
	_ =	sdelay $0x1  }
0x358: {  	v0 =	vbroadcast v0, $0x3;
	v53 =	vmul.f32 v4, v7;
	v1 =	vadd.f32 v2, v1;
	_ =	sdelay $0x1  }
0x359: {  	v54 =	vmul.f32 v6, v0;
	v1 =	vadd.f32 v53, v1;
	_ =	sdelay $0x1  }
0x35a: {  	v1 =	vadd.f32 v54, v1  }
0x35b: {  	v55 =	vld [tilespmem:s22+$0x6D10]  }
0x35c: {  	v57 =	vld [tilespmem:s22+$0x6D30];
	v56 =	vsub.f32 $0.0e+00, v1;
	_ =	sdelay $0x1  }
0x35d: {  	v8 =	vld [tilespmem:s22+$0x6D50];
	v4 =	vmul.f32 $1.442695020e+00, v56;
	_ =	sdelay $0x1  }
0x35e: {  	v58 =	vld [tilespmem:s22+$0x6D70];
	(erf) = vpow2.f32 v4  }
0x35f: {  	v59 =	vmul.f32 v57, v5;
	v2 =	vmul.f32 v55, v3;
	_ =	sdelay $0x1  }
0x360: {  	v60 =	vmul.f32 v8, v7;
	v2 =	vadd.f32 v59, v2;
	_ =	sdelay $0x1  }
0x361: {  	v0 =	vmul.f32 v58, v0;
	v2 =	vadd.f32 v60, v2;
	_ =	sdelay $0x1  }
0x362: {  	v0 =	vadd.f32 v0, v2;
	_ =	sdelay $0x1  }
0x363: {  	v62 =	vsub.f32 $0.0e+00, v0;
	v61 =	vpop (erf)  }
0x364: {  	v2 =	vadd.f32 $1.000000000e+00, v61  }
0x365: {  	v3 =	vmul.f32 $1.442695020e+00, v62  }
0x366: {  	(erf) = vrcp.f32 v2  }
0x367: {  	(erf) = vpow2.f32 v3;
	_ =	sdelay $0x7  }
0x368: {  	v2 =	vpop (erf)  }
0x369: {  	v3 =	vpop (erf)  }
0x36a: {  	v3 =	vadd.f32 $1.000000000e+00, v3;
	_ =	sdelay $0x1  }
0x36b: {  	(erf) = vrcp.f32 v3;
	_ =	sdelay $0x6  }
0x36c: {  	p0 =	sne.s32 s20, $0x200  }
.Ltmp4:
0x36d: {  	_ = 	snop;
	(pc) =	sbr.rel @p0 .LBB2_11-.Ltmp4, $4  }
0x36e: {  	v1 =	vmul.f32 v2, v1;
	v63 =	vpop (erf)  }
0x36f: {  	v0 =	vmul.f32 v63, v0  }
0x370: {  	[tilespmem:s22+$0xA100] =	vst v1  }
0x371: {  	s21 =	sadd.s32 $0x4, s21;
	s20 =	sadd.s32 $0x200, s20;
	[tilespmem:s22+$0xA110] =	vst v0  }
0x372: {  	[spmem:s3] =	stream.indirect.scatter.add.f32 [tilespmem:s29], [sflag:$0x3], $0x80, s12, s2, $0xb8;
	[tilespmem:$0x1E200] =	vst v63  }
0x373: {  	s19 =	sadd.s32 $0x1, s19  }
0x374: {  	_ =	swait.ge [sflag:s30], $0x3400;
	p0 =	sne.s32 s19, $0x17  }
.Ltmp5:
0x375: {  	[sflag:s30] =	ssyncset.done $0x0;
	(pc) =	sbr.rel @p0 .LBB2_4-.Ltmp5, $4  }
0x376: {  	[sflag:s30] =	ssyncadd.s32 $0xFFFFCC00  }
0x377: {  	_ =	swait.ge [sflag:s10], $0x3400  }
0x378: {  	[sflag:s10] =	ssyncset.done $0x0  }
0x379: {  	[sflag:s10] =	ssyncadd.s32 $0xFFFFCC00  }
0x37a: {  	s19 =	rddreg [dreg:$0xb]  }
0x37b: {  	[tilespmem:s11], [sflag:$0x3] =	stream.linear.gather [hbm4b:s19+s4], $0x68, $0x38;
	[tilespmem:$0x1E200] =	vst v63  }
0x37c: {  	_ =	swait.ge [sflag:s30], $0x68  }
0x37d: {  	[sflag:s30] =	ssyncset.done $0x0  }
0x37e: {  	s25 =	rddreg [dreg:$0xc];
	[sflag:s30] =	ssyncadd.s32 $0xFFFFFF98  }
0x37f: {  	[tilespmem:s12], [sflag:$0x3] =	stream.linear.gather [hbm4b:s25+s4], $0x68, $0x38;
	[tilespmem:$0x1E200] =	vst v63  }
0x380: {  	_ =	swait.ge [sflag:s30], $0x68  }
0x381: {  	[sflag:s30] =	ssyncset.done $0x0  }
0x382: {  	s26 =	rddreg [dreg:$0xd];
	[sflag:s30] =	ssyncadd.s32 $0xFFFFFF98  }
0x383: {  	[tilespmem:s13], [sflag:$0x3] =	stream.linear.gather [hbm4b:s26+s4], $0x1A0, $0x38;
	[tilespmem:$0x1E200] =	vst v63  }
0x384: {  	_ =	swait.ge [sflag:s30], $0x1A0  }
0x385: {  	[sflag:s30] =	ssyncset.done $0x0  }
0x386: {  	s28 =	simm.s32 $0x20C;
	[sflag:s30] =	ssyncadd.s32 $0xFFFFFE60  }
0x387: {  	[tilespmem:s14], [sflag:$0x2] =	stream.indirect.gather [hbm4b:s0+s2], $0x80, s11, s2, $0xb8;
	[tilespmem:$0x1E200] =	vst v63  }
0x388: {  	s21 =	simm.s32 $0x780;
	v0 =	vld [tilespmem:s28+$0x8]  }
0x389: {  	v1 =	vld [tilespmem:s21+$0x100]  }
0x38a: {  	v2 =	vld [tilespmem:s21+$0x120];
	_ =	sdelay $0x1  }
0x38b: {  	v3 =	vld [tilespmem:s21+$0x140]  }
0x38c: {  	v21 =	vbroadcast v0, $0x0;
	v22 =	vbroadcast v0, $0x1  }
0x38d: {  	v4 =	vld [tilespmem:s21+$0x160];
	v23 =	vbroadcast v0, $0x2  }
0x38e: {  	v1 =	vmul.f32 v1, v21;
	v2 =	vmul.f32 v2, v22;
	_ =	sdelay $0x1  }
0x38f: {  	v0 =	vbroadcast v0, $0x3;
	v45 =	vmul.f32 v3, v23;
	v1 =	vadd.f32 v2, v1;
	_ =	sdelay $0x1  }
0x390: {  	v7 =	vld [tilespmem:s28+$0xFFFFFFF8];
	v46 =	vmul.f32 v4, v0;
	v1 =	vadd.f32 v45, v1  }
0x391: {  	v24 =	vld [tilespmem:s28+$0x0]  }
0x392: {  	v26 =	vld [tilespmem:s28+$0x4];
	v25 =	vadd.f32 v46, v1  }
0x393: {  	v47 =	vld [tilespmem:s28+$0xFFFFFFF4]  }
0x394: {  	v5 =	vld [tilespmem:s21+$0xFFFFFE80];
	v1 =	vsub.f32 $0.0e+00, v25  }
0x395: {  	v6 =	vld [tilespmem:s21+$0xFFFFFEA0]  }
0x396: {  	v9 =	vld [tilespmem:s21+$0xFFFFFF00];
	v1 =	vmul.f32 $1.442695020e+00, v1  }
0x397: {  	v11 =	vld [tilespmem:s21+$0xFFFFFF20];
	v18 =	vbroadcast v7, $0x0;
	v17 =	vbroadcast v7, $0x1  }
0x398: {  	v12 =	vld [tilespmem:s21+$0xFFFFFF80];
	v48 =	vbroadcast v26, $0x1;
	(erf) = vpow2.f32 v1  }
0x399: {  	v27 =	vld [tilespmem:s21+$0xFFFFFFA0];
	v13 =	vbroadcast v24, $0x0;
	v8 =	vbroadcast v24, $0x1  }
0x39a: {  	v10 =	vbroadcast v26, $0x0;
	v20 =	vbroadcast v47, $0x0;
	v4 =	vld [tilespmem:s28+$0xFFFFFFFC];
	[tilespmem:$0x1FD60] =	vst v48  }
0x39b: {  	v19 =	vbroadcast v47, $0x1;
	v14 =	vbroadcast v47, $0x2;
	v28 =	vld [tilespmem:s21+$0x0]  }
0x39c: {  	v3 =	vbroadcast v7, $0x2;
	v5 =	vmul.f32 v5, v20;
	v29 =	vld [tilespmem:s21+$0x20]  }
0x39d: {  	v31 =	vmul.f32 v6, v19;
	v33 =	vmul.f32 v9, v18;
	v30 =	vld [tilespmem:s21+$0x80]  }
0x39e: {  	v11 =	vmul.f32 v11, v17;
	v7 =	vbroadcast v7, $0x3;
	v34 =	vld [tilespmem:s21+$0xFFFFFEC0]  }
0x39f: {  	v32 =	vld [tilespmem:s21+$0xA0];
	v31 =	vadd.f32 v31, v5;
	v5 =	vbroadcast v47, $0x3;
	v2 =	vbroadcast v24, $0x3  }
0x3a0: {  	v37 =	vld [tilespmem:s21+$0xFFFFFEE0];
	v15 =	vbroadcast v4, $0x0;
	v16 =	vbroadcast v4, $0x1  }
0x3a1: {  	v36 =	vld [tilespmem:s21+$0xFFFFFF40];
	v33 =	vadd.f32 v11, v33;
	v6 =	vbroadcast v4, $0x2;
	v11 =	vbroadcast v4, $0x3;
	v9 =	vpop (erf)  }
0x3a2: {  	v38 =	vld [tilespmem:s21+$0xFFFFFFC0];
	v4 =	vbroadcast v26, $0x3;
	v28 =	vmul.f32 v28, v13;
	v39 =	vadd.f32 $1.000000000e+00, v9  }
0x3a3: {  	v40 =	vld [tilespmem:s21+$0x40];
	v29 =	vmul.f32 v29, v8;
	v49 =	vmul.f32 v34, v14  }
0x3a4: {  	v41 =	vld [tilespmem:s21+$0xC0];
	v30 =	vmul.f32 v30, v10;
	(erf) = vrcp.f32 v39  }
0x3a5: {  	v50 =	vld [tilespmem:s21+$0xFFFFFF60];
	v32 =	vmul.f32 v32, v48;
	v37 =	vmul.f32 v37, v5  }
0x3a6: {  	v51 =	vld [tilespmem:s21+$0xFFFFFFE0];
	v35 =	vmul.f32 v12, v15;
	v27 =	vmul.f32 v27, v16  }
0x3a7: {  	v52 =	vld [tilespmem:s21+$0x60];
	v12 =	vbroadcast v24, $0x2;
	v31 =	vadd.f32 v49, v31;
	v28 =	vadd.f32 v29, v28  }
0x3a8: {  	v53 =	vld [tilespmem:s21+$0xE0];
	v29 =	vmul.f32 v36, v3;
	v30 =	vadd.f32 v32, v30;
	v9 =	vbroadcast v26, $0x2  }
0x3a9: {  	v24 =	vmul.f32 v38, v6;
	v27 =	vadd.f32 v27, v35;
	v31 =	vadd.f32 v37, v31  }
0x3aa: {  	v29 =	vadd.f32 v29, v33;
	v26 =	vmul.f32 v40, v12;
	v54 =	vmul.f32 v41, v9  }
0x3ab: {  	v24 =	vadd.f32 v24, v27;
	v27 =	vmul.f32 v50, v7;
	v55 =	vsub.f32 $0.0e+00, v31  }
0x3ac: {  	v26 =	vadd.f32 v26, v28;
	v28 =	vadd.f32 v54, v30;
	v30 =	vmul.f32 v51, v11  }
0x3ad: {  	v57 =	vmul.f32 v53, v4;
	v27 =	vadd.f32 v27, v29;
	v29 =	vmul.f32 v52, v2;
	v58 =	vpop (erf)  }
0x3ae: {  	v56 =	vmul.f32 $1.442695020e+00, v55;
	v24 =	vadd.f32 v30, v24;
	v25 =	vmul.f32 v58, v25  }
0x3af: {  	s19 =	simm.s32 $0x6F80;
	v26 =	vadd.f32 v29, v26;
	v30 =	vsub.f32 $0.0e+00, v27  }
0x3b0: {  	(erf) = vpow2.f32 v56;
	v28 =	vadd.f32 v57, v28;
	v29 =	vsub.f32 $0.0e+00, v24;
	[tilespmem:s19+$0x100] =	vst v25  }
0x3b1: {  	v25 =	vmul.f32 $1.442695020e+00, v30;
	v30 =	vsub.f32 $0.0e+00, v26;
	v59 =	vld [tilespmem:s21+$0x110]  }
0x3b2: {  	v33 =	vsub.f32 $0.0e+00, v28;
	v29 =	vmul.f32 $1.442695020e+00, v29;
	v60 =	vld [tilespmem:s21+$0x130]  }
0x3b3: {  	v30 =	vmul.f32 $1.442695020e+00, v30;
	(erf) = vpow2.f32 v25  }
0x3b4: {  	v25 =	vmul.f32 $1.442695020e+00, v33;
	(erf) = vpow2.f32 v29;
	v29 =	vld [tilespmem:s21+$0x150]  }
0x3b5: {  	(erf) = vpow2.f32 v30  }
0x3b6: {  	(erf) = vpow2.f32 v25  }
0x3b7: {  	v25 =	vld [tilespmem:s21+$0x170];
	v21 =	vmul.f32 v59, v21;
	v22 =	vmul.f32 v60, v22;
	_ =	sdelay $0x1  }
0x3b8: {  	v30 =	vpop (erf);
	v21 =	vadd.f32 v22, v21;
	v22 =	vmul.f32 v29, v23  }
0x3b9: {  	v30 =	vadd.f32 $1.000000000e+00, v30;
	_ =	sdelay $0x1  }
0x3ba: {  	(erf) = vrcp.f32 v30;
	v21 =	vadd.f32 v22, v21;
	v0 =	vmul.f32 v25, v0  }
0x3bb: {  	v22 =	vpop (erf)  }
0x3bc: {  	v21 =	vadd.f32 v0, v21;
	v23 =	vpop (erf)  }
0x3bd: {  	v22 =	vadd.f32 $1.000000000e+00, v22;
	v61 =	vadd.f32 $1.000000000e+00, v23;
	v23 =	vpop (erf)  }
0x3be: {  	s20 =	simm.s32 $0x224;
	v23 =	vadd.f32 $1.000000000e+00, v23;
	v29 =	vpop (erf)  }
0x3bf: {  	s23 =	simm.s32 $0xA80;
	v25 =	vld [tilespmem:s20+$0x8];
	(erf) = vrcp.f32 v22;
	v22 =	vsub.f32 $0.0e+00, v21;
	v29 =	vadd.f32 $1.000000000e+00, v29  }
0x3c0: {  	v62 =	vld [tilespmem:s23+$0x100];
	(erf) = vrcp.f32 v61  }
0x3c1: {  	(erf) = vrcp.f32 v23;
	v22 =	vmul.f32 $1.442695020e+00, v22;
	v23 =	vld [tilespmem:s23+$0x120]  }
0x3c2: {  	(erf) = vrcp.f32 v29  }
0x3c3: {  	v29 =	vpop (erf);
	(erf) = vpow2.f32 v22;
	v22 =	vld [tilespmem:s23+$0x140]  }
0x3c4: {  	v41 =	vbroadcast v25, $0x0;
	v42 =	vbroadcast v25, $0x1  }
0x3c5: {  	v30 =	vld [tilespmem:s23+$0x160];
	v40 =	vbroadcast v25, $0x2;
	v29 =	vmul.f32 v29, v31  }
0x3c6: {  	v0 =	vmul.f32 v62, v41;
	v23 =	vmul.f32 v23, v42;
	_ =	sdelay $0x1  }
0x3c7: {  	v63 =	vld [tilespmem:s23+$0xFFFFFF00];
	v39 =	vbroadcast v25, $0x3;
	v0 =	vadd.f32 v23, v0;
	v22 =	vmul.f32 v22, v40  }
0x3c8: {  	v38 =	vld [tilespmem:s20+$0x0];
	[tilespmem:s19+$0xFFFFFE80] =	vst v29;
	v29 =	vpop (erf)  }
0x3c9: {  	v34 =	vld [tilespmem:s20+$0xFFFFFFF4];
	v23 =	vpop (erf);
	v0 =	vadd.f32 v22, v0;
	v22 =	vmul.f32 v30, v39  }
0x3ca: {  	v46 =	vld [tilespmem:s23+$0xFFFFFF20];
	v25 =	vpop (erf)  }
0x3cb: {  	v49 =	vld [tilespmem:s20+$0x4];
	v37 =	vmul.f32 v29, v27;
	v30 =	vpop (erf);
	v1 =	vadd.f32 v22, v0  }
0x3cc: {  	v32 =	vld [tilespmem:s20+$0xFFFFFFFC];
	v50 =	vmul.f32 v23, v24;
	v51 =	vmul.f32 v25, v26;
	v27 =	vpop (erf)  }
0x3cd: {  	v31 =	vld [tilespmem:s20+$0xFFFFFFF8];
	v26 =	vbroadcast v38, $0x1;
	v23 =	vadd.f32 $1.000000000e+00, v27;
	v25 =	vsub.f32 $0.0e+00, v1  }
0x3ce: {  	v48 =	vld [tilespmem:s21+$0xFFFFFE90];
	v52 =	vmul.f32 v30, v28;
	v28 =	vbroadcast v38, $0x0  }
0x3cf: {  	v24 =	vld [tilespmem:s23+$0xFFFFFE80];
	(erf) = vrcp.f32 v23;
	v23 =	vmul.f32 $1.442695020e+00, v25  }
0x3d0: {  	v30 =	vld [tilespmem:s23+$0xFFFFFEA0];
	[tilespmem:$0x1FDC0] =	vst v28;
	v25 =	vbroadcast v49, $0x0  }
0x3d1: {  	v47 =	vld [tilespmem:s23+$0xFFFFFF80];
	[tilespmem:$0x1FDD0] =	vst v26;
	(erf) = vpow2.f32 v23;
	v23 =	vbroadcast v49, $0x1  }
0x3d2: {  	v53 =	vld [tilespmem:s23+$0xFFFFFFA0];
	[tilespmem:$0x1FDE0] =	vst v25  }
0x3d3: {  	v45 =	vbroadcast v34, $0x1;
	v27 =	vbroadcast v31, $0x2;
	[tilespmem:$0x1FDF0] =	vst v23  }
0x3d4: {  	v44 =	vbroadcast v34, $0x0;
	v35 =	vbroadcast v32, $0x0;
	v54 =	vld [tilespmem:s23+$0xFFFFFEC0]  }
0x3d5: {  	v57 =	vmul.f32 v30, v45;
	v30 =	vbroadcast v32, $0x2;
	v55 =	vld [tilespmem:s23+$0x0];
	[tilespmem:$0x1FE00] =	vst v27  }
0x3d6: {  	v33 =	vbroadcast v32, $0x1;
	v43 =	vbroadcast v31, $0x1;
	v56 =	vld [tilespmem:s23+$0xFFFFFEE0]  }
0x3d7: {  	v22 =	vbroadcast v31, $0x0;
	v0 =	vbroadcast v34, $0x3;
	v58 =	vld [tilespmem:s23+$0x20];
	[tilespmem:$0x1FE10] =	vst v30  }
0x3d8: {  	v61 =	vmul.f32 v47, v35;
	v53 =	vmul.f32 v53, v33;
	v59 =	vld [tilespmem:s23+$0x80]  }
0x3d9: {  	v29 =	vbroadcast v34, $0x2;
	v24 =	vmul.f32 v24, v44;
	v60 =	vld [tilespmem:s23+$0xFFFFFF40];
	[tilespmem:$0x1FE20] =	vst v0  }
0x3da: {  	v36 =	vmul.f32 v63, v22;
	v61 =	vadd.f32 v53, v61;
	v53 =	vbroadcast v31, $0x3;
	v62 =	vld [tilespmem:s23+$0xA0]  }
0x3db: {  	v57 =	vadd.f32 v57, v24;
	v63 =	vld [tilespmem:s23+$0xFFFFFF60];
	v34 =	vmul.f32 v54, v29;
	v54 =	vmul.f32 v46, v43;
	v46 =	vpop (erf)  }
0x3dc: {  	[tilespmem:s19+$0xFFFFFF00] =	vst v37;
	v37 =	vbroadcast v32, $0x3;
	v47 =	vmul.f32 v56, v0;
	v56 =	vld [tilespmem:s21+$0xFFFFFEB0];
	v0 =	vpop (erf)  }
0x3dd: {  	[tilespmem:s19+$0xFFFFFF80] =	vst v50;
	v55 =	vmul.f32 v55, v28;
	v34 =	vadd.f32 v34, v57;
	v57 =	vadd.f32 $1.000000000e+00, v0;
	v0 =	vld [tilespmem:s23+$0x40]  }
0x3de: {  	[tilespmem:s19+$0x0] =	vst v51;
	v51 =	vld [tilespmem:s21+$0xFFFFFFB0];
	v58 =	vmul.f32 v58, v26;
	v54 =	vadd.f32 v54, v36;
	v31 =	vmul.f32 v60, v27  }
0x3df: {  	v36 =	vbroadcast v38, $0x2;
	v59 =	vmul.f32 v59, v25;
	v47 =	vadd.f32 v47, v34;
	v34 =	vld [tilespmem:s23+$0xFFFFFFC0]  }
0x3e0: {  	v55 =	vadd.f32 v58, v55;
	v58 =	vld [tilespmem:s23+$0x60];
	v31 =	vadd.f32 v31, v54;
	v54 =	vmul.f32 v62, v23  }
0x3e1: {  	(erf) = vrcp.f32 v57;
	v57 =	vld [tilespmem:s23+$0xC0];
	v62 =	vmul.f32 v63, v53;
	v60 =	vsub.f32 $0.0e+00, v47  }
0x3e2: {  	v63 =	vld [tilespmem:s23+$0xFFFFFFE0];
	v54 =	vadd.f32 v54, v59;
	v19 =	vmul.f32 v56, v19;
	v0 =	vmul.f32 v0, v36  }
0x3e3: {  	v59 =	vld [tilespmem:s23+$0xE0];
	v32 =	vmul.f32 $1.442695020e+00, v60;
	v60 =	vadd.f32 v62, v31;
	v31 =	vbroadcast v38, $0x3  }
0x3e4: {  	v50 =	vld [tilespmem:s21+$0xFFFFFF30];
	v38 =	vbroadcast v49, $0x2;
	v34 =	vmul.f32 v34, v30  }
0x3e5: {  	v56 =	vld [tilespmem:s21+$0xFFFFFED0];
	(erf) = vpow2.f32 v32;
	v32 =	vbroadcast v49, $0x3;
	v49 =	vsub.f32 $0.0e+00, v60  }
0x3e6: {  	v16 =	vmul.f32 v51, v16;
	v62 =	vld [tilespmem:s21+$0xFFFFFF10];
	v0 =	vadd.f32 v0, v55;
	v57 =	vmul.f32 v57, v38  }
0x3e7: {  	[tilespmem:s19+$0x80] =	vst v52;
	v52 =	vld [tilespmem:s21+$0x30];
	v34 =	vadd.f32 v34, v61;
	v61 =	vmul.f32 v63, v37;
	v49 =	vmul.f32 $1.442695020e+00, v49  }
0x3e8: {  	v51 =	vld [tilespmem:s21+$0xFFFFFFD0];
	v55 =	vmul.f32 v58, v31;
	v54 =	vadd.f32 v57, v54;
	v58 =	vmul.f32 v59, v32  }
0x3e9: {  	v48 =	vmul.f32 v48, v20;
	v63 =	vld [tilespmem:s21+$0xFFFFFF90];
	v34 =	vadd.f32 v61, v34;
	(erf) = vpow2.f32 v49  }
0x3ea: {  	v14 =	vmul.f32 v56, v14;
	v56 =	vld [tilespmem:s21+$0xFFFFFEF0];
	v0 =	vadd.f32 v55, v0;
	v20 =	vadd.f32 v58, v54  }
0x3eb: {  	v57 =	vld [tilespmem:s21+$0x10];
	v59 =	vpop (erf);
	v18 =	vmul.f32 v62, v18;
	v55 =	vsub.f32 $0.0e+00, v34  }
0x3ec: {  	v61 =	vld [tilespmem:s21+$0xB0];
	v54 =	vsub.f32 $0.0e+00, v0;
	v1 =	vmul.f32 v59, v1;
	v62 =	vsub.f32 $0.0e+00, v20  }
0x3ed: {  	s20 =	simm.s32 $0x7280;
	v8 =	vmul.f32 v52, v8;
	v49 =	vld [tilespmem:s21+$0x90];
	v55 =	vmul.f32 $1.442695020e+00, v55  }
0x3ee: {  	v58 =	vld [tilespmem:s21+$0xFFFFFF50];
	v54 =	vmul.f32 $1.442695020e+00, v54;
	[tilespmem:s20+$0x100] =	vst v1;
	v62 =	vmul.f32 $1.442695020e+00, v62  }
0x3ef: {  	v1 =	vmul.f32 v50, v17;
	v17 =	vld [tilespmem:s23+$0x110];
	(erf) = vpow2.f32 v55  }
0x3f0: {  	v6 =	vmul.f32 v51, v6;
	(erf) = vpow2.f32 v54;
	v54 =	vld [tilespmem:s23+$0x130]  }
0x3f1: {  	v19 =	vadd.f32 v19, v48;
	v59 =	vld [tilespmem:s21+$0x50];
	v15 =	vmul.f32 v63, v15;
	v5 =	vmul.f32 v56, v5;
	v63 =	vpop (erf)  }
0x3f2: {  	v13 =	vmul.f32 v57, v13;
	v57 =	vld [tilespmem:s23+$0x150];
	v50 =	vadd.f32 $1.000000000e+00, v63;
	(erf) = vpow2.f32 v62;
	v62 =	vpop (erf)  }
0x3f3: {  	v15 =	vadd.f32 v16, v15;
	v16 =	vld [tilespmem:$0x1FD60];
	v10 =	vmul.f32 v49, v10;
	v49 =	vadd.f32 $1.000000000e+00, v62  }
0x3f4: {  	v14 =	vadd.f32 v14, v19;
	v63 =	vld [tilespmem:s23+$0x170];
	(erf) = vrcp.f32 v50;
	v17 =	vmul.f32 v17, v41  }
0x3f5: {  	v1 =	vadd.f32 v1, v18;
	v18 =	vld [tilespmem:s21+$0xD0];
	v54 =	vmul.f32 v54, v42;
	(erf) = vrcp.f32 v49  }
0x3f6: {  	v3 =	vmul.f32 v58, v3;
	v8 =	vadd.f32 v8, v13;
	v12 =	vmul.f32 v59, v12;
	v58 =	vld [tilespmem:s21+$0xFFFFFFF0]  }
0x3f7: {  	v6 =	vadd.f32 v6, v15;
	v40 =	vmul.f32 v57, v40;
	v17 =	vadd.f32 v54, v17  }
0x3f8: {  	v1 =	vadd.f32 v3, v1;
	v8 =	vadd.f32 v12, v8;
	v57 =	vld [tilespmem:s21+$0xFFFFFF70];
	v16 =	vmul.f32 v61, v16;
	v13 =	vpop (erf)  }
0x3f9: {  	v39 =	vmul.f32 v63, v39;
	v13 =	vadd.f32 $1.000000000e+00, v13;
	v59 =	vpop (erf);
	v17 =	vadd.f32 v40, v17  }
0x3fa: {  	v9 =	vmul.f32 v18, v9;
	v10 =	vadd.f32 v16, v10;
	v16 =	vadd.f32 $1.000000000e+00, v59  }
0x3fb: {  	v11 =	vmul.f32 v58, v11;
	v3 =	vpop (erf);
	(erf) = vrcp.f32 v13;
	v13 =	vadd.f32 v39, v17;
	v17 =	vld [tilespmem:s21+$0x70]  }
0x3fc: {  	v61 =	vmul.f32 v46, v21;
	v3 =	vadd.f32 $1.000000000e+00, v3;
	(erf) = vrcp.f32 v16;
	v16 =	vld [tilespmem:s21+$0xF0]  }
0x3fd: {  	v41 =	vadd.f32 v11, v6;
	v7 =	vmul.f32 v57, v7;
	v18 =	vpop (erf);
	v15 =	vsub.f32 $0.0e+00, v13  }
0x3fe: {  	v39 =	vadd.f32 v5, v14;
	v18 =	vmul.f32 v18, v47;
	(erf) = vrcp.f32 v3;
	v12 =	vpop (erf)  }
0x3ff: {  	v9 =	vadd.f32 v9, v10;
	v10 =	vmul.f32 $1.442695020e+00, v15;
	v3 =	vmul.f32 v12, v60  }
0x400: {  	v40 =	vadd.f32 v7, v1;
	v6 =	vsub.f32 $0.0e+00, v39;
	[tilespmem:s20+$0xFFFFFE80] =	vst v18;
	v2 =	vmul.f32 v17, v2  }
0x401: {  	v5 =	vld [tilespmem:s23+$0xFFFFFE90];
	(erf) = vpow2.f32 v10;
	v4 =	vmul.f32 v16, v4;
	[tilespmem:s20+$0xFFFFFF00] =	vst v3  }
0x402: {  	v7 =	vld [tilespmem:s23+$0xFFFFFEB0];
	v6 =	vmul.f32 $1.442695020e+00, v6;
	v62 =	vadd.f32 v2, v8;
	v3 =	vsub.f32 $0.0e+00, v40;
	[tilespmem:$0x1FE30] =	vst v61  }
0x403: {  	s22 =	simm.s32 $0x23C;
	v63 =	vadd.f32 v4, v9;
	v4 =	vsub.f32 $0.0e+00, v41;
	v8 =	vld [tilespmem:s23+$0xFFFFFF10]  }
0x404: {  	v9 =	vpop (erf);
	v10 =	vld [tilespmem:s22+$0x8];
	[tilespmem:$0x1FD70] =	vst v62;
	v11 =	vsub.f32 $0.0e+00, v62;
	v3 =	vmul.f32 $1.442695020e+00, v3;
	(erf) = vpow2.f32 v6  }
0x405: {  	s21 =	simm.s32 $0xD80;
	v26 =	vmul.f32 v9, v34;
	v9 =	vpop (erf);
	v12 =	vld [tilespmem:s23+$0xFFFFFF30];
	[tilespmem:$0x1FD80] =	vst v63;
	v4 =	vmul.f32 $1.442695020e+00, v4  }
0x406: {  	v27 =	vmul.f32 v9, v0;
	v9 =	vld [tilespmem:s21+$0x100];
	v11 =	vmul.f32 $1.442695020e+00, v11  }
0x407: {  	v15 =	vsub.f32 $0.0e+00, v63;
	v6 =	vld [tilespmem:s21+$0x120];
	(erf) = vpow2.f32 v3  }
0x408: {  	v16 =	vld [tilespmem:s22+$0xFFFFFFF8];
	(erf) = vpow2.f32 v4  }
0x409: {  	v15 =	vmul.f32 $1.442695020e+00, v15;
	v4 =	vld [tilespmem:s21+$0x140];
	v3 =	vpop (erf);
	(erf) = vpow2.f32 v11  }
0x40a: {  	v18 =	vld [tilespmem:s22+$0xFFFFFFFC];
	v46 =	vbroadcast v10, $0x0;
	v49 =	vbroadcast v10, $0x1;
	v11 =	vpop (erf)  }
0x40b: {  	(erf) = vpow2.f32 v15;
	v15 =	vld [tilespmem:s21+$0x160];
	v47 =	vbroadcast v10, $0x2;
	v11 =	vadd.f32 $1.000000000e+00, v11  }
0x40c: {  	v34 =	vld [tilespmem:s22+$0x0];
	v9 =	vmul.f32 v9, v46;
	v6 =	vmul.f32 v6, v49  }
0x40d: {  	v55 =	vld [tilespmem:s22+$0x4];
	v54 =	vmul.f32 v3, v20;
	(erf) = vrcp.f32 v11  }
0x40e: {  	v17 =	vld [tilespmem:s22+$0xFFFFFFF4];
	v48 =	vbroadcast v10, $0x3;
	v4 =	vmul.f32 v4, v47;
	v3 =	vadd.f32 v6, v9  }
0x40f: {  	v50 =	vmul.f32 v5, v44;
	v51 =	vmul.f32 v7, v45;
	v58 =	vld [tilespmem:s21+$0xFFFFFF80]  }
0x410: {  	v10 =	vld [tilespmem:s21+$0xFFFFFE80];
	v45 =	vmul.f32 v8, v22;
	v5 =	vmul.f32 v15, v48;
	v3 =	vadd.f32 v4, v3  }
0x411: {  	v60 =	vld [tilespmem:s21+$0xFFFFFFA0];
	v52 =	vmul.f32 v12, v43;
	v2 =	vbroadcast v18, $0x0;
	v12 =	vpop (erf)  }
0x412: {  	v20 =	vld [tilespmem:s21+$0xFFFFFF20];
	v7 =	vbroadcast v18, $0x1;
	v1 =	vbroadcast v34, $0x0;
	v19 =	vpop (erf);
	v56 =	vadd.f32 v5, v3  }
0x413: {  	v8 =	vld [tilespmem:s21+$0xFFFFFEA0];
	v22 =	vbroadcast v17, $0x0;
	v21 =	vbroadcast v17, $0x1;
	v57 =	vpop (erf)  }
0x414: {  	v14 =	vbroadcast v55, $0x1;
	v9 =	vbroadcast v16, $0x0;
	v15 =	vld [tilespmem:s21+$0xFFFFFF00];
	v59 =	vpop (erf);
	v0 =	vsub.f32 $0.0e+00, v56  }
0x415: {  	v61 =	vld [tilespmem:s21+$0x0];
	v11 =	vbroadcast v16, $0x1;
	v10 =	vmul.f32 v10, v22;
	v44 =	vpop (erf)  }
0x416: {  	v62 =	vld [tilespmem:s21+$0x20];
	v4 =	vbroadcast v55, $0x0;
	v43 =	vmul.f32 $1.442695020e+00, v0;
	v63 =	vpop (erf)  }
0x417: {  	v20 =	vmul.f32 v20, v11;
	v63 =	vmul.f32 v63, v13;
	v13 =	vld [tilespmem:s21+$0x80]  }
0x418: {  	v0 =	vmul.f32 v8, v21;
	(erf) = vpow2.f32 v43;
	v43 =	vld [tilespmem:s21+$0xA0]  }
0x419: {  	v6 =	vmov v2;
	v3 =	vbroadcast v34, $0x1;
	v15 =	vmul.f32 v15, v9  }
0x41a: {  	v23 =	vadd.f32 v0, v10;
	v10 =	vmul.f32 v58, v2;
	v2 =	vmul.f32 v60, v7;
	v60 =	vld [tilespmem:s21+$0xFFFFFEC0];
	[tilespmem:$0x1FD90] =	vst v1  }
0x41b: {  	v24 =	vadd.f32 v20, v15;
	v20 =	vmul.f32 v61, v1;
	v61 =	vmul.f32 v62, v3;
	[tilespmem:$0x1FDA0] =	vst v3  }
0x41c: {  	v42 =	vadd.f32 $1.000000000e+00, v12;
	v0 =	vld [tilespmem:s21+$0xFFFFFFC0];
	v58 =	vadd.f32 v2, v10;
	v2 =	vbroadcast v17, $0x2  }
0x41d: {  	v61 =	vadd.f32 v61, v20;
	v13 =	vmul.f32 v13, v4;
	v20 =	vmul.f32 v43, v14  }
0x41e: {  	v19 =	vadd.f32 $1.000000000e+00, v19;
	v1 =	vbroadcast v16, $0x2;
	v62 =	vld [tilespmem:s21+$0xFFFFFF40];
	[tilespmem:$0x1FDB0] =	vst v14;
	(erf) = vrcp.f32 v42  }
0x41f: {  	v25 =	vadd.f32 v20, v13;
	v20 =	vmul.f32 v60, v2;
	v13 =	vbroadcast v18, $0x2;
	v60 =	vld [tilespmem:s21+$0xFFFFFEE0]  }
0x420: {  	v57 =	vadd.f32 $1.000000000e+00, v57;
	v16 =	vbroadcast v16, $0x3;
	(erf) = vrcp.f32 v19;
	v15 =	vld [tilespmem:s21+$0xFFFFFF60]  }
0x421: {  	v19 =	vbroadcast v34, $0x2;
	v43 =	vld [tilespmem:s21+$0x40];
	v0 =	vmul.f32 v0, v13  }
0x422: {  	v17 =	vbroadcast v17, $0x3;
	(erf) = vrcp.f32 v57;
	v57 =	vld [tilespmem:s21+$0xFFFFFFE0];
	v42 =	vpop (erf)  }
0x423: {  	v14 =	vld [tilespmem:s21+$0xC0];
	v62 =	vmul.f32 v62, v1;
	v0 =	vadd.f32 v0, v58;
	v58 =	vadd.f32 $1.000000000e+00, v42  }
0x424: {  	v18 =	vbroadcast v18, $0x3;
	v23 =	vadd.f32 v20, v23;
	v60 =	vmul.f32 v60, v17  }
0x425: {  	v24 =	vadd.f32 v62, v24;
	v20 =	vbroadcast v55, $0x2;
	(erf) = vrcp.f32 v58  }
0x426: {  	v62 =	vld [tilespmem:s21+$0x60];
	v43 =	vmul.f32 v43, v19;
	v60 =	vadd.f32 v60, v23;
	v23 =	vmul.f32 v15, v16  }
0x427: {  	v50 =	vadd.f32 v51, v50;
	[tilespmem:s20+$0x0] =	vst v27;
	v27 =	vmul.f32 v57, v18  }
0x428: {  	[tilespmem:s20+$0xFFFFFF80] =	vst v26;
	v14 =	vmul.f32 v14, v20;
	v26 =	vadd.f32 v43, v61;
	v43 =	vld [tilespmem:s21+$0xE0];
	v57 =	vadd.f32 v23, v24  }
0x429: {  	[tilespmem:s20+$0x80] =	vst v54;
	v0 =	vadd.f32 v27, v0;
	v27 =	vadd.f32 $1.000000000e+00, v59;
	v15 =	vbroadcast v34, $0x3  }
0x42a: {  	v12 =	vmovc v1;
	v51 =	vld [tilespmem:$0x1FDD0];
	v5 =	vmov v2;
	v24 =	vsub.f32 $0.0e+00, v60;
	v2 =	vsub.f32 $0.0e+00, v57  }
0x42b: {  	v61 =	vpop (erf);
	v58 =	vld [tilespmem:s23+$0xFFFFFF90];
	v25 =	vadd.f32 v14, v25;
	v14 =	vbroadcast v55, $0x3;
	v1 =	vmul.f32 v62, v15  }
0x42c: {  	v55 =	vld [tilespmem:s23+$0x30];
	v30 =	vpop (erf);
	(erf) = vrcp.f32 v27;
	v24 =	vmul.f32 $1.442695020e+00, v24  }
0x42d: {  	v59 =	vld [tilespmem:s23+$0x90];
	v28 =	vpop (erf);
	v27 =	vsub.f32 $0.0e+00, v0;
	v43 =	vmul.f32 v43, v14;
	v54 =	vadd.f32 v1, v26  }
0x42e: {  	v34 =	vld [tilespmem:s23+$0xFFFFFFB0];
	(erf) = vpow2.f32 v24;
	v24 =	vmul.f32 $1.442695020e+00, v2;
	v2 =	vpop (erf)  }
0x42f: {  	v23 =	vld [tilespmem:s23+$0x10];
	v27 =	vmul.f32 $1.442695020e+00, v27;
	v1 =	vsub.f32 $0.0e+00, v54;
	v42 =	vmul.f32 v2, v56  }
0x430: {  	s22 =	simm.s32 $0x7580;
	v62 =	vld [tilespmem:s23+$0xFFFFFF50];
	v43 =	vadd.f32 v43, v25;
	(erf) = vpow2.f32 v24  }
0x431: {  	(erf) = vpow2.f32 v27;
	v27 =	vmul.f32 $1.442695020e+00, v1;
	v1 =	vld [tilespmem:$0x1FDC0];
	[tilespmem:s22+$0x100] =	vst v42  }
0x432: {  	v45 =	vadd.f32 v52, v45;
	v24 =	vsub.f32 $0.0e+00, v43;
	v52 =	vld [tilespmem:$0x1FDE0]  }
0x433: {  	v26 =	vld [tilespmem:s23+$0xB0]  }
0x434: {  	v35 =	vmul.f32 v58, v35;
	v58 =	vld [tilespmem:s23+$0x50];
	v24 =	vmul.f32 $1.442695020e+00, v24  }
0x435: {  	v25 =	vld [tilespmem:s23+$0xFFFFFED0];
	(erf) = vpow2.f32 v27  }
0x436: {  	v33 =	vmul.f32 v34, v33;
	v34 =	vld [tilespmem:s23+$0xFFFFFFD0];
	(erf) = vpow2.f32 v24  }
0x437: {  	v24 =	vmul.f32 v55, v51;
	v51 =	vmul.f32 v59, v52;
	v59 =	vld [tilespmem:$0x1FE00]  }
0x438: {  	v55 =	vld [tilespmem:$0x1FDF0]  }
0x439: {  	v56 =	vld [tilespmem:s23+$0xD0]  }
0x43a: {  	v42 =	vld [tilespmem:s23+$0xFFFFFF70]  }
0x43b: {  	v25 =	vmul.f32 v25, v29;
	v29 =	vld [tilespmem:s21+$0x110]  }
0x43c: {  	v52 =	vmul.f32 v62, v59;
	v62 =	vld [tilespmem:$0x1FE10]  }
0x43d: {  	v33 =	vadd.f32 v33, v35;
	v35 =	vmul.f32 v26, v55;
	v55 =	vld [tilespmem:s21+$0x130]  }
0x43e: {  	v27 =	vld [tilespmem:s23+$0xFFFFFEF0];
	v23 =	vmul.f32 v23, v1  }
0x43f: {  	v36 =	vmul.f32 v58, v36;
	v25 =	vadd.f32 v25, v50;
	v38 =	vmul.f32 v56, v38;
	v56 =	vld [tilespmem:s21+$0x150];
	v26 =	vpop (erf)  }
0x440: {  	v23 =	vadd.f32 v24, v23;
	v24 =	vld [tilespmem:s23+$0xFFFFFFF0];
	v42 =	vmul.f32 v42, v53;
	v29 =	vmul.f32 v29, v46;
	v2 =	vpop (erf)  }
0x441: {  	v35 =	vadd.f32 v35, v51;
	v51 =	vadd.f32 $1.000000000e+00, v2;
	v59 =	vld [tilespmem:$0x1FE20];
	v34 =	vmul.f32 v34, v62;
	v62 =	vpop (erf)  }
0x442: {  	v53 =	vld [tilespmem:s21+$0x170];
	v45 =	vadd.f32 v52, v45;
	v52 =	vmul.f32 v55, v49;
	v50 =	vadd.f32 $1.000000000e+00, v62;
	v2 =	vpop (erf)  }
0x443: {  	(erf) = vrcp.f32 v51;
	v33 =	vadd.f32 v34, v33;
	v34 =	vadd.f32 $1.000000000e+00, v2;
	v55 =	vpop (erf)  }
0x444: {  	v1 =	vld [tilespmem:s23+$0x70];
	v47 =	vmul.f32 v56, v47;
	(erf) = vrcp.f32 v50;
	v58 =	vadd.f32 $1.000000000e+00, v55  }
0x445: {  	v37 =	vmul.f32 v24, v37;
	v24 =	vld [tilespmem:s23+$0xF0];
	v29 =	vadd.f32 v52, v29;
	(erf) = vrcp.f32 v34  }
0x446: {  	v36 =	vadd.f32 v36, v23;
	v27 =	vmul.f32 v27, v59;
	v59 =	vpop (erf);
	(erf) = vrcp.f32 v58  }
0x447: {  	v48 =	vmul.f32 v53, v48;
	v29 =	vadd.f32 v47, v29;
	v23 =	vadd.f32 $1.000000000e+00, v59  }
0x448: {  	v30 =	vmul.f32 v30, v40;
	v49 =	vadd.f32 $1.000000000e+00, v44  }
0x449: {  	(erf) = vrcp.f32 v23;
	v23 =	vadd.f32 v27, v25;
	v27 =	vadd.f32 v48, v29  }
0x44a: {  	v31 =	vmul.f32 v1, v31;
	v32 =	vmul.f32 v24, v32;
	v24 =	vadd.f32 v42, v45;
	v50 =	vld [tilespmem:$0x1FE30]  }
0x44b: {  	v62 =	vadd.f32 v38, v35;
	(erf) = vrcp.f32 v49;
	v35 =	vsub.f32 $0.0e+00, v27  }
0x44c: {  	[tilespmem:s20+$0x110] =	vst v63;
	v29 =	vadd.f32 v31, v36;
	v31 =	vmul.f32 v61, v39;
	v52 =	vpop (erf)  }
0x44d: {  	v53 =	vsub.f32 $0.0e+00, v24;
	[tilespmem:s19+$0xFFFFFF10] =	vst v30;
	v51 =	vsub.f32 $0.0e+00, v23;
	v30 =	vmul.f32 $1.442695020e+00, v35;
	v55 =	vpop (erf)  }
0x44e: {  	v25 =	vadd.f32 v37, v33;
	[tilespmem:s19+$0xFFFFFE90] =	vst v31;
	v31 =	vmul.f32 v28, v41;
	v36 =	vmul.f32 v52, v60;
	v59 =	vpop (erf)  }
0x44f: {  	[tilespmem:s19+$0x110] =	vst v50;
	v28 =	vadd.f32 v32, v62;
	v56 =	vmul.f32 $1.442695020e+00, v51;
	(erf) = vpow2.f32 v30;
	v61 =	vpop (erf)  }
0x450: {  	v58 =	vsub.f32 $0.0e+00, v25;
	[tilespmem:s22+$0xFFFFFE80] =	vst v36;
	v32 =	vmul.f32 v55, v57;
	v30 =	vmul.f32 v61, v54  }
0x451: {  	v60 =	vsub.f32 $0.0e+00, v29;
	[tilespmem:s19+$0xFFFFFF90] =	vst v31;
	v62 =	vsub.f32 $0.0e+00, v28;
	v31 =	vld [tilespmem:s21+$0xFFFFFE90];
	v0 =	vmul.f32 v59, v0  }
0x452: {  	v35 =	vmul.f32 $1.442695020e+00, v53;
	v36 =	vmul.f32 $1.442695020e+00, v58;
	[tilespmem:s22+$0xFFFFFF00] =	vst v32;
	v32 =	vld [tilespmem:s21+$0xFFFFFEB0]  }
0x453: {  	v37 =	vmul.f32 $1.442695020e+00, v60;
	v38 =	vmul.f32 $1.442695020e+00, v62;
	v63 =	vpop (erf);
	[tilespmem:s22+$0xFFFFFF80] =	vst v0;
	v33 =	vld [tilespmem:s21+$0xFFFFFF10]  }
0x454: {  	s24 =	simm.s32 $0xC;
	s25 =	simm.s32 $0x254;
	v10 =	vmov v4;
	s23 =	simm.s32 $0xD80;
	(erf) = vpow2.f32 v56;
	v39 =	vmul.f32 v63, v43;
	v34 =	vld [tilespmem:s21+$0xFFFFFF30];
	[tilespmem:s22+$0x0] =	vst v30;
	v30 =	vpop (erf)  }
.LBB2_14:
0x455: {  	v0 =	vld [tilespmem:s25+$0x8]  }
0x456: {  	v1 =	vld [tilespmem:$0x1FD70]  }
0x457: {  	v56 =	vld [tilespmem:$0x1FD80]  }
0x458: {  	s21 =	sadd.s32 $0x300, s21;
	[tilespmem:s22+$0x80] =	vst v39;
	(erf) = vpow2.f32 v35;
	v39 =	vld [tilespmem:s25+$0xFFFFFFF8]  }
0x459: {  	v55 =	vmov v29;
	v29 =	vld [tilespmem:s21+$0x100];
	(erf) = vpow2.f32 v36  }
0x45a: {  	v60 =	vld [tilespmem:s21+$0x160];
	(erf) = vpow2.f32 v37;
	v22 =	vmul.f32 v31, v22  }
0x45b: {  	v36 =	vld [tilespmem:s25+$0xFFFFFFFC];
	v21 =	vmul.f32 v32, v21;
	v26 =	vmul.f32 v26, v1  }
0x45c: {  	v46 =	vld [tilespmem:s21+$0xFFFFFF00];
	v31 =	vmul.f32 v33, v9;
	(erf) = vpow2.f32 v38  }
0x45d: {  	v57 =	vmov v28;
	v11 =	vmul.f32 v34, v11;
	v28 =	vbroadcast v0, $0x0;
	[tilespmem:s19+$0x10] =	vst v26;
	v26 =	vld [tilespmem:s21+$0x120]  }
0x45e: {  	[tilespmem:$0x1FD80] =	vst v57;
	v57 =	vld [tilespmem:s21+$0xFFFFFF80];
	v32 =	vadd.f32 v21, v22;
	v21 =	vmul.f32 v30, v56;
	v9 =	vbroadcast v39, $0x0  }
0x45f: {  	v22 =	vld [tilespmem:s21+$0x140];
	v30 =	vbroadcast v0, $0x1;
	v33 =	vadd.f32 v11, v31;
	v11 =	vbroadcast v39, $0x1;
	v58 =	vpop (erf)  }
0x460: {  	v38 =	vld [tilespmem:s25+$0xFFFFFFF4];
	v41 =	vbroadcast v36, $0x0;
	v52 =	vbroadcast v36, $0x1;
	v59 =	vadd.f32 $1.000000000e+00, v58  }
0x461: {  	v56 =	vld [tilespmem:s21+$0xFFFFFF20];
	[tilespmem:s19+$0x90] =	vst v21;
	v21 =	vmul.f32 v29, v28;
	v29 =	vbroadcast v0, $0x2  }
0x462: {  	v40 =	vld [tilespmem:s21+$0xFFFFFE80];
	v31 =	vpop (erf);
	(erf) = vrcp.f32 v59;
	v26 =	vmul.f32 v26, v30  }
0x463: {  	v50 =	vbroadcast v36, $0x2;
	v37 =	vld [tilespmem:s25+$0x0];
	v46 =	vmul.f32 v46, v9;
	v48 =	vadd.f32 $1.000000000e+00, v31  }
0x464: {  	v42 =	vld [tilespmem:s21+$0xFFFFFEA0];
	v31 =	vbroadcast v0, $0x3;
	v61 =	vpop (erf);
	v22 =	vmul.f32 v22, v29;
	v21 =	vadd.f32 v26, v21  }
0x465: {  	v47 =	vld [tilespmem:s25+$0x4];
	v51 =	vbroadcast v38, $0x2;
	v57 =	vmul.f32 v57, v41;
	v54 =	vadd.f32 $1.000000000e+00, v61  }
0x466: {  	v59 =	vld [tilespmem:s21+$0x0];
	v62 =	vpop (erf);
	v35 =	vmul.f32 v60, v31;
	v56 =	vmul.f32 v56, v11;
	v45 =	vadd.f32 v22, v21  }
0x467: {  	v1 =	vld [tilespmem:s21+$0xFFFFFFA0];
	v0 =	vadd.f32 $1.000000000e+00, v62;
	v22 =	vbroadcast v38, $0x0;
	v21 =	vbroadcast v38, $0x1  }
0x468: {  	v61 =	vld [tilespmem:s21+$0x20];
	v43 =	vbroadcast v37, $0x1;
	v26 =	vbroadcast v37, $0x0;
	v53 =	vadd.f32 v35, v45  }
0x469: {  	v63 =	vpop (erf);
	v56 =	vadd.f32 v56, v46;
	v40 =	vmul.f32 v40, v22;
	v42 =	vmul.f32 v42, v21  }
0x46a: {  	[tilespmem:$0x1FD70] =	vst v55;
	v55 =	vpop (erf);
	v46 =	vld [tilespmem:s21+$0xFFFFFF40];
	v49 =	vbroadcast v47, $0x0;
	v44 =	vbroadcast v47, $0x1;
	v60 =	vsub.f32 $0.0e+00, v53  }
0x46b: {  	v34 =	vadd.f32 $1.000000000e+00, v55;
	v59 =	vmul.f32 v59, v26;
	v62 =	vpop (erf);
	v55 =	vadd.f32 v42, v40;
	v42 =	vld [tilespmem:s21+$0x80]  }
0x46c: {  	v27 =	vmul.f32 v62, v27;
	v62 =	vld [tilespmem:s21+$0xFFFFFEC0];
	v2 =	vmul.f32 $1.442695020e+00, v60  }
0x46d: {  	v61 =	vmul.f32 v61, v43;
	v35 =	vmul.f32 v1, v52;
	v60 =	vld [tilespmem:s21+$0xA0]  }
0x46e: {  	v3 =	vld [tilespmem:s21+$0xFFFFFF60];
	v58 =	vadd.f32 $1.000000000e+00, v63;
	v45 =	vbroadcast v39, $0x2;
	(erf) = vpow2.f32 v2  }
0x46f: {  	v63 =	vld [tilespmem:s21+$0xFFFFFFC0];
	v57 =	vadd.f32 v35, v57;
	v40 =	vbroadcast v47, $0x2;
	v35 =	vbroadcast v38, $0x3  }
0x470: {  	v1 =	vld [tilespmem:s21+$0x40];
	v38 =	vbroadcast v39, $0x3;
	v2 =	vmul.f32 v42, v49  }
0x471: {  	v39 =	vadd.f32 v61, v59;
	v61 =	vmul.f32 v62, v51;
	v42 =	vbroadcast v36, $0x3  }
0x472: {  	v36 =	vmul.f32 v46, v45;
	v59 =	vmul.f32 v60, v44;
	v60 =	vld [tilespmem:s21+$0xC0]  }
0x473: {  	[tilespmem:s22+$0x110] =	vst v27;
	v27 =	vbroadcast v37, $0x2;
	v62 =	vld [tilespmem:s21+$0xFFFFFEE0];
	v46 =	vbroadcast v37, $0x3  }
0x474: {  	v37 =	vadd.f32 v61, v55;
	v61 =	vmul.f32 v63, v50;
	v36 =	vadd.f32 v36, v56;
	v56 =	vld [tilespmem:s21+$0x60]  }
0x475: {  	v3 =	vmul.f32 v3, v38;
	v1 =	vmul.f32 v1, v27;
	v2 =	vadd.f32 v59, v2;
	v59 =	vld [tilespmem:s21+$0xFFFFFFE0]  }
0x476: {  	v47 =	vbroadcast v47, $0x3;
	(erf) = vrcp.f32 v48;
	v55 =	vadd.f32 v61, v57;
	v57 =	vld [tilespmem:s21+$0xE0]  }
0x477: {  	v1 =	vadd.f32 v1, v39;
	v36 =	vadd.f32 v3, v36;
	v48 =	vmul.f32 v60, v40;
	v60 =	vpop (erf)  }
0x478: {  	v61 =	vld [tilespmem:s23+$0xFFFFFFB0];
	(erf) = vrcp.f32 v54;
	v54 =	vmul.f32 v62, v35;
	v39 =	vadd.f32 $1.000000000e+00, v60  }
0x479: {  	v3 =	vmul.f32 v56, v46;
	v60 =	vld [tilespmem:s23+$0xFFFFFF90];
	v2 =	vadd.f32 v48, v2;
	(erf) = vrcp.f32 v0  }
0x47a: {  	v56 =	vld [tilespmem:s23+$0x30];
	v63 =	vmul.f32 v59, v42;
	v48 =	vadd.f32 v54, v37;
	(erf) = vrcp.f32 v39  }
0x47b: {  	v62 =	vmul.f32 v57, v47;
	v0 =	vld [tilespmem:s23+$0xFFFFFED0];
	v37 =	vadd.f32 v3, v1  }
0x47c: {  	v54 =	vld [tilespmem:s23+$0x10];
	v39 =	vadd.f32 v63, v55;
	(erf) = vrcp.f32 v58;
	v58 =	vsub.f32 $0.0e+00, v48  }
0x47d: {  	v7 =	vmul.f32 v61, v7;
	v3 =	vld [tilespmem:s23+$0xB0];
	v63 =	vsub.f32 $0.0e+00, v36;
	v57 =	vsub.f32 $0.0e+00, v37  }
0x47e: {  	v55 =	vld [tilespmem:s23+$0x90];
	v59 =	vsub.f32 $0.0e+00, v39;
	v1 =	vmul.f32 v60, v6;
	v58 =	vmul.f32 $1.442695020e+00, v58  }
0x47f: {  	v6 =	vmovc v41;
	v41 =	vadd.f32 v62, v2;
	v2 =	vmul.f32 $1.442695020e+00, v63;
	v60 =	vld [tilespmem:s23+$0xFFFFFF50];
	v57 =	vmul.f32 $1.442695020e+00, v57  }
0x480: {  	v61 =	vpop (erf);
	v59 =	vmul.f32 $1.442695020e+00, v59;
	(erf) = vpow2.f32 v58;
	v1 =	vadd.f32 v7, v1;
	v7 =	vld [tilespmem:$0x1FD90]  }
0x481: {  	v58 =	vld [tilespmem:s23+$0xFFFFFFD0];
	v63 =	vpop (erf);
	(erf) = vpow2.f32 v2  }
0x482: {  	v4 =	vsub.f32 $0.0e+00, v41;
	v2 =	vld [tilespmem:s23+$0x50];
	(erf) = vpow2.f32 v59;
	v62 =	vpop (erf)  }
0x483: {  	v59 =	vld [tilespmem:s23+$0xD0];
	(erf) = vpow2.f32 v57;
	v57 =	vpop (erf)  }
0x484: {  	v8 =	vmov v52;
	v52 =	vmul.f32 $1.442695020e+00, v4;
	v4 =	vld [tilespmem:s23+$0xFFFFFEF0];
	v53 =	vmul.f32 v57, v53  }
0x485: {  	s19 =	smov.u32 s20;
	s20 =	smov.u32 s22;
	s22 =	sadd.s32 $0x300, s22;
	v54 =	vmul.f32 v54, v7;
	v7 =	vmov v8;
	v8 =	vld [tilespmem:$0x1FDA0]  }
0x486: {  	v26 =	vmov v26;
	v0 =	vmul.f32 v0, v5;
	v55 =	vmul.f32 v55, v10;
	[tilespmem:s22+$0x100] =	vst v53;
	v53 =	vld [tilespmem:$0x1FDB0]  }
0x487: {  	v10 =	vmov v49;
	v49 =	vmul.f32 v60, v12;
	(erf) = vpow2.f32 v52;
	v57 =	vld [tilespmem:s23+$0xFFFFFFF0]  }
0x488: {  	v52 =	vld [tilespmem:s23+$0xFFFFFF70];
	v58 =	vmul.f32 v58, v13  }
0x489: {  	[tilespmem:$0x1FD90] =	vst v26;
	v0 =	vadd.f32 v0, v32;
	v26 =	vpop (erf);
	v32 =	vadd.f32 v49, v33;
	v2 =	vmul.f32 v2, v19  }
0x48a: {  	v19 =	vmul.f32 v59, v20;
	v4 =	vmul.f32 v4, v17;
	v1 =	vadd.f32 v58, v1;
	v20 =	vpop (erf)  }
0x48b: {  	v12 =	vmovc v45;
	v56 =	vmul.f32 v56, v8;
	v8 =	vmovc v43;
	v3 =	vmul.f32 v3, v53;
	v53 =	vmov v44;
	v44 =	vld [tilespmem:s21+$0x110]  }
0x48c: {  	v45 =	vld [tilespmem:s21+$0x130];
	v0 =	vadd.f32 v4, v0;
	v58 =	vmul.f32 v57, v18;
	[tilespmem:$0x1FDA0] =	vst v8;
	v8 =	vadd.f32 $1.000000000e+00, v20;
	v20 =	vpop (erf)  }
0x48d: {  	v60 =	vadd.f32 v56, v54;
	v56 =	vmul.f32 v52, v16;
	v16 =	vadd.f32 $1.000000000e+00, v20;
	v20 =	vpop (erf)  }
0x48e: {  	v49 =	vld [tilespmem:s21+$0x150];
	v18 =	vadd.f32 $1.000000000e+00, v20;
	(erf) = vrcp.f32 v8;
	v17 =	vpop (erf);
	v3 =	vadd.f32 v3, v55  }
0x48f: {  	v43 =	vld [tilespmem:s23+$0x70];
	v2 =	vadd.f32 v2, v60;
	v60 =	vadd.f32 $1.000000000e+00, v17  }
0x490: {  	v59 =	vld [tilespmem:s21+$0x170];
	v3 =	vadd.f32 v19, v3;
	v19 =	vpop (erf);
	(erf) = vrcp.f32 v16;
	v8 =	vmul.f32 v44, v28  }
0x491: {  	v33 =	vld [tilespmem:s23+$0xF0];
	v28 =	vmul.f32 v45, v30;
	v30 =	vadd.f32 $1.000000000e+00, v19;
	(erf) = vrcp.f32 v18  }
0x492: {  	v57 =	vmul.f32 v63, v24;
	v1 =	vadd.f32 v58, v1;
	(erf) = vrcp.f32 v60  }
0x493: {  	v19 =	vmovc v27;
	v27 =	vadd.f32 v28, v8;
	v28 =	vmul.f32 v49, v29;
	(erf) = vrcp.f32 v30  }
0x494: {  	v43 =	vmul.f32 v43, v15;
	v8 =	vadd.f32 v56, v32;
	v56 =	vmul.f32 v61, v23  }
0x495: {  	v5 =	vmovc v51;
	v23 =	vmovc v0;
	(erf) = vrcp.f32 v34;
	v27 =	vadd.f32 v28, v27;
	v28 =	vmul.f32 v59, v31  }
0x496: {  	v13 =	vmovc v50;
	v4 =	vmul.f32 v33, v14;
	v29 =	vadd.f32 v43, v2;
	v0 =	vsub.f32 $0.0e+00, v23;
	v24 =	vmovc v8  }
0x497: {  	v58 =	vmul.f32 v62, v25;
	[tilespmem:s19+$0xFFFFFF10] =	vst v57;
	v30 =	vpop (erf);
	v31 =	vsub.f32 $0.0e+00, v24;
	v27 =	vadd.f32 v28, v27  }
0x498: {  	s24 =	sadd.s32 $0x6, s24;
	v14 =	vmovc v47;
	[tilespmem:$0x1FDB0] =	vst v53;
	v17 =	vmovc v35;
	v59 =	vsub.f32 $0.0e+00, v1;
	v0 =	vmul.f32 $1.442695020e+00, v0;
	v8 =	vmul.f32 v30, v48  }
0x499: {  	p0 =	slt.u32 s24, $0x60;
	[tilespmem:s19+$0xFFFFFE90] =	vst v56;
	v28 =	vadd.f32 v4, v3;
	v35 =	vmul.f32 $1.442695020e+00, v31;
	v4 =	vsub.f32 $0.0e+00, v27;
	v3 =	vpop (erf)  }
.Ltmp6:
0x49a: {  	v60 =	vsub.f32 $0.0e+00, v29;
	[tilespmem:s22+$0xFFFFFE80] =	vst v8;
	v8 =	vmul.f32 v3, v36;
	v3 =	vpop (erf);
	v36 =	vmul.f32 $1.442695020e+00, v59;
	(pc) =	sbr.rel @p0 .LBB2_14-.Ltmp6, $4  }
0x49b: {  	v20 =	vmov v40;
	[tilespmem:s19+$0xFFFFFF90] =	vst v58;
	v31 =	vld [tilespmem:s21+$0xFFFFFE90];
	v61 =	vmul.f32 $1.442695020e+00, v4;
	v3 =	vmul.f32 v3, v39;
	v30 =	vpop (erf)  }
0x49c: {  	v32 =	vld [tilespmem:s21+$0xFFFFFEB0];
	v4 =	vsub.f32 $0.0e+00, v28;
	[tilespmem:s22+$0xFFFFFF00] =	vst v8;
	v62 =	vmul.f32 v30, v37;
	v63 =	vpop (erf);
	v37 =	vmul.f32 $1.442695020e+00, v60  }
0x49d: {  	v25 =	vmovc v1;
	v15 =	vmovc v46;
	v16 =	vmov v38;
	(erf) = vpow2.f32 v61;
	v33 =	vld [tilespmem:s21+$0xFFFFFF10];
	[tilespmem:s22+$0xFFFFFF80] =	vst v3;
	v39 =	vmul.f32 v63, v41  }
0x49e: {  	s25 =	sadd.s32 $0x18, s25;
	s23 =	smov.u32 s21;
	v18 =	vmov v42;
	v30 =	vpop (erf);
	v34 =	vld [tilespmem:s21+$0xFFFFFF30];
	v38 =	vmul.f32 $1.442695020e+00, v4;
	[tilespmem:s22+$0x0] =	vst v62;
	(erf) = vpow2.f32 v0  }
0x49f: {  	v0 =	vld [tilespmem:s23+$0xFFFFFF90]  }
0x4a0: {  	v1 =	vld [tilespmem:s23+$0xFFFFFFB0]  }
0x4a1: {  	v2 =	vld [tilespmem:s23+$0x10]  }
0x4a2: {  	v3 =	vld [tilespmem:s23+$0x30]  }
0x4a3: {  	v45 =	vld [tilespmem:s23+$0xFFFFFED0]  }
0x4a4: {  	v48 =	vld [tilespmem:s23+$0xFFFFFF50]  }
0x4a5: {  	v49 =	vld [tilespmem:s23+$0xFFFFFFD0]  }
0x4a6: {  	v53 =	vld [tilespmem:s23+$0xFFFFFEF0]  }
0x4a7: {  	(erf) = vpow2.f32 v35;
	[tilespmem:s22+$0x80] =	vst v39;
	v57 =	vld [tilespmem:s23+$0xFFFFFF70]  }
0x4a8: {  	(erf) = vpow2.f32 v36;
	v63 =	vld [tilespmem:s23+$0x90]  }
0x4a9: {  	v42 =	vld [tilespmem:s23+$0xB0];
	v22 =	vmul.f32 v31, v22;
	(erf) = vpow2.f32 v37  }
0x4aa: {  	v54 =	vld [tilespmem:$0x1FD90];
	v21 =	vmul.f32 v32, v21;
	(erf) = vpow2.f32 v38  }
0x4ab: {  	v56 =	vld [tilespmem:$0x1FDA0];
	v9 =	vmul.f32 v33, v9;
	v11 =	vmul.f32 v34, v11  }
0x4ac: {  	v8 =	vld [tilespmem:$0x1FDB0];
	v0 =	vmul.f32 v0, v6;
	v1 =	vmul.f32 v1, v7  }
0x4ad: {  	v59 =	vld [tilespmem:s23+$0xFFFFFFF0];
	v60 =	vmul.f32 v45, v5;
	v62 =	vmul.f32 v48, v12  }
0x4ae: {  	v50 =	vld [tilespmem:s23+$0x50];
	v13 =	vmul.f32 v49, v13;
	v7 =	vmul.f32 v53, v17  }
0x4af: {  	v61 =	vld [tilespmem:s23+$0x70];
	v21 =	vadd.f32 v21, v22;
	v32 =	vmul.f32 v57, v16;
	v2 =	vmul.f32 v2, v54  }
0x4b0: {  	v9 =	vadd.f32 v11, v9;
	v3 =	vmul.f32 v3, v56;
	v58 =	vmul.f32 v63, v10  }
0x4b1: {  	v8 =	vmul.f32 v42, v8;
	v4 =	vpop (erf);
	v0 =	vadd.f32 v1, v0;
	v31 =	vadd.f32 v60, v21  }
0x4b2: {  	v33 =	vmul.f32 v59, v18;
	v4 =	vadd.f32 $1.000000000e+00, v4;
	v2 =	vadd.f32 v3, v2  }
0x4b3: {  	v51 =	vld [tilespmem:s23+$0xD0];
	v63 =	vmul.f32 v50, v19;
	v41 =	vpop (erf);
	v6 =	vadd.f32 v8, v58;
	v9 =	vadd.f32 v62, v9  }
0x4b4: {  	v1 =	vmul.f32 v61, v15;
	v43 =	vadd.f32 $1.000000000e+00, v41;
	v44 =	vpop (erf);
	v0 =	vadd.f32 v13, v0  }
0x4b5: {  	v19 =	vld [tilespmem:s23+$0xF0];
	v34 =	vadd.f32 v7, v31;
	(erf) = vrcp.f32 v4;
	v46 =	vpop (erf);
	v47 =	vadd.f32 $1.000000000e+00, v44  }
0x4b6: {  	v2 =	vadd.f32 v63, v2;
	v4 =	vadd.f32 $1.000000000e+00, v46;
	(erf) = vrcp.f32 v43  }
0x4b7: {  	v5 =	vadd.f32 v32, v9;
	v0 =	vadd.f32 v33, v0;
	(erf) = vrcp.f32 v47  }
0x4b8: {  	v52 =	vpop (erf);
	v7 =	vsub.f32 $0.0e+00, v34;
	(erf) = vrcp.f32 v4;
	v4 =	vmul.f32 v51, v20  }
0x4b9: {  	v11 =	vadd.f32 $1.000000000e+00, v52;
	v1 =	vadd.f32 v1, v2  }
0x4ba: {  	v35 =	vmul.f32 v19, v14;
	v55 =	vpop (erf);
	v36 =	vsub.f32 $0.0e+00, v5;
	v4 =	vadd.f32 v4, v6  }
0x4bb: {  	v22 =	vadd.f32 $1.000000000e+00, v55;
	v37 =	vsub.f32 $0.0e+00, v0  }
0x4bc: {  	v7 =	vmul.f32 $1.442695020e+00, v7;
	(erf) = vrcp.f32 v11;
	v4 =	vadd.f32 v35, v4  }
0x4bd: {  	v38 =	vsub.f32 $0.0e+00, v1;
	v2 =	vmul.f32 $1.442695020e+00, v36;
	(erf) = vrcp.f32 v22  }
0x4be: {  	v6 =	vmul.f32 $1.442695020e+00, v37;
	(erf) = vpow2.f32 v7;
	v39 =	vsub.f32 $0.0e+00, v4  }
0x4bf: {  	v40 =	vmul.f32 $1.442695020e+00, v38;
	(erf) = vpow2.f32 v2  }
0x4c0: {  	(erf) = vpow2.f32 v6;
	v41 =	vmul.f32 $1.442695020e+00, v39  }
0x4c1: {  	v42 =	vpop (erf);
	(erf) = vpow2.f32 v40  }
0x4c2: {  	v43 =	vpop (erf);
	(erf) = vpow2.f32 v41  }
0x4c3: {  	v44 =	vpop (erf)  }
0x4c4: {  	v45 =	vpop (erf)  }
0x4c5: {  	v46 =	vpop (erf)  }
0x4c6: {  	v47 =	vpop (erf)  }
0x4c7: {  	v48 =	vpop (erf)  }
0x4c8: {  	v11 =	vadd.f32 $1.000000000e+00, v48;
	v49 =	vpop (erf)  }
0x4c9: {  	v50 =	vpop (erf);
	v12 =	vadd.f32 $1.000000000e+00, v49  }
0x4ca: {  	v51 =	vpop (erf);
	v13 =	vadd.f32 $1.000000000e+00, v50;
	(erf) = vrcp.f32 v11  }
0x4cb: {  	v14 =	vadd.f32 $1.000000000e+00, v51;
	v52 =	vpop (erf);
	(erf) = vrcp.f32 v12  }
0x4cc: {  	v6 =	vmul.f32 v42, v27;
	v11 =	vadd.f32 $1.000000000e+00, v52;
	(erf) = vrcp.f32 v13  }
0x4cd: {  	v53 =	vld [tilespmem:$0x1FD70];
	v7 =	vmul.f32 v43, v23;
	(erf) = vrcp.f32 v14  }
0x4ce: {  	v54 =	vld [tilespmem:$0x1FD80];
	[tilespmem:s22+$0x110] =	vst v6;
	v2 =	vmul.f32 v44, v24;
	(erf) = vrcp.f32 v11  }
0x4cf: {  	[tilespmem:s20+$0xFFFFFE90] =	vst v7;
	v55 =	vmul.f32 v45, v25  }
0x4d0: {  	[tilespmem:s20+$0xFFFFFF10] =	vst v2;
	v56 =	vmul.f32 v46, v29  }
0x4d1: {  	[tilespmem:s20+$0xFFFFFF90] =	vst v55;
	v57 =	vmul.f32 v47, v28  }
0x4d2: {  	[tilespmem:s20+$0x10] =	vst v56;
	v12 =	vmul.f32 v26, v53  }
0x4d3: {  	[tilespmem:s20+$0x90] =	vst v57;
	v13 =	vmul.f32 v30, v54;
	v58 =	vpop (erf)  }
0x4d4: {  	[tilespmem:s19+$0x10] =	vst v12;
	v3 =	vmul.f32 v58, v34;
	v59 =	vpop (erf)  }
0x4d5: {  	[tilespmem:s19+$0x90] =	vst v13;
	v60 =	vpop (erf);
	v2 =	vmul.f32 v59, v5  }
0x4d6: {  	[tilespmem:s22+$0xFFFFFE90] =	vst v3;
	v61 =	vpop (erf);
	v0 =	vmul.f32 v60, v0  }
0x4d7: {  	[tilespmem:s22+$0xFFFFFF10] =	vst v2;
	v62 =	vpop (erf);
	v1 =	vmul.f32 v61, v1  }
0x4d8: {  	[tilespmem:s22+$0xFFFFFF90] =	vst v0;
	v63 =	vmul.f32 v62, v4  }
0x4d9: {  	[tilespmem:s22+$0x10] =	vst v1  }
0x4da: {  	s20 =	simm.s32 $0x398;
	s19 =	simm.s32 $0x0;
	[tilespmem:s22+$0x90] =	vst v63  }
.LBB2_16:
0x4db: {  	v0 =	vld [tilespmem:s20+$0x0];
	s21 =	sshra.s32 s19, $0x2  }
0x4dc: {  	v1 =	vld [tilespmem:s21+$0x3900]  }
0x4dd: {  	v2 =	vld [tilespmem:s21+$0x3920];
	_ =	sdelay $0x1  }
0x4de: {  	v4 =	vld [tilespmem:s21+$0x3940]  }
0x4df: {  	v3 =	vbroadcast v0, $0x0;
	v5 =	vbroadcast v0, $0x1  }
0x4e0: {  	v6 =	vld [tilespmem:s21+$0x3960];
	v7 =	vbroadcast v0, $0x2  }
0x4e1: {  	v1 =	vmul.f32 v1, v3;
	v2 =	vmul.f32 v2, v5;
	_ =	sdelay $0x1  }
0x4e2: {  	v0 =	vbroadcast v0, $0x3;
	v53 =	vmul.f32 v4, v7;
	v1 =	vadd.f32 v2, v1;
	_ =	sdelay $0x1  }
0x4e3: {  	v54 =	vmul.f32 v6, v0;
	v1 =	vadd.f32 v53, v1;
	_ =	sdelay $0x1  }
0x4e4: {  	v1 =	vadd.f32 v54, v1  }
0x4e5: {  	v55 =	vld [tilespmem:s21+$0x3910]  }
0x4e6: {  	v57 =	vld [tilespmem:s21+$0x3930];
	v56 =	vsub.f32 $0.0e+00, v1;
	_ =	sdelay $0x1  }
0x4e7: {  	v8 =	vld [tilespmem:s21+$0x3950];
	v4 =	vmul.f32 $1.442695020e+00, v56;
	_ =	sdelay $0x1  }
0x4e8: {  	v58 =	vld [tilespmem:s21+$0x3970];
	(erf) = vpow2.f32 v4  }
0x4e9: {  	v59 =	vmul.f32 v57, v5;
	v2 =	vmul.f32 v55, v3;
	_ =	sdelay $0x1  }
0x4ea: {  	v60 =	vmul.f32 v8, v7;
	v2 =	vadd.f32 v59, v2;
	_ =	sdelay $0x1  }
0x4eb: {  	v0 =	vmul.f32 v58, v0;
	v2 =	vadd.f32 v60, v2;
	_ =	sdelay $0x1  }
0x4ec: {  	v0 =	vadd.f32 v0, v2;
	_ =	sdelay $0x1  }
0x4ed: {  	v62 =	vsub.f32 $0.0e+00, v0;
	v61 =	vpop (erf)  }
0x4ee: {  	v2 =	vadd.f32 $1.000000000e+00, v61  }
0x4ef: {  	v3 =	vmul.f32 $1.442695020e+00, v62  }
0x4f0: {  	(erf) = vrcp.f32 v2  }
0x4f1: {  	(erf) = vpow2.f32 v3;
	_ =	sdelay $0x7  }
0x4f2: {  	v2 =	vpop (erf)  }
0x4f3: {  	v3 =	vpop (erf)  }
0x4f4: {  	v3 =	vadd.f32 $1.000000000e+00, v3;
	_ =	sdelay $0x1  }
0x4f5: {  	(erf) = vrcp.f32 v3;
	_ =	sdelay $0x6  }
0x4f6: {  	p0 =	sne.s32 s19, $0x200  }
.Ltmp7:
0x4f7: {  	_ = 	snop;
	(pc) =	sbr.rel @p0 .LBB2_16-.Ltmp7, $4  }
0x4f8: {  	v1 =	vmul.f32 v2, v1;
	v63 =	vpop (erf)  }
0x4f9: {  	v0 =	vmul.f32 v63, v0  }
0x4fa: {  	[tilespmem:s21+$0xA100] =	vst v1  }
0x4fb: {  	s20 =	sadd.s32 $0x4, s20;
	s19 =	sadd.s32 $0x200, s19;
	[tilespmem:s21+$0xA110] =	vst v0  }
0x4fc: {  	[spmem:s3] =	stream.indirect.scatter.add.f32 [tilespmem:s29], [sflag:$0x3], $0x80, s31, s2, $0xb8;
	[tilespmem:$0x1E200] =	vst v63  }
0x4fd: {  	_ =	swait.ge [sflag:s30], $0x3400  }
0x4fe: {  	[sflag:s30] =	ssyncset.done $0x0  }
0x4ff: {  	[sflag:s30] =	ssyncadd.s32 $0xFFFFCC00  }
0x500: {  	_ =	swait.ge [sflag:s15], $0x3400  }
0x501: {  	[sflag:s15] =	ssyncset.done $0x0  }
0x502: {  	s19 =	simm.s32 $0x40C;
	[sflag:s15] =	ssyncadd.s32 $0xFFFFCC00  }
0x503: {  	s21 =	simm.s32 $0x3B80;
	v0 =	vld [tilespmem:s19+$0x8]  }
0x504: {  	v1 =	vld [tilespmem:s21+$0x100]  }
0x505: {  	v2 =	vld [tilespmem:s21+$0x120];
	_ =	sdelay $0x1  }
0x506: {  	v3 =	vld [tilespmem:s21+$0x140]  }
0x507: {  	v21 =	vbroadcast v0, $0x0;
	v22 =	vbroadcast v0, $0x1  }
0x508: {  	v4 =	vld [tilespmem:s21+$0x160];
	v23 =	vbroadcast v0, $0x2  }
0x509: {  	v1 =	vmul.f32 v1, v21;
	v2 =	vmul.f32 v2, v22;
	_ =	sdelay $0x1  }
0x50a: {  	v0 =	vbroadcast v0, $0x3;
	v45 =	vmul.f32 v3, v23;
	v1 =	vadd.f32 v2, v1;
	_ =	sdelay $0x1  }
0x50b: {  	v7 =	vld [tilespmem:s19+$0xFFFFFFF8];
	v46 =	vmul.f32 v4, v0;
	v1 =	vadd.f32 v45, v1  }
0x50c: {  	v24 =	vld [tilespmem:s19+$0x0]  }
0x50d: {  	v26 =	vld [tilespmem:s19+$0x4];
	v25 =	vadd.f32 v46, v1  }
0x50e: {  	v47 =	vld [tilespmem:s19+$0xFFFFFFF4]  }
0x50f: {  	v5 =	vld [tilespmem:s21+$0xFFFFFE80];
	v1 =	vsub.f32 $0.0e+00, v25  }
0x510: {  	v6 =	vld [tilespmem:s21+$0xFFFFFEA0]  }
0x511: {  	v9 =	vld [tilespmem:s21+$0xFFFFFF00];
	v1 =	vmul.f32 $1.442695020e+00, v1  }
0x512: {  	v11 =	vld [tilespmem:s21+$0xFFFFFF20];
	v18 =	vbroadcast v7, $0x0;
	v17 =	vbroadcast v7, $0x1  }
0x513: {  	v12 =	vld [tilespmem:s21+$0xFFFFFF80];
	v48 =	vbroadcast v26, $0x1;
	(erf) = vpow2.f32 v1  }
0x514: {  	v27 =	vld [tilespmem:s21+$0xFFFFFFA0];
	v13 =	vbroadcast v24, $0x0;
	v8 =	vbroadcast v24, $0x1  }
0x515: {  	v10 =	vbroadcast v26, $0x0;
	v20 =	vbroadcast v47, $0x0;
	v4 =	vld [tilespmem:s19+$0xFFFFFFFC];
	[tilespmem:$0x1FC80] =	vst v48  }
0x516: {  	v19 =	vbroadcast v47, $0x1;
	v14 =	vbroadcast v47, $0x2;
	v28 =	vld [tilespmem:s21+$0x0]  }
0x517: {  	v3 =	vbroadcast v7, $0x2;
	v5 =	vmul.f32 v5, v20;
	v29 =	vld [tilespmem:s21+$0x20]  }
0x518: {  	v31 =	vmul.f32 v6, v19;
	v33 =	vmul.f32 v9, v18;
	v30 =	vld [tilespmem:s21+$0x80]  }
0x519: {  	v11 =	vmul.f32 v11, v17;
	v7 =	vbroadcast v7, $0x3;
	v34 =	vld [tilespmem:s21+$0xFFFFFEC0]  }
0x51a: {  	v32 =	vld [tilespmem:s21+$0xA0];
	v31 =	vadd.f32 v31, v5;
	v5 =	vbroadcast v47, $0x3;
	v2 =	vbroadcast v24, $0x3  }
0x51b: {  	v37 =	vld [tilespmem:s21+$0xFFFFFEE0];
	v15 =	vbroadcast v4, $0x0;
	v16 =	vbroadcast v4, $0x1  }
0x51c: {  	v36 =	vld [tilespmem:s21+$0xFFFFFF40];
	v33 =	vadd.f32 v11, v33;
	v6 =	vbroadcast v4, $0x2;
	v11 =	vbroadcast v4, $0x3;
	v9 =	vpop (erf)  }
0x51d: {  	v38 =	vld [tilespmem:s21+$0xFFFFFFC0];
	v4 =	vbroadcast v26, $0x3;
	v28 =	vmul.f32 v28, v13;
	v39 =	vadd.f32 $1.000000000e+00, v9  }
0x51e: {  	v40 =	vld [tilespmem:s21+$0x40];
	v29 =	vmul.f32 v29, v8;
	v49 =	vmul.f32 v34, v14  }
0x51f: {  	v41 =	vld [tilespmem:s21+$0xC0];
	v30 =	vmul.f32 v30, v10;
	(erf) = vrcp.f32 v39  }
0x520: {  	v50 =	vld [tilespmem:s21+$0xFFFFFF60];
	v32 =	vmul.f32 v32, v48;
	v37 =	vmul.f32 v37, v5  }
0x521: {  	v51 =	vld [tilespmem:s21+$0xFFFFFFE0];
	v35 =	vmul.f32 v12, v15;
	v27 =	vmul.f32 v27, v16  }
0x522: {  	v52 =	vld [tilespmem:s21+$0x60];
	v12 =	vbroadcast v24, $0x2;
	v31 =	vadd.f32 v49, v31;
	v28 =	vadd.f32 v29, v28  }
0x523: {  	v53 =	vld [tilespmem:s21+$0xE0];
	v29 =	vmul.f32 v36, v3;
	v30 =	vadd.f32 v32, v30;
	v9 =	vbroadcast v26, $0x2  }
0x524: {  	v24 =	vmul.f32 v38, v6;
	v27 =	vadd.f32 v27, v35;
	v31 =	vadd.f32 v37, v31  }
0x525: {  	v29 =	vadd.f32 v29, v33;
	v26 =	vmul.f32 v40, v12;
	v54 =	vmul.f32 v41, v9  }
0x526: {  	v24 =	vadd.f32 v24, v27;
	v27 =	vmul.f32 v50, v7;
	v55 =	vsub.f32 $0.0e+00, v31  }
0x527: {  	v26 =	vadd.f32 v26, v28;
	v28 =	vadd.f32 v54, v30;
	v30 =	vmul.f32 v51, v11  }
0x528: {  	v57 =	vmul.f32 v53, v4;
	v27 =	vadd.f32 v27, v29;
	v29 =	vmul.f32 v52, v2;
	v58 =	vpop (erf)  }
0x529: {  	v56 =	vmul.f32 $1.442695020e+00, v55;
	v24 =	vadd.f32 v30, v24;
	v25 =	vmul.f32 v58, v25  }
0x52a: {  	s19 =	simm.s32 $0x6F80;
	v26 =	vadd.f32 v29, v26;
	v30 =	vsub.f32 $0.0e+00, v27  }
0x52b: {  	(erf) = vpow2.f32 v56;
	v28 =	vadd.f32 v57, v28;
	v29 =	vsub.f32 $0.0e+00, v24;
	[tilespmem:s19+$0x100] =	vst v25  }
0x52c: {  	v25 =	vmul.f32 $1.442695020e+00, v30;
	v30 =	vsub.f32 $0.0e+00, v26;
	v59 =	vld [tilespmem:s21+$0x110]  }
0x52d: {  	v33 =	vsub.f32 $0.0e+00, v28;
	v29 =	vmul.f32 $1.442695020e+00, v29;
	v60 =	vld [tilespmem:s21+$0x130]  }
0x52e: {  	v30 =	vmul.f32 $1.442695020e+00, v30;
	(erf) = vpow2.f32 v25  }
0x52f: {  	v25 =	vmul.f32 $1.442695020e+00, v33;
	(erf) = vpow2.f32 v29;
	v29 =	vld [tilespmem:s21+$0x150]  }
0x530: {  	(erf) = vpow2.f32 v30  }
0x531: {  	(erf) = vpow2.f32 v25  }
0x532: {  	v25 =	vld [tilespmem:s21+$0x170];
	v21 =	vmul.f32 v59, v21;
	v22 =	vmul.f32 v60, v22;
	_ =	sdelay $0x1  }
0x533: {  	v30 =	vpop (erf);
	v21 =	vadd.f32 v22, v21;
	v22 =	vmul.f32 v29, v23  }
0x534: {  	v30 =	vadd.f32 $1.000000000e+00, v30;
	_ =	sdelay $0x1  }
0x535: {  	(erf) = vrcp.f32 v30;
	v21 =	vadd.f32 v22, v21;
	v0 =	vmul.f32 v25, v0  }
0x536: {  	v22 =	vpop (erf)  }
0x537: {  	v21 =	vadd.f32 v0, v21;
	v23 =	vpop (erf)  }
0x538: {  	v22 =	vadd.f32 $1.000000000e+00, v22;
	v61 =	vadd.f32 $1.000000000e+00, v23;
	v23 =	vpop (erf)  }
0x539: {  	s20 =	simm.s32 $0x424;
	v23 =	vadd.f32 $1.000000000e+00, v23;
	v29 =	vpop (erf)  }
0x53a: {  	s23 =	simm.s32 $0x3E80;
	v25 =	vld [tilespmem:s20+$0x8];
	(erf) = vrcp.f32 v22;
	v22 =	vsub.f32 $0.0e+00, v21;
	v29 =	vadd.f32 $1.000000000e+00, v29  }
0x53b: {  	v62 =	vld [tilespmem:s23+$0x100];
	(erf) = vrcp.f32 v61  }
0x53c: {  	(erf) = vrcp.f32 v23;
	v22 =	vmul.f32 $1.442695020e+00, v22;
	v23 =	vld [tilespmem:s23+$0x120]  }
0x53d: {  	(erf) = vrcp.f32 v29  }
0x53e: {  	v29 =	vpop (erf);
	(erf) = vpow2.f32 v22;
	v22 =	vld [tilespmem:s23+$0x140]  }
0x53f: {  	v41 =	vbroadcast v25, $0x0;
	v42 =	vbroadcast v25, $0x1  }
0x540: {  	v30 =	vld [tilespmem:s23+$0x160];
	v40 =	vbroadcast v25, $0x2;
	v29 =	vmul.f32 v29, v31  }
0x541: {  	v0 =	vmul.f32 v62, v41;
	v23 =	vmul.f32 v23, v42;
	_ =	sdelay $0x1  }
0x542: {  	v63 =	vld [tilespmem:s23+$0xFFFFFF00];
	v39 =	vbroadcast v25, $0x3;
	v0 =	vadd.f32 v23, v0;
	v22 =	vmul.f32 v22, v40  }
0x543: {  	v38 =	vld [tilespmem:s20+$0x0];
	[tilespmem:s19+$0xFFFFFE80] =	vst v29;
	v29 =	vpop (erf)  }
0x544: {  	v34 =	vld [tilespmem:s20+$0xFFFFFFF4];
	v23 =	vpop (erf);
	v0 =	vadd.f32 v22, v0;
	v22 =	vmul.f32 v30, v39  }
0x545: {  	v46 =	vld [tilespmem:s23+$0xFFFFFF20];
	v25 =	vpop (erf)  }
0x546: {  	v49 =	vld [tilespmem:s20+$0x4];
	v37 =	vmul.f32 v29, v27;
	v30 =	vpop (erf);
	v1 =	vadd.f32 v22, v0  }
0x547: {  	v32 =	vld [tilespmem:s20+$0xFFFFFFFC];
	v50 =	vmul.f32 v23, v24;
	v51 =	vmul.f32 v25, v26;
	v27 =	vpop (erf)  }
0x548: {  	v31 =	vld [tilespmem:s20+$0xFFFFFFF8];
	v26 =	vbroadcast v38, $0x1;
	v23 =	vadd.f32 $1.000000000e+00, v27;
	v25 =	vsub.f32 $0.0e+00, v1  }
0x549: {  	v48 =	vld [tilespmem:s21+$0xFFFFFE90];
	v52 =	vmul.f32 v30, v28;
	v28 =	vbroadcast v38, $0x0  }
0x54a: {  	v24 =	vld [tilespmem:s23+$0xFFFFFE80];
	(erf) = vrcp.f32 v23;
	v23 =	vmul.f32 $1.442695020e+00, v25  }
0x54b: {  	v30 =	vld [tilespmem:s23+$0xFFFFFEA0];
	[tilespmem:$0x1FCE0] =	vst v28;
	v25 =	vbroadcast v49, $0x0  }
0x54c: {  	v47 =	vld [tilespmem:s23+$0xFFFFFF80];
	[tilespmem:$0x1FCF0] =	vst v26;
	(erf) = vpow2.f32 v23;
	v23 =	vbroadcast v49, $0x1  }
0x54d: {  	v53 =	vld [tilespmem:s23+$0xFFFFFFA0];
	[tilespmem:$0x1FD00] =	vst v25  }
0x54e: {  	v45 =	vbroadcast v34, $0x1;
	v27 =	vbroadcast v31, $0x2;
	[tilespmem:$0x1FD10] =	vst v23  }
0x54f: {  	v44 =	vbroadcast v34, $0x0;
	v35 =	vbroadcast v32, $0x0;
	v54 =	vld [tilespmem:s23+$0xFFFFFEC0]  }
0x550: {  	v57 =	vmul.f32 v30, v45;
	v30 =	vbroadcast v32, $0x2;
	v55 =	vld [tilespmem:s23+$0x0];
	[tilespmem:$0x1FD20] =	vst v27  }
0x551: {  	v33 =	vbroadcast v32, $0x1;
	v43 =	vbroadcast v31, $0x1;
	v56 =	vld [tilespmem:s23+$0xFFFFFEE0]  }
0x552: {  	v22 =	vbroadcast v31, $0x0;
	v0 =	vbroadcast v34, $0x3;
	v58 =	vld [tilespmem:s23+$0x20];
	[tilespmem:$0x1FD30] =	vst v30  }
0x553: {  	v61 =	vmul.f32 v47, v35;
	v53 =	vmul.f32 v53, v33;
	v59 =	vld [tilespmem:s23+$0x80]  }
0x554: {  	v29 =	vbroadcast v34, $0x2;
	v24 =	vmul.f32 v24, v44;
	v60 =	vld [tilespmem:s23+$0xFFFFFF40];
	[tilespmem:$0x1FD40] =	vst v0  }
0x555: {  	v36 =	vmul.f32 v63, v22;
	v61 =	vadd.f32 v53, v61;
	v53 =	vbroadcast v31, $0x3;
	v62 =	vld [tilespmem:s23+$0xA0]  }
0x556: {  	v57 =	vadd.f32 v57, v24;
	v63 =	vld [tilespmem:s23+$0xFFFFFF60];
	v34 =	vmul.f32 v54, v29;
	v54 =	vmul.f32 v46, v43;
	v46 =	vpop (erf)  }
0x557: {  	[tilespmem:s19+$0xFFFFFF00] =	vst v37;
	v37 =	vbroadcast v32, $0x3;
	v47 =	vmul.f32 v56, v0;
	v56 =	vld [tilespmem:s21+$0xFFFFFEB0];
	v0 =	vpop (erf)  }
0x558: {  	[tilespmem:s19+$0xFFFFFF80] =	vst v50;
	v55 =	vmul.f32 v55, v28;
	v34 =	vadd.f32 v34, v57;
	v57 =	vadd.f32 $1.000000000e+00, v0;
	v0 =	vld [tilespmem:s23+$0x40]  }
0x559: {  	[tilespmem:s19+$0x0] =	vst v51;
	v51 =	vld [tilespmem:s21+$0xFFFFFFB0];
	v58 =	vmul.f32 v58, v26;
	v54 =	vadd.f32 v54, v36;
	v31 =	vmul.f32 v60, v27  }
0x55a: {  	v36 =	vbroadcast v38, $0x2;
	v59 =	vmul.f32 v59, v25;
	v47 =	vadd.f32 v47, v34;
	v34 =	vld [tilespmem:s23+$0xFFFFFFC0]  }
0x55b: {  	v55 =	vadd.f32 v58, v55;
	v58 =	vld [tilespmem:s23+$0x60];
	v31 =	vadd.f32 v31, v54;
	v54 =	vmul.f32 v62, v23  }
0x55c: {  	(erf) = vrcp.f32 v57;
	v57 =	vld [tilespmem:s23+$0xC0];
	v62 =	vmul.f32 v63, v53;
	v60 =	vsub.f32 $0.0e+00, v47  }
0x55d: {  	v63 =	vld [tilespmem:s23+$0xFFFFFFE0];
	v54 =	vadd.f32 v54, v59;
	v19 =	vmul.f32 v56, v19;
	v0 =	vmul.f32 v0, v36  }
0x55e: {  	v59 =	vld [tilespmem:s23+$0xE0];
	v32 =	vmul.f32 $1.442695020e+00, v60;
	v60 =	vadd.f32 v62, v31;
	v31 =	vbroadcast v38, $0x3  }
0x55f: {  	v50 =	vld [tilespmem:s21+$0xFFFFFF30];
	v38 =	vbroadcast v49, $0x2;
	v34 =	vmul.f32 v34, v30  }
0x560: {  	v56 =	vld [tilespmem:s21+$0xFFFFFED0];
	(erf) = vpow2.f32 v32;
	v32 =	vbroadcast v49, $0x3;
	v49 =	vsub.f32 $0.0e+00, v60  }
0x561: {  	v16 =	vmul.f32 v51, v16;
	v62 =	vld [tilespmem:s21+$0xFFFFFF10];
	v0 =	vadd.f32 v0, v55;
	v57 =	vmul.f32 v57, v38  }
0x562: {  	[tilespmem:s19+$0x80] =	vst v52;
	v52 =	vld [tilespmem:s21+$0x30];
	v34 =	vadd.f32 v34, v61;
	v61 =	vmul.f32 v63, v37;
	v49 =	vmul.f32 $1.442695020e+00, v49  }
0x563: {  	v51 =	vld [tilespmem:s21+$0xFFFFFFD0];
	v55 =	vmul.f32 v58, v31;
	v54 =	vadd.f32 v57, v54;
	v58 =	vmul.f32 v59, v32  }
0x564: {  	v48 =	vmul.f32 v48, v20;
	v63 =	vld [tilespmem:s21+$0xFFFFFF90];
	v34 =	vadd.f32 v61, v34;
	(erf) = vpow2.f32 v49  }
0x565: {  	v14 =	vmul.f32 v56, v14;
	v56 =	vld [tilespmem:s21+$0xFFFFFEF0];
	v0 =	vadd.f32 v55, v0;
	v20 =	vadd.f32 v58, v54  }
0x566: {  	v57 =	vld [tilespmem:s21+$0x10];
	v59 =	vpop (erf);
	v18 =	vmul.f32 v62, v18;
	v55 =	vsub.f32 $0.0e+00, v34  }
0x567: {  	v61 =	vld [tilespmem:s21+$0xB0];
	v54 =	vsub.f32 $0.0e+00, v0;
	v1 =	vmul.f32 v59, v1;
	v62 =	vsub.f32 $0.0e+00, v20  }
0x568: {  	s20 =	simm.s32 $0x7280;
	v8 =	vmul.f32 v52, v8;
	v49 =	vld [tilespmem:s21+$0x90];
	v55 =	vmul.f32 $1.442695020e+00, v55  }
0x569: {  	v58 =	vld [tilespmem:s21+$0xFFFFFF50];
	v54 =	vmul.f32 $1.442695020e+00, v54;
	[tilespmem:s20+$0x100] =	vst v1;
	v62 =	vmul.f32 $1.442695020e+00, v62  }
0x56a: {  	v1 =	vmul.f32 v50, v17;
	v17 =	vld [tilespmem:s23+$0x110];
	(erf) = vpow2.f32 v55  }
0x56b: {  	v6 =	vmul.f32 v51, v6;
	(erf) = vpow2.f32 v54;
	v54 =	vld [tilespmem:s23+$0x130]  }
0x56c: {  	v19 =	vadd.f32 v19, v48;
	v59 =	vld [tilespmem:s21+$0x50];
	v15 =	vmul.f32 v63, v15;
	v5 =	vmul.f32 v56, v5;
	v63 =	vpop (erf)  }
0x56d: {  	v13 =	vmul.f32 v57, v13;
	v57 =	vld [tilespmem:s23+$0x150];
	v50 =	vadd.f32 $1.000000000e+00, v63;
	(erf) = vpow2.f32 v62;
	v62 =	vpop (erf)  }
0x56e: {  	v15 =	vadd.f32 v16, v15;
	v16 =	vld [tilespmem:$0x1FC80];
	v10 =	vmul.f32 v49, v10;
	v49 =	vadd.f32 $1.000000000e+00, v62  }
0x56f: {  	v14 =	vadd.f32 v14, v19;
	v63 =	vld [tilespmem:s23+$0x170];
	(erf) = vrcp.f32 v50;
	v17 =	vmul.f32 v17, v41  }
0x570: {  	v1 =	vadd.f32 v1, v18;
	v18 =	vld [tilespmem:s21+$0xD0];
	v54 =	vmul.f32 v54, v42;
	(erf) = vrcp.f32 v49  }
0x571: {  	v3 =	vmul.f32 v58, v3;
	v8 =	vadd.f32 v8, v13;
	v12 =	vmul.f32 v59, v12;
	v58 =	vld [tilespmem:s21+$0xFFFFFFF0]  }
0x572: {  	v6 =	vadd.f32 v6, v15;
	v40 =	vmul.f32 v57, v40;
	v17 =	vadd.f32 v54, v17  }
0x573: {  	v1 =	vadd.f32 v3, v1;
	v8 =	vadd.f32 v12, v8;
	v57 =	vld [tilespmem:s21+$0xFFFFFF70];
	v16 =	vmul.f32 v61, v16;
	v13 =	vpop (erf)  }
0x574: {  	v39 =	vmul.f32 v63, v39;
	v13 =	vadd.f32 $1.000000000e+00, v13;
	v59 =	vpop (erf);
	v17 =	vadd.f32 v40, v17  }
0x575: {  	v9 =	vmul.f32 v18, v9;
	v10 =	vadd.f32 v16, v10;
	v16 =	vadd.f32 $1.000000000e+00, v59  }
0x576: {  	v11 =	vmul.f32 v58, v11;
	v3 =	vpop (erf);
	(erf) = vrcp.f32 v13;
	v13 =	vadd.f32 v39, v17;
	v17 =	vld [tilespmem:s21+$0x70]  }
0x577: {  	v61 =	vmul.f32 v46, v21;
	v3 =	vadd.f32 $1.000000000e+00, v3;
	(erf) = vrcp.f32 v16;
	v16 =	vld [tilespmem:s21+$0xF0]  }
0x578: {  	v41 =	vadd.f32 v11, v6;
	v7 =	vmul.f32 v57, v7;
	v18 =	vpop (erf);
	v15 =	vsub.f32 $0.0e+00, v13  }
0x579: {  	v39 =	vadd.f32 v5, v14;
	v18 =	vmul.f32 v18, v47;
	(erf) = vrcp.f32 v3;
	v12 =	vpop (erf)  }
0x57a: {  	v9 =	vadd.f32 v9, v10;
	v10 =	vmul.f32 $1.442695020e+00, v15;
	v3 =	vmul.f32 v12, v60  }
0x57b: {  	v40 =	vadd.f32 v7, v1;
	v6 =	vsub.f32 $0.0e+00, v39;
	[tilespmem:s20+$0xFFFFFE80] =	vst v18;
	v2 =	vmul.f32 v17, v2  }
0x57c: {  	v5 =	vld [tilespmem:s23+$0xFFFFFE90];
	(erf) = vpow2.f32 v10;
	v4 =	vmul.f32 v16, v4;
	[tilespmem:s20+$0xFFFFFF00] =	vst v3  }
0x57d: {  	v7 =	vld [tilespmem:s23+$0xFFFFFEB0];
	v6 =	vmul.f32 $1.442695020e+00, v6;
	v62 =	vadd.f32 v2, v8;
	v3 =	vsub.f32 $0.0e+00, v40;
	[tilespmem:$0x1FD50] =	vst v61  }
0x57e: {  	s22 =	simm.s32 $0x43C;
	v63 =	vadd.f32 v4, v9;
	v4 =	vsub.f32 $0.0e+00, v41;
	v8 =	vld [tilespmem:s23+$0xFFFFFF10]  }
0x57f: {  	v9 =	vpop (erf);
	v10 =	vld [tilespmem:s22+$0x8];
	[tilespmem:$0x1FC90] =	vst v62;
	v11 =	vsub.f32 $0.0e+00, v62;
	v3 =	vmul.f32 $1.442695020e+00, v3;
	(erf) = vpow2.f32 v6  }
0x580: {  	s21 =	simm.s32 $0x4180;
	v26 =	vmul.f32 v9, v34;
	v9 =	vpop (erf);
	v12 =	vld [tilespmem:s23+$0xFFFFFF30];
	[tilespmem:$0x1FCA0] =	vst v63;
	v4 =	vmul.f32 $1.442695020e+00, v4  }
0x581: {  	v27 =	vmul.f32 v9, v0;
	v9 =	vld [tilespmem:s21+$0x100];
	v11 =	vmul.f32 $1.442695020e+00, v11  }
0x582: {  	v15 =	vsub.f32 $0.0e+00, v63;
	v6 =	vld [tilespmem:s21+$0x120];
	(erf) = vpow2.f32 v3  }
0x583: {  	v16 =	vld [tilespmem:s22+$0xFFFFFFF8];
	(erf) = vpow2.f32 v4  }
0x584: {  	v15 =	vmul.f32 $1.442695020e+00, v15;
	v4 =	vld [tilespmem:s21+$0x140];
	v3 =	vpop (erf);
	(erf) = vpow2.f32 v11  }
0x585: {  	v18 =	vld [tilespmem:s22+$0xFFFFFFFC];
	v46 =	vbroadcast v10, $0x0;
	v49 =	vbroadcast v10, $0x1;
	v11 =	vpop (erf)  }
0x586: {  	(erf) = vpow2.f32 v15;
	v15 =	vld [tilespmem:s21+$0x160];
	v47 =	vbroadcast v10, $0x2;
	v11 =	vadd.f32 $1.000000000e+00, v11  }
0x587: {  	v34 =	vld [tilespmem:s22+$0x0];
	v9 =	vmul.f32 v9, v46;
	v6 =	vmul.f32 v6, v49  }
0x588: {  	v55 =	vld [tilespmem:s22+$0x4];
	v54 =	vmul.f32 v3, v20;
	(erf) = vrcp.f32 v11  }
0x589: {  	v17 =	vld [tilespmem:s22+$0xFFFFFFF4];
	v48 =	vbroadcast v10, $0x3;
	v4 =	vmul.f32 v4, v47;
	v3 =	vadd.f32 v6, v9  }
0x58a: {  	v50 =	vmul.f32 v5, v44;
	v51 =	vmul.f32 v7, v45;
	v58 =	vld [tilespmem:s21+$0xFFFFFF80]  }
0x58b: {  	v10 =	vld [tilespmem:s21+$0xFFFFFE80];
	v45 =	vmul.f32 v8, v22;
	v5 =	vmul.f32 v15, v48;
	v3 =	vadd.f32 v4, v3  }
0x58c: {  	v60 =	vld [tilespmem:s21+$0xFFFFFFA0];
	v52 =	vmul.f32 v12, v43;
	v2 =	vbroadcast v18, $0x0;
	v12 =	vpop (erf)  }
0x58d: {  	v20 =	vld [tilespmem:s21+$0xFFFFFF20];
	v7 =	vbroadcast v18, $0x1;
	v1 =	vbroadcast v34, $0x0;
	v19 =	vpop (erf);
	v56 =	vadd.f32 v5, v3  }
0x58e: {  	v8 =	vld [tilespmem:s21+$0xFFFFFEA0];
	v22 =	vbroadcast v17, $0x0;
	v21 =	vbroadcast v17, $0x1;
	v57 =	vpop (erf)  }
0x58f: {  	v14 =	vbroadcast v55, $0x1;
	v9 =	vbroadcast v16, $0x0;
	v15 =	vld [tilespmem:s21+$0xFFFFFF00];
	v59 =	vpop (erf);
	v0 =	vsub.f32 $0.0e+00, v56  }
0x590: {  	v61 =	vld [tilespmem:s21+$0x0];
	v11 =	vbroadcast v16, $0x1;
	v10 =	vmul.f32 v10, v22;
	v44 =	vpop (erf)  }
0x591: {  	v62 =	vld [tilespmem:s21+$0x20];
	v4 =	vbroadcast v55, $0x0;
	v43 =	vmul.f32 $1.442695020e+00, v0;
	v63 =	vpop (erf)  }
0x592: {  	v20 =	vmul.f32 v20, v11;
	v63 =	vmul.f32 v63, v13;
	v13 =	vld [tilespmem:s21+$0x80]  }
0x593: {  	v0 =	vmul.f32 v8, v21;
	(erf) = vpow2.f32 v43;
	v43 =	vld [tilespmem:s21+$0xA0]  }
0x594: {  	v6 =	vmov v2;
	v3 =	vbroadcast v34, $0x1;
	v15 =	vmul.f32 v15, v9  }
0x595: {  	v23 =	vadd.f32 v0, v10;
	v10 =	vmul.f32 v58, v2;
	v2 =	vmul.f32 v60, v7;
	v60 =	vld [tilespmem:s21+$0xFFFFFEC0];
	[tilespmem:$0x1FCB0] =	vst v1  }
0x596: {  	v24 =	vadd.f32 v20, v15;
	v20 =	vmul.f32 v61, v1;
	v61 =	vmul.f32 v62, v3;
	[tilespmem:$0x1FCC0] =	vst v3  }
0x597: {  	v42 =	vadd.f32 $1.000000000e+00, v12;
	v0 =	vld [tilespmem:s21+$0xFFFFFFC0];
	v58 =	vadd.f32 v2, v10;
	v2 =	vbroadcast v17, $0x2  }
0x598: {  	v61 =	vadd.f32 v61, v20;
	v13 =	vmul.f32 v13, v4;
	v20 =	vmul.f32 v43, v14  }
0x599: {  	v19 =	vadd.f32 $1.000000000e+00, v19;
	v1 =	vbroadcast v16, $0x2;
	v62 =	vld [tilespmem:s21+$0xFFFFFF40];
	[tilespmem:$0x1FCD0] =	vst v14;
	(erf) = vrcp.f32 v42  }
0x59a: {  	v25 =	vadd.f32 v20, v13;
	v20 =	vmul.f32 v60, v2;
	v13 =	vbroadcast v18, $0x2;
	v60 =	vld [tilespmem:s21+$0xFFFFFEE0]  }
0x59b: {  	v57 =	vadd.f32 $1.000000000e+00, v57;
	v16 =	vbroadcast v16, $0x3;
	(erf) = vrcp.f32 v19;
	v15 =	vld [tilespmem:s21+$0xFFFFFF60]  }
0x59c: {  	v19 =	vbroadcast v34, $0x2;
	v43 =	vld [tilespmem:s21+$0x40];
	v0 =	vmul.f32 v0, v13  }
0x59d: {  	v17 =	vbroadcast v17, $0x3;
	(erf) = vrcp.f32 v57;
	v57 =	vld [tilespmem:s21+$0xFFFFFFE0];
	v42 =	vpop (erf)  }
0x59e: {  	v14 =	vld [tilespmem:s21+$0xC0];
	v62 =	vmul.f32 v62, v1;
	v0 =	vadd.f32 v0, v58;
	v58 =	vadd.f32 $1.000000000e+00, v42  }
0x59f: {  	v18 =	vbroadcast v18, $0x3;
	v23 =	vadd.f32 v20, v23;
	v60 =	vmul.f32 v60, v17  }
0x5a0: {  	v24 =	vadd.f32 v62, v24;
	v20 =	vbroadcast v55, $0x2;
	(erf) = vrcp.f32 v58  }
0x5a1: {  	v62 =	vld [tilespmem:s21+$0x60];
	v43 =	vmul.f32 v43, v19;
	v60 =	vadd.f32 v60, v23;
	v23 =	vmul.f32 v15, v16  }
0x5a2: {  	v50 =	vadd.f32 v51, v50;
	[tilespmem:s20+$0x0] =	vst v27;
	v27 =	vmul.f32 v57, v18  }
0x5a3: {  	[tilespmem:s20+$0xFFFFFF80] =	vst v26;
	v14 =	vmul.f32 v14, v20;
	v26 =	vadd.f32 v43, v61;
	v43 =	vld [tilespmem:s21+$0xE0];
	v57 =	vadd.f32 v23, v24  }
0x5a4: {  	[tilespmem:s20+$0x80] =	vst v54;
	v0 =	vadd.f32 v27, v0;
	v27 =	vadd.f32 $1.000000000e+00, v59;
	v15 =	vbroadcast v34, $0x3  }
0x5a5: {  	v12 =	vmovc v1;
	v51 =	vld [tilespmem:$0x1FCF0];
	v5 =	vmov v2;
	v24 =	vsub.f32 $0.0e+00, v60;
	v2 =	vsub.f32 $0.0e+00, v57  }
0x5a6: {  	v61 =	vpop (erf);
	v58 =	vld [tilespmem:s23+$0xFFFFFF90];
	v25 =	vadd.f32 v14, v25;
	v14 =	vbroadcast v55, $0x3;
	v1 =	vmul.f32 v62, v15  }
0x5a7: {  	v55 =	vld [tilespmem:s23+$0x30];
	v30 =	vpop (erf);
	(erf) = vrcp.f32 v27;
	v24 =	vmul.f32 $1.442695020e+00, v24  }
0x5a8: {  	v59 =	vld [tilespmem:s23+$0x90];
	v28 =	vpop (erf);
	v27 =	vsub.f32 $0.0e+00, v0;
	v43 =	vmul.f32 v43, v14;
	v54 =	vadd.f32 v1, v26  }
0x5a9: {  	v34 =	vld [tilespmem:s23+$0xFFFFFFB0];
	(erf) = vpow2.f32 v24;
	v24 =	vmul.f32 $1.442695020e+00, v2;
	v2 =	vpop (erf)  }
0x5aa: {  	v23 =	vld [tilespmem:s23+$0x10];
	v27 =	vmul.f32 $1.442695020e+00, v27;
	v1 =	vsub.f32 $0.0e+00, v54;
	v42 =	vmul.f32 v2, v56  }
0x5ab: {  	s22 =	simm.s32 $0x7580;
	v62 =	vld [tilespmem:s23+$0xFFFFFF50];
	v43 =	vadd.f32 v43, v25;
	(erf) = vpow2.f32 v24  }
0x5ac: {  	(erf) = vpow2.f32 v27;
	v27 =	vmul.f32 $1.442695020e+00, v1;
	v1 =	vld [tilespmem:$0x1FCE0];
	[tilespmem:s22+$0x100] =	vst v42  }
0x5ad: {  	v45 =	vadd.f32 v52, v45;
	v24 =	vsub.f32 $0.0e+00, v43;
	v52 =	vld [tilespmem:$0x1FD00]  }
0x5ae: {  	v26 =	vld [tilespmem:s23+$0xB0]  }
0x5af: {  	v35 =	vmul.f32 v58, v35;
	v58 =	vld [tilespmem:s23+$0x50];
	v24 =	vmul.f32 $1.442695020e+00, v24  }
0x5b0: {  	v25 =	vld [tilespmem:s23+$0xFFFFFED0];
	(erf) = vpow2.f32 v27  }
0x5b1: {  	v33 =	vmul.f32 v34, v33;
	v34 =	vld [tilespmem:s23+$0xFFFFFFD0];
	(erf) = vpow2.f32 v24  }
0x5b2: {  	v24 =	vmul.f32 v55, v51;
	v51 =	vmul.f32 v59, v52;
	v59 =	vld [tilespmem:$0x1FD20]  }
0x5b3: {  	v55 =	vld [tilespmem:$0x1FD10]  }
0x5b4: {  	v56 =	vld [tilespmem:s23+$0xD0]  }
0x5b5: {  	v42 =	vld [tilespmem:s23+$0xFFFFFF70]  }
0x5b6: {  	v25 =	vmul.f32 v25, v29;
	v29 =	vld [tilespmem:s21+$0x110]  }
0x5b7: {  	v52 =	vmul.f32 v62, v59;
	v62 =	vld [tilespmem:$0x1FD30]  }
0x5b8: {  	v33 =	vadd.f32 v33, v35;
	v35 =	vmul.f32 v26, v55;
	v55 =	vld [tilespmem:s21+$0x130]  }
0x5b9: {  	v27 =	vld [tilespmem:s23+$0xFFFFFEF0];
	v23 =	vmul.f32 v23, v1  }
0x5ba: {  	v36 =	vmul.f32 v58, v36;
	v25 =	vadd.f32 v25, v50;
	v38 =	vmul.f32 v56, v38;
	v56 =	vld [tilespmem:s21+$0x150];
	v26 =	vpop (erf)  }
0x5bb: {  	v23 =	vadd.f32 v24, v23;
	v24 =	vld [tilespmem:s23+$0xFFFFFFF0];
	v42 =	vmul.f32 v42, v53;
	v29 =	vmul.f32 v29, v46;
	v2 =	vpop (erf)  }
0x5bc: {  	v35 =	vadd.f32 v35, v51;
	v51 =	vadd.f32 $1.000000000e+00, v2;
	v59 =	vld [tilespmem:$0x1FD40];
	v34 =	vmul.f32 v34, v62;
	v62 =	vpop (erf)  }
0x5bd: {  	v53 =	vld [tilespmem:s21+$0x170];
	v45 =	vadd.f32 v52, v45;
	v52 =	vmul.f32 v55, v49;
	v50 =	vadd.f32 $1.000000000e+00, v62;
	v2 =	vpop (erf)  }
0x5be: {  	(erf) = vrcp.f32 v51;
	v33 =	vadd.f32 v34, v33;
	v34 =	vadd.f32 $1.000000000e+00, v2;
	v55 =	vpop (erf)  }
0x5bf: {  	v1 =	vld [tilespmem:s23+$0x70];
	v47 =	vmul.f32 v56, v47;
	(erf) = vrcp.f32 v50;
	v58 =	vadd.f32 $1.000000000e+00, v55  }
0x5c0: {  	v37 =	vmul.f32 v24, v37;
	v24 =	vld [tilespmem:s23+$0xF0];
	v29 =	vadd.f32 v52, v29;
	(erf) = vrcp.f32 v34  }
0x5c1: {  	v36 =	vadd.f32 v36, v23;
	v27 =	vmul.f32 v27, v59;
	v59 =	vpop (erf);
	(erf) = vrcp.f32 v58  }
0x5c2: {  	v48 =	vmul.f32 v53, v48;
	v29 =	vadd.f32 v47, v29;
	v23 =	vadd.f32 $1.000000000e+00, v59  }
0x5c3: {  	v30 =	vmul.f32 v30, v40;
	v49 =	vadd.f32 $1.000000000e+00, v44  }
0x5c4: {  	(erf) = vrcp.f32 v23;
	v23 =	vadd.f32 v27, v25;
	v27 =	vadd.f32 v48, v29  }
0x5c5: {  	v31 =	vmul.f32 v1, v31;
	v32 =	vmul.f32 v24, v32;
	v24 =	vadd.f32 v42, v45;
	v50 =	vld [tilespmem:$0x1FD50]  }
0x5c6: {  	v62 =	vadd.f32 v38, v35;
	(erf) = vrcp.f32 v49;
	v35 =	vsub.f32 $0.0e+00, v27  }
0x5c7: {  	[tilespmem:s20+$0x110] =	vst v63;
	v29 =	vadd.f32 v31, v36;
	v31 =	vmul.f32 v61, v39;
	v52 =	vpop (erf)  }
0x5c8: {  	v53 =	vsub.f32 $0.0e+00, v24;
	[tilespmem:s19+$0xFFFFFF10] =	vst v30;
	v51 =	vsub.f32 $0.0e+00, v23;
	v30 =	vmul.f32 $1.442695020e+00, v35;
	v55 =	vpop (erf)  }
0x5c9: {  	v25 =	vadd.f32 v37, v33;
	[tilespmem:s19+$0xFFFFFE90] =	vst v31;
	v31 =	vmul.f32 v28, v41;
	v36 =	vmul.f32 v52, v60;
	v59 =	vpop (erf)  }
0x5ca: {  	[tilespmem:s19+$0x110] =	vst v50;
	v28 =	vadd.f32 v32, v62;
	v56 =	vmul.f32 $1.442695020e+00, v51;
	(erf) = vpow2.f32 v30;
	v61 =	vpop (erf)  }
0x5cb: {  	v58 =	vsub.f32 $0.0e+00, v25;
	[tilespmem:s22+$0xFFFFFE80] =	vst v36;
	v32 =	vmul.f32 v55, v57;
	v30 =	vmul.f32 v61, v54  }
0x5cc: {  	v60 =	vsub.f32 $0.0e+00, v29;
	[tilespmem:s19+$0xFFFFFF90] =	vst v31;
	v62 =	vsub.f32 $0.0e+00, v28;
	v31 =	vld [tilespmem:s21+$0xFFFFFE90];
	v0 =	vmul.f32 v59, v0  }
0x5cd: {  	v35 =	vmul.f32 $1.442695020e+00, v53;
	v36 =	vmul.f32 $1.442695020e+00, v58;
	[tilespmem:s22+$0xFFFFFF00] =	vst v32;
	v32 =	vld [tilespmem:s21+$0xFFFFFEB0]  }
0x5ce: {  	v37 =	vmul.f32 $1.442695020e+00, v60;
	v38 =	vmul.f32 $1.442695020e+00, v62;
	v63 =	vpop (erf);
	[tilespmem:s22+$0xFFFFFF80] =	vst v0;
	v33 =	vld [tilespmem:s21+$0xFFFFFF10]  }
0x5cf: {  	s24 =	simm.s32 $0xC;
	s25 =	simm.s32 $0x454;
	v10 =	vmov v4;
	s23 =	simm.s32 $0x4180;
	(erf) = vpow2.f32 v56;
	v39 =	vmul.f32 v63, v43;
	v34 =	vld [tilespmem:s21+$0xFFFFFF30];
	[tilespmem:s22+$0x0] =	vst v30;
	v30 =	vpop (erf)  }
.LBB2_18:
0x5d0: {  	v0 =	vld [tilespmem:s25+$0x8]  }
0x5d1: {  	v1 =	vld [tilespmem:$0x1FC90]  }
0x5d2: {  	v56 =	vld [tilespmem:$0x1FCA0]  }
0x5d3: {  	s21 =	sadd.s32 $0x300, s21;
	[tilespmem:s22+$0x80] =	vst v39;
	(erf) = vpow2.f32 v35;
	v39 =	vld [tilespmem:s25+$0xFFFFFFF8]  }
0x5d4: {  	v55 =	vmov v29;
	v29 =	vld [tilespmem:s21+$0x100];
	(erf) = vpow2.f32 v36  }
0x5d5: {  	v60 =	vld [tilespmem:s21+$0x160];
	(erf) = vpow2.f32 v37;
	v22 =	vmul.f32 v31, v22  }
0x5d6: {  	v36 =	vld [tilespmem:s25+$0xFFFFFFFC];
	v21 =	vmul.f32 v32, v21;
	v26 =	vmul.f32 v26, v1  }
0x5d7: {  	v46 =	vld [tilespmem:s21+$0xFFFFFF00];
	v31 =	vmul.f32 v33, v9;
	(erf) = vpow2.f32 v38  }
0x5d8: {  	v57 =	vmov v28;
	v11 =	vmul.f32 v34, v11;
	v28 =	vbroadcast v0, $0x0;
	[tilespmem:s19+$0x10] =	vst v26;
	v26 =	vld [tilespmem:s21+$0x120]  }
0x5d9: {  	[tilespmem:$0x1FCA0] =	vst v57;
	v57 =	vld [tilespmem:s21+$0xFFFFFF80];
	v32 =	vadd.f32 v21, v22;
	v21 =	vmul.f32 v30, v56;
	v9 =	vbroadcast v39, $0x0  }
0x5da: {  	v22 =	vld [tilespmem:s21+$0x140];
	v30 =	vbroadcast v0, $0x1;
	v33 =	vadd.f32 v11, v31;
	v11 =	vbroadcast v39, $0x1;
	v58 =	vpop (erf)  }
0x5db: {  	v38 =	vld [tilespmem:s25+$0xFFFFFFF4];
	v41 =	vbroadcast v36, $0x0;
	v52 =	vbroadcast v36, $0x1;
	v59 =	vadd.f32 $1.000000000e+00, v58  }
0x5dc: {  	v56 =	vld [tilespmem:s21+$0xFFFFFF20];
	[tilespmem:s19+$0x90] =	vst v21;
	v21 =	vmul.f32 v29, v28;
	v29 =	vbroadcast v0, $0x2  }
0x5dd: {  	v40 =	vld [tilespmem:s21+$0xFFFFFE80];
	v31 =	vpop (erf);
	(erf) = vrcp.f32 v59;
	v26 =	vmul.f32 v26, v30  }
0x5de: {  	v50 =	vbroadcast v36, $0x2;
	v37 =	vld [tilespmem:s25+$0x0];
	v46 =	vmul.f32 v46, v9;
	v48 =	vadd.f32 $1.000000000e+00, v31  }
0x5df: {  	v42 =	vld [tilespmem:s21+$0xFFFFFEA0];
	v31 =	vbroadcast v0, $0x3;
	v61 =	vpop (erf);
	v22 =	vmul.f32 v22, v29;
	v21 =	vadd.f32 v26, v21  }
0x5e0: {  	v47 =	vld [tilespmem:s25+$0x4];
	v51 =	vbroadcast v38, $0x2;
	v57 =	vmul.f32 v57, v41;
	v54 =	vadd.f32 $1.000000000e+00, v61  }
0x5e1: {  	v59 =	vld [tilespmem:s21+$0x0];
	v62 =	vpop (erf);
	v35 =	vmul.f32 v60, v31;
	v56 =	vmul.f32 v56, v11;
	v45 =	vadd.f32 v22, v21  }
0x5e2: {  	v1 =	vld [tilespmem:s21+$0xFFFFFFA0];
	v0 =	vadd.f32 $1.000000000e+00, v62;
	v22 =	vbroadcast v38, $0x0;
	v21 =	vbroadcast v38, $0x1  }
0x5e3: {  	v61 =	vld [tilespmem:s21+$0x20];
	v43 =	vbroadcast v37, $0x1;
	v26 =	vbroadcast v37, $0x0;
	v53 =	vadd.f32 v35, v45  }
0x5e4: {  	v63 =	vpop (erf);
	v56 =	vadd.f32 v56, v46;
	v40 =	vmul.f32 v40, v22;
	v42 =	vmul.f32 v42, v21  }
0x5e5: {  	[tilespmem:$0x1FC90] =	vst v55;
	v55 =	vpop (erf);
	v46 =	vld [tilespmem:s21+$0xFFFFFF40];
	v49 =	vbroadcast v47, $0x0;
	v44 =	vbroadcast v47, $0x1;
	v60 =	vsub.f32 $0.0e+00, v53  }
0x5e6: {  	v34 =	vadd.f32 $1.000000000e+00, v55;
	v59 =	vmul.f32 v59, v26;
	v62 =	vpop (erf);
	v55 =	vadd.f32 v42, v40;
	v42 =	vld [tilespmem:s21+$0x80]  }
0x5e7: {  	v27 =	vmul.f32 v62, v27;
	v62 =	vld [tilespmem:s21+$0xFFFFFEC0];
	v2 =	vmul.f32 $1.442695020e+00, v60  }
0x5e8: {  	v61 =	vmul.f32 v61, v43;
	v35 =	vmul.f32 v1, v52;
	v60 =	vld [tilespmem:s21+$0xA0]  }
0x5e9: {  	v3 =	vld [tilespmem:s21+$0xFFFFFF60];
	v58 =	vadd.f32 $1.000000000e+00, v63;
	v45 =	vbroadcast v39, $0x2;
	(erf) = vpow2.f32 v2  }
0x5ea: {  	v63 =	vld [tilespmem:s21+$0xFFFFFFC0];
	v57 =	vadd.f32 v35, v57;
	v40 =	vbroadcast v47, $0x2;
	v35 =	vbroadcast v38, $0x3  }
0x5eb: {  	v1 =	vld [tilespmem:s21+$0x40];
	v38 =	vbroadcast v39, $0x3;
	v2 =	vmul.f32 v42, v49  }
0x5ec: {  	v39 =	vadd.f32 v61, v59;
	v61 =	vmul.f32 v62, v51;
	v42 =	vbroadcast v36, $0x3  }
0x5ed: {  	v36 =	vmul.f32 v46, v45;
	v59 =	vmul.f32 v60, v44;
	v60 =	vld [tilespmem:s21+$0xC0]  }
0x5ee: {  	[tilespmem:s22+$0x110] =	vst v27;
	v27 =	vbroadcast v37, $0x2;
	v62 =	vld [tilespmem:s21+$0xFFFFFEE0];
	v46 =	vbroadcast v37, $0x3  }
0x5ef: {  	v37 =	vadd.f32 v61, v55;
	v61 =	vmul.f32 v63, v50;
	v36 =	vadd.f32 v36, v56;
	v56 =	vld [tilespmem:s21+$0x60]  }
0x5f0: {  	v3 =	vmul.f32 v3, v38;
	v1 =	vmul.f32 v1, v27;
	v2 =	vadd.f32 v59, v2;
	v59 =	vld [tilespmem:s21+$0xFFFFFFE0]  }
0x5f1: {  	v47 =	vbroadcast v47, $0x3;
	(erf) = vrcp.f32 v48;
	v55 =	vadd.f32 v61, v57;
	v57 =	vld [tilespmem:s21+$0xE0]  }
0x5f2: {  	v1 =	vadd.f32 v1, v39;
	v36 =	vadd.f32 v3, v36;
	v48 =	vmul.f32 v60, v40;
	v60 =	vpop (erf)  }
0x5f3: {  	v61 =	vld [tilespmem:s23+$0xFFFFFFB0];
	(erf) = vrcp.f32 v54;
	v54 =	vmul.f32 v62, v35;
	v39 =	vadd.f32 $1.000000000e+00, v60  }
0x5f4: {  	v3 =	vmul.f32 v56, v46;
	v60 =	vld [tilespmem:s23+$0xFFFFFF90];
	v2 =	vadd.f32 v48, v2;
	(erf) = vrcp.f32 v0  }
0x5f5: {  	v56 =	vld [tilespmem:s23+$0x30];
	v63 =	vmul.f32 v59, v42;
	v48 =	vadd.f32 v54, v37;
	(erf) = vrcp.f32 v39  }
0x5f6: {  	v62 =	vmul.f32 v57, v47;
	v0 =	vld [tilespmem:s23+$0xFFFFFED0];
	v37 =	vadd.f32 v3, v1  }
0x5f7: {  	v54 =	vld [tilespmem:s23+$0x10];
	v39 =	vadd.f32 v63, v55;
	(erf) = vrcp.f32 v58;
	v58 =	vsub.f32 $0.0e+00, v48  }
0x5f8: {  	v7 =	vmul.f32 v61, v7;
	v3 =	vld [tilespmem:s23+$0xB0];
	v63 =	vsub.f32 $0.0e+00, v36;
	v57 =	vsub.f32 $0.0e+00, v37  }
0x5f9: {  	v55 =	vld [tilespmem:s23+$0x90];
	v59 =	vsub.f32 $0.0e+00, v39;
	v1 =	vmul.f32 v60, v6;
	v58 =	vmul.f32 $1.442695020e+00, v58  }
0x5fa: {  	v6 =	vmovc v41;
	v41 =	vadd.f32 v62, v2;
	v2 =	vmul.f32 $1.442695020e+00, v63;
	v60 =	vld [tilespmem:s23+$0xFFFFFF50];
	v57 =	vmul.f32 $1.442695020e+00, v57  }
0x5fb: {  	v61 =	vpop (erf);
	v59 =	vmul.f32 $1.442695020e+00, v59;
	(erf) = vpow2.f32 v58;
	v1 =	vadd.f32 v7, v1;
	v7 =	vld [tilespmem:$0x1FCB0]  }
0x5fc: {  	v58 =	vld [tilespmem:s23+$0xFFFFFFD0];
	v63 =	vpop (erf);
	(erf) = vpow2.f32 v2  }
0x5fd: {  	v4 =	vsub.f32 $0.0e+00, v41;
	v2 =	vld [tilespmem:s23+$0x50];
	(erf) = vpow2.f32 v59;
	v62 =	vpop (erf)  }
0x5fe: {  	v59 =	vld [tilespmem:s23+$0xD0];
	(erf) = vpow2.f32 v57;
	v57 =	vpop (erf)  }
0x5ff: {  	v8 =	vmov v52;
	v52 =	vmul.f32 $1.442695020e+00, v4;
	v4 =	vld [tilespmem:s23+$0xFFFFFEF0];
	v53 =	vmul.f32 v57, v53  }
0x600: {  	s19 =	smov.u32 s20;
	s20 =	smov.u32 s22;
	s22 =	sadd.s32 $0x300, s22;
	v54 =	vmul.f32 v54, v7;
	v7 =	vmov v8;
	v8 =	vld [tilespmem:$0x1FCC0]  }
0x601: {  	v26 =	vmov v26;
	v0 =	vmul.f32 v0, v5;
	v55 =	vmul.f32 v55, v10;
	[tilespmem:s22+$0x100] =	vst v53;
	v53 =	vld [tilespmem:$0x1FCD0]  }
0x602: {  	v10 =	vmov v49;
	v49 =	vmul.f32 v60, v12;
	(erf) = vpow2.f32 v52;
	v57 =	vld [tilespmem:s23+$0xFFFFFFF0]  }
0x603: {  	v52 =	vld [tilespmem:s23+$0xFFFFFF70];
	v58 =	vmul.f32 v58, v13  }
0x604: {  	[tilespmem:$0x1FCB0] =	vst v26;
	v0 =	vadd.f32 v0, v32;
	v26 =	vpop (erf);
	v32 =	vadd.f32 v49, v33;
	v2 =	vmul.f32 v2, v19  }
0x605: {  	v19 =	vmul.f32 v59, v20;
	v4 =	vmul.f32 v4, v17;
	v1 =	vadd.f32 v58, v1;
	v20 =	vpop (erf)  }
0x606: {  	v12 =	vmovc v45;
	v56 =	vmul.f32 v56, v8;
	v8 =	vmovc v43;
	v3 =	vmul.f32 v3, v53;
	v53 =	vmov v44;
	v44 =	vld [tilespmem:s21+$0x110]  }
0x607: {  	v45 =	vld [tilespmem:s21+$0x130];
	v0 =	vadd.f32 v4, v0;
	v58 =	vmul.f32 v57, v18;
	[tilespmem:$0x1FCC0] =	vst v8;
	v8 =	vadd.f32 $1.000000000e+00, v20;
	v20 =	vpop (erf)  }
0x608: {  	v60 =	vadd.f32 v56, v54;
	v56 =	vmul.f32 v52, v16;
	v16 =	vadd.f32 $1.000000000e+00, v20;
	v20 =	vpop (erf)  }
0x609: {  	v49 =	vld [tilespmem:s21+$0x150];
	v18 =	vadd.f32 $1.000000000e+00, v20;
	(erf) = vrcp.f32 v8;
	v17 =	vpop (erf);
	v3 =	vadd.f32 v3, v55  }
0x60a: {  	v43 =	vld [tilespmem:s23+$0x70];
	v2 =	vadd.f32 v2, v60;
	v60 =	vadd.f32 $1.000000000e+00, v17  }
0x60b: {  	v59 =	vld [tilespmem:s21+$0x170];
	v3 =	vadd.f32 v19, v3;
	v19 =	vpop (erf);
	(erf) = vrcp.f32 v16;
	v8 =	vmul.f32 v44, v28  }
0x60c: {  	v33 =	vld [tilespmem:s23+$0xF0];
	v28 =	vmul.f32 v45, v30;
	v30 =	vadd.f32 $1.000000000e+00, v19;
	(erf) = vrcp.f32 v18  }
0x60d: {  	v57 =	vmul.f32 v63, v24;
	v1 =	vadd.f32 v58, v1;
	(erf) = vrcp.f32 v60  }
0x60e: {  	v19 =	vmovc v27;
	v27 =	vadd.f32 v28, v8;
	v28 =	vmul.f32 v49, v29;
	(erf) = vrcp.f32 v30  }
0x60f: {  	v43 =	vmul.f32 v43, v15;
	v8 =	vadd.f32 v56, v32;
	v56 =	vmul.f32 v61, v23  }
0x610: {  	v5 =	vmovc v51;
	v23 =	vmovc v0;
	(erf) = vrcp.f32 v34;
	v27 =	vadd.f32 v28, v27;
	v28 =	vmul.f32 v59, v31  }
0x611: {  	v13 =	vmovc v50;
	v4 =	vmul.f32 v33, v14;
	v29 =	vadd.f32 v43, v2;
	v0 =	vsub.f32 $0.0e+00, v23;
	v24 =	vmovc v8  }
0x612: {  	v58 =	vmul.f32 v62, v25;
	[tilespmem:s19+$0xFFFFFF10] =	vst v57;
	v30 =	vpop (erf);
	v31 =	vsub.f32 $0.0e+00, v24;
	v27 =	vadd.f32 v28, v27  }
0x613: {  	s24 =	sadd.s32 $0x6, s24;
	v14 =	vmovc v47;
	[tilespmem:$0x1FCD0] =	vst v53;
	v17 =	vmovc v35;
	v59 =	vsub.f32 $0.0e+00, v1;
	v0 =	vmul.f32 $1.442695020e+00, v0;
	v8 =	vmul.f32 v30, v48  }
0x614: {  	p0 =	slt.u32 s24, $0x60;
	[tilespmem:s19+$0xFFFFFE90] =	vst v56;
	v28 =	vadd.f32 v4, v3;
	v35 =	vmul.f32 $1.442695020e+00, v31;
	v4 =	vsub.f32 $0.0e+00, v27;
	v3 =	vpop (erf)  }
.Ltmp8:
0x615: {  	v60 =	vsub.f32 $0.0e+00, v29;
	[tilespmem:s22+$0xFFFFFE80] =	vst v8;
	v8 =	vmul.f32 v3, v36;
	v3 =	vpop (erf);
	v36 =	vmul.f32 $1.442695020e+00, v59;
	(pc) =	sbr.rel @p0 .LBB2_18-.Ltmp8, $4  }
0x616: {  	v20 =	vmov v40;
	[tilespmem:s19+$0xFFFFFF90] =	vst v58;
	v31 =	vld [tilespmem:s21+$0xFFFFFE90];
	v61 =	vmul.f32 $1.442695020e+00, v4;
	v3 =	vmul.f32 v3, v39;
	v30 =	vpop (erf)  }
0x617: {  	v32 =	vld [tilespmem:s21+$0xFFFFFEB0];
	v4 =	vsub.f32 $0.0e+00, v28;
	[tilespmem:s22+$0xFFFFFF00] =	vst v8;
	v62 =	vmul.f32 v30, v37;
	v63 =	vpop (erf);
	v37 =	vmul.f32 $1.442695020e+00, v60  }
0x618: {  	v25 =	vmovc v1;
	v15 =	vmovc v46;
	v16 =	vmov v38;
	(erf) = vpow2.f32 v61;
	v33 =	vld [tilespmem:s21+$0xFFFFFF10];
	[tilespmem:s22+$0xFFFFFF80] =	vst v3;
	v39 =	vmul.f32 v63, v41  }
0x619: {  	s25 =	sadd.s32 $0x18, s25;
	s23 =	smov.u32 s21;
	v18 =	vmov v42;
	v30 =	vpop (erf);
	v34 =	vld [tilespmem:s21+$0xFFFFFF30];
	v38 =	vmul.f32 $1.442695020e+00, v4;
	[tilespmem:s22+$0x0] =	vst v62;
	(erf) = vpow2.f32 v0  }
0x61a: {  	v0 =	vld [tilespmem:s23+$0xFFFFFF90]  }
0x61b: {  	v1 =	vld [tilespmem:s23+$0xFFFFFFB0]  }
0x61c: {  	v2 =	vld [tilespmem:s23+$0x10]  }
0x61d: {  	v3 =	vld [tilespmem:s23+$0x30]  }
0x61e: {  	v45 =	vld [tilespmem:s23+$0xFFFFFED0]  }
0x61f: {  	v48 =	vld [tilespmem:s23+$0xFFFFFF50]  }
0x620: {  	v49 =	vld [tilespmem:s23+$0xFFFFFFD0]  }
0x621: {  	v53 =	vld [tilespmem:s23+$0xFFFFFEF0]  }
0x622: {  	(erf) = vpow2.f32 v35;
	[tilespmem:s22+$0x80] =	vst v39;
	v57 =	vld [tilespmem:s23+$0xFFFFFF70]  }
0x623: {  	(erf) = vpow2.f32 v36;
	v63 =	vld [tilespmem:s23+$0x90]  }
0x624: {  	v42 =	vld [tilespmem:s23+$0xB0];
	v22 =	vmul.f32 v31, v22;
	(erf) = vpow2.f32 v37  }
0x625: {  	v54 =	vld [tilespmem:$0x1FCB0];
	v21 =	vmul.f32 v32, v21;
	(erf) = vpow2.f32 v38  }
0x626: {  	v56 =	vld [tilespmem:$0x1FCC0];
	v9 =	vmul.f32 v33, v9;
	v11 =	vmul.f32 v34, v11  }
0x627: {  	v8 =	vld [tilespmem:$0x1FCD0];
	v0 =	vmul.f32 v0, v6;
	v1 =	vmul.f32 v1, v7  }
0x628: {  	v59 =	vld [tilespmem:s23+$0xFFFFFFF0];
	v60 =	vmul.f32 v45, v5;
	v62 =	vmul.f32 v48, v12  }
0x629: {  	v50 =	vld [tilespmem:s23+$0x50];
	v13 =	vmul.f32 v49, v13;
	v7 =	vmul.f32 v53, v17  }
0x62a: {  	v61 =	vld [tilespmem:s23+$0x70];
	v21 =	vadd.f32 v21, v22;
	v32 =	vmul.f32 v57, v16;
	v2 =	vmul.f32 v2, v54  }
0x62b: {  	v9 =	vadd.f32 v11, v9;
	v3 =	vmul.f32 v3, v56;
	v58 =	vmul.f32 v63, v10  }
0x62c: {  	v8 =	vmul.f32 v42, v8;
	v4 =	vpop (erf);
	v0 =	vadd.f32 v1, v0;
	v31 =	vadd.f32 v60, v21  }
0x62d: {  	v33 =	vmul.f32 v59, v18;
	v4 =	vadd.f32 $1.000000000e+00, v4;
	v2 =	vadd.f32 v3, v2  }
0x62e: {  	v51 =	vld [tilespmem:s23+$0xD0];
	v63 =	vmul.f32 v50, v19;
	v41 =	vpop (erf);
	v6 =	vadd.f32 v8, v58;
	v9 =	vadd.f32 v62, v9  }
0x62f: {  	v1 =	vmul.f32 v61, v15;
	v43 =	vadd.f32 $1.000000000e+00, v41;
	v44 =	vpop (erf);
	v0 =	vadd.f32 v13, v0  }
0x630: {  	v19 =	vld [tilespmem:s23+$0xF0];
	v34 =	vadd.f32 v7, v31;
	(erf) = vrcp.f32 v4;
	v46 =	vpop (erf);
	v47 =	vadd.f32 $1.000000000e+00, v44  }
0x631: {  	v2 =	vadd.f32 v63, v2;
	v4 =	vadd.f32 $1.000000000e+00, v46;
	(erf) = vrcp.f32 v43  }
0x632: {  	v5 =	vadd.f32 v32, v9;
	v0 =	vadd.f32 v33, v0;
	(erf) = vrcp.f32 v47  }
0x633: {  	v52 =	vpop (erf);
	v7 =	vsub.f32 $0.0e+00, v34;
	(erf) = vrcp.f32 v4;
	v4 =	vmul.f32 v51, v20  }
0x634: {  	v11 =	vadd.f32 $1.000000000e+00, v52;
	v1 =	vadd.f32 v1, v2  }
0x635: {  	v35 =	vmul.f32 v19, v14;
	v55 =	vpop (erf);
	v36 =	vsub.f32 $0.0e+00, v5;
	v4 =	vadd.f32 v4, v6  }
0x636: {  	v22 =	vadd.f32 $1.000000000e+00, v55;
	v37 =	vsub.f32 $0.0e+00, v0  }
0x637: {  	v7 =	vmul.f32 $1.442695020e+00, v7;
	(erf) = vrcp.f32 v11;
	v4 =	vadd.f32 v35, v4  }
0x638: {  	v38 =	vsub.f32 $0.0e+00, v1;
	v2 =	vmul.f32 $1.442695020e+00, v36;
	(erf) = vrcp.f32 v22  }
0x639: {  	v6 =	vmul.f32 $1.442695020e+00, v37;
	(erf) = vpow2.f32 v7;
	v39 =	vsub.f32 $0.0e+00, v4  }
0x63a: {  	v40 =	vmul.f32 $1.442695020e+00, v38;
	(erf) = vpow2.f32 v2  }
0x63b: {  	(erf) = vpow2.f32 v6;
	v41 =	vmul.f32 $1.442695020e+00, v39  }
0x63c: {  	v42 =	vpop (erf);
	(erf) = vpow2.f32 v40  }
0x63d: {  	v43 =	vpop (erf);
	(erf) = vpow2.f32 v41  }
0x63e: {  	v44 =	vpop (erf)  }
0x63f: {  	v45 =	vpop (erf)  }
0x640: {  	v46 =	vpop (erf)  }
0x641: {  	v47 =	vpop (erf)  }
0x642: {  	v48 =	vpop (erf)  }
0x643: {  	v11 =	vadd.f32 $1.000000000e+00, v48;
	v49 =	vpop (erf)  }
0x644: {  	v50 =	vpop (erf);
	v12 =	vadd.f32 $1.000000000e+00, v49  }
0x645: {  	v51 =	vpop (erf);
	v13 =	vadd.f32 $1.000000000e+00, v50;
	(erf) = vrcp.f32 v11  }
0x646: {  	v14 =	vadd.f32 $1.000000000e+00, v51;
	v52 =	vpop (erf);
	(erf) = vrcp.f32 v12  }
0x647: {  	v6 =	vmul.f32 v42, v27;
	v11 =	vadd.f32 $1.000000000e+00, v52;
	(erf) = vrcp.f32 v13  }
0x648: {  	v53 =	vld [tilespmem:$0x1FC90];
	v7 =	vmul.f32 v43, v23;
	(erf) = vrcp.f32 v14  }
0x649: {  	v54 =	vld [tilespmem:$0x1FCA0];
	[tilespmem:s22+$0x110] =	vst v6;
	v2 =	vmul.f32 v44, v24;
	(erf) = vrcp.f32 v11  }
0x64a: {  	[tilespmem:s20+$0xFFFFFE90] =	vst v7;
	v55 =	vmul.f32 v45, v25  }
0x64b: {  	[tilespmem:s20+$0xFFFFFF10] =	vst v2;
	v56 =	vmul.f32 v46, v29  }
0x64c: {  	[tilespmem:s20+$0xFFFFFF90] =	vst v55;
	v57 =	vmul.f32 v47, v28  }
0x64d: {  	[tilespmem:s20+$0x10] =	vst v56;
	v12 =	vmul.f32 v26, v53  }
0x64e: {  	[tilespmem:s20+$0x90] =	vst v57;
	v13 =	vmul.f32 v30, v54;
	v58 =	vpop (erf)  }
0x64f: {  	[tilespmem:s19+$0x10] =	vst v12;
	v3 =	vmul.f32 v58, v34;
	v59 =	vpop (erf)  }
0x650: {  	[tilespmem:s19+$0x90] =	vst v13;
	v60 =	vpop (erf);
	v2 =	vmul.f32 v59, v5  }
0x651: {  	[tilespmem:s22+$0xFFFFFE90] =	vst v3;
	v61 =	vpop (erf);
	v0 =	vmul.f32 v60, v0  }
0x652: {  	[tilespmem:s22+$0xFFFFFF10] =	vst v2;
	v62 =	vpop (erf);
	v1 =	vmul.f32 v61, v1  }
0x653: {  	[tilespmem:s22+$0xFFFFFF90] =	vst v0;
	v63 =	vmul.f32 v62, v4  }
0x654: {  	[tilespmem:s22+$0x10] =	vst v1  }
0x655: {  	s20 =	simm.s32 $0x598;
	s19 =	simm.s32 $0x0;
	[tilespmem:s22+$0x90] =	vst v63  }
.LBB2_20:
0x656: {  	v0 =	vld [tilespmem:s20+$0x0];
	s21 =	sshra.s32 s19, $0x2  }
0x657: {  	v1 =	vld [tilespmem:s21+$0x6D00]  }
0x658: {  	v2 =	vld [tilespmem:s21+$0x6D20];
	_ =	sdelay $0x1  }
0x659: {  	v4 =	vld [tilespmem:s21+$0x6D40]  }
0x65a: {  	v3 =	vbroadcast v0, $0x0;
	v5 =	vbroadcast v0, $0x1  }
0x65b: {  	v6 =	vld [tilespmem:s21+$0x6D60];
	v7 =	vbroadcast v0, $0x2  }
0x65c: {  	v1 =	vmul.f32 v1, v3;
	v2 =	vmul.f32 v2, v5;
	_ =	sdelay $0x1  }
0x65d: {  	v0 =	vbroadcast v0, $0x3;
	v53 =	vmul.f32 v4, v7;
	v1 =	vadd.f32 v2, v1;
	_ =	sdelay $0x1  }
0x65e: {  	v54 =	vmul.f32 v6, v0;
	v1 =	vadd.f32 v53, v1;
	_ =	sdelay $0x1  }
0x65f: {  	v1 =	vadd.f32 v54, v1  }
0x660: {  	v55 =	vld [tilespmem:s21+$0x6D10]  }
0x661: {  	v57 =	vld [tilespmem:s21+$0x6D30];
	v56 =	vsub.f32 $0.0e+00, v1;
	_ =	sdelay $0x1  }
0x662: {  	v8 =	vld [tilespmem:s21+$0x6D50];
	v4 =	vmul.f32 $1.442695020e+00, v56;
	_ =	sdelay $0x1  }
0x663: {  	v58 =	vld [tilespmem:s21+$0x6D70];
	(erf) = vpow2.f32 v4  }
0x664: {  	v59 =	vmul.f32 v57, v5;
	v2 =	vmul.f32 v55, v3;
	_ =	sdelay $0x1  }
0x665: {  	v60 =	vmul.f32 v8, v7;
	v2 =	vadd.f32 v59, v2;
	_ =	sdelay $0x1  }
0x666: {  	v0 =	vmul.f32 v58, v0;
	v2 =	vadd.f32 v60, v2;
	_ =	sdelay $0x1  }
0x667: {  	v0 =	vadd.f32 v0, v2;
	_ =	sdelay $0x1  }
0x668: {  	v62 =	vsub.f32 $0.0e+00, v0;
	v61 =	vpop (erf)  }
0x669: {  	v2 =	vadd.f32 $1.000000000e+00, v61  }
0x66a: {  	v3 =	vmul.f32 $1.442695020e+00, v62  }
0x66b: {  	(erf) = vrcp.f32 v2  }
0x66c: {  	(erf) = vpow2.f32 v3;
	_ =	sdelay $0x7  }
0x66d: {  	v2 =	vpop (erf)  }
0x66e: {  	v3 =	vpop (erf)  }
0x66f: {  	v3 =	vadd.f32 $1.000000000e+00, v3;
	_ =	sdelay $0x1  }
0x670: {  	(erf) = vrcp.f32 v3;
	_ =	sdelay $0x6  }
0x671: {  	p0 =	sne.s32 s19, $0x200  }
.Ltmp9:
0x672: {  	_ = 	snop;
	(pc) =	sbr.rel @p0 .LBB2_20-.Ltmp9, $4  }
0x673: {  	v1 =	vmul.f32 v2, v1;
	v63 =	vpop (erf)  }
0x674: {  	v0 =	vmul.f32 v63, v0  }
0x675: {  	[tilespmem:s21+$0xA100] =	vst v1  }
0x676: {  	s20 =	sadd.s32 $0x4, s20;
	s19 =	sadd.s32 $0x200, s19;
	[tilespmem:s21+$0xA110] =	vst v0  }
0x677: {  	[spmem:s3] =	stream.indirect.scatter.add.f32 [tilespmem:s29], [sflag:$0x3], $0x80, s12, s2, $0xb8;
	[tilespmem:$0x1E200] =	vst v63  }
0x678: {  	_ =	swait.ge [sflag:s30], $0x3400  }
0x679: {  	[sflag:s30] =	ssyncset.done $0x0  }
0x67a: {  	s21 =	simm.s32 $0x0;
	s19 =	rddreg [dreg:$0xe];
	[sflag:s30] =	ssyncadd.s32 $0xFFFFCC00  }
0x67b: {  	[tilespmem:s11], [sflag:$0x3] =	stream.linear.gather [hbm4b:s19+s21], $0x8, $0x38;
	[tilespmem:$0x1E200] =	vst v63  }
0x67c: {  	_ =	swait.ge [sflag:s30], $0x8  }
0x67d: {  	[sflag:s30] =	ssyncset.done $0x0  }
0x67e: {  	s26 =	rddreg [dreg:$0xf];
	[sflag:s30] =	ssyncadd.s32 $0xFFFFFFF8  }
0x67f: {  	[tilespmem:s12], [sflag:$0x3] =	stream.linear.gather [hbm4b:s26+s21], $0x8, $0x38;
	[tilespmem:$0x1E200] =	vst v63  }
0x680: {  	_ =	swait.ge [sflag:s30], $0x8  }
0x681: {  	[sflag:s30] =	ssyncset.done $0x0  }
0x682: {  	s28 =	rddreg [dreg:$0x10];
	[sflag:s30] =	ssyncadd.s32 $0xFFFFFFF8  }
0x683: {  	[tilespmem:s13], [sflag:$0x3] =	stream.linear.gather [hbm4b:s28+s21], $0x20, $0x38;
	[tilespmem:$0x1E200] =	vst v63  }
0x684: {  	_ =	swait.ge [sflag:s30], $0x20  }
0x685: {  	[sflag:s30] =	ssyncset.done $0x0  }
0x686: {  	s24 =	simm.s32 $0x8;
	[sflag:s30] =	ssyncadd.s32 $0xFFFFFFE0  }
0x687: {  	[tilespmem:s14], [sflag:$0x2] =	stream.indirect.gather [hbm4b:s0+s24], $0x80, s11, s24, $0xb8;
	[tilespmem:$0x1E200] =	vst v63  }
0x688: {  	_ =	swait.ge [sflag:s15], $0x400  }
0x689: {  	[sflag:s15] =	ssyncset.done $0x0  }
0x68a: {  	p0 =	por $0x1, $0x1;
	[sflag:s15] =	ssyncadd.s32 $0xFFFFFC00  }
.LBB2_22:
0x68b: {  	s19 =	sshll.u32 s21, $0x2  }
0x68c: {  	s19 =	sand.u32 $0x3FFFFFFC, s19  }
0x68d: {  	v0 =	vld [tilespmem:s19+$0x400];
	s19 =	sshll.u32 s21, $0x7  }
0x68e: {  	v1 =	vld [tilespmem:s19+$0x3A00]  }
0x68f: {  	v2 =	vld [tilespmem:s19+$0x3A20];
	_ =	sdelay $0x1  }
0x690: {  	v4 =	vld [tilespmem:s19+$0x3A40]  }
0x691: {  	v3 =	vbroadcast v0, $0x0;
	v5 =	vbroadcast v0, $0x1  }
0x692: {  	v6 =	vld [tilespmem:s19+$0x3A60];
	v7 =	vbroadcast v0, $0x2  }
0x693: {  	v1 =	vmul.f32 v1, v3;
	v2 =	vmul.f32 v2, v5;
	_ =	sdelay $0x1  }
0x694: {  	v0 =	vbroadcast v0, $0x3;
	v45 =	vmul.f32 v4, v7;
	v1 =	vadd.f32 v2, v1;
	_ =	sdelay $0x1  }
0x695: {  	v46 =	vmul.f32 v6, v0;
	v1 =	vadd.f32 v45, v1;
	_ =	sdelay $0x1  }
0x696: {  	v1 =	vadd.f32 v46, v1  }
0x697: {  	v47 =	vld [tilespmem:s19+$0x3A10]  }
0x698: {  	v49 =	vld [tilespmem:s19+$0x3A30];
	v48 =	vsub.f32 $0.0e+00, v1;
	_ =	sdelay $0x1  }
0x699: {  	v8 =	vld [tilespmem:s19+$0x3A50];
	v4 =	vmul.f32 $1.442695020e+00, v48;
	_ =	sdelay $0x1  }
0x69a: {  	v50 =	vld [tilespmem:s19+$0x3A70];
	(erf) = vpow2.f32 v4  }
0x69b: {  	v51 =	vmul.f32 v49, v5;
	v2 =	vmul.f32 v47, v3;
	_ =	sdelay $0x1  }
0x69c: {  	s20 =	sor.u32 $0x1, s21;
	v52 =	vmul.f32 v8, v7;
	v2 =	vadd.f32 v51, v2  }
0x69d: {  	s22 =	sshll.u32 s20, $0x2  }
0x69e: {  	s22 =	sand.u32 $0x3FFFFFFC, s22;
	v0 =	vmul.f32 v50, v0;
	v2 =	vadd.f32 v52, v2  }
0x69f: {  	v53 =	vld [tilespmem:s22+$0x400]  }
0x6a0: {  	s20 =	sshll.u32 s20, $0x7;
	v2 =	vadd.f32 v0, v2  }
0x6a1: {  	v54 =	vld [tilespmem:s20+$0x3A00]  }
0x6a2: {  	v57 =	vld [tilespmem:s20+$0x3A20];
	v56 =	vsub.f32 $0.0e+00, v2;
	v55 =	vpop (erf)  }
0x6a3: {  	v4 =	vadd.f32 $1.000000000e+00, v55  }
0x6a4: {  	v59 =	vld [tilespmem:s20+$0x3A40];
	v58 =	vbroadcast v53, $0x0;
	v5 =	vmul.f32 $1.442695020e+00, v56  }
0x6a5: {  	v60 =	vbroadcast v53, $0x1;
	(erf) = vrcp.f32 v4  }
0x6a6: {  	v61 =	vld [tilespmem:s20+$0x3A60];
	v9 =	vbroadcast v53, $0x2;
	(erf) = vpow2.f32 v5  }
0x6a7: {  	v6 =	vmul.f32 v57, v60;
	v0 =	vmul.f32 v54, v58;
	_ =	sdelay $0x1  }
0x6a8: {  	v62 =	vmul.f32 v59, v9;
	v3 =	vbroadcast v53, $0x3;
	v0 =	vadd.f32 v6, v0;
	_ =	sdelay $0x1  }
0x6a9: {  	v0 =	vadd.f32 v62, v0;
	v5 =	vmul.f32 v61, v3;
	_ =	sdelay $0x1  }
0x6aa: {  	v0 =	vadd.f32 v5, v0  }
0x6ab: {  	v19 =	vld [tilespmem:s20+$0x3A10];
	v63 =	vpop (erf)  }
0x6ac: {  	v11 =	vld [tilespmem:s20+$0x3A30];
	v10 =	vsub.f32 $0.0e+00, v0;
	v20 =	vpop (erf)  }
0x6ad: {  	v8 =	vadd.f32 $1.000000000e+00, v20  }
0x6ae: {  	v12 =	vld [tilespmem:s20+$0x3A50];
	v10 =	vmul.f32 $1.442695020e+00, v10  }
0x6af: {  	(erf) = vrcp.f32 v8  }
0x6b0: {  	v21 =	vld [tilespmem:s20+$0x3A70];
	(erf) = vpow2.f32 v10  }
0x6b1: {  	v6 =	vmul.f32 v19, v58;
	v4 =	vmul.f32 v11, v60;
	_ =	sdelay $0x1  }
0x6b2: {  	s25 =	sor.u32 $0x2, s21;
	v22 =	vmul.f32 v12, v9;
	v4 =	vadd.f32 v4, v6  }
0x6b3: {  	s23 =	sshll.u32 s25, $0x2  }
0x6b4: {  	s23 =	sand.u32 $0x3FFFFFFC, s23;
	v3 =	vmul.f32 v21, v3;
	v4 =	vadd.f32 v22, v4  }
0x6b5: {  	v23 =	vld [tilespmem:s23+$0x400]  }
0x6b6: {  	s22 =	sshll.u32 s25, $0x7;
	v3 =	vadd.f32 v3, v4  }
0x6b7: {  	v25 =	vld [tilespmem:s22+$0x3A00];
	v24 =	vpop (erf)  }
0x6b8: {  	v28 =	vld [tilespmem:s22+$0x3A20];
	v27 =	vsub.f32 $0.0e+00, v3;
	v26 =	vpop (erf)  }
0x6b9: {  	v8 =	vadd.f32 $1.000000000e+00, v26  }
0x6ba: {  	v30 =	vld [tilespmem:s22+$0x3A40];
	v29 =	vbroadcast v23, $0x0;
	v9 =	vmul.f32 $1.442695020e+00, v27  }
0x6bb: {  	v31 =	vbroadcast v23, $0x1;
	(erf) = vrcp.f32 v8  }
0x6bc: {  	v32 =	vld [tilespmem:s22+$0x3A60];
	v13 =	vbroadcast v23, $0x2;
	(erf) = vpow2.f32 v9  }
0x6bd: {  	v7 =	vmul.f32 v25, v29;
	v10 =	vmul.f32 v28, v31;
	_ =	sdelay $0x1  }
0x6be: {  	v33 =	vmul.f32 v30, v13;
	v6 =	vbroadcast v23, $0x3;
	v7 =	vadd.f32 v10, v7;
	_ =	sdelay $0x1  }
0x6bf: {  	v7 =	vadd.f32 v33, v7;
	v9 =	vmul.f32 v32, v6;
	_ =	sdelay $0x1  }
0x6c0: {  	v7 =	vadd.f32 v9, v7  }
0x6c1: {  	v35 =	vld [tilespmem:s22+$0x3A10];
	v34 =	vpop (erf)  }
0x6c2: {  	v15 =	vld [tilespmem:s22+$0x3A30];
	v14 =	vsub.f32 $0.0e+00, v7;
	v36 =	vpop (erf)  }
0x6c3: {  	v12 =	vadd.f32 $1.000000000e+00, v36  }
0x6c4: {  	v16 =	vld [tilespmem:s22+$0x3A50];
	v14 =	vmul.f32 $1.442695020e+00, v14  }
0x6c5: {  	(erf) = vrcp.f32 v12  }
0x6c6: {  	v37 =	vld [tilespmem:s22+$0x3A70];
	(erf) = vpow2.f32 v14  }
0x6c7: {  	v10 =	vmul.f32 v35, v29;
	v8 =	vmul.f32 v15, v31;
	_ =	sdelay $0x1  }
0x6c8: {  	s26 =	sor.u32 $0x3, s21;
	v38 =	vmul.f32 v16, v13;
	v8 =	vadd.f32 v8, v10  }
0x6c9: {  	s28 =	sshll.u32 s26, $0x2  }
0x6ca: {  	s23 =	sand.u32 $0x3FFFFFFC, s28;
	v6 =	vmul.f32 v37, v6;
	v8 =	vadd.f32 v38, v8  }
0x6cb: {  	v39 =	vld [tilespmem:s23+$0x400]  }
0x6cc: {  	s21 =	sshll.u32 s26, $0x7;
	v6 =	vadd.f32 v6, v8  }
0x6cd: {  	v41 =	vld [tilespmem:s21+$0x3A00];
	v40 =	vpop (erf)  }
0x6ce: {  	v44 =	vld [tilespmem:s21+$0x3A20];
	v43 =	vsub.f32 $0.0e+00, v6;
	v42 =	vpop (erf)  }
0x6cf: {  	v12 =	vadd.f32 $1.000000000e+00, v42  }
0x6d0: {  	v47 =	vbroadcast v39, $0x1;
	v46 =	vld [tilespmem:s21+$0x3A40];
	v13 =	vmul.f32 $1.442695020e+00, v43  }
0x6d1: {  	v45 =	vbroadcast v39, $0x0;
	(erf) = vrcp.f32 v12  }
0x6d2: {  	v17 =	vbroadcast v39, $0x2;
	v48 =	vld [tilespmem:s21+$0x3A60];
	(erf) = vpow2.f32 v13  }
0x6d3: {  	v11 =	vmul.f32 v41, v45;
	v14 =	vmul.f32 v44, v47;
	_ =	sdelay $0x1  }
0x6d4: {  	v49 =	vmul.f32 v46, v17;
	v10 =	vbroadcast v39, $0x3;
	v11 =	vadd.f32 v14, v11;
	_ =	sdelay $0x1  }
0x6d5: {  	v11 =	vadd.f32 v49, v11;
	v13 =	vmul.f32 v48, v10;
	_ =	sdelay $0x1  }
0x6d6: {  	v11 =	vadd.f32 v13, v11  }
0x6d7: {  	v51 =	vld [tilespmem:s21+$0x3A10];
	v50 =	vpop (erf)  }
0x6d8: {  	v19 =	vld [tilespmem:s21+$0x3A30];
	v18 =	vsub.f32 $0.0e+00, v11;
	v52 =	vpop (erf)  }
0x6d9: {  	v16 =	vadd.f32 $1.000000000e+00, v52  }
0x6da: {  	v20 =	vld [tilespmem:s21+$0x3A50];
	v18 =	vmul.f32 $1.442695020e+00, v18  }
0x6db: {  	(erf) = vrcp.f32 v16  }
0x6dc: {  	v53 =	vld [tilespmem:s21+$0x3A70];
	(erf) = vpow2.f32 v18  }
0x6dd: {  	v14 =	vmul.f32 v51, v45;
	v12 =	vmul.f32 v19, v47;
	_ =	sdelay $0x1  }
0x6de: {  	v54 =	vmul.f32 v20, v17;
	v12 =	vadd.f32 v12, v14;
	_ =	sdelay $0x1  }
0x6df: {  	v10 =	vmul.f32 v53, v10;
	v12 =	vadd.f32 v54, v12;
	_ =	sdelay $0x1  }
0x6e0: {  	v10 =	vadd.f32 v10, v12  }
0x6e1: {  	v55 =	vpop (erf)  }
0x6e2: {  	v57 =	vsub.f32 $0.0e+00, v10;
	v56 =	vpop (erf)  }
0x6e3: {  	v14 =	vadd.f32 $1.000000000e+00, v56  }
0x6e4: {  	v15 =	vmul.f32 $1.442695020e+00, v57  }
0x6e5: {  	(erf) = vrcp.f32 v14  }
0x6e6: {  	(erf) = vpow2.f32 v15;
	_ =	sdelay $0x7  }
0x6e7: {  	v14 =	vpop (erf)  }
0x6e8: {  	v15 =	vpop (erf)  }
0x6e9: {  	v15 =	vadd.f32 $1.000000000e+00, v15;
	_ =	sdelay $0x1  }
0x6ea: {  	(erf) = vrcp.f32 v15;
	_ =	sdelay $0x2  }
0x6eb: {  	v1 =	vmul.f32 v63, v1  }
0x6ec: {  	v2 =	vmul.f32 v24, v2  }
0x6ed: {  	[tilespmem:s19+$0x6E00] =	vst v1;
	v0 =	vmul.f32 v34, v0  }
0x6ee: {  	[tilespmem:s19+$0x6E10] =	vst v2;
	v58 =	vmul.f32 v40, v3  }
0x6ef: {  	p1 =	por p0, p0;
	[tilespmem:s20+$0x6E00] =	vst v0;
	v59 =	vmul.f32 v50, v7  }
.Ltmp10:
0x6f0: {  	[tilespmem:s20+$0x6E10] =	vst v58;
	v60 =	vmul.f32 v55, v6;
	(pc) =	sbr.rel @p1 .LBB2_22-.Ltmp10, $4  }
0x6f1: {  	[tilespmem:s22+$0x6E00] =	vst v59;
	v61 =	vmul.f32 v14, v11;
	v62 =	vpop (erf)  }
0x6f2: {  	[tilespmem:s22+$0x6E10] =	vst v60;
	v63 =	vmul.f32 v62, v10  }
0x6f3: {  	[tilespmem:s21+$0x6E00] =	vst v61  }
0x6f4: {  	p0 =	por $0x0, $0x0;
	[tilespmem:s21+$0x6E10] =	vst v63;
	s21 =	simm.s32 $0x4  }
0x6f5: {  	[spmem:s3] =	stream.indirect.scatter.add.f32 [tilespmem:s29], [sflag:$0x3], $0x80, s12, s24, $0xb8;
	[tilespmem:$0x1E200] =	vst v63  }
0x6f6: {  	_ =	swait.ge [sflag:s30], $0x400  }
0x6f7: {  	[sflag:s30] =	ssyncset.done $0x0  }
0x6f8: {  	s19 =	stileid.u32;
	[sflag:s30] =	ssyncadd.s32 $0xFFFFFC00  }
0x6f9: {  	s19 =	sshll.u32 s19, $0x6;
	[bflag:$0x0] =	sbarrier.arrive $0xFFFF  }
0x6fa: {  	s20 =	sshrl.u32 s8, $0x3;
	s19 =	sor.u32 $0x1C03, s19;
	s21 =	rddreg [dreg:$0x11]  }
0x6fb: {  	[hbm:s21], [sflag:s19] =	dma.local [spmem:s20], $0x2800  }
0x6fc: {  	_ =	swait.ge [sflag:s30], $0x2800  }
0x6fd: {  	s18 =	sadd.s32 $0x1, s18;
	s28 =	rddreg [dreg:$0x12]  }
0x6fe: {  	p0 =	sne.s32 s18, s28  }
.Ltmp11:
0x6ff: {  	_ = 	snop;
	(pc) =	sbr.rel @p0 .LBB2_1-.Ltmp11, $3  }
0x700: {  	_ =	sdelay $0x1  }
0x701: {  	[sflag:s30] =	ssyncset.done $0x0  }
0x702: {  	v0 =	vimm.f32 $0.0e+00;
	[sflag:s30] =	ssyncadd.s32 $0xFFFFD800  }
0x703: {  	_ =	sfence.sel $0x180000  }
0x704: {  	[bflag:$0x0] =	sbarrier.arrive $0xFFFF  }
0x705: {  	_ =	strace $0x90000047  }
0x706: {  	s0 =	stileid.u32;
	[bflag:$0x2] =	sbarrier.arrive $0xFFFF  }
0x707: {  	p0 =	sne.s32 s0, $0x0;
	s0 =	rddreg [dreg:$0x3]  }
0x708: {  	s0 =	sadd.s32 @!p0 $0x100000, s0  }
0x709: {  	[sflag:s0] =	ssyncadd.tile.s32 @!p0 $0x1;
	_ =	shalt  }
.Lfunc_end2:
_tile_overlayer_lowered:
.L_overlay_start_2:
0x70a: {  	(tag) =	ssettag $0x2  }
0x70b: {  	s0 =	rddreg [dreg:$0x0];
	s2 =	stileid.u32  }
0x70c: {  	s1 =	rddreg [dreg:$0x1];
	p0 =	sne.s32 s2, $0x0  }
0x70d: {  	s3 =	rddreg [dreg:$0x2];
	[bflag:$0x3] =	sbarrier.arrive $0xFFFF;
	s2 =	simm.s32 @!p0 $0x1C03  }
0x70e: {  	[timem:s3], [sflag:s2] =	dma.local @!p0 [hbm:s0], s1  }
0x70f: {  	s0 =	simm.s32 @!p0 $0x3  }
0x710: {  	_ =	swait.ge @!p0 [sflag:s0], s1  }
0x711: {  	s1 =	ssub.s32 @!p0 $0x0, s1;
	[sflag:s0] =	ssyncset.done @!p0 $0x0  }
0x712: {  	[sflag:s0] =	ssyncadd.s32 @!p0 s1  }
0x713: {  	[bflag:$0x3] =	sbarrier.arrive $0xFFFF  }
0x714: {  	_ =	shalt  }

</sc_bundles>
